<compile_context>
chip_gen: v7x
topology: tpu7x:2x2x1
jax: 0.10.2.dev20260603
libtpu: 0.0.44.dev20260713+nightly
codegen_flags: <defaults>
</compile_context>

<pallas_src>
import jax
import jax.numpy as jnp
from jax import lax
from jax.experimental import pallas as pl
from jax.experimental.pallas import tpu as pltpu
from jax.experimental.pallas import tpu_sc as plsc

N = 10000
D = 128
HD = D // 2
G = 64
E = 320000

NC = 2
NS = 16
NW = NC * NS

CH = 128
CHA = 128
NCHA = 160
NCHD = 80
EPAD = NS * NCHA * CHA
NPAD = 10240
RPT = NPAD // NS

BN = 2000

_mesh = plsc.VectorSubcoreMesh(
    core_axis_name="c", subcore_axis_name="s", num_cores=NC, num_subcores=NS
)


def _deg_body(dst_hbm, out_hbm, dst_v, ones_v, zero_v, acc_sh):
  cid = lax.axis_index("c")
  sid = lax.axis_index("s")
  wid = cid * NS + sid

  def _fill(r, _):
    ones_v[r, pl.ds(0, 16)] = jnp.ones((16,), jnp.float32)
    zero_v[r, pl.ds(0, 16)] = jnp.zeros((16,), jnp.float32)
    return 0
  lax.fori_loop(0, CH, _fill, 0)

  for k in range(RPT // CH):
    pltpu.sync_copy(zero_v, acc_sh.at[pl.ds(sid * RPT + k * CH, CH)])
  plsc.subcore_barrier()

  pltpu.sync_copy(dst_hbm.at[wid], dst_v)

  def _step(j, _):
    pltpu.sync_copy(ones_v, acc_sh.at[dst_v.at[j]], add=True)
    return 0
  lax.fori_loop(0, NCHD, _step, 0)
  plsc.subcore_barrier()

  pltpu.sync_copy(
      acc_sh.at[pl.ds(sid * RPT, RPT)],
      out_hbm.at[cid, pl.ds(sid * RPT, RPT)],
  )


_deg_call = pl.kernel(
    _deg_body,
    out_type=jax.ShapeDtypeStruct((NC, NPAD, 16), jnp.float32),
    mesh=_mesh,
    compiler_params=pltpu.CompilerParams(use_tc_tiling_on_sc=False),
    scratch_types=[
        pltpu.VMEM((NCHD, CH), jnp.int32),
        pltpu.VMEM((CH, 16), jnp.float32),
        pltpu.VMEM((CH, 16), jnp.float32),
        pltpu.VMEM_SHARED((NPAD, 16), jnp.float32),
    ],
)


NBUF = 5
LOOKG = 5
NHALF = 1
NCHH = NCHA // NHALF
NCKH = NCHH
NGRP = NCKH // NBUF


def _agg_body(g_hbm, src_hbm, dst_hbm, out_hbm, src_v, dst_v, rows_v,
              acc_sh, isems, gsems):
  cid = lax.axis_index("c")
  sid = lax.axis_index("s")

  idx_src = pltpu.async_copy(
      src_hbm.at[cid, sid, pl.ds(0, NCHH)], src_v, isems.at[0])
  idx_dst = pltpu.async_copy(
      dst_hbm.at[sid, pl.ds(0, NCHH)], dst_v, isems.at[1])

  def _fill(r, _):
    for c in range(HD // 16):
      rows_v[0, r, pl.ds(c * 16, 16)] = jnp.zeros((16,), jnp.float32)
    return 0
  lax.fori_loop(0, CHA, _fill, 0)

  for k in range(RPT // CHA):
    pltpu.sync_copy(
        rows_v.at[0], acc_sh.at[pl.ds(sid * RPT + k * CHA, CHA)])
  idx_src.wait()
  idx_dst.wait()
  plsc.subcore_barrier()

  def _gather(j, b):
    pltpu.async_copy(g_hbm.at[src_v.at[j]], rows_v.at[b], gsems.at[b])

  def _gather_wait(j, b):
    pltpu.make_async_copy(
        g_hbm.at[src_v.at[j]], rows_v.at[b], gsems.at[b]
    ).wait()

  for h in range(NHALF):
    if h > 0:
      pltpu.sync_copy(src_hbm.at[cid, sid, pl.ds(h * NCHH, NCHH)], src_v)
      pltpu.sync_copy(dst_hbm.at[sid, pl.ds(h * NCHH, NCHH)], dst_v)

    for b in range(LOOKG):
      _gather(b, b % NBUF)

    def _group(j0, _):
      for k in range(NBUF):
        j = j0 * NBUF + k
        _gather_wait(j, k)
        pltpu.sync_copy(rows_v.at[k], acc_sh.at[dst_v.at[j]], add=True)

        @pl.when(j + LOOKG < NCKH)
        def _refill():
          _gather(j + LOOKG, (k + LOOKG) % NBUF)
      return 0
    lax.fori_loop(0, NGRP, _group, 0)

  plsc.subcore_barrier()

  pltpu.sync_copy(
      acc_sh.at[pl.ds(sid * RPT, RPT)],
      out_hbm.at[cid, pl.ds(sid * RPT, RPT)],
  )


_agg_call = pl.kernel(
    _agg_body,
    out_type=jax.ShapeDtypeStruct((NC, NPAD, HD), jnp.float32),
    mesh=_mesh,
    compiler_params=pltpu.CompilerParams(use_tc_tiling_on_sc=False),
    scratch_types=[
        pltpu.VMEM((NCHH, CHA), jnp.int32),
        pltpu.VMEM((NCHH, CHA), jnp.int32),
        pltpu.VMEM((NBUF, CHA, HD), jnp.float32),
        pltpu.VMEM_SHARED((NPAD, HD), jnp.float32),
        pltpu.SemaphoreType.DMA((2,)),
        pltpu.SemaphoreType.DMA((NBUF,)),
    ],
)


def _dinv_block(degp):
  deg = 1.0 + degp[0, :, 0] + degp[1, :, 0]
  return lax.rsqrt(deg)[:, None]


def _split_halves(g_ref, v):
  g_ref[0] = v[:, :HD]
  g_ref[1] = v[:, HD:]


def _k1_body(x_ref, w_ref, degp_ref, g_ref):
  dinv = _dinv_block(degp_ref[...])
  h = jnp.dot(x_ref[...], w_ref[...], preferred_element_type=jnp.float32)
  _split_halves(g_ref, h * dinv)


_k1_call = pl.pallas_call(
    _k1_body,
    grid=(N // BN,),
    in_specs=[
        pl.BlockSpec((BN, D), lambda i: (i, 0)),
        pl.BlockSpec((D, D), lambda i: (0, 0)),
        pl.BlockSpec((NC, BN, 16), lambda i: (0, i, 0)),
    ],
    out_specs=pl.BlockSpec((2, BN, HD), lambda i: (0, i, 0)),
    out_shape=jax.ShapeDtypeStruct((2, N, HD), jnp.float32),
)


def _k2_body(p_ref, gprev_ref, degp_ref, b_ref, w_ref, gout_ref):
  dinv = _dinv_block(degp_ref[...])
  s = jnp.concatenate(
      [p_ref[0] + gprev_ref[0], p_ref[1] + gprev_ref[1]], axis=1
  )
  h = jnp.maximum(s * dinv + b_ref[...], 0.0)
  hw = jnp.dot(h, w_ref[...], preferred_element_type=jnp.float32) * dinv
  _split_halves(gout_ref, hw)


_k2_call = pl.pallas_call(
    _k2_body,
    grid=(N // BN,),
    in_specs=[
        pl.BlockSpec((NC, BN, HD), lambda i: (0, i, 0)),
        pl.BlockSpec((2, BN, HD), lambda i: (0, i, 0)),
        pl.BlockSpec((NC, BN, 16), lambda i: (0, i, 0)),
        pl.BlockSpec((1, D), lambda i: (0, 0)),
        pl.BlockSpec((D, D), lambda i: (0, 0)),
    ],
    out_specs=pl.BlockSpec((2, BN, HD), lambda i: (0, i, 0)),
    out_shape=jax.ShapeDtypeStruct((2, N, HD), jnp.float32),
)


def _k4_body(p_ref, g3_ref, degp_ref, b_ref, batch_ref, wl_ref, bl_ref,
             out_ref, seg_acc, cnt_acc):
  i = pl.program_id(0)

  @pl.when(i == 0)
  def _init():
    seg_acc[...] = jnp.zeros_like(seg_acc)
    cnt_acc[...] = jnp.zeros_like(cnt_acc)

  dinv = _dinv_block(degp_ref[...])
  s = jnp.concatenate(
      [p_ref[0] + g3_ref[0], p_ref[1] + g3_ref[1]], axis=1
  )
  h3 = s * dinv + b_ref[...]

  gids = lax.broadcasted_iota(jnp.int32, (1, G), 1)
  oh = (batch_ref[...] == gids).astype(jnp.float32)
  seg_acc[...] += lax.dot_general(
      oh, h3, (((0,), (0,)), ((), ())), preferred_element_type=jnp.float32
  )
  cnt_acc[...] += jnp.sum(oh, axis=0)[:, None]

  pooled = seg_acc[...] / jnp.maximum(cnt_acc[...], 1.0)
  out_ref[...] = (
      jnp.dot(pooled, wl_ref[...], preferred_element_type=jnp.float32)
      + bl_ref[...]
  )


_k4_call = pl.pallas_call(
    _k4_body,
    grid=(N // BN,),
    in_specs=[
        pl.BlockSpec((NC, BN, HD), lambda i: (0, i, 0)),
        pl.BlockSpec((2, BN, HD), lambda i: (0, i, 0)),
        pl.BlockSpec((NC, BN, 16), lambda i: (0, i, 0)),
        pl.BlockSpec((1, D), lambda i: (0, 0)),
        pl.BlockSpec((BN, 1), lambda i: (i, 0)),
        pl.BlockSpec((D, 3), lambda i: (0, 0)),
        pl.BlockSpec((1, 3), lambda i: (0, 0)),
    ],
    out_specs=pl.BlockSpec((G, 3), lambda i: (0, 0)),
    out_shape=jax.ShapeDtypeStruct((G, 3), jnp.float32),
    scratch_shapes=[
        pltpu.VMEM((G, D), jnp.float32),
        pltpu.VMEM((G, 1), jnp.float32),
    ],
)


@jax.jit
def kernel(x, edge_index, batch, W1, b1, W2, b2, W3, b3, Wl, bl):
  src = edge_index[0].astype(jnp.int32)
  dst = edge_index[1].astype(jnp.int32)
  npad_e = EPAD - E
  srcp = jnp.concatenate([src, jnp.zeros((npad_e,), jnp.int32)])
  dstp = jnp.concatenate([dst, jnp.full((npad_e,), N, jnp.int32)])
  src_a = srcp.reshape(NS, NCHA, CHA)
  src4 = jnp.stack([src_a, src_a + N])
  dst_a = dstp.reshape(NS, NCHA, CHA)
  dst_d = dstp.reshape(NW, NCHD, CH)

  b1r = b1.reshape(1, D)
  b2r = b2.reshape(1, D)
  b3r = b3.reshape(1, D)
  blr = bl.reshape(1, 3)
  batch2 = batch.astype(jnp.int32).reshape(N, 1)

  degp = _deg_call(dst_d)
  g1 = _k1_call(x, W1, degp)
  p1 = _agg_call(g1.reshape(2 * N, HD), src4, dst_a)
  g2 = _k2_call(p1, g1, degp, b1r, W2)
  p2 = _agg_call(g2.reshape(2 * N, HD), src4, dst_a)
  g3 = _k2_call(p2, g2, degp, b2r, W3)
  p3 = _agg_call(g3.reshape(2 * N, HD), src4, dst_a)
  return _k4_call(p3, g3, degp, b3r, batch2, Wl, blr)

# --- scband reference (transcript-rebuilt; emitter-appended) ---
"""Pipeline reference for scband-gcn-1056561955307 (READ-ONLY COPY).

The authoritative reference and input builder live on the scoring server;
editing this copy changes nothing except your own understanding.
"""

import jax, jax.numpy as jnp
import numpy as np

N = 10000
E = 320000
D = 128
H = 128
G = 64

def _glorot(k, fi, fo):
    s = (6.0 / (fi + fo)) ** 0.5
    return jax.random.uniform(k, (fi, fo), minval=-s, maxval=s, dtype=jnp.float32)

def setup_inputs(seed: int = 0):
    key = jax.random.key(seed)
    ks = jax.random.split(key, 8)
    x = jax.random.normal(ks[0], (N, D), dtype=jnp.float32)
    edge_index = jax.random.randint(ks[1], (2, E), 0, N)
    batch = jnp.sort(jax.random.randint(ks[2], (N,), 0, G))
    W1 = _glorot(ks[3], D, H); b1 = jnp.zeros((H,), jnp.float32)
    W2 = _glorot(ks[4], H, H); b2 = jnp.zeros((H,), jnp.float32)
    W3 = _glorot(ks[5], H, H); b3 = jnp.zeros((H,), jnp.float32)
    Wl = _glorot(ks[6], H, 3); bl = jnp.zeros((3,), jnp.float32)
    return {"x": x, "edge_index": edge_index, "batch": batch,
            "W1": W1, "b1": b1, "W2": W2, "b2": b2, "W3": W3, "b3": b3,
            "Wl": Wl, "bl": bl}

def _gcn_conv(x, src, dst, norm, W, b):
    # GCNConv: x @ W, normalized message passing (sym norm), sum aggregation, + bias
    h = x @ W
    msg = h[src] * norm[:, None]
    out = jax.ops.segment_sum(msg, dst, num_segments=N)
    return out + b

def reference(x, edge_index, batch, W1, b1, W2, b2, W3, b3, Wl, bl):
    loop = jnp.arange(N, dtype=edge_index.dtype)
    src = jnp.concatenate([edge_index[0], loop])
    dst = jnp.concatenate([edge_index[1], loop])
    deg = jax.ops.segment_sum(jnp.ones_like(src, dtype=jnp.float32), dst, num_segments=N)
    dinv = jnp.where(deg > 0, deg ** -0.5, 0.0)
    norm = dinv[src] * dinv[dst]
    h = jax.nn.relu(_gcn_conv(x, src, dst, norm, W1, b1))
    h = jax.nn.relu(_gcn_conv(h, src, dst, norm, W2, b2))
    h = _gcn_conv(h, src, dst, norm, W3, b3)
    seg = jax.ops.segment_sum(h, batch, num_segments=G)
    cnt = jax.ops.segment_sum(jnp.ones((N,), jnp.float32), batch, num_segments=G)
    pooled = seg / jnp.clip(cnt, 1.0)[:, None]
    # dropout p=0.5 is identity in eval mode
    return pooled @ Wl + bl

if __name__ == "__main__":
    import jax
    _d = setup_inputs()
    print(jax.jit(kernel)(*tuple(_d.values())))

</pallas_src>

<mosaic_0001>
#map = affine_map<(d0, d1) -> (0, 0)>
#map1 = affine_map<(d0, d1) -> (0, 0, 0, 0)>
#map2 = affine_map<(d0, d1) -> (0, 0, 0)>
module attributes {stable_mosaic.version = 14 : i64} {
  func.func @_agg_body(%arg0: i32, %arg1: i32, %arg2: memref<20000x64xf32, #tpu.memory_space<hbm>>, %arg3: memref<2x16x160x128xi32, #tpu.memory_space<hbm>>, %arg4: memref<16x160x128xi32, #tpu.memory_space<hbm>>, %arg5: memref<2x10240x64xf32, #tpu.memory_space<hbm>>, %arg6: memref<160x128xi32, #tpu.memory_space<vmem>>, %arg7: memref<160x128xi32, #tpu.memory_space<vmem>>, %arg8: memref<5x128x64xf32, #tpu.memory_space<vmem>>, %arg9: memref<10240x64xf32, #tpu.memory_space<vmem_shared>>, %arg10: memref<2x!tpu.dma_semaphore, #tpu.memory_space<semaphore_mem>>, %arg11: memref<5x!tpu.dma_semaphore, #tpu.memory_space<semaphore_mem>>) attributes {dimension_semantics = [#tpu.dimension_semantics<core_parallel>, #tpu.dimension_semantics<subcore_parallel>], iteration_bounds = array<i64: 2, 16>, scalar_prefetch = 0 : i64, scratch_operands = 6 : i64, tpu.core_type = #tpu.core_type<sc_vector_subcore>, window_params = [{transform_indices = #map}, {transform_indices = #map1}, {transform_indices = #map2}, {transform_indices = #map2}]} {
    %dma_start3A = arith.constant 0 : i32
    %dma_start3A_0 = arith.constant 0 : i32
    %dma_start3A_1 = arith.constant 0 : i32
    %dma_start3A_2 = tpu.memref_slice %arg3[%arg0, %arg1, %dma_start3A_0, %dma_start3A_1] : memref<2x16x160x128xi32, #tpu.memory_space<hbm>> -> memref<1x1x160x128xi32, #tpu.memory_space<hbm>>
    %dma_start3A_3 = tpu.memref_squeeze %dma_start3A_2 : memref<1x1x160x128xi32, #tpu.memory_space<hbm>> -> memref<160x128xi32, #tpu.memory_space<hbm>>
    %dma_start3A_4 = tpu.memref_slice %arg10[%dma_start3A] : memref<2x!tpu.dma_semaphore, #tpu.memory_space<semaphore_mem>> -> memref<1x!tpu.dma_semaphore, #tpu.memory_space<semaphore_mem>>
    %dma_start3A_5 = tpu.memref_squeeze %dma_start3A_4 : memref<1x!tpu.dma_semaphore, #tpu.memory_space<semaphore_mem>> -> memref<!tpu.dma_semaphore, #tpu.memory_space<semaphore_mem>>
    %dma_start3A_6 = arith.constant 0 : i32
    %dma_start3A_7 = arith.constant 0 : i32
    %dma_start3A_8 = tpu.memref_slice %arg3[%arg0, %arg1, %dma_start3A_6, %dma_start3A_7] : memref<2x16x160x128xi32, #tpu.memory_space<hbm>> -> memref<1x1x160x128xi32, #tpu.memory_space<hbm>>
    %dma_start3A_9 = tpu.memref_squeeze %dma_start3A_8 : memref<1x1x160x128xi32, #tpu.memory_space<hbm>> -> memref<160x128xi32, #tpu.memory_space<hbm>>
    tpu.enqueue_dma source(%dma_start3A_9 : memref<160x128xi32, #tpu.memory_space<hbm>>) target(%arg6 : memref<160x128xi32, #tpu.memory_space<vmem>>) target_semaphore(%dma_start3A_5 : memref<!tpu.dma_semaphore, #tpu.memory_space<semaphore_mem>>)
    %dma_start3A_10 = arith.constant 1 : i32
    %dma_start3A_11 = arith.constant 0 : i32
    %dma_start3A_12 = arith.constant 0 : i32
    %dma_start3A_13 = tpu.memref_slice %arg4[%arg1, %dma_start3A_11, %dma_start3A_12] : memref<16x160x128xi32, #tpu.memory_space<hbm>> -> memref<1x160x128xi32, #tpu.memory_space<hbm>>
    %dma_start3A_14 = tpu.memref_squeeze %dma_start3A_13 : memref<1x160x128xi32, #tpu.memory_space<hbm>> -> memref<160x128xi32, #tpu.memory_space<hbm>>
    %dma_start3A_15 = tpu.memref_slice %arg10[%dma_start3A_10] : memref<2x!tpu.dma_semaphore, #tpu.memory_space<semaphore_mem>> -> memref<1x!tpu.dma_semaphore, #tpu.memory_space<semaphore_mem>>
    %dma_start3A_16 = tpu.memref_squeeze %dma_start3A_15 : memref<1x!tpu.dma_semaphore, #tpu.memory_space<semaphore_mem>> -> memref<!tpu.dma_semaphore, #tpu.memory_space<semaphore_mem>>
    %dma_start3A_17 = arith.constant 0 : i32
    %dma_start3A_18 = arith.constant 0 : i32
    %dma_start3A_19 = tpu.memref_slice %arg4[%arg1, %dma_start3A_17, %dma_start3A_18] : memref<16x160x128xi32, #tpu.memory_space<hbm>> -> memref<1x160x128xi32, #tpu.memory_space<hbm>>
    %dma_start3A_20 = tpu.memref_squeeze %dma_start3A_19 : memref<1x160x128xi32, #tpu.memory_space<hbm>> -> memref<160x128xi32, #tpu.memory_space<hbm>>
    tpu.enqueue_dma source(%dma_start3A_20 : memref<160x128xi32, #tpu.memory_space<hbm>>) target(%arg7 : memref<160x128xi32, #tpu.memory_space<vmem>>) target_semaphore(%dma_start3A_16 : memref<!tpu.dma_semaphore, #tpu.memory_space<semaphore_mem>>)
    %scan3A = arith.constant 0 : i32
    %scan3A_21 = arith.constant 0 : i32
    %scan3A_22 = arith.constant 128 : i32
    %scan3A_23 = arith.addi %scan3A_21, %scan3A_22 : i32
    %scan3A_24 = arith.constant 1 : i32
    %scan3A_25 = scf.for %scan3A_157 = %scan3A_21 to %scan3A_23 step %scan3A_24 iter_args(%scan3A_158 = %scan3A) -> (i32)  : i32 {
      %broadcast_in_dim3A = arith.constant 0.000000e+00 : f32
      %broadcast_in_dim3A_159 = vector.broadcast %broadcast_in_dim3A : f32 to vector<16xf32>
      %swap3A = arith.constant 0 : i32
      %swap3A_160 = arith.index_cast %swap3A : i32 to index
      %swap3A_161 = arith.index_cast %scan3A_157 : i32 to index
      %swap3A_162 = arith.constant 0 : index
      %swap3A_163 = tpu.vector_load %arg8[%swap3A_160, %swap3A_161, %swap3A_162] {strides = array<i32>} : memref<5x128x64xf32, #tpu.memory_space<vmem>>, vector<1x1x16xf32>,
      %swap3A_164 = vector.shape_cast %swap3A_163 : vector<1x1x16xf32> to vector<16xf32>
      %swap3A_165 = vector.shape_cast %broadcast_in_dim3A_159 : vector<16xf32> to vector<1x1x16xf32>
      tpu.vector_store %arg8[%swap3A_160, %swap3A_161, %swap3A_162], %swap3A_165 {strides = array<i32>} : memref<5x128x64xf32, #tpu.memory_space<vmem>>, vector<1x1x16xf32>,
      %broadcast_in_dim3A_166 = arith.constant 0.000000e+00 : f32
      %broadcast_in_dim3A_167 = vector.broadcast %broadcast_in_dim3A_166 : f32 to vector<16xf32>
      %swap3A_168 = arith.constant 0 : i32
      %swap3A_169 = arith.index_cast %swap3A_168 : i32 to index
      %swap3A_170 = arith.index_cast %scan3A_157 : i32 to index
      %swap3A_171 = arith.constant 16 : index
      %swap3A_172 = tpu.vector_load %arg8[%swap3A_169, %swap3A_170, %swap3A_171] {strides = array<i32>} : memref<5x128x64xf32, #tpu.memory_space<vmem>>, vector<1x1x16xf32>,
      %swap3A_173 = vector.shape_cast %swap3A_172 : vector<1x1x16xf32> to vector<16xf32>
      %swap3A_174 = vector.shape_cast %broadcast_in_dim3A_167 : vector<16xf32> to vector<1x1x16xf32>
      tpu.vector_store %arg8[%swap3A_169, %swap3A_170, %swap3A_171], %swap3A_174 {strides = array<i32>} : memref<5x128x64xf32, #tpu.memory_space<vmem>>, vector<1x1x16xf32>,
      %broadcast_in_dim3A_175 = arith.constant 0.000000e+00 : f32
      %broadcast_in_dim3A_176 = vector.broadcast %broadcast_in_dim3A_175 : f32 to vector<16xf32>
      %swap3A_177 = arith.constant 0 : i32
      %swap3A_178 = arith.index_cast %swap3A_177 : i32 to index
      %swap3A_179 = arith.index_cast %scan3A_157 : i32 to index
      %swap3A_180 = arith.constant 32 : index
      %swap3A_181 = tpu.vector_load %arg8[%swap3A_178, %swap3A_179, %swap3A_180] {strides = array<i32>} : memref<5x128x64xf32, #tpu.memory_space<vmem>>, vector<1x1x16xf32>,
      %swap3A_182 = vector.shape_cast %swap3A_181 : vector<1x1x16xf32> to vector<16xf32>
      %swap3A_183 = vector.shape_cast %broadcast_in_dim3A_176 : vector<16xf32> to vector<1x1x16xf32>
      tpu.vector_store %arg8[%swap3A_178, %swap3A_179, %swap3A_180], %swap3A_183 {strides = array<i32>} : memref<5x128x64xf32, #tpu.memory_space<vmem>>, vector<1x1x16xf32>,
      %broadcast_in_dim3A_184 = arith.constant 0.000000e+00 : f32
      %broadcast_in_dim3A_185 = vector.broadcast %broadcast_in_dim3A_184 : f32 to vector<16xf32>
      %swap3A_186 = arith.constant 0 : i32
      %swap3A_187 = arith.index_cast %swap3A_186 : i32 to index
      %swap3A_188 = arith.index_cast %scan3A_157 : i32 to index
      %swap3A_189 = arith.constant 48 : index
      %swap3A_190 = tpu.vector_load %arg8[%swap3A_187, %swap3A_188, %swap3A_189] {strides = array<i32>} : memref<5x128x64xf32, #tpu.memory_space<vmem>>, vector<1x1x16xf32>,
      %swap3A_191 = vector.shape_cast %swap3A_190 : vector<1x1x16xf32> to vector<16xf32>
      %swap3A_192 = vector.shape_cast %broadcast_in_dim3A_185 : vector<16xf32> to vector<1x1x16xf32>
      tpu.vector_store %arg8[%swap3A_187, %swap3A_188, %swap3A_189], %swap3A_192 {strides = array<i32>} : memref<5x128x64xf32, #tpu.memory_space<vmem>>, vector<1x1x16xf32>,
      %scan3A_193 = arith.constant 0 : i32
      scf.yield %scan3A_193 : i32
    }
    %scan3A_26 = arith.constant 128 : i32
    %mul3A = arith.constant 640 : i32
    %mul3A_27 = arith.muli %arg1, %mul3A : i32
    %add3A = arith.constant 0 : i32
    %add3A_28 = arith.addi %mul3A_27, %add3A : i32
    %run_scoped3A = arith.constant 0 : i32
    "tpu.region"() ({
      %run_scoped3A_157 = tpu.sem_alloc : memref<!tpu.dma_semaphore, #tpu.memory_space<semaphore_mem>>
      %dma_start3A_158 = arith.constant 0 : i32
      %dma_start3A_159 = arith.constant 0 : i32
      %dma_start3A_160 = tpu.memref_slice %arg8[%run_scoped3A, %dma_start3A_158, %dma_start3A_159] : memref<5x128x64xf32, #tpu.memory_space<vmem>> -> memref<1x128x64xf32, #tpu.memory_space<vmem>>
      %dma_start3A_161 = tpu.memref_squeeze %dma_start3A_160 : memref<1x128x64xf32, #tpu.memory_space<vmem>> -> memref<128x64xf32, #tpu.memory_space<vmem>>
      %dma_start3A_162 = arith.constant 0 : i32
      %dma_start3A_163 = tpu.memref_slice %arg9[%add3A_28, %dma_start3A_162] : memref<10240x64xf32, #tpu.memory_space<vmem_shared>> -> memref<128x64xf32, #tpu.memory_space<vmem_shared>>
      %dma_start3A_164 = arith.constant 0 : i32
      %dma_start3A_165 = tpu.memref_slice %arg9[%add3A_28, %dma_start3A_164] : memref<10240x64xf32, #tpu.memory_space<vmem_shared>> -> memref<128x64xf32, #tpu.memory_space<vmem_shared>>
      %dma_start3A_166 = arith.constant 0 : i32
      %dma_start3A_167 = arith.constant 0 : i32
      %dma_start3A_168 = tpu.memref_slice %arg8[%run_scoped3A, %dma_start3A_166, %dma_start3A_167] : memref<5x128x64xf32, #tpu.memory_space<vmem>> -> memref<1x128x64xf32, #tpu.memory_space<vmem>>
      %dma_start3A_169 = tpu.memref_squeeze %dma_start3A_168 : memref<1x128x64xf32, #tpu.memory_space<vmem>> -> memref<128x64xf32, #tpu.memory_space<vmem>>
      tpu.enqueue_dma source(%dma_start3A_169 : memref<128x64xf32, #tpu.memory_space<vmem>>) target(%dma_start3A_165 : memref<128x64xf32, #tpu.memory_space<vmem_shared>>) target_semaphore(%run_scoped3A_157 : memref<!tpu.dma_semaphore, #tpu.memory_space<semaphore_mem>>)
      %dma_wait3A_170 = arith.constant 0 : i32
      %dma_wait3A_171 = arith.constant 0 : i32
      %dma_wait3A_172 = tpu.memref_slice %arg8[%run_scoped3A, %dma_wait3A_170, %dma_wait3A_171] : memref<5x128x64xf32, #tpu.memory_space<vmem>> -> memref<1x128x64xf32, #tpu.memory_space<vmem>>
      %dma_wait3A_173 = tpu.memref_squeeze %dma_wait3A_172 : memref<1x128x64xf32, #tpu.memory_space<vmem>> -> memref<128x64xf32, #tpu.memory_space<vmem>>
      %dma_wait3A_174 = arith.constant 0 : i32
      %dma_wait3A_175 = tpu.memref_slice %arg9[%add3A_28, %dma_wait3A_174] : memref<10240x64xf32, #tpu.memory_space<vmem_shared>> -> memref<128x64xf32, #tpu.memory_space<vmem_shared>>
      %dma_wait3A_176 = arith.constant 0 : i32
      %dma_wait3A_177 = tpu.memref_slice %arg9[%add3A_28, %dma_wait3A_176] : memref<10240x64xf32, #tpu.memory_space<vmem_shared>> -> memref<128x64xf32, #tpu.memory_space<vmem_shared>>
      %dma_wait3A_178 = arith.constant 0 : i32
      %dma_wait3A_179 = arith.constant 0 : i32
      %dma_wait3A_180 = tpu.memref_slice %arg8[%run_scoped3A, %dma_wait3A_178, %dma_wait3A_179] : memref<5x128x64xf32, #tpu.memory_space<vmem>> -> memref<1x128x64xf32, #tpu.memory_space<vmem>>
      %dma_wait3A_181 = tpu.memref_squeeze %dma_wait3A_180 : memref<1x128x64xf32, #tpu.memory_space<vmem>> -> memref<128x64xf32, #tpu.memory_space<vmem>>
      tpu.wait_dma2 semaphore(%run_scoped3A_157 : memref<!tpu.dma_semaphore, #tpu.memory_space<semaphore_mem>>) src(%dma_wait3A_181 : memref<128x64xf32, #tpu.memory_space<vmem>>) dst(%dma_wait3A_177 : memref<128x64xf32, #tpu.memory_space<vmem_shared>>)
      tpu.yield
    }) : () -> ()
    %mul3A_29 = arith.constant 640 : i32
    %mul3A_30 = arith.muli %arg1, %mul3A_29 : i32
    %add3A_31 = arith.constant 128 : i32
    %add3A_32 = arith.addi %mul3A_30, %add3A_31 : i32
    %run_scoped3A_33 = arith.constant 0 : i32
    "tpu.region"() ({
      %run_scoped3A_157 = tpu.sem_alloc : memref<!tpu.dma_semaphore, #tpu.memory_space<semaphore_mem>>
      %dma_start3A_158 = arith.constant 0 : i32
      %dma_start3A_159 = arith.constant 0 : i32
      %dma_start3A_160 = tpu.memref_slice %arg8[%run_scoped3A_33, %dma_start3A_158, %dma_start3A_159] : memref<5x128x64xf32, #tpu.memory_space<vmem>> -> memref<1x128x64xf32, #tpu.memory_space<vmem>>
      %dma_start3A_161 = tpu.memref_squeeze %dma_start3A_160 : memref<1x128x64xf32, #tpu.memory_space<vmem>> -> memref<128x64xf32, #tpu.memory_space<vmem>>
      %dma_start3A_162 = arith.constant 0 : i32
      %dma_start3A_163 = tpu.memref_slice %arg9[%add3A_32, %dma_start3A_162] : memref<10240x64xf32, #tpu.memory_space<vmem_shared>> -> memref<128x64xf32, #tpu.memory_space<vmem_shared>>
      %dma_start3A_164 = arith.constant 0 : i32
      %dma_start3A_165 = tpu.memref_slice %arg9[%add3A_32, %dma_start3A_164] : memref<10240x64xf32, #tpu.memory_space<vmem_shared>> -> memref<128x64xf32, #tpu.memory_space<vmem_shared>>
      %dma_start3A_166 = arith.constant 0 : i32
      %dma_start3A_167 = arith.constant 0 : i32
      %dma_start3A_168 = tpu.memref_slice %arg8[%run_scoped3A_33, %dma_start3A_166, %dma_start3A_167] : memref<5x128x64xf32, #tpu.memory_space<vmem>> -> memref<1x128x64xf32, #tpu.memory_space<vmem>>
      %dma_start3A_169 = tpu.memref_squeeze %dma_start3A_168 : memref<1x128x64xf32, #tpu.memory_space<vmem>> -> memref<128x64xf32, #tpu.memory_space<vmem>>
      tpu.enqueue_dma source(%dma_start3A_169 : memref<128x64xf32, #tpu.memory_space<vmem>>) target(%dma_start3A_165 : memref<128x64xf32, #tpu.memory_space<vmem_shared>>) target_semaphore(%run_scoped3A_157 : memref<!tpu.dma_semaphore, #tpu.memory_space<semaphore_mem>>)
      %dma_wait3A_170 = arith.constant 0 : i32
      %dma_wait3A_171 = arith.constant 0 : i32
      %dma_wait3A_172 = tpu.memref_slice %arg8[%run_scoped3A_33, %dma_wait3A_170, %dma_wait3A_171] : memref<5x128x64xf32, #tpu.memory_space<vmem>> -> memref<1x128x64xf32, #tpu.memory_space<vmem>>
      %dma_wait3A_173 = tpu.memref_squeeze %dma_wait3A_172 : memref<1x128x64xf32, #tpu.memory_space<vmem>> -> memref<128x64xf32, #tpu.memory_space<vmem>>
      %dma_wait3A_174 = arith.constant 0 : i32
      %dma_wait3A_175 = tpu.memref_slice %arg9[%add3A_32, %dma_wait3A_174] : memref<10240x64xf32, #tpu.memory_space<vmem_shared>> -> memref<128x64xf32, #tpu.memory_space<vmem_shared>>
      %dma_wait3A_176 = arith.constant 0 : i32
      %dma_wait3A_177 = tpu.memref_slice %arg9[%add3A_32, %dma_wait3A_176] : memref<10240x64xf32, #tpu.memory_space<vmem_shared>> -> memref<128x64xf32, #tpu.memory_space<vmem_shared>>
      %dma_wait3A_178 = arith.constant 0 : i32
      %dma_wait3A_179 = arith.constant 0 : i32
      %dma_wait3A_180 = tpu.memref_slice %arg8[%run_scoped3A_33, %dma_wait3A_178, %dma_wait3A_179] : memref<5x128x64xf32, #tpu.memory_space<vmem>> -> memref<1x128x64xf32, #tpu.memory_space<vmem>>
      %dma_wait3A_181 = tpu.memref_squeeze %dma_wait3A_180 : memref<1x128x64xf32, #tpu.memory_space<vmem>> -> memref<128x64xf32, #tpu.memory_space<vmem>>
      tpu.wait_dma2 semaphore(%run_scoped3A_157 : memref<!tpu.dma_semaphore, #tpu.memory_space<semaphore_mem>>) src(%dma_wait3A_181 : memref<128x64xf32, #tpu.memory_space<vmem>>) dst(%dma_wait3A_177 : memref<128x64xf32, #tpu.memory_space<vmem_shared>>)
      tpu.yield
    }) : () -> ()
    %mul3A_34 = arith.constant 640 : i32
    %mul3A_35 = arith.muli %arg1, %mul3A_34 : i32
    %add3A_36 = arith.constant 256 : i32
    %add3A_37 = arith.addi %mul3A_35, %add3A_36 : i32
    %run_scoped3A_38 = arith.constant 0 : i32
    "tpu.region"() ({
      %run_scoped3A_157 = tpu.sem_alloc : memref<!tpu.dma_semaphore, #tpu.memory_space<semaphore_mem>>
      %dma_start3A_158 = arith.constant 0 : i32
      %dma_start3A_159 = arith.constant 0 : i32
      %dma_start3A_160 = tpu.memref_slice %arg8[%run_scoped3A_38, %dma_start3A_158, %dma_start3A_159] : memref<5x128x64xf32, #tpu.memory_space<vmem>> -> memref<1x128x64xf32, #tpu.memory_space<vmem>>
      %dma_start3A_161 = tpu.memref_squeeze %dma_start3A_160 : memref<1x128x64xf32, #tpu.memory_space<vmem>> -> memref<128x64xf32, #tpu.memory_space<vmem>>
      %dma_start3A_162 = arith.constant 0 : i32
      %dma_start3A_163 = tpu.memref_slice %arg9[%add3A_37, %dma_start3A_162] : memref<10240x64xf32, #tpu.memory_space<vmem_shared>> -> memref<128x64xf32, #tpu.memory_space<vmem_shared>>
      %dma_start3A_164 = arith.constant 0 : i32
      %dma_start3A_165 = tpu.memref_slice %arg9[%add3A_37, %dma_start3A_164] : memref<10240x64xf32, #tpu.memory_space<vmem_shared>> -> memref<128x64xf32, #tpu.memory_space<vmem_shared>>
      %dma_start3A_166 = arith.constant 0 : i32
      %dma_start3A_167 = arith.constant 0 : i32
      %dma_start3A_168 = tpu.memref_slice %arg8[%run_scoped3A_38, %dma_start3A_166, %dma_start3A_167] : memref<5x128x64xf32, #tpu.memory_space<vmem>> -> memref<1x128x64xf32, #tpu.memory_space<vmem>>
      %dma_start3A_169 = tpu.memref_squeeze %dma_start3A_168 : memref<1x128x64xf32, #tpu.memory_space<vmem>> -> memref<128x64xf32, #tpu.memory_space<vmem>>
      tpu.enqueue_dma source(%dma_start3A_169 : memref<128x64xf32, #tpu.memory_space<vmem>>) target(%dma_start3A_165 : memref<128x64xf32, #tpu.memory_space<vmem_shared>>) target_semaphore(%run_scoped3A_157 : memref<!tpu.dma_semaphore, #tpu.memory_space<semaphore_mem>>)
      %dma_wait3A_170 = arith.constant 0 : i32
      %dma_wait3A_171 = arith.constant 0 : i32
      %dma_wait3A_172 = tpu.memref_slice %arg8[%run_scoped3A_38, %dma_wait3A_170, %dma_wait3A_171] : memref<5x128x64xf32, #tpu.memory_space<vmem>> -> memref<1x128x64xf32, #tpu.memory_space<vmem>>
      %dma_wait3A_173 = tpu.memref_squeeze %dma_wait3A_172 : memref<1x128x64xf32, #tpu.memory_space<vmem>> -> memref<128x64xf32, #tpu.memory_space<vmem>>
      %dma_wait3A_174 = arith.constant 0 : i32
      %dma_wait3A_175 = tpu.memref_slice %arg9[%add3A_37, %dma_wait3A_174] : memref<10240x64xf32, #tpu.memory_space<vmem_shared>> -> memref<128x64xf32, #tpu.memory_space<vmem_shared>>
      %dma_wait3A_176 = arith.constant 0 : i32
      %dma_wait3A_177 = tpu.memref_slice %arg9[%add3A_37, %dma_wait3A_176] : memref<10240x64xf32, #tpu.memory_space<vmem_shared>> -> memref<128x64xf32, #tpu.memory_space<vmem_shared>>
      %dma_wait3A_178 = arith.constant 0 : i32
      %dma_wait3A_179 = arith.constant 0 : i32
      %dma_wait3A_180 = tpu.memref_slice %arg8[%run_scoped3A_38, %dma_wait3A_178, %dma_wait3A_179] : memref<5x128x64xf32, #tpu.memory_space<vmem>> -> memref<1x128x64xf32, #tpu.memory_space<vmem>>
      %dma_wait3A_181 = tpu.memref_squeeze %dma_wait3A_180 : memref<1x128x64xf32, #tpu.memory_space<vmem>> -> memref<128x64xf32, #tpu.memory_space<vmem>>
      tpu.wait_dma2 semaphore(%run_scoped3A_157 : memref<!tpu.dma_semaphore, #tpu.memory_space<semaphore_mem>>) src(%dma_wait3A_181 : memref<128x64xf32, #tpu.memory_space<vmem>>) dst(%dma_wait3A_177 : memref<128x64xf32, #tpu.memory_space<vmem_shared>>)
      tpu.yield
    }) : () -> ()
    %mul3A_39 = arith.constant 640 : i32
    %mul3A_40 = arith.muli %arg1, %mul3A_39 : i32
    %add3A_41 = arith.constant 384 : i32
    %add3A_42 = arith.addi %mul3A_40, %add3A_41 : i32
    %run_scoped3A_43 = arith.constant 0 : i32
    "tpu.region"() ({
      %run_scoped3A_157 = tpu.sem_alloc : memref<!tpu.dma_semaphore, #tpu.memory_space<semaphore_mem>>
      %dma_start3A_158 = arith.constant 0 : i32
      %dma_start3A_159 = arith.constant 0 : i32
      %dma_start3A_160 = tpu.memref_slice %arg8[%run_scoped3A_43, %dma_start3A_158, %dma_start3A_159] : memref<5x128x64xf32, #tpu.memory_space<vmem>> -> memref<1x128x64xf32, #tpu.memory_space<vmem>>
      %dma_start3A_161 = tpu.memref_squeeze %dma_start3A_160 : memref<1x128x64xf32, #tpu.memory_space<vmem>> -> memref<128x64xf32, #tpu.memory_space<vmem>>
      %dma_start3A_162 = arith.constant 0 : i32
      %dma_start3A_163 = tpu.memref_slice %arg9[%add3A_42, %dma_start3A_162] : memref<10240x64xf32, #tpu.memory_space<vmem_shared>> -> memref<128x64xf32, #tpu.memory_space<vmem_shared>>
      %dma_start3A_164 = arith.constant 0 : i32
      %dma_start3A_165 = tpu.memref_slice %arg9[%add3A_42, %dma_start3A_164] : memref<10240x64xf32, #tpu.memory_space<vmem_shared>> -> memref<128x64xf32, #tpu.memory_space<vmem_shared>>
      %dma_start3A_166 = arith.constant 0 : i32
      %dma_start3A_167 = arith.constant 0 : i32
      %dma_start3A_168 = tpu.memref_slice %arg8[%run_scoped3A_43, %dma_start3A_166, %dma_start3A_167] : memref<5x128x64xf32, #tpu.memory_space<vmem>> -> memref<1x128x64xf32, #tpu.memory_space<vmem>>
      %dma_start3A_169 = tpu.memref_squeeze %dma_start3A_168 : memref<1x128x64xf32, #tpu.memory_space<vmem>> -> memref<128x64xf32, #tpu.memory_space<vmem>>
      tpu.enqueue_dma source(%dma_start3A_169 : memref<128x64xf32, #tpu.memory_space<vmem>>) target(%dma_start3A_165 : memref<128x64xf32, #tpu.memory_space<vmem_shared>>) target_semaphore(%run_scoped3A_157 : memref<!tpu.dma_semaphore, #tpu.memory_space<semaphore_mem>>)
      %dma_wait3A_170 = arith.constant 0 : i32
      %dma_wait3A_171 = arith.constant 0 : i32
      %dma_wait3A_172 = tpu.memref_slice %arg8[%run_scoped3A_43, %dma_wait3A_170, %dma_wait3A_171] : memref<5x128x64xf32, #tpu.memory_space<vmem>> -> memref<1x128x64xf32, #tpu.memory_space<vmem>>
      %dma_wait3A_173 = tpu.memref_squeeze %dma_wait3A_172 : memref<1x128x64xf32, #tpu.memory_space<vmem>> -> memref<128x64xf32, #tpu.memory_space<vmem>>
      %dma_wait3A_174 = arith.constant 0 : i32
      %dma_wait3A_175 = tpu.memref_slice %arg9[%add3A_42, %dma_wait3A_174] : memref<10240x64xf32, #tpu.memory_space<vmem_shared>> -> memref<128x64xf32, #tpu.memory_space<vmem_shared>>
      %dma_wait3A_176 = arith.constant 0 : i32
      %dma_wait3A_177 = tpu.memref_slice %arg9[%add3A_42, %dma_wait3A_176] : memref<10240x64xf32, #tpu.memory_space<vmem_shared>> -> memref<128x64xf32, #tpu.memory_space<vmem_shared>>
      %dma_wait3A_178 = arith.constant 0 : i32
      %dma_wait3A_179 = arith.constant 0 : i32
      %dma_wait3A_180 = tpu.memref_slice %arg8[%run_scoped3A_43, %dma_wait3A_178, %dma_wait3A_179] : memref<5x128x64xf32, #tpu.memory_space<vmem>> -> memref<1x128x64xf32, #tpu.memory_space<vmem>>
      %dma_wait3A_181 = tpu.memref_squeeze %dma_wait3A_180 : memref<1x128x64xf32, #tpu.memory_space<vmem>> -> memref<128x64xf32, #tpu.memory_space<vmem>>
      tpu.wait_dma2 semaphore(%run_scoped3A_157 : memref<!tpu.dma_semaphore, #tpu.memory_space<semaphore_mem>>) src(%dma_wait3A_181 : memref<128x64xf32, #tpu.memory_space<vmem>>) dst(%dma_wait3A_177 : memref<128x64xf32, #tpu.memory_space<vmem_shared>>)
      tpu.yield
    }) : () -> ()
    %mul3A_44 = arith.constant 640 : i32
    %mul3A_45 = arith.muli %arg1, %mul3A_44 : i32
    %add3A_46 = arith.constant 512 : i32
    %add3A_47 = arith.addi %mul3A_45, %add3A_46 : i32
    %run_scoped3A_48 = arith.constant 0 : i32
    "tpu.region"() ({
      %run_scoped3A_157 = tpu.sem_alloc : memref<!tpu.dma_semaphore, #tpu.memory_space<semaphore_mem>>
      %dma_start3A_158 = arith.constant 0 : i32
      %dma_start3A_159 = arith.constant 0 : i32
      %dma_start3A_160 = tpu.memref_slice %arg8[%run_scoped3A_48, %dma_start3A_158, %dma_start3A_159] : memref<5x128x64xf32, #tpu.memory_space<vmem>> -> memref<1x128x64xf32, #tpu.memory_space<vmem>>
      %dma_start3A_161 = tpu.memref_squeeze %dma_start3A_160 : memref<1x128x64xf32, #tpu.memory_space<vmem>> -> memref<128x64xf32, #tpu.memory_space<vmem>>
      %dma_start3A_162 = arith.constant 0 : i32
      %dma_start3A_163 = tpu.memref_slice %arg9[%add3A_47, %dma_start3A_162] : memref<10240x64xf32, #tpu.memory_space<vmem_shared>> -> memref<128x64xf32, #tpu.memory_space<vmem_shared>>
      %dma_start3A_164 = arith.constant 0 : i32
      %dma_start3A_165 = tpu.memref_slice %arg9[%add3A_47, %dma_start3A_164] : memref<10240x64xf32, #tpu.memory_space<vmem_shared>> -> memref<128x64xf32, #tpu.memory_space<vmem_shared>>
      %dma_start3A_166 = arith.constant 0 : i32
      %dma_start3A_167 = arith.constant 0 : i32
      %dma_start3A_168 = tpu.memref_slice %arg8[%run_scoped3A_48, %dma_start3A_166, %dma_start3A_167] : memref<5x128x64xf32, #tpu.memory_space<vmem>> -> memref<1x128x64xf32, #tpu.memory_space<vmem>>
      %dma_start3A_169 = tpu.memref_squeeze %dma_start3A_168 : memref<1x128x64xf32, #tpu.memory_space<vmem>> -> memref<128x64xf32, #tpu.memory_space<vmem>>
      tpu.enqueue_dma source(%dma_start3A_169 : memref<128x64xf32, #tpu.memory_space<vmem>>) target(%dma_start3A_165 : memref<128x64xf32, #tpu.memory_space<vmem_shared>>) target_semaphore(%run_scoped3A_157 : memref<!tpu.dma_semaphore, #tpu.memory_space<semaphore_mem>>)
      %dma_wait3A_170 = arith.constant 0 : i32
      %dma_wait3A_171 = arith.constant 0 : i32
      %dma_wait3A_172 = tpu.memref_slice %arg8[%run_scoped3A_48, %dma_wait3A_170, %dma_wait3A_171] : memref<5x128x64xf32, #tpu.memory_space<vmem>> -> memref<1x128x64xf32, #tpu.memory_space<vmem>>
      %dma_wait3A_173 = tpu.memref_squeeze %dma_wait3A_172 : memref<1x128x64xf32, #tpu.memory_space<vmem>> -> memref<128x64xf32, #tpu.memory_space<vmem>>
      %dma_wait3A_174 = arith.constant 0 : i32
      %dma_wait3A_175 = tpu.memref_slice %arg9[%add3A_47, %dma_wait3A_174] : memref<10240x64xf32, #tpu.memory_space<vmem_shared>> -> memref<128x64xf32, #tpu.memory_space<vmem_shared>>
      %dma_wait3A_176 = arith.constant 0 : i32
      %dma_wait3A_177 = tpu.memref_slice %arg9[%add3A_47, %dma_wait3A_176] : memref<10240x64xf32, #tpu.memory_space<vmem_shared>> -> memref<128x64xf32, #tpu.memory_space<vmem_shared>>
      %dma_wait3A_178 = arith.constant 0 : i32
      %dma_wait3A_179 = arith.constant 0 : i32
      %dma_wait3A_180 = tpu.memref_slice %arg8[%run_scoped3A_48, %dma_wait3A_178, %dma_wait3A_179] : memref<5x128x64xf32, #tpu.memory_space<vmem>> -> memref<1x128x64xf32, #tpu.memory_space<vmem>>
      %dma_wait3A_181 = tpu.memref_squeeze %dma_wait3A_180 : memref<1x128x64xf32, #tpu.memory_space<vmem>> -> memref<128x64xf32, #tpu.memory_space<vmem>>
      tpu.wait_dma2 semaphore(%run_scoped3A_157 : memref<!tpu.dma_semaphore, #tpu.memory_space<semaphore_mem>>) src(%dma_wait3A_181 : memref<128x64xf32, #tpu.memory_space<vmem>>) dst(%dma_wait3A_177 : memref<128x64xf32, #tpu.memory_space<vmem_shared>>)
      tpu.yield
    }) : () -> ()
    %dma_wait3A = arith.constant 0 : i32
    %dma_wait3A_49 = arith.constant 0 : i32
    %dma_wait3A_50 = arith.constant 0 : i32
    %dma_wait3A_51 = tpu.memref_slice %arg3[%arg0, %arg1, %dma_wait3A_49, %dma_wait3A_50] : memref<2x16x160x128xi32, #tpu.memory_space<hbm>> -> memref<1x1x160x128xi32, #tpu.memory_space<hbm>>
    %dma_wait3A_52 = tpu.memref_squeeze %dma_wait3A_51 : memref<1x1x160x128xi32, #tpu.memory_space<hbm>> -> memref<160x128xi32, #tpu.memory_space<hbm>>
    %dma_wait3A_53 = tpu.memref_slice %arg10[%dma_wait3A] : memref<2x!tpu.dma_semaphore, #tpu.memory_space<semaphore_mem>> -> memref<1x!tpu.dma_semaphore, #tpu.memory_space<semaphore_mem>>
    %dma_wait3A_54 = tpu.memref_squeeze %dma_wait3A_53 : memref<1x!tpu.dma_semaphore, #tpu.memory_space<semaphore_mem>> -> memref<!tpu.dma_semaphore, #tpu.memory_space<semaphore_mem>>
    %dma_wait3A_55 = arith.constant 0 : i32
    %dma_wait3A_56 = arith.constant 0 : i32
    %dma_wait3A_57 = tpu.memref_slice %arg3[%arg0, %arg1, %dma_wait3A_55, %dma_wait3A_56] : memref<2x16x160x128xi32, #tpu.memory_space<hbm>> -> memref<1x1x160x128xi32, #tpu.memory_space<hbm>>
    %dma_wait3A_58 = tpu.memref_squeeze %dma_wait3A_57 : memref<1x1x160x128xi32, #tpu.memory_space<hbm>> -> memref<160x128xi32, #tpu.memory_space<hbm>>
    tpu.wait_dma2 semaphore(%dma_wait3A_54 : memref<!tpu.dma_semaphore, #tpu.memory_space<semaphore_mem>>) src(%dma_wait3A_58 : memref<160x128xi32, #tpu.memory_space<hbm>>) dst(%arg6 : memref<160x128xi32, #tpu.memory_space<vmem>>)
    %dma_wait3A_59 = arith.constant 1 : i32
    %dma_wait3A_60 = arith.constant 0 : i32
    %dma_wait3A_61 = arith.constant 0 : i32
    %dma_wait3A_62 = tpu.memref_slice %arg4[%arg1, %dma_wait3A_60, %dma_wait3A_61] : memref<16x160x128xi32, #tpu.memory_space<hbm>> -> memref<1x160x128xi32, #tpu.memory_space<hbm>>
    %dma_wait3A_63 = tpu.memref_squeeze %dma_wait3A_62 : memref<1x160x128xi32, #tpu.memory_space<hbm>> -> memref<160x128xi32, #tpu.memory_space<hbm>>
    %dma_wait3A_64 = tpu.memref_slice %arg10[%dma_wait3A_59] : memref<2x!tpu.dma_semaphore, #tpu.memory_space<semaphore_mem>> -> memref<1x!tpu.dma_semaphore, #tpu.memory_space<semaphore_mem>>
    %dma_wait3A_65 = tpu.memref_squeeze %dma_wait3A_64 : memref<1x!tpu.dma_semaphore, #tpu.memory_space<semaphore_mem>> -> memref<!tpu.dma_semaphore, #tpu.memory_space<semaphore_mem>>
    %dma_wait3A_66 = arith.constant 0 : i32
    %dma_wait3A_67 = arith.constant 0 : i32
    %dma_wait3A_68 = tpu.memref_slice %arg4[%arg1, %dma_wait3A_66, %dma_wait3A_67] : memref<16x160x128xi32, #tpu.memory_space<hbm>> -> memref<1x160x128xi32, #tpu.memory_space<hbm>>
    %dma_wait3A_69 = tpu.memref_squeeze %dma_wait3A_68 : memref<1x160x128xi32, #tpu.memory_space<hbm>> -> memref<160x128xi32, #tpu.memory_space<hbm>>
    tpu.wait_dma2 semaphore(%dma_wait3A_65 : memref<!tpu.dma_semaphore, #tpu.memory_space<semaphore_mem>>) src(%dma_wait3A_69 : memref<160x128xi32, #tpu.memory_space<hbm>>) dst(%arg7 : memref<160x128xi32, #tpu.memory_space<vmem>>)
    %barrier3A = arith.constant 0 : index
    tpu.barrier barrier_id(%barrier3A)
    %dma_start3A_70 = arith.constant 0 : i32
    %dma_start3A_71 = arith.constant 0 : i32
    %dma_start3A_72 = arith.constant 0 : i32
    %dma_start3A_73 = arith.constant 0 : i32
    %dma_start3A_74 = arith.constant 0 : i32
    %dma_start3A_75 = tpu.memref_slice %arg8[%dma_start3A_71, %dma_start3A_73, %dma_start3A_74] : memref<5x128x64xf32, #tpu.memory_space<vmem>> -> memref<1x128x64xf32, #tpu.memory_space<vmem>>
    %dma_start3A_76 = tpu.memref_squeeze %dma_start3A_75 : memref<1x128x64xf32, #tpu.memory_space<vmem>> -> memref<128x64xf32, #tpu.memory_space<vmem>>
    %dma_start3A_77 = arith.constant 0 : i32
    %dma_start3A_78 = tpu.memref_slice %arg6[%dma_start3A_70, %dma_start3A_77] : memref<160x128xi32, #tpu.memory_space<vmem>> -> memref<1x128xi32, #tpu.memory_space<vmem>>
    %dma_start3A_79 = tpu.memref_squeeze %dma_start3A_78 : memref<1x128xi32, #tpu.memory_space<vmem>> -> memref<128xi32, #tpu.memory_space<vmem>>
    %dma_start3A_80 = arith.constant 0 : i32
    %dma_start3A_81 = arith.constant 0 : i32
    %dma_start3A_82 = tpu.memref_slice %arg2[%dma_start3A_80, %dma_start3A_81] : memref<20000x64xf32, #tpu.memory_space<hbm>> -> memref<20000x64xf32, #tpu.memory_space<hbm>>
    %dma_start3A_83 = tpu.memref_slice %arg11[%dma_start3A_72] : memref<5x!tpu.dma_semaphore, #tpu.memory_space<semaphore_mem>> -> memref<1x!tpu.dma_semaphore, #tpu.memory_space<semaphore_mem>>
    %dma_start3A_84 = tpu.memref_squeeze %dma_start3A_83 : memref<1x!tpu.dma_semaphore, #tpu.memory_space<semaphore_mem>> -> memref<!tpu.dma_semaphore, #tpu.memory_space<semaphore_mem>>
    tpu.enqueue_indirect_dma source(%dma_start3A_82 : memref<20000x64xf32, #tpu.memory_space<hbm>>) target(%dma_start3A_76 : memref<128x64xf32, #tpu.memory_space<vmem>>) offsets(%dma_start3A_79 : memref<128xi32, #tpu.memory_space<vmem>>) semaphore(%dma_start3A_84 : memref<!tpu.dma_semaphore, #tpu.memory_space<semaphore_mem>>)
    %dma_start3A_85 = arith.constant 1 : i32
    %dma_start3A_86 = arith.constant 1 : i32
    %dma_start3A_87 = arith.constant 1 : i32
    %dma_start3A_88 = arith.constant 0 : i32
    %dma_start3A_89 = arith.constant 0 : i32
    %dma_start3A_90 = tpu.memref_slice %arg8[%dma_start3A_86, %dma_start3A_88, %dma_start3A_89] : memref<5x128x64xf32, #tpu.memory_space<vmem>> -> memref<1x128x64xf32, #tpu.memory_space<vmem>>
    %dma_start3A_91 = tpu.memref_squeeze %dma_start3A_90 : memref<1x128x64xf32, #tpu.memory_space<vmem>> -> memref<128x64xf32, #tpu.memory_space<vmem>>
    %dma_start3A_92 = arith.constant 0 : i32
    %dma_start3A_93 = tpu.memref_slice %arg6[%dma_start3A_85, %dma_start3A_92] : memref<160x128xi32, #tpu.memory_space<vmem>> -> memref<1x128xi32, #tpu.memory_space<vmem>>
    %dma_start3A_94 = tpu.memref_squeeze %dma_start3A_93 : memref<1x128xi32, #tpu.memory_space<vmem>> -> memref<128xi32, #tpu.memory_space<vmem>>
    %dma_start3A_95 = arith.constant 0 : i32
    %dma_start3A_96 = arith.constant 0 : i32
    %dma_start3A_97 = tpu.memref_slice %arg2[%dma_start3A_95, %dma_start3A_96] : memref<20000x64xf32, #tpu.memory_space<hbm>> -> memref<20000x64xf32, #tpu.memory_space<hbm>>
    %dma_start3A_98 = tpu.memref_slice %arg11[%dma_start3A_87] : memref<5x!tpu.dma_semaphore, #tpu.memory_space<semaphore_mem>> -> memref<1x!tpu.dma_semaphore, #tpu.memory_space<semaphore_mem>>
    %dma_start3A_99 = tpu.memref_squeeze %dma_start3A_98 : memref<1x!tpu.dma_semaphore, #tpu.memory_space<semaphore_mem>> -> memref<!tpu.dma_semaphore, #tpu.memory_space<semaphore_mem>>
    tpu.enqueue_indirect_dma source(%dma_start3A_97 : memref<20000x64xf32, #tpu.memory_space<hbm>>) target(%dma_start3A_91 : memref<128x64xf32, #tpu.memory_space<vmem>>) offsets(%dma_start3A_94 : memref<128xi32, #tpu.memory_space<vmem>>) semaphore(%dma_start3A_99 : memref<!tpu.dma_semaphore, #tpu.memory_space<semaphore_mem>>)
    %dma_start3A_100 = arith.constant 2 : i32
    %dma_start3A_101 = arith.constant 2 : i32
    %dma_start3A_102 = arith.constant 2 : i32
    %dma_start3A_103 = arith.constant 0 : i32
    %dma_start3A_104 = arith.constant 0 : i32
    %dma_start3A_105 = tpu.memref_slice %arg8[%dma_start3A_101, %dma_start3A_103, %dma_start3A_104] : memref<5x128x64xf32, #tpu.memory_space<vmem>> -> memref<1x128x64xf32, #tpu.memory_space<vmem>>
    %dma_start3A_106 = tpu.memref_squeeze %dma_start3A_105 : memref<1x128x64xf32, #tpu.memory_space<vmem>> -> memref<128x64xf32, #tpu.memory_space<vmem>>
    %dma_start3A_107 = arith.constant 0 : i32
    %dma_start3A_108 = tpu.memref_slice %arg6[%dma_start3A_100, %dma_start3A_107] : memref<160x128xi32, #tpu.memory_space<vmem>> -> memref<1x128xi32, #tpu.memory_space<vmem>>
    %dma_start3A_109 = tpu.memref_squeeze %dma_start3A_108 : memref<1x128xi32, #tpu.memory_space<vmem>> -> memref<128xi32, #tpu.memory_space<vmem>>
    %dma_start3A_110 = arith.constant 0 : i32
    %dma_start3A_111 = arith.constant 0 : i32
    %dma_start3A_112 = tpu.memref_slice %arg2[%dma_start3A_110, %dma_start3A_111] : memref<20000x64xf32, #tpu.memory_space<hbm>> -> memref<20000x64xf32, #tpu.memory_space<hbm>>
    %dma_start3A_113 = tpu.memref_slice %arg11[%dma_start3A_102] : memref<5x!tpu.dma_semaphore, #tpu.memory_space<semaphore_mem>> -> memref<1x!tpu.dma_semaphore, #tpu.memory_space<semaphore_mem>>
    %dma_start3A_114 = tpu.memref_squeeze %dma_start3A_113 : memref<1x!tpu.dma_semaphore, #tpu.memory_space<semaphore_mem>> -> memref<!tpu.dma_semaphore, #tpu.memory_space<semaphore_mem>>
    tpu.enqueue_indirect_dma source(%dma_start3A_112 : memref<20000x64xf32, #tpu.memory_space<hbm>>) target(%dma_start3A_106 : memref<128x64xf32, #tpu.memory_space<vmem>>) offsets(%dma_start3A_109 : memref<128xi32, #tpu.memory_space<vmem>>) semaphore(%dma_start3A_114 : memref<!tpu.dma_semaphore, #tpu.memory_space<semaphore_mem>>)
    %dma_start3A_115 = arith.constant 3 : i32
    %dma_start3A_116 = arith.constant 3 : i32
    %dma_start3A_117 = arith.constant 3 : i32
    %dma_start3A_118 = arith.constant 0 : i32
    %dma_start3A_119 = arith.constant 0 : i32
    %dma_start3A_120 = tpu.memref_slice %arg8[%dma_start3A_116, %dma_start3A_118, %dma_start3A_119] : memref<5x128x64xf32, #tpu.memory_space<vmem>> -> memref<1x128x64xf32, #tpu.memory_space<vmem>>
    %dma_start3A_121 = tpu.memref_squeeze %dma_start3A_120 : memref<1x128x64xf32, #tpu.memory_space<vmem>> -> memref<128x64xf32, #tpu.memory_space<vmem>>
    %dma_start3A_122 = arith.constant 0 : i32
    %dma_start3A_123 = tpu.memref_slice %arg6[%dma_start3A_115, %dma_start3A_122] : memref<160x128xi32, #tpu.memory_space<vmem>> -> memref<1x128xi32, #tpu.memory_space<vmem>>
    %dma_start3A_124 = tpu.memref_squeeze %dma_start3A_123 : memref<1x128xi32, #tpu.memory_space<vmem>> -> memref<128xi32, #tpu.memory_space<vmem>>
    %dma_start3A_125 = arith.constant 0 : i32
    %dma_start3A_126 = arith.constant 0 : i32
    %dma_start3A_127 = tpu.memref_slice %arg2[%dma_start3A_125, %dma_start3A_126] : memref<20000x64xf32, #tpu.memory_space<hbm>> -> memref<20000x64xf32, #tpu.memory_space<hbm>>
    %dma_start3A_128 = tpu.memref_slice %arg11[%dma_start3A_117] : memref<5x!tpu.dma_semaphore, #tpu.memory_space<semaphore_mem>> -> memref<1x!tpu.dma_semaphore, #tpu.memory_space<semaphore_mem>>
    %dma_start3A_129 = tpu.memref_squeeze %dma_start3A_128 : memref<1x!tpu.dma_semaphore, #tpu.memory_space<semaphore_mem>> -> memref<!tpu.dma_semaphore, #tpu.memory_space<semaphore_mem>>
    tpu.enqueue_indirect_dma source(%dma_start3A_127 : memref<20000x64xf32, #tpu.memory_space<hbm>>) target(%dma_start3A_121 : memref<128x64xf32, #tpu.memory_space<vmem>>) offsets(%dma_start3A_124 : memref<128xi32, #tpu.memory_space<vmem>>) semaphore(%dma_start3A_129 : memref<!tpu.dma_semaphore, #tpu.memory_space<semaphore_mem>>)
    %dma_start3A_130 = arith.constant 4 : i32
    %dma_start3A_131 = arith.constant 4 : i32
    %dma_start3A_132 = arith.constant 4 : i32
    %dma_start3A_133 = arith.constant 0 : i32
    %dma_start3A_134 = arith.constant 0 : i32
    %dma_start3A_135 = tpu.memref_slice %arg8[%dma_start3A_131, %dma_start3A_133, %dma_start3A_134] : memref<5x128x64xf32, #tpu.memory_space<vmem>> -> memref<1x128x64xf32, #tpu.memory_space<vmem>>
    %dma_start3A_136 = tpu.memref_squeeze %dma_start3A_135 : memref<1x128x64xf32, #tpu.memory_space<vmem>> -> memref<128x64xf32, #tpu.memory_space<vmem>>
    %dma_start3A_137 = arith.constant 0 : i32
    %dma_start3A_138 = tpu.memref_slice %arg6[%dma_start3A_130, %dma_start3A_137] : memref<160x128xi32, #tpu.memory_space<vmem>> -> memref<1x128xi32, #tpu.memory_space<vmem>>
    %dma_start3A_139 = tpu.memref_squeeze %dma_start3A_138 : memref<1x128xi32, #tpu.memory_space<vmem>> -> memref<128xi32, #tpu.memory_space<vmem>>
    %dma_start3A_140 = arith.constant 0 : i32
    %dma_start3A_141 = arith.constant 0 : i32
    %dma_start3A_142 = tpu.memref_slice %arg2[%dma_start3A_140, %dma_start3A_141] : memref<20000x64xf32, #tpu.memory_space<hbm>> -> memref<20000x64xf32, #tpu.memory_space<hbm>>
    %dma_start3A_143 = tpu.memref_slice %arg11[%dma_start3A_132] : memref<5x!tpu.dma_semaphore, #tpu.memory_space<semaphore_mem>> -> memref<1x!tpu.dma_semaphore, #tpu.memory_space<semaphore_mem>>
    %dma_start3A_144 = tpu.memref_squeeze %dma_start3A_143 : memref<1x!tpu.dma_semaphore, #tpu.memory_space<semaphore_mem>> -> memref<!tpu.dma_semaphore, #tpu.memory_space<semaphore_mem>>
    tpu.enqueue_indirect_dma source(%dma_start3A_142 : memref<20000x64xf32, #tpu.memory_space<hbm>>) target(%dma_start3A_136 : memref<128x64xf32, #tpu.memory_space<vmem>>) offsets(%dma_start3A_139 : memref<128xi32, #tpu.memory_space<vmem>>) semaphore(%dma_start3A_144 : memref<!tpu.dma_semaphore, #tpu.memory_space<semaphore_mem>>)
    %scan3A_145 = arith.constant 0 : i32
    %scan3A_146 = arith.constant 0 : i32
    %scan3A_147 = arith.constant 32 : i32
    %scan3A_148 = arith.addi %scan3A_146, %scan3A_147 : i32
    %scan3A_149 = arith.constant 1 : i32
    %scan3A_150 = scf.for %scan3A_157 = %scan3A_146 to %scan3A_148 step %scan3A_149 iter_args(%scan3A_158 = %scan3A_145) -> (i32)  : i32 {
      %mul3A_159 = arith.constant 5 : i32
      %mul3A_160 = arith.muli %scan3A_157, %mul3A_159 : i32
      %add3A_161 = arith.constant 0 : i32
      %add3A_162 = arith.addi %mul3A_160, %add3A_161 : i32
      %dma_wait3A_163 = arith.constant 0 : i32
      %dma_wait3A_164 = arith.constant 0 : i32
      %dma_wait3A_165 = arith.constant 0 : i32
      %dma_wait3A_166 = arith.constant 0 : i32
      %dma_wait3A_167 = tpu.memref_slice %arg8[%dma_wait3A_163, %dma_wait3A_165, %dma_wait3A_166] : memref<5x128x64xf32, #tpu.memory_space<vmem>> -> memref<1x128x64xf32, #tpu.memory_space<vmem>>
      %dma_wait3A_168 = tpu.memref_squeeze %dma_wait3A_167 : memref<1x128x64xf32, #tpu.memory_space<vmem>> -> memref<128x64xf32, #tpu.memory_space<vmem>>
      %dma_wait3A_169 = arith.constant 0 : i32
      %dma_wait3A_170 = tpu.memref_slice %arg6[%add3A_162, %dma_wait3A_169] : memref<160x128xi32, #tpu.memory_space<vmem>> -> memref<1x128xi32, #tpu.memory_space<vmem>>
      %dma_wait3A_171 = tpu.memref_squeeze %dma_wait3A_170 : memref<1x128xi32, #tpu.memory_space<vmem>> -> memref<128xi32, #tpu.memory_space<vmem>>
      %dma_wait3A_172 = arith.constant 0 : i32
      %dma_wait3A_173 = arith.constant 0 : i32
      %dma_wait3A_174 = tpu.memref_slice %arg2[%dma_wait3A_172, %dma_wait3A_173] : memref<20000x64xf32, #tpu.memory_space<hbm>> -> memref<20000x64xf32, #tpu.memory_space<hbm>>
      %dma_wait3A_175 = tpu.memref_slice %arg11[%dma_wait3A_164] : memref<5x!tpu.dma_semaphore, #tpu.memory_space<semaphore_mem>> -> memref<1x!tpu.dma_semaphore, #tpu.memory_space<semaphore_mem>>
      %dma_wait3A_176 = tpu.memref_squeeze %dma_wait3A_175 : memref<1x!tpu.dma_semaphore, #tpu.memory_space<semaphore_mem>> -> memref<!tpu.dma_semaphore, #tpu.memory_space<semaphore_mem>>
      tpu.wait_indirect_dma semaphore(%dma_wait3A_176 : memref<!tpu.dma_semaphore, #tpu.memory_space<semaphore_mem>>) src(%dma_wait3A_174 : memref<20000x64xf32, #tpu.memory_space<hbm>>) dst(%dma_wait3A_168 : memref<128x64xf32, #tpu.memory_space<vmem>>)
      %run_scoped3A_177 = arith.constant 0 : i32
      "tpu.region"() ({
        %run_scoped3A_287 = tpu.sem_alloc : memref<!tpu.dma_semaphore, #tpu.memory_space<semaphore_mem>>
        %dma_start3A_288 = arith.constant 0 : i32
        %dma_start3A_289 = arith.constant 0 : i32
        %dma_start3A_290 = tpu.memref_slice %arg8[%run_scoped3A_177, %dma_start3A_288, %dma_start3A_289] : memref<5x128x64xf32, #tpu.memory_space<vmem>> -> memref<1x128x64xf32, #tpu.memory_space<vmem>>
        %dma_start3A_291 = tpu.memref_squeeze %dma_start3A_290 : memref<1x128x64xf32, #tpu.memory_space<vmem>> -> memref<128x64xf32, #tpu.memory_space<vmem>>
        %dma_start3A_292 = arith.constant 0 : i32
        %dma_start3A_293 = tpu.memref_slice %arg7[%add3A_162, %dma_start3A_292] : memref<160x128xi32, #tpu.memory_space<vmem>> -> memref<1x128xi32, #tpu.memory_space<vmem>>
        %dma_start3A_294 = tpu.memref_squeeze %dma_start3A_293 : memref<1x128xi32, #tpu.memory_space<vmem>> -> memref<128xi32, #tpu.memory_space<vmem>>
        %dma_start3A_295 = arith.constant 0 : i32
        %dma_start3A_296 = arith.constant 0 : i32
        %dma_start3A_297 = tpu.memref_slice %arg9[%dma_start3A_295, %dma_start3A_296] : memref<10240x64xf32, #tpu.memory_space<vmem_shared>> -> memref<10240x64xf32, #tpu.memory_space<vmem_shared>>
        tpu.enqueue_indirect_dma source(%dma_start3A_291 : memref<128x64xf32, #tpu.memory_space<vmem>>) target(%dma_start3A_297 : memref<10240x64xf32, #tpu.memory_space<vmem_shared>>) offsets(%dma_start3A_294 : memref<128xi32, #tpu.memory_space<vmem>>) semaphore(%run_scoped3A_287 : memref<!tpu.dma_semaphore, #tpu.memory_space<semaphore_mem>>) {add = true}
        %dma_wait3A_298 = arith.constant 0 : i32
        %dma_wait3A_299 = arith.constant 0 : i32
        %dma_wait3A_300 = tpu.memref_slice %arg8[%run_scoped3A_177, %dma_wait3A_298, %dma_wait3A_299] : memref<5x128x64xf32, #tpu.memory_space<vmem>> -> memref<1x128x64xf32, #tpu.memory_space<vmem>>
        %dma_wait3A_301 = tpu.memref_squeeze %dma_wait3A_300 : memref<1x128x64xf32, #tpu.memory_space<vmem>> -> memref<128x64xf32, #tpu.memory_space<vmem>>
        %dma_wait3A_302 = arith.constant 0 : i32
        %dma_wait3A_303 = tpu.memref_slice %arg7[%add3A_162, %dma_wait3A_302] : memref<160x128xi32, #tpu.memory_space<vmem>> -> memref<1x128xi32, #tpu.memory_space<vmem>>
        %dma_wait3A_304 = tpu.memref_squeeze %dma_wait3A_303 : memref<1x128xi32, #tpu.memory_space<vmem>> -> memref<128xi32, #tpu.memory_space<vmem>>
        %dma_wait3A_305 = arith.constant 0 : i32
        %dma_wait3A_306 = arith.constant 0 : i32
        %dma_wait3A_307 = tpu.memref_slice %arg9[%dma_wait3A_305, %dma_wait3A_306] : memref<10240x64xf32, #tpu.memory_space<vmem_shared>> -> memref<10240x64xf32, #tpu.memory_space<vmem_shared>>
        tpu.wait_indirect_dma semaphore(%run_scoped3A_287 : memref<!tpu.dma_semaphore, #tpu.memory_space<semaphore_mem>>) src(%dma_wait3A_301 : memref<128x64xf32, #tpu.memory_space<vmem>>) dst(%dma_wait3A_307 : memref<10240x64xf32, #tpu.memory_space<vmem_shared>>)
        tpu.yield
      }) : () -> ()
      %add3A_178 = arith.constant 5 : i32
      %add3A_179 = arith.addi %add3A_162, %add3A_178 : i32
      %lt3A = arith.constant 160 : i32
      %lt3A_180 = arith.cmpi slt, %add3A_179, %lt3A : i32
      %convert_element_type3A = arith.extui %lt3A_180 : i1 to i32
      %cond3A = arith.constant 0 : i32
      %cond3A_181 = arith.cmpi ne, %convert_element_type3A, %cond3A : i32
      scf.if %cond3A_181 {
        %add3A_287 = arith.constant 5 : i32
        %add3A_288 = arith.addi %add3A_162, %add3A_287 : i32
        %dma_start3A_289 = arith.constant 0 : i32
        %dma_start3A_290 = arith.constant 0 : i32
        %dma_start3A_291 = arith.constant 0 : i32
        %dma_start3A_292 = arith.constant 0 : i32
        %dma_start3A_293 = tpu.memref_slice %arg8[%dma_start3A_289, %dma_start3A_291, %dma_start3A_292] : memref<5x128x64xf32, #tpu.memory_space<vmem>> -> memref<1x128x64xf32, #tpu.memory_space<vmem>>
        %dma_start3A_294 = tpu.memref_squeeze %dma_start3A_293 : memref<1x128x64xf32, #tpu.memory_space<vmem>> -> memref<128x64xf32, #tpu.memory_space<vmem>>
        %dma_start3A_295 = arith.constant 0 : i32
        %dma_start3A_296 = tpu.memref_slice %arg6[%add3A_288, %dma_start3A_295] : memref<160x128xi32, #tpu.memory_space<vmem>> -> memref<1x128xi32, #tpu.memory_space<vmem>>
        %dma_start3A_297 = tpu.memref_squeeze %dma_start3A_296 : memref<1x128xi32, #tpu.memory_space<vmem>> -> memref<128xi32, #tpu.memory_space<vmem>>
        %dma_start3A_298 = arith.constant 0 : i32
        %dma_start3A_299 = arith.constant 0 : i32
        %dma_start3A_300 = tpu.memref_slice %arg2[%dma_start3A_298, %dma_start3A_299] : memref<20000x64xf32, #tpu.memory_space<hbm>> -> memref<20000x64xf32, #tpu.memory_space<hbm>>
        %dma_start3A_301 = tpu.memref_slice %arg11[%dma_start3A_290] : memref<5x!tpu.dma_semaphore, #tpu.memory_space<semaphore_mem>> -> memref<1x!tpu.dma_semaphore, #tpu.memory_space<semaphore_mem>>
        %dma_start3A_302 = tpu.memref_squeeze %dma_start3A_301 : memref<1x!tpu.dma_semaphore, #tpu.memory_space<semaphore_mem>> -> memref<!tpu.dma_semaphore, #tpu.memory_space<semaphore_mem>>
        tpu.enqueue_indirect_dma source(%dma_start3A_300 : memref<20000x64xf32, #tpu.memory_space<hbm>>) target(%dma_start3A_294 : memref<128x64xf32, #tpu.memory_space<vmem>>) offsets(%dma_start3A_297 : memref<128xi32, #tpu.memory_space<vmem>>) semaphore(%dma_start3A_302 : memref<!tpu.dma_semaphore, #tpu.memory_space<semaphore_mem>>)
      } else {
      }
      %mul3A_182 = arith.constant 5 : i32
      %mul3A_183 = arith.muli %scan3A_157, %mul3A_182 : i32
      %add3A_184 = arith.constant 1 : i32
      %add3A_185 = arith.addi %mul3A_183, %add3A_184 : i32
      %dma_wait3A_186 = arith.constant 1 : i32
      %dma_wait3A_187 = arith.constant 1 : i32
      %dma_wait3A_188 = arith.constant 0 : i32
      %dma_wait3A_189 = arith.constant 0 : i32
      %dma_wait3A_190 = tpu.memref_slice %arg8[%dma_wait3A_186, %dma_wait3A_188, %dma_wait3A_189] : memref<5x128x64xf32, #tpu.memory_space<vmem>> -> memref<1x128x64xf32, #tpu.memory_space<vmem>>
      %dma_wait3A_191 = tpu.memref_squeeze %dma_wait3A_190 : memref<1x128x64xf32, #tpu.memory_space<vmem>> -> memref<128x64xf32, #tpu.memory_space<vmem>>
      %dma_wait3A_192 = arith.constant 0 : i32
      %dma_wait3A_193 = tpu.memref_slice %arg6[%add3A_185, %dma_wait3A_192] : memref<160x128xi32, #tpu.memory_space<vmem>> -> memref<1x128xi32, #tpu.memory_space<vmem>>
      %dma_wait3A_194 = tpu.memref_squeeze %dma_wait3A_193 : memref<1x128xi32, #tpu.memory_space<vmem>> -> memref<128xi32, #tpu.memory_space<vmem>>
      %dma_wait3A_195 = arith.constant 0 : i32
      %dma_wait3A_196 = arith.constant 0 : i32
      %dma_wait3A_197 = tpu.memref_slice %arg2[%dma_wait3A_195, %dma_wait3A_196] : memref<20000x64xf32, #tpu.memory_space<hbm>> -> memref<20000x64xf32, #tpu.memory_space<hbm>>
      %dma_wait3A_198 = tpu.memref_slice %arg11[%dma_wait3A_187] : memref<5x!tpu.dma_semaphore, #tpu.memory_space<semaphore_mem>> -> memref<1x!tpu.dma_semaphore, #tpu.memory_space<semaphore_mem>>
      %dma_wait3A_199 = tpu.memref_squeeze %dma_wait3A_198 : memref<1x!tpu.dma_semaphore, #tpu.memory_space<semaphore_mem>> -> memref<!tpu.dma_semaphore, #tpu.memory_space<semaphore_mem>>
      tpu.wait_indirect_dma semaphore(%dma_wait3A_199 : memref<!tpu.dma_semaphore, #tpu.memory_space<semaphore_mem>>) src(%dma_wait3A_197 : memref<20000x64xf32, #tpu.memory_space<hbm>>) dst(%dma_wait3A_191 : memref<128x64xf32, #tpu.memory_space<vmem>>)
      %run_scoped3A_200 = arith.constant 1 : i32
      "tpu.region"() ({
        %run_scoped3A_287 = tpu.sem_alloc : memref<!tpu.dma_semaphore, #tpu.memory_space<semaphore_mem>>
        %dma_start3A_288 = arith.constant 0 : i32
        %dma_start3A_289 = arith.constant 0 : i32
        %dma_start3A_290 = tpu.memref_slice %arg8[%run_scoped3A_200, %dma_start3A_288, %dma_start3A_289] : memref<5x128x64xf32, #tpu.memory_space<vmem>> -> memref<1x128x64xf32, #tpu.memory_space<vmem>>
        %dma_start3A_291 = tpu.memref_squeeze %dma_start3A_290 : memref<1x128x64xf32, #tpu.memory_space<vmem>> -> memref<128x64xf32, #tpu.memory_space<vmem>>
        %dma_start3A_292 = arith.constant 0 : i32
        %dma_start3A_293 = tpu.memref_slice %arg7[%add3A_185, %dma_start3A_292] : memref<160x128xi32, #tpu.memory_space<vmem>> -> memref<1x128xi32, #tpu.memory_space<vmem>>
        %dma_start3A_294 = tpu.memref_squeeze %dma_start3A_293 : memref<1x128xi32, #tpu.memory_space<vmem>> -> memref<128xi32, #tpu.memory_space<vmem>>
        %dma_start3A_295 = arith.constant 0 : i32
        %dma_start3A_296 = arith.constant 0 : i32
        %dma_start3A_297 = tpu.memref_slice %arg9[%dma_start3A_295, %dma_start3A_296] : memref<10240x64xf32, #tpu.memory_space<vmem_shared>> -> memref<10240x64xf32, #tpu.memory_space<vmem_shared>>
        tpu.enqueue_indirect_dma source(%dma_start3A_291 : memref<128x64xf32, #tpu.memory_space<vmem>>) target(%dma_start3A_297 : memref<10240x64xf32, #tpu.memory_space<vmem_shared>>) offsets(%dma_start3A_294 : memref<128xi32, #tpu.memory_space<vmem>>) semaphore(%run_scoped3A_287 : memref<!tpu.dma_semaphore, #tpu.memory_space<semaphore_mem>>) {add = true}
        %dma_wait3A_298 = arith.constant 0 : i32
        %dma_wait3A_299 = arith.constant 0 : i32
        %dma_wait3A_300 = tpu.memref_slice %arg8[%run_scoped3A_200, %dma_wait3A_298, %dma_wait3A_299] : memref<5x128x64xf32, #tpu.memory_space<vmem>> -> memref<1x128x64xf32, #tpu.memory_space<vmem>>
        %dma_wait3A_301 = tpu.memref_squeeze %dma_wait3A_300 : memref<1x128x64xf32, #tpu.memory_space<vmem>> -> memref<128x64xf32, #tpu.memory_space<vmem>>
        %dma_wait3A_302 = arith.constant 0 : i32
        %dma_wait3A_303 = tpu.memref_slice %arg7[%add3A_185, %dma_wait3A_302] : memref<160x128xi32, #tpu.memory_space<vmem>> -> memref<1x128xi32, #tpu.memory_space<vmem>>
        %dma_wait3A_304 = tpu.memref_squeeze %dma_wait3A_303 : memref<1x128xi32, #tpu.memory_space<vmem>> -> memref<128xi32, #tpu.memory_space<vmem>>
        %dma_wait3A_305 = arith.constant 0 : i32
        %dma_wait3A_306 = arith.constant 0 : i32
        %dma_wait3A_307 = tpu.memref_slice %arg9[%dma_wait3A_305, %dma_wait3A_306] : memref<10240x64xf32, #tpu.memory_space<vmem_shared>> -> memref<10240x64xf32, #tpu.memory_space<vmem_shared>>
        tpu.wait_indirect_dma semaphore(%run_scoped3A_287 : memref<!tpu.dma_semaphore, #tpu.memory_space<semaphore_mem>>) src(%dma_wait3A_301 : memref<128x64xf32, #tpu.memory_space<vmem>>) dst(%dma_wait3A_307 : memref<10240x64xf32, #tpu.memory_space<vmem_shared>>)
        tpu.yield
      }) : () -> ()
      %add3A_201 = arith.constant 5 : i32
      %add3A_202 = arith.addi %add3A_185, %add3A_201 : i32
      %lt3A_203 = arith.constant 160 : i32
      %lt3A_204 = arith.cmpi slt, %add3A_202, %lt3A_203 : i32
      %convert_element_type3A_205 = arith.extui %lt3A_204 : i1 to i32
      %cond3A_206 = arith.constant 0 : i32
      %cond3A_207 = arith.cmpi ne, %convert_element_type3A_205, %cond3A_206 : i32
      scf.if %cond3A_207 {
        %add3A_287 = arith.constant 5 : i32
        %add3A_288 = arith.addi %add3A_185, %add3A_287 : i32
        %dma_start3A_289 = arith.constant 1 : i32
        %dma_start3A_290 = arith.constant 1 : i32
        %dma_start3A_291 = arith.constant 0 : i32
        %dma_start3A_292 = arith.constant 0 : i32
        %dma_start3A_293 = tpu.memref_slice %arg8[%dma_start3A_289, %dma_start3A_291, %dma_start3A_292] : memref<5x128x64xf32, #tpu.memory_space<vmem>> -> memref<1x128x64xf32, #tpu.memory_space<vmem>>
        %dma_start3A_294 = tpu.memref_squeeze %dma_start3A_293 : memref<1x128x64xf32, #tpu.memory_space<vmem>> -> memref<128x64xf32, #tpu.memory_space<vmem>>
        %dma_start3A_295 = arith.constant 0 : i32
        %dma_start3A_296 = tpu.memref_slice %arg6[%add3A_288, %dma_start3A_295] : memref<160x128xi32, #tpu.memory_space<vmem>> -> memref<1x128xi32, #tpu.memory_space<vmem>>
        %dma_start3A_297 = tpu.memref_squeeze %dma_start3A_296 : memref<1x128xi32, #tpu.memory_space<vmem>> -> memref<128xi32, #tpu.memory_space<vmem>>
        %dma_start3A_298 = arith.constant 0 : i32
        %dma_start3A_299 = arith.constant 0 : i32
        %dma_start3A_300 = tpu.memref_slice %arg2[%dma_start3A_298, %dma_start3A_299] : memref<20000x64xf32, #tpu.memory_space<hbm>> -> memref<20000x64xf32, #tpu.memory_space<hbm>>
        %dma_start3A_301 = tpu.memref_slice %arg11[%dma_start3A_290] : memref<5x!tpu.dma_semaphore, #tpu.memory_space<semaphore_mem>> -> memref<1x!tpu.dma_semaphore, #tpu.memory_space<semaphore_mem>>
        %dma_start3A_302 = tpu.memref_squeeze %dma_start3A_301 : memref<1x!tpu.dma_semaphore, #tpu.memory_space<semaphore_mem>> -> memref<!tpu.dma_semaphore, #tpu.memory_space<semaphore_mem>>
        tpu.enqueue_indirect_dma source(%dma_start3A_300 : memref<20000x64xf32, #tpu.memory_space<hbm>>) target(%dma_start3A_294 : memref<128x64xf32, #tpu.memory_space<vmem>>) offsets(%dma_start3A_297 : memref<128xi32, #tpu.memory_space<vmem>>) semaphore(%dma_start3A_302 : memref<!tpu.dma_semaphore, #tpu.memory_space<semaphore_mem>>)
      } else {
      }
      %mul3A_208 = arith.constant 5 : i32
      %mul3A_209 = arith.muli %scan3A_157, %mul3A_208 : i32
      %add3A_210 = arith.constant 2 : i32
      %add3A_211 = arith.addi %mul3A_209, %add3A_210 : i32
      %dma_wait3A_212 = arith.constant 2 : i32
      %dma_wait3A_213 = arith.constant 2 : i32
      %dma_wait3A_214 = arith.constant 0 : i32
      %dma_wait3A_215 = arith.constant 0 : i32
      %dma_wait3A_216 = tpu.memref_slice %arg8[%dma_wait3A_212, %dma_wait3A_214, %dma_wait3A_215] : memref<5x128x64xf32, #tpu.memory_space<vmem>> -> memref<1x128x64xf32, #tpu.memory_space<vmem>>
      %dma_wait3A_217 = tpu.memref_squeeze %dma_wait3A_216 : memref<1x128x64xf32, #tpu.memory_space<vmem>> -> memref<128x64xf32, #tpu.memory_space<vmem>>
      %dma_wait3A_218 = arith.constant 0 : i32
      %dma_wait3A_219 = tpu.memref_slice %arg6[%add3A_211, %dma_wait3A_218] : memref<160x128xi32, #tpu.memory_space<vmem>> -> memref<1x128xi32, #tpu.memory_space<vmem>>
      %dma_wait3A_220 = tpu.memref_squeeze %dma_wait3A_219 : memref<1x128xi32, #tpu.memory_space<vmem>> -> memref<128xi32, #tpu.memory_space<vmem>>
      %dma_wait3A_221 = arith.constant 0 : i32
      %dma_wait3A_222 = arith.constant 0 : i32
      %dma_wait3A_223 = tpu.memref_slice %arg2[%dma_wait3A_221, %dma_wait3A_222] : memref<20000x64xf32, #tpu.memory_space<hbm>> -> memref<20000x64xf32, #tpu.memory_space<hbm>>
      %dma_wait3A_224 = tpu.memref_slice %arg11[%dma_wait3A_213] : memref<5x!tpu.dma_semaphore, #tpu.memory_space<semaphore_mem>> -> memref<1x!tpu.dma_semaphore, #tpu.memory_space<semaphore_mem>>
      %dma_wait3A_225 = tpu.memref_squeeze %dma_wait3A_224 : memref<1x!tpu.dma_semaphore, #tpu.memory_space<semaphore_mem>> -> memref<!tpu.dma_semaphore, #tpu.memory_space<semaphore_mem>>
      tpu.wait_indirect_dma semaphore(%dma_wait3A_225 : memref<!tpu.dma_semaphore, #tpu.memory_space<semaphore_mem>>) src(%dma_wait3A_223 : memref<20000x64xf32, #tpu.memory_space<hbm>>) dst(%dma_wait3A_217 : memref<128x64xf32, #tpu.memory_space<vmem>>)
      %run_scoped3A_226 = arith.constant 2 : i32
      "tpu.region"() ({
        %run_scoped3A_287 = tpu.sem_alloc : memref<!tpu.dma_semaphore, #tpu.memory_space<semaphore_mem>>
        %dma_start3A_288 = arith.constant 0 : i32
        %dma_start3A_289 = arith.constant 0 : i32
        %dma_start3A_290 = tpu.memref_slice %arg8[%run_scoped3A_226, %dma_start3A_288, %dma_start3A_289] : memref<5x128x64xf32, #tpu.memory_space<vmem>> -> memref<1x128x64xf32, #tpu.memory_space<vmem>>
        %dma_start3A_291 = tpu.memref_squeeze %dma_start3A_290 : memref<1x128x64xf32, #tpu.memory_space<vmem>> -> memref<128x64xf32, #tpu.memory_space<vmem>>
        %dma_start3A_292 = arith.constant 0 : i32
        %dma_start3A_293 = tpu.memref_slice %arg7[%add3A_211, %dma_start3A_292] : memref<160x128xi32, #tpu.memory_space<vmem>> -> memref<1x128xi32, #tpu.memory_space<vmem>>
        %dma_start3A_294 = tpu.memref_squeeze %dma_start3A_293 : memref<1x128xi32, #tpu.memory_space<vmem>> -> memref<128xi32, #tpu.memory_space<vmem>>
        %dma_start3A_295 = arith.constant 0 : i32
        %dma_start3A_296 = arith.constant 0 : i32
        %dma_start3A_297 = tpu.memref_slice %arg9[%dma_start3A_295, %dma_start3A_296] : memref<10240x64xf32, #tpu.memory_space<vmem_shared>> -> memref<10240x64xf32, #tpu.memory_space<vmem_shared>>
        tpu.enqueue_indirect_dma source(%dma_start3A_291 : memref<128x64xf32, #tpu.memory_space<vmem>>) target(%dma_start3A_297 : memref<10240x64xf32, #tpu.memory_space<vmem_shared>>) offsets(%dma_start3A_294 : memref<128xi32, #tpu.memory_space<vmem>>) semaphore(%run_scoped3A_287 : memref<!tpu.dma_semaphore, #tpu.memory_space<semaphore_mem>>) {add = true}
        %dma_wait3A_298 = arith.constant 0 : i32
        %dma_wait3A_299 = arith.constant 0 : i32
        %dma_wait3A_300 = tpu.memref_slice %arg8[%run_scoped3A_226, %dma_wait3A_298, %dma_wait3A_299] : memref<5x128x64xf32, #tpu.memory_space<vmem>> -> memref<1x128x64xf32, #tpu.memory_space<vmem>>
        %dma_wait3A_301 = tpu.memref_squeeze %dma_wait3A_300 : memref<1x128x64xf32, #tpu.memory_space<vmem>> -> memref<128x64xf32, #tpu.memory_space<vmem>>
        %dma_wait3A_302 = arith.constant 0 : i32
        %dma_wait3A_303 = tpu.memref_slice %arg7[%add3A_211, %dma_wait3A_302] : memref<160x128xi32, #tpu.memory_space<vmem>> -> memref<1x128xi32, #tpu.memory_space<vmem>>
        %dma_wait3A_304 = tpu.memref_squeeze %dma_wait3A_303 : memref<1x128xi32, #tpu.memory_space<vmem>> -> memref<128xi32, #tpu.memory_space<vmem>>
        %dma_wait3A_305 = arith.constant 0 : i32
        %dma_wait3A_306 = arith.constant 0 : i32
        %dma_wait3A_307 = tpu.memref_slice %arg9[%dma_wait3A_305, %dma_wait3A_306] : memref<10240x64xf32, #tpu.memory_space<vmem_shared>> -> memref<10240x64xf32, #tpu.memory_space<vmem_shared>>
        tpu.wait_indirect_dma semaphore(%run_scoped3A_287 : memref<!tpu.dma_semaphore, #tpu.memory_space<semaphore_mem>>) src(%dma_wait3A_301 : memref<128x64xf32, #tpu.memory_space<vmem>>) dst(%dma_wait3A_307 : memref<10240x64xf32, #tpu.memory_space<vmem_shared>>)
        tpu.yield
      }) : () -> ()
      %add3A_227 = arith.constant 5 : i32
      %add3A_228 = arith.addi %add3A_211, %add3A_227 : i32
      %lt3A_229 = arith.constant 160 : i32
      %lt3A_230 = arith.cmpi slt, %add3A_228, %lt3A_229 : i32
      %convert_element_type3A_231 = arith.extui %lt3A_230 : i1 to i32
      %cond3A_232 = arith.constant 0 : i32
      %cond3A_233 = arith.cmpi ne, %convert_element_type3A_231, %cond3A_232 : i32
      scf.if %cond3A_233 {
        %add3A_287 = arith.constant 5 : i32
        %add3A_288 = arith.addi %add3A_211, %add3A_287 : i32
        %dma_start3A_289 = arith.constant 2 : i32
        %dma_start3A_290 = arith.constant 2 : i32
        %dma_start3A_291 = arith.constant 0 : i32
        %dma_start3A_292 = arith.constant 0 : i32
        %dma_start3A_293 = tpu.memref_slice %arg8[%dma_start3A_289, %dma_start3A_291, %dma_start3A_292] : memref<5x128x64xf32, #tpu.memory_space<vmem>> -> memref<1x128x64xf32, #tpu.memory_space<vmem>>
        %dma_start3A_294 = tpu.memref_squeeze %dma_start3A_293 : memref<1x128x64xf32, #tpu.memory_space<vmem>> -> memref<128x64xf32, #tpu.memory_space<vmem>>
        %dma_start3A_295 = arith.constant 0 : i32
        %dma_start3A_296 = tpu.memref_slice %arg6[%add3A_288, %dma_start3A_295] : memref<160x128xi32, #tpu.memory_space<vmem>> -> memref<1x128xi32, #tpu.memory_space<vmem>>
        %dma_start3A_297 = tpu.memref_squeeze %dma_start3A_296 : memref<1x128xi32, #tpu.memory_space<vmem>> -> memref<128xi32, #tpu.memory_space<vmem>>
        %dma_start3A_298 = arith.constant 0 : i32
        %dma_start3A_299 = arith.constant 0 : i32
        %dma_start3A_300 = tpu.memref_slice %arg2[%dma_start3A_298, %dma_start3A_299] : memref<20000x64xf32, #tpu.memory_space<hbm>> -> memref<20000x64xf32, #tpu.memory_space<hbm>>
        %dma_start3A_301 = tpu.memref_slice %arg11[%dma_start3A_290] : memref<5x!tpu.dma_semaphore, #tpu.memory_space<semaphore_mem>> -> memref<1x!tpu.dma_semaphore, #tpu.memory_space<semaphore_mem>>
        %dma_start3A_302 = tpu.memref_squeeze %dma_start3A_301 : memref<1x!tpu.dma_semaphore, #tpu.memory_space<semaphore_mem>> -> memref<!tpu.dma_semaphore, #tpu.memory_space<semaphore_mem>>
        tpu.enqueue_indirect_dma source(%dma_start3A_300 : memref<20000x64xf32, #tpu.memory_space<hbm>>) target(%dma_start3A_294 : memref<128x64xf32, #tpu.memory_space<vmem>>) offsets(%dma_start3A_297 : memref<128xi32, #tpu.memory_space<vmem>>) semaphore(%dma_start3A_302 : memref<!tpu.dma_semaphore, #tpu.memory_space<semaphore_mem>>)
      } else {
      }
      %mul3A_234 = arith.constant 5 : i32
      %mul3A_235 = arith.muli %scan3A_157, %mul3A_234 : i32
      %add3A_236 = arith.constant 3 : i32
      %add3A_237 = arith.addi %mul3A_235, %add3A_236 : i32
      %dma_wait3A_238 = arith.constant 3 : i32
      %dma_wait3A_239 = arith.constant 3 : i32
      %dma_wait3A_240 = arith.constant 0 : i32
      %dma_wait3A_241 = arith.constant 0 : i32
      %dma_wait3A_242 = tpu.memref_slice %arg8[%dma_wait3A_238, %dma_wait3A_240, %dma_wait3A_241] : memref<5x128x64xf32, #tpu.memory_space<vmem>> -> memref<1x128x64xf32, #tpu.memory_space<vmem>>
      %dma_wait3A_243 = tpu.memref_squeeze %dma_wait3A_242 : memref<1x128x64xf32, #tpu.memory_space<vmem>> -> memref<128x64xf32, #tpu.memory_space<vmem>>
      %dma_wait3A_244 = arith.constant 0 : i32
      %dma_wait3A_245 = tpu.memref_slice %arg6[%add3A_237, %dma_wait3A_244] : memref<160x128xi32, #tpu.memory_space<vmem>> -> memref<1x128xi32, #tpu.memory_space<vmem>>
      %dma_wait3A_246 = tpu.memref_squeeze %dma_wait3A_245 : memref<1x128xi32, #tpu.memory_space<vmem>> -> memref<128xi32, #tpu.memory_space<vmem>>
      %dma_wait3A_247 = arith.constant 0 : i32
      %dma_wait3A_248 = arith.constant 0 : i32
      %dma_wait3A_249 = tpu.memref_slice %arg2[%dma_wait3A_247, %dma_wait3A_248] : memref<20000x64xf32, #tpu.memory_space<hbm>> -> memref<20000x64xf32, #tpu.memory_space<hbm>>
      %dma_wait3A_250 = tpu.memref_slice %arg11[%dma_wait3A_239] : memref<5x!tpu.dma_semaphore, #tpu.memory_space<semaphore_mem>> -> memref<1x!tpu.dma_semaphore, #tpu.memory_space<semaphore_mem>>
      %dma_wait3A_251 = tpu.memref_squeeze %dma_wait3A_250 : memref<1x!tpu.dma_semaphore, #tpu.memory_space<semaphore_mem>> -> memref<!tpu.dma_semaphore, #tpu.memory_space<semaphore_mem>>
      tpu.wait_indirect_dma semaphore(%dma_wait3A_251 : memref<!tpu.dma_semaphore, #tpu.memory_space<semaphore_mem>>) src(%dma_wait3A_249 : memref<20000x64xf32, #tpu.memory_space<hbm>>) dst(%dma_wait3A_243 : memref<128x64xf32, #tpu.memory_space<vmem>>)
      %run_scoped3A_252 = arith.constant 3 : i32
      "tpu.region"() ({
        %run_scoped3A_287 = tpu.sem_alloc : memref<!tpu.dma_semaphore, #tpu.memory_space<semaphore_mem>>
        %dma_start3A_288 = arith.constant 0 : i32
        %dma_start3A_289 = arith.constant 0 : i32
        %dma_start3A_290 = tpu.memref_slice %arg8[%run_scoped3A_252, %dma_start3A_288, %dma_start3A_289] : memref<5x128x64xf32, #tpu.memory_space<vmem>> -> memref<1x128x64xf32, #tpu.memory_space<vmem>>
        %dma_start3A_291 = tpu.memref_squeeze %dma_start3A_290 : memref<1x128x64xf32, #tpu.memory_space<vmem>> -> memref<128x64xf32, #tpu.memory_space<vmem>>
        %dma_start3A_292 = arith.constant 0 : i32
        %dma_start3A_293 = tpu.memref_slice %arg7[%add3A_237, %dma_start3A_292] : memref<160x128xi32, #tpu.memory_space<vmem>> -> memref<1x128xi32, #tpu.memory_space<vmem>>
        %dma_start3A_294 = tpu.memref_squeeze %dma_start3A_293 : memref<1x128xi32, #tpu.memory_space<vmem>> -> memref<128xi32, #tpu.memory_space<vmem>>
        %dma_start3A_295 = arith.constant 0 : i32
        %dma_start3A_296 = arith.constant 0 : i32
        %dma_start3A_297 = tpu.memref_slice %arg9[%dma_start3A_295, %dma_start3A_296] : memref<10240x64xf32, #tpu.memory_space<vmem_shared>> -> memref<10240x64xf32, #tpu.memory_space<vmem_shared>>
        tpu.enqueue_indirect_dma source(%dma_start3A_291 : memref<128x64xf32, #tpu.memory_space<vmem>>) target(%dma_start3A_297 : memref<10240x64xf32, #tpu.memory_space<vmem_shared>>) offsets(%dma_start3A_294 : memref<128xi32, #tpu.memory_space<vmem>>) semaphore(%run_scoped3A_287 : memref<!tpu.dma_semaphore, #tpu.memory_space<semaphore_mem>>) {add = true}
        %dma_wait3A_298 = arith.constant 0 : i32
        %dma_wait3A_299 = arith.constant 0 : i32
        %dma_wait3A_300 = tpu.memref_slice %arg8[%run_scoped3A_252, %dma_wait3A_298, %dma_wait3A_299] : memref<5x128x64xf32, #tpu.memory_space<vmem>> -> memref<1x128x64xf32, #tpu.memory_space<vmem>>
        %dma_wait3A_301 = tpu.memref_squeeze %dma_wait3A_300 : memref<1x128x64xf32, #tpu.memory_space<vmem>> -> memref<128x64xf32, #tpu.memory_space<vmem>>
        %dma_wait3A_302 = arith.constant 0 : i32
        %dma_wait3A_303 = tpu.memref_slice %arg7[%add3A_237, %dma_wait3A_302] : memref<160x128xi32, #tpu.memory_space<vmem>> -> memref<1x128xi32, #tpu.memory_space<vmem>>
        %dma_wait3A_304 = tpu.memref_squeeze %dma_wait3A_303 : memref<1x128xi32, #tpu.memory_space<vmem>> -> memref<128xi32, #tpu.memory_space<vmem>>
        %dma_wait3A_305 = arith.constant 0 : i32
        %dma_wait3A_306 = arith.constant 0 : i32
        %dma_wait3A_307 = tpu.memref_slice %arg9[%dma_wait3A_305, %dma_wait3A_306] : memref<10240x64xf32, #tpu.memory_space<vmem_shared>> -> memref<10240x64xf32, #tpu.memory_space<vmem_shared>>
        tpu.wait_indirect_dma semaphore(%run_scoped3A_287 : memref<!tpu.dma_semaphore, #tpu.memory_space<semaphore_mem>>) src(%dma_wait3A_301 : memref<128x64xf32, #tpu.memory_space<vmem>>) dst(%dma_wait3A_307 : memref<10240x64xf32, #tpu.memory_space<vmem_shared>>)
        tpu.yield
      }) : () -> ()
      %add3A_253 = arith.constant 5 : i32
      %add3A_254 = arith.addi %add3A_237, %add3A_253 : i32
      %lt3A_255 = arith.constant 160 : i32
      %lt3A_256 = arith.cmpi slt, %add3A_254, %lt3A_255 : i32
      %convert_element_type3A_257 = arith.extui %lt3A_256 : i1 to i32
      %cond3A_258 = arith.constant 0 : i32
      %cond3A_259 = arith.cmpi ne, %convert_element_type3A_257, %cond3A_258 : i32
      scf.if %cond3A_259 {
        %add3A_287 = arith.constant 5 : i32
        %add3A_288 = arith.addi %add3A_237, %add3A_287 : i32
        %dma_start3A_289 = arith.constant 3 : i32
        %dma_start3A_290 = arith.constant 3 : i32
        %dma_start3A_291 = arith.constant 0 : i32
        %dma_start3A_292 = arith.constant 0 : i32
        %dma_start3A_293 = tpu.memref_slice %arg8[%dma_start3A_289, %dma_start3A_291, %dma_start3A_292] : memref<5x128x64xf32, #tpu.memory_space<vmem>> -> memref<1x128x64xf32, #tpu.memory_space<vmem>>
        %dma_start3A_294 = tpu.memref_squeeze %dma_start3A_293 : memref<1x128x64xf32, #tpu.memory_space<vmem>> -> memref<128x64xf32, #tpu.memory_space<vmem>>
        %dma_start3A_295 = arith.constant 0 : i32
        %dma_start3A_296 = tpu.memref_slice %arg6[%add3A_288, %dma_start3A_295] : memref<160x128xi32, #tpu.memory_space<vmem>> -> memref<1x128xi32, #tpu.memory_space<vmem>>
        %dma_start3A_297 = tpu.memref_squeeze %dma_start3A_296 : memref<1x128xi32, #tpu.memory_space<vmem>> -> memref<128xi32, #tpu.memory_space<vmem>>
        %dma_start3A_298 = arith.constant 0 : i32
        %dma_start3A_299 = arith.constant 0 : i32
        %dma_start3A_300 = tpu.memref_slice %arg2[%dma_start3A_298, %dma_start3A_299] : memref<20000x64xf32, #tpu.memory_space<hbm>> -> memref<20000x64xf32, #tpu.memory_space<hbm>>
        %dma_start3A_301 = tpu.memref_slice %arg11[%dma_start3A_290] : memref<5x!tpu.dma_semaphore, #tpu.memory_space<semaphore_mem>> -> memref<1x!tpu.dma_semaphore, #tpu.memory_space<semaphore_mem>>
        %dma_start3A_302 = tpu.memref_squeeze %dma_start3A_301 : memref<1x!tpu.dma_semaphore, #tpu.memory_space<semaphore_mem>> -> memref<!tpu.dma_semaphore, #tpu.memory_space<semaphore_mem>>
        tpu.enqueue_indirect_dma source(%dma_start3A_300 : memref<20000x64xf32, #tpu.memory_space<hbm>>) target(%dma_start3A_294 : memref<128x64xf32, #tpu.memory_space<vmem>>) offsets(%dma_start3A_297 : memref<128xi32, #tpu.memory_space<vmem>>) semaphore(%dma_start3A_302 : memref<!tpu.dma_semaphore, #tpu.memory_space<semaphore_mem>>)
      } else {
      }
      %mul3A_260 = arith.constant 5 : i32
      %mul3A_261 = arith.muli %scan3A_157, %mul3A_260 : i32
      %add3A_262 = arith.constant 4 : i32
      %add3A_263 = arith.addi %mul3A_261, %add3A_262 : i32
      %dma_wait3A_264 = arith.constant 4 : i32
      %dma_wait3A_265 = arith.constant 4 : i32
      %dma_wait3A_266 = arith.constant 0 : i32
      %dma_wait3A_267 = arith.constant 0 : i32
      %dma_wait3A_268 = tpu.memref_slice %arg8[%dma_wait3A_264, %dma_wait3A_266, %dma_wait3A_267] : memref<5x128x64xf32, #tpu.memory_space<vmem>> -> memref<1x128x64xf32, #tpu.memory_space<vmem>>
      %dma_wait3A_269 = tpu.memref_squeeze %dma_wait3A_268 : memref<1x128x64xf32, #tpu.memory_space<vmem>> -> memref<128x64xf32, #tpu.memory_space<vmem>>
      %dma_wait3A_270 = arith.constant 0 : i32
      %dma_wait3A_271 = tpu.memref_slice %arg6[%add3A_263, %dma_wait3A_270] : memref<160x128xi32, #tpu.memory_space<vmem>> -> memref<1x128xi32, #tpu.memory_space<vmem>>
      %dma_wait3A_272 = tpu.memref_squeeze %dma_wait3A_271 : memref<1x128xi32, #tpu.memory_space<vmem>> -> memref<128xi32, #tpu.memory_space<vmem>>
      %dma_wait3A_273 = arith.constant 0 : i32
      %dma_wait3A_274 = arith.constant 0 : i32
      %dma_wait3A_275 = tpu.memref_slice %arg2[%dma_wait3A_273, %dma_wait3A_274] : memref<20000x64xf32, #tpu.memory_space<hbm>> -> memref<20000x64xf32, #tpu.memory_space<hbm>>
      %dma_wait3A_276 = tpu.memref_slice %arg11[%dma_wait3A_265] : memref<5x!tpu.dma_semaphore, #tpu.memory_space<semaphore_mem>> -> memref<1x!tpu.dma_semaphore, #tpu.memory_space<semaphore_mem>>
      %dma_wait3A_277 = tpu.memref_squeeze %dma_wait3A_276 : memref<1x!tpu.dma_semaphore, #tpu.memory_space<semaphore_mem>> -> memref<!tpu.dma_semaphore, #tpu.memory_space<semaphore_mem>>
      tpu.wait_indirect_dma semaphore(%dma_wait3A_277 : memref<!tpu.dma_semaphore, #tpu.memory_space<semaphore_mem>>) src(%dma_wait3A_275 : memref<20000x64xf32, #tpu.memory_space<hbm>>) dst(%dma_wait3A_269 : memref<128x64xf32, #tpu.memory_space<vmem>>)
      %run_scoped3A_278 = arith.constant 4 : i32
      "tpu.region"() ({
        %run_scoped3A_287 = tpu.sem_alloc : memref<!tpu.dma_semaphore, #tpu.memory_space<semaphore_mem>>
        %dma_start3A_288 = arith.constant 0 : i32
        %dma_start3A_289 = arith.constant 0 : i32
        %dma_start3A_290 = tpu.memref_slice %arg8[%run_scoped3A_278, %dma_start3A_288, %dma_start3A_289] : memref<5x128x64xf32, #tpu.memory_space<vmem>> -> memref<1x128x64xf32, #tpu.memory_space<vmem>>
        %dma_start3A_291 = tpu.memref_squeeze %dma_start3A_290 : memref<1x128x64xf32, #tpu.memory_space<vmem>> -> memref<128x64xf32, #tpu.memory_space<vmem>>
        %dma_start3A_292 = arith.constant 0 : i32
        %dma_start3A_293 = tpu.memref_slice %arg7[%add3A_263, %dma_start3A_292] : memref<160x128xi32, #tpu.memory_space<vmem>> -> memref<1x128xi32, #tpu.memory_space<vmem>>
        %dma_start3A_294 = tpu.memref_squeeze %dma_start3A_293 : memref<1x128xi32, #tpu.memory_space<vmem>> -> memref<128xi32, #tpu.memory_space<vmem>>
        %dma_start3A_295 = arith.constant 0 : i32
        %dma_start3A_296 = arith.constant 0 : i32
        %dma_start3A_297 = tpu.memref_slice %arg9[%dma_start3A_295, %dma_start3A_296] : memref<10240x64xf32, #tpu.memory_space<vmem_shared>> -> memref<10240x64xf32, #tpu.memory_space<vmem_shared>>
        tpu.enqueue_indirect_dma source(%dma_start3A_291 : memref<128x64xf32, #tpu.memory_space<vmem>>) target(%dma_start3A_297 : memref<10240x64xf32, #tpu.memory_space<vmem_shared>>) offsets(%dma_start3A_294 : memref<128xi32, #tpu.memory_space<vmem>>) semaphore(%run_scoped3A_287 : memref<!tpu.dma_semaphore, #tpu.memory_space<semaphore_mem>>) {add = true}
        %dma_wait3A_298 = arith.constant 0 : i32
        %dma_wait3A_299 = arith.constant 0 : i32
        %dma_wait3A_300 = tpu.memref_slice %arg8[%run_scoped3A_278, %dma_wait3A_298, %dma_wait3A_299] : memref<5x128x64xf32, #tpu.memory_space<vmem>> -> memref<1x128x64xf32, #tpu.memory_space<vmem>>
        %dma_wait3A_301 = tpu.memref_squeeze %dma_wait3A_300 : memref<1x128x64xf32, #tpu.memory_space<vmem>> -> memref<128x64xf32, #tpu.memory_space<vmem>>
        %dma_wait3A_302 = arith.constant 0 : i32
        %dma_wait3A_303 = tpu.memref_slice %arg7[%add3A_263, %dma_wait3A_302] : memref<160x128xi32, #tpu.memory_space<vmem>> -> memref<1x128xi32, #tpu.memory_space<vmem>>
        %dma_wait3A_304 = tpu.memref_squeeze %dma_wait3A_303 : memref<1x128xi32, #tpu.memory_space<vmem>> -> memref<128xi32, #tpu.memory_space<vmem>>
        %dma_wait3A_305 = arith.constant 0 : i32
        %dma_wait3A_306 = arith.constant 0 : i32
        %dma_wait3A_307 = tpu.memref_slice %arg9[%dma_wait3A_305, %dma_wait3A_306] : memref<10240x64xf32, #tpu.memory_space<vmem_shared>> -> memref<10240x64xf32, #tpu.memory_space<vmem_shared>>
        tpu.wait_indirect_dma semaphore(%run_scoped3A_287 : memref<!tpu.dma_semaphore, #tpu.memory_space<semaphore_mem>>) src(%dma_wait3A_301 : memref<128x64xf32, #tpu.memory_space<vmem>>) dst(%dma_wait3A_307 : memref<10240x64xf32, #tpu.memory_space<vmem_shared>>)
        tpu.yield
      }) : () -> ()
      %add3A_279 = arith.constant 5 : i32
      %add3A_280 = arith.addi %add3A_263, %add3A_279 : i32
      %lt3A_281 = arith.constant 160 : i32
      %lt3A_282 = arith.cmpi slt, %add3A_280, %lt3A_281 : i32
      %convert_element_type3A_283 = arith.extui %lt3A_282 : i1 to i32
      %cond3A_284 = arith.constant 0 : i32
      %cond3A_285 = arith.cmpi ne, %convert_element_type3A_283, %cond3A_284 : i32
      scf.if %cond3A_285 {
        %add3A_287 = arith.constant 5 : i32
        %add3A_288 = arith.addi %add3A_263, %add3A_287 : i32
        %dma_start3A_289 = arith.constant 4 : i32
        %dma_start3A_290 = arith.constant 4 : i32
        %dma_start3A_291 = arith.constant 0 : i32
        %dma_start3A_292 = arith.constant 0 : i32
        %dma_start3A_293 = tpu.memref_slice %arg8[%dma_start3A_289, %dma_start3A_291, %dma_start3A_292] : memref<5x128x64xf32, #tpu.memory_space<vmem>> -> memref<1x128x64xf32, #tpu.memory_space<vmem>>
        %dma_start3A_294 = tpu.memref_squeeze %dma_start3A_293 : memref<1x128x64xf32, #tpu.memory_space<vmem>> -> memref<128x64xf32, #tpu.memory_space<vmem>>
        %dma_start3A_295 = arith.constant 0 : i32
        %dma_start3A_296 = tpu.memref_slice %arg6[%add3A_288, %dma_start3A_295] : memref<160x128xi32, #tpu.memory_space<vmem>> -> memref<1x128xi32, #tpu.memory_space<vmem>>
        %dma_start3A_297 = tpu.memref_squeeze %dma_start3A_296 : memref<1x128xi32, #tpu.memory_space<vmem>> -> memref<128xi32, #tpu.memory_space<vmem>>
        %dma_start3A_298 = arith.constant 0 : i32
        %dma_start3A_299 = arith.constant 0 : i32
        %dma_start3A_300 = tpu.memref_slice %arg2[%dma_start3A_298, %dma_start3A_299] : memref<20000x64xf32, #tpu.memory_space<hbm>> -> memref<20000x64xf32, #tpu.memory_space<hbm>>
        %dma_start3A_301 = tpu.memref_slice %arg11[%dma_start3A_290] : memref<5x!tpu.dma_semaphore, #tpu.memory_space<semaphore_mem>> -> memref<1x!tpu.dma_semaphore, #tpu.memory_space<semaphore_mem>>
        %dma_start3A_302 = tpu.memref_squeeze %dma_start3A_301 : memref<1x!tpu.dma_semaphore, #tpu.memory_space<semaphore_mem>> -> memref<!tpu.dma_semaphore, #tpu.memory_space<semaphore_mem>>
        tpu.enqueue_indirect_dma source(%dma_start3A_300 : memref<20000x64xf32, #tpu.memory_space<hbm>>) target(%dma_start3A_294 : memref<128x64xf32, #tpu.memory_space<vmem>>) offsets(%dma_start3A_297 : memref<128xi32, #tpu.memory_space<vmem>>) semaphore(%dma_start3A_302 : memref<!tpu.dma_semaphore, #tpu.memory_space<semaphore_mem>>)
      } else {
      }
      %scan3A_286 = arith.constant 0 : i32
      scf.yield %scan3A_286 : i32
    }
    %scan3A_151 = arith.constant 32 : i32
    %barrier3A_152 = arith.constant 0 : index
    tpu.barrier barrier_id(%barrier3A_152)
    %mul3A_153 = arith.constant 640 : i32
    %mul3A_154 = arith.muli %arg1, %mul3A_153 : i32
    %mul3A_155 = arith.constant 640 : i32
    %mul3A_156 = arith.muli %arg1, %mul3A_155 : i32
    "tpu.region"() ({
      %run_scoped3A_157 = tpu.sem_alloc : memref<!tpu.dma_semaphore, #tpu.memory_space<semaphore_mem>>
      %dma_start3A_158 = arith.constant 0 : i32
      %dma_start3A_159 = tpu.memref_slice %arg5[%arg0, %mul3A_156, %dma_start3A_158] : memref<2x10240x64xf32, #tpu.memory_space<hbm>> -> memref<1x640x64xf32, #tpu.memory_space<hbm>>
      %dma_start3A_160 = tpu.memref_squeeze %dma_start3A_159 : memref<1x640x64xf32, #tpu.memory_space<hbm>> -> memref<640x64xf32, #tpu.memory_space<hbm>>
      %dma_start3A_161 = arith.constant 0 : i32
      %dma_start3A_162 = tpu.memref_slice %arg9[%mul3A_154, %dma_start3A_161] : memref<10240x64xf32, #tpu.memory_space<vmem_shared>> -> memref<640x64xf32, #tpu.memory_space<vmem_shared>>
      tpu.enqueue_dma source(%dma_start3A_162 : memref<640x64xf32, #tpu.memory_space<vmem_shared>>) target(%dma_start3A_160 : memref<640x64xf32, #tpu.memory_space<hbm>>) target_semaphore(%run_scoped3A_157 : memref<!tpu.dma_semaphore, #tpu.memory_space<semaphore_mem>>)
      %dma_wait3A_163 = arith.constant 0 : i32
      %dma_wait3A_164 = tpu.memref_slice %arg5[%arg0, %mul3A_156, %dma_wait3A_163] : memref<2x10240x64xf32, #tpu.memory_space<hbm>> -> memref<1x640x64xf32, #tpu.memory_space<hbm>>
      %dma_wait3A_165 = tpu.memref_squeeze %dma_wait3A_164 : memref<1x640x64xf32, #tpu.memory_space<hbm>> -> memref<640x64xf32, #tpu.memory_space<hbm>>
      %dma_wait3A_166 = arith.constant 0 : i32
      %dma_wait3A_167 = tpu.memref_slice %arg9[%mul3A_154, %dma_wait3A_166] : memref<10240x64xf32, #tpu.memory_space<vmem_shared>> -> memref<640x64xf32, #tpu.memory_space<vmem_shared>>
      tpu.wait_dma2 semaphore(%run_scoped3A_157 : memref<!tpu.dma_semaphore, #tpu.memory_space<semaphore_mem>>) src(%dma_wait3A_167 : memref<640x64xf32, #tpu.memory_space<vmem_shared>>) dst(%dma_wait3A_165 : memref<640x64xf32, #tpu.memory_space<hbm>>)
      tpu.yield
    }) : () -> ()
    return
  }
}

#map = affine_map<(d0, d1) -> (0, 0)>
#map1 = affine_map<(d0, d1) -> (0, 0, 0, 0)>
#map2 = affine_map<(d0, d1) -> (0, 0, 0)>
module attributes {stable_mosaic.version = 14 : i64} {
  func.func @_agg_body(%arg0: i32, %arg1: i32, %arg2: memref<20000x64xf32, #tpu.memory_space<hbm>>, %arg3: memref<2x16x160x128xi32, #tpu.memory_space<hbm>>, %arg4: memref<16x160x128xi32, #tpu.memory_space<hbm>>, %arg5: memref<2x10240x64xf32, #tpu.memory_space<hbm>>, %arg6: memref<160x128xi32, #tpu.memory_space<vmem>>, %arg7: memref<160x128xi32, #tpu.memory_space<vmem>>, %arg8: memref<5x128x64xf32, #tpu.memory_space<vmem>>, %arg9: memref<10240x64xf32, #tpu.memory_space<vmem_shared>>, %arg10: memref<2x!tpu.dma_semaphore, #tpu.memory_space<semaphore_mem>>, %arg11: memref<5x!tpu.dma_semaphore, #tpu.memory_space<semaphore_mem>>) attributes {dimension_semantics = [#tpu.dimension_semantics<core_parallel>, #tpu.dimension_semantics<subcore_parallel>], iteration_bounds = array<i64: 2, 16>, scalar_prefetch = 0 : i64, scratch_operands = 6 : i64, tpu.core_type = #tpu.core_type<sc_vector_subcore>, window_params = [{transform_indices = #map}, {transform_indices = #map1}, {transform_indices = #map2}, {transform_indices = #map2}]} {
    %dma_start3A = arith.constant 0 : i32
    %dma_start3A_0 = arith.constant 0 : i32
    %dma_start3A_1 = arith.constant 0 : i32
    %dma_start3A_2 = tpu.memref_slice %arg3[%arg0, %arg1, %dma_start3A_0, %dma_start3A_1] : memref<2x16x160x128xi32, #tpu.memory_space<hbm>> -> memref<1x1x160x128xi32, #tpu.memory_space<hbm>>
    %dma_start3A_3 = tpu.memref_squeeze %dma_start3A_2 : memref<1x1x160x128xi32, #tpu.memory_space<hbm>> -> memref<160x128xi32, #tpu.memory_space<hbm>>
    %dma_start3A_4 = tpu.memref_slice %arg10[%dma_start3A] : memref<2x!tpu.dma_semaphore, #tpu.memory_space<semaphore_mem>> -> memref<1x!tpu.dma_semaphore, #tpu.memory_space<semaphore_mem>>
    %dma_start3A_5 = tpu.memref_squeeze %dma_start3A_4 : memref<1x!tpu.dma_semaphore, #tpu.memory_space<semaphore_mem>> -> memref<!tpu.dma_semaphore, #tpu.memory_space<semaphore_mem>>
    %dma_start3A_6 = arith.constant 0 : i32
    %dma_start3A_7 = arith.constant 0 : i32
    %dma_start3A_8 = tpu.memref_slice %arg3[%arg0, %arg1, %dma_start3A_6, %dma_start3A_7] : memref<2x16x160x128xi32, #tpu.memory_space<hbm>> -> memref<1x1x160x128xi32, #tpu.memory_space<hbm>>
    %dma_start3A_9 = tpu.memref_squeeze %dma_start3A_8 : memref<1x1x160x128xi32, #tpu.memory_space<hbm>> -> memref<160x128xi32, #tpu.memory_space<hbm>>
    tpu.enqueue_dma source(%dma_start3A_9 : memref<160x128xi32, #tpu.memory_space<hbm>>) target(%arg6 : memref<160x128xi32, #tpu.memory_space<vmem>>) target_semaphore(%dma_start3A_5 : memref<!tpu.dma_semaphore, #tpu.memory_space<semaphore_mem>>)
    %dma_start3A_10 = arith.constant 1 : i32
    %dma_start3A_11 = arith.constant 0 : i32
    %dma_start3A_12 = arith.constant 0 : i32
    %dma_start3A_13 = tpu.memref_slice %arg4[%arg1, %dma_start3A_11, %dma_start3A_12] : memref<16x160x128xi32, #tpu.memory_space<hbm>> -> memref<1x160x128xi32, #tpu.memory_space<hbm>>
    %dma_start3A_14 = tpu.memref_squeeze %dma_start3A_13 : memref<1x160x128xi32, #tpu.memory_space<hbm>> -> memref<160x128xi32, #tpu.memory_space<hbm>>
    %dma_start3A_15 = tpu.memref_slice %arg10[%dma_start3A_10] : memref<2x!tpu.dma_semaphore, #tpu.memory_space<semaphore_mem>> -> memref<1x!tpu.dma_semaphore, #tpu.memory_space<semaphore_mem>>
    %dma_start3A_16 = tpu.memref_squeeze %dma_start3A_15 : memref<1x!tpu.dma_semaphore, #tpu.memory_space<semaphore_mem>> -> memref<!tpu.dma_semaphore, #tpu.memory_space<semaphore_mem>>
    %dma_start3A_17 = arith.constant 0 : i32
    %dma_start3A_18 = arith.constant 0 : i32
    %dma_start3A_19 = tpu.memref_slice %arg4[%arg1, %dma_start3A_17, %dma_start3A_18] : memref<16x160x128xi32, #tpu.memory_space<hbm>> -> memref<1x160x128xi32, #tpu.memory_space<hbm>>
    %dma_start3A_20 = tpu.memref_squeeze %dma_start3A_19 : memref<1x160x128xi32, #tpu.memory_space<hbm>> -> memref<160x128xi32, #tpu.memory_space<hbm>>
    tpu.enqueue_dma source(%dma_start3A_20 : memref<160x128xi32, #tpu.memory_space<hbm>>) target(%arg7 : memref<160x128xi32, #tpu.memory_space<vmem>>) target_semaphore(%dma_start3A_16 : memref<!tpu.dma_semaphore, #tpu.memory_space<semaphore_mem>>)
    %scan3A = arith.constant 0 : i32
    %scan3A_21 = arith.constant 0 : i32
    %scan3A_22 = arith.constant 128 : i32
    %scan3A_23 = arith.addi %scan3A_21, %scan3A_22 : i32
    %scan3A_24 = arith.constant 1 : i32
    %scan3A_25 = scf.for %scan3A_157 = %scan3A_21 to %scan3A_23 step %scan3A_24 iter_args(%scan3A_158 = %scan3A) -> (i32)  : i32 {
      %broadcast_in_dim3A = arith.constant 0.000000e+00 : f32
      %broadcast_in_dim3A_159 = vector.broadcast %broadcast_in_dim3A : f32 to vector<16xf32>
      %swap3A = arith.constant 0 : i32
      %swap3A_160 = arith.index_cast %swap3A : i32 to index
      %swap3A_161 = arith.index_cast %scan3A_157 : i32 to index
      %swap3A_162 = arith.constant 0 : index
      %swap3A_163 = tpu.vector_load %arg8[%swap3A_160, %swap3A_161, %swap3A_162] {strides = array<i32>} : memref<5x128x64xf32, #tpu.memory_space<vmem>>, vector<1x1x16xf32>,
      %swap3A_164 = vector.shape_cast %swap3A_163 : vector<1x1x16xf32> to vector<16xf32>
      %swap3A_165 = vector.shape_cast %broadcast_in_dim3A_159 : vector<16xf32> to vector<1x1x16xf32>
      tpu.vector_store %arg8[%swap3A_160, %swap3A_161, %swap3A_162], %swap3A_165 {strides = array<i32>} : memref<5x128x64xf32, #tpu.memory_space<vmem>>, vector<1x1x16xf32>,
      %broadcast_in_dim3A_166 = arith.constant 0.000000e+00 : f32
      %broadcast_in_dim3A_167 = vector.broadcast %broadcast_in_dim3A_166 : f32 to vector<16xf32>
      %swap3A_168 = arith.constant 0 : i32
      %swap3A_169 = arith.index_cast %swap3A_168 : i32 to index
      %swap3A_170 = arith.index_cast %scan3A_157 : i32 to index
      %swap3A_171 = arith.constant 16 : index
      %swap3A_172 = tpu.vector_load %arg8[%swap3A_169, %swap3A_170, %swap3A_171] {strides = array<i32>} : memref<5x128x64xf32, #tpu.memory_space<vmem>>, vector<1x1x16xf32>,
      %swap3A_173 = vector.shape_cast %swap3A_172 : vector<1x1x16xf32> to vector<16xf32>
      %swap3A_174 = vector.shape_cast %broadcast_in_dim3A_167 : vector<16xf32> to vector<1x1x16xf32>
      tpu.vector_store %arg8[%swap3A_169, %swap3A_170, %swap3A_171], %swap3A_174 {strides = array<i32>} : memref<5x128x64xf32, #tpu.memory_space<vmem>>, vector<1x1x16xf32>,
      %broadcast_in_dim3A_175 = arith.constant 0.000000e+00 : f32
      %broadcast_in_dim3A_176 = vector.broadcast %broadcast_in_dim3A_175 : f32 to vector<16xf32>
      %swap3A_177 = arith.constant 0 : i32
      %swap3A_178 = arith.index_cast %swap3A_177 : i32 to index
      %swap3A_179 = arith.index_cast %scan3A_157 : i32 to index
      %swap3A_180 = arith.constant 32 : index
      %swap3A_181 = tpu.vector_load %arg8[%swap3A_178, %swap3A_179, %swap3A_180] {strides = array<i32>} : memref<5x128x64xf32, #tpu.memory_space<vmem>>, vector<1x1x16xf32>,
      %swap3A_182 = vector.shape_cast %swap3A_181 : vector<1x1x16xf32> to vector<16xf32>
      %swap3A_183 = vector.shape_cast %broadcast_in_dim3A_176 : vector<16xf32> to vector<1x1x16xf32>
      tpu.vector_store %arg8[%swap3A_178, %swap3A_179, %swap3A_180], %swap3A_183 {strides = array<i32>} : memref<5x128x64xf32, #tpu.memory_space<vmem>>, vector<1x1x16xf32>,
      %broadcast_in_dim3A_184 = arith.constant 0.000000e+00 : f32
      %broadcast_in_dim3A_185 = vector.broadcast %broadcast_in_dim3A_184 : f32 to vector<16xf32>
      %swap3A_186 = arith.constant 0 : i32
      %swap3A_187 = arith.index_cast %swap3A_186 : i32 to index
      %swap3A_188 = arith.index_cast %scan3A_157 : i32 to index
      %swap3A_189 = arith.constant 48 : index
      %swap3A_190 = tpu.vector_load %arg8[%swap3A_187, %swap3A_188, %swap3A_189] {strides = array<i32>} : memref<5x128x64xf32, #tpu.memory_space<vmem>>, vector<1x1x16xf32>,
      %swap3A_191 = vector.shape_cast %swap3A_190 : vector<1x1x16xf32> to vector<16xf32>
      %swap3A_192 = vector.shape_cast %broadcast_in_dim3A_185 : vector<16xf32> to vector<1x1x16xf32>
      tpu.vector_store %arg8[%swap3A_187, %swap3A_188, %swap3A_189], %swap3A_192 {strides = array<i32>} : memref<5x128x64xf32, #tpu.memory_space<vmem>>, vector<1x1x16xf32>,
      %scan3A_193 = arith.constant 0 : i32
      scf.yield %scan3A_193 : i32
    }
    %scan3A_26 = arith.constant 128 : i32
    %mul3A = arith.constant 640 : i32
    %mul3A_27 = arith.muli %arg1, %mul3A : i32
    %add3A = arith.constant 0 : i32
    %add3A_28 = arith.addi %mul3A_27, %add3A : i32
    %run_scoped3A = arith.constant 0 : i32
    "tpu.region"() ({
      %run_scoped3A_157 = tpu.sem_alloc : memref<!tpu.dma_semaphore, #tpu.memory_space<semaphore_mem>>
      %dma_start3A_158 = arith.constant 0 : i32
      %dma_start3A_159 = arith.constant 0 : i32
      %dma_start3A_160 = tpu.memref_slice %arg8[%run_scoped3A, %dma_start3A_158, %dma_start3A_159] : memref<5x128x64xf32, #tpu.memory_space<vmem>> -> memref<1x128x64xf32, #tpu.memory_space<vmem>>
      %dma_start3A_161 = tpu.memref_squeeze %dma_start3A_160 : memref<1x128x64xf32, #tpu.memory_space<vmem>> -> memref<128x64xf32, #tpu.memory_space<vmem>>
      %dma_start3A_162 = arith.constant 0 : i32
      %dma_start3A_163 = tpu.memref_slice %arg9[%add3A_28, %dma_start3A_162] : memref<10240x64xf32, #tpu.memory_space<vmem_shared>> -> memref<128x64xf32, #tpu.memory_space<vmem_shared>>
      %dma_start3A_164 = arith.constant 0 : i32
      %dma_start3A_165 = tpu.memref_slice %arg9[%add3A_28, %dma_start3A_164] : memref<10240x64xf32, #tpu.memory_space<vmem_shared>> -> memref<128x64xf32, #tpu.memory_space<vmem_shared>>
      %dma_start3A_166 = arith.constant 0 : i32
      %dma_start3A_167 = arith.constant 0 : i32
      %dma_start3A_168 = tpu.memref_slice %arg8[%run_scoped3A, %dma_start3A_166, %dma_start3A_167] : memref<5x128x64xf32, #tpu.memory_space<vmem>> -> memref<1x128x64xf32, #tpu.memory_space<vmem>>
      %dma_start3A_169 = tpu.memref_squeeze %dma_start3A_168 : memref<1x128x64xf32, #tpu.memory_space<vmem>> -> memref<128x64xf32, #tpu.memory_space<vmem>>
      tpu.enqueue_dma source(%dma_start3A_169 : memref<128x64xf32, #tpu.memory_space<vmem>>) target(%dma_start3A_165 : memref<128x64xf32, #tpu.memory_space<vmem_shared>>) target_semaphore(%run_scoped3A_157 : memref<!tpu.dma_semaphore, #tpu.memory_space<semaphore_mem>>)
      %dma_wait3A_170 = arith.constant 0 : i32
      %dma_wait3A_171 = arith.constant 0 : i32
      %dma_wait3A_172 = tpu.memref_slice %arg8[%run_scoped3A, %dma_wait3A_170, %dma_wait3A_171] : memref<5x128x64xf32, #tpu.memory_space<vmem>> -> memref<1x128x64xf32, #tpu.memory_space<vmem>>
      %dma_wait3A_173 = tpu.memref_squeeze %dma_wait3A_172 : memref<1x128x64xf32, #tpu.memory_space<vmem>> -> memref<128x64xf32, #tpu.memory_space<vmem>>
      %dma_wait3A_174 = arith.constant 0 : i32
      %dma_wait3A_175 = tpu.memref_slice %arg9[%add3A_28, %dma_wait3A_174] : memref<10240x64xf32, #tpu.memory_space<vmem_shared>> -> memref<128x64xf32, #tpu.memory_space<vmem_shared>>
      %dma_wait3A_176 = arith.constant 0 : i32
      %dma_wait3A_177 = tpu.memref_slice %arg9[%add3A_28, %dma_wait3A_176] : memref<10240x64xf32, #tpu.memory_space<vmem_shared>> -> memref<128x64xf32, #tpu.memory_space<vmem_shared>>
      %dma_wait3A_178 = arith.constant 0 : i32
      %dma_wait3A_179 = arith.constant 0 : i32
      %dma_wait3A_180 = tpu.memref_slice %arg8[%run_scoped3A, %dma_wait3A_178, %dma_wait3A_179] : memref<5x128x64xf32, #tpu.memory_space<vmem>> -> memref<1x128x64xf32, #tpu.memory_space<vmem>>
      %dma_wait3A_181 = tpu.memref_squeeze %dma_wait3A_180 : memref<1x128x64xf32, #tpu.memory_space<vmem>> -> memref<128x64xf32, #tpu.memory_space<vmem>>
      tpu.wait_dma2 semaphore(%run_scoped3A_157 : memref<!tpu.dma_semaphore, #tpu.memory_space<semaphore_mem>>) src(%dma_wait3A_181 : memref<128x64xf32, #tpu.memory_space<vmem>>) dst(%dma_wait3A_177 : memref<128x64xf32, #tpu.memory_space<vmem_shared>>)
      tpu.yield
    }) : () -> ()
    %mul3A_29 = arith.constant 640 : i32
    %mul3A_30 = arith.muli %arg1, %mul3A_29 : i32
    %add3A_31 = arith.constant 128 : i32
    %add3A_32 = arith.addi %mul3A_30, %add3A_31 : i32
    %run_scoped3A_33 = arith.constant 0 : i32
    "tpu.region"() ({
      %run_scoped3A_157 = tpu.sem_alloc : memref<!tpu.dma_semaphore, #tpu.memory_space<semaphore_mem>>
      %dma_start3A_158 = arith.constant 0 : i32
      %dma_start3A_159 = arith.constant 0 : i32
      %dma_start3A_160 = tpu.memref_slice %arg8[%run_scoped3A_33, %dma_start3A_158, %dma_start3A_159] : memref<5x128x64xf32, #tpu.memory_space<vmem>> -> memref<1x128x64xf32, #tpu.memory_space<vmem>>
      %dma_start3A_161 = tpu.memref_squeeze %dma_start3A_160 : memref<1x128x64xf32, #tpu.memory_space<vmem>> -> memref<128x64xf32, #tpu.memory_space<vmem>>
      %dma_start3A_162 = arith.constant 0 : i32
      %dma_start3A_163 = tpu.memref_slice %arg9[%add3A_32, %dma_start3A_162] : memref<10240x64xf32, #tpu.memory_space<vmem_shared>> -> memref<128x64xf32, #tpu.memory_space<vmem_shared>>
      %dma_start3A_164 = arith.constant 0 : i32
      %dma_start3A_165 = tpu.memref_slice %arg9[%add3A_32, %dma_start3A_164] : memref<10240x64xf32, #tpu.memory_space<vmem_shared>> -> memref<128x64xf32, #tpu.memory_space<vmem_shared>>
      %dma_start3A_166 = arith.constant 0 : i32
      %dma_start3A_167 = arith.constant 0 : i32
      %dma_start3A_168 = tpu.memref_slice %arg8[%run_scoped3A_33, %dma_start3A_166, %dma_start3A_167] : memref<5x128x64xf32, #tpu.memory_space<vmem>> -> memref<1x128x64xf32, #tpu.memory_space<vmem>>
      %dma_start3A_169 = tpu.memref_squeeze %dma_start3A_168 : memref<1x128x64xf32, #tpu.memory_space<vmem>> -> memref<128x64xf32, #tpu.memory_space<vmem>>
      tpu.enqueue_dma source(%dma_start3A_169 : memref<128x64xf32, #tpu.memory_space<vmem>>) target(%dma_start3A_165 : memref<128x64xf32, #tpu.memory_space<vmem_shared>>) target_semaphore(%run_scoped3A_157 : memref<!tpu.dma_semaphore, #tpu.memory_space<semaphore_mem>>)
      %dma_wait3A_170 = arith.constant 0 : i32
      %dma_wait3A_171 = arith.constant 0 : i32
      %dma_wait3A_172 = tpu.memref_slice %arg8[%run_scoped3A_33, %dma_wait3A_170, %dma_wait3A_171] : memref<5x128x64xf32, #tpu.memory_space<vmem>> -> memref<1x128x64xf32, #tpu.memory_space<vmem>>
      %dma_wait3A_173 = tpu.memref_squeeze %dma_wait3A_172 : memref<1x128x64xf32, #tpu.memory_space<vmem>> -> memref<128x64xf32, #tpu.memory_space<vmem>>
      %dma_wait3A_174 = arith.constant 0 : i32
      %dma_wait3A_175 = tpu.memref_slice %arg9[%add3A_32, %dma_wait3A_174] : memref<10240x64xf32, #tpu.memory_space<vmem_shared>> -> memref<128x64xf32, #tpu.memory_space<vmem_shared>>
      %dma_wait3A_176 = arith.constant 0 : i32
      %dma_wait3A_177 = tpu.memref_slice %arg9[%add3A_32, %dma_wait3A_176] : memref<10240x64xf32, #tpu.memory_space<vmem_shared>> -> memref<128x64xf32, #tpu.memory_space<vmem_shared>>
      %dma_wait3A_178 = arith.constant 0 : i32
      %dma_wait3A_179 = arith.constant 0 : i32
      %dma_wait3A_180 = tpu.memref_slice %arg8[%run_scoped3A_33, %dma_wait3A_178, %dma_wait3A_179] : memref<5x128x64xf32, #tpu.memory_space<vmem>> -> memref<1x128x64xf32, #tpu.memory_space<vmem>>
      %dma_wait3A_181 = tpu.memref_squeeze %dma_wait3A_180 : memref<1x128x64xf32, #tpu.memory_space<vmem>> -> memref<128x64xf32, #tpu.memory_space<vmem>>
      tpu.wait_dma2 semaphore(%run_scoped3A_157 : memref<!tpu.dma_semaphore, #tpu.memory_space<semaphore_mem>>) src(%dma_wait3A_181 : memref<128x64xf32, #tpu.memory_space<vmem>>) dst(%dma_wait3A_177 : memref<128x64xf32, #tpu.memory_space<vmem_shared>>)
      tpu.yield
    }) : () -> ()
    %mul3A_34 = arith.constant 640 : i32
    %mul3A_35 = arith.muli %arg1, %mul3A_34 : i32
    %add3A_36 = arith.constant 256 : i32
    %add3A_37 = arith.addi %mul3A_35, %add3A_36 : i32
    %run_scoped3A_38 = arith.constant 0 : i32
    "tpu.region"() ({
      %run_scoped3A_157 = tpu.sem_alloc : memref<!tpu.dma_semaphore, #tpu.memory_space<semaphore_mem>>
      %dma_start3A_158 = arith.constant 0 : i32
      %dma_start3A_159 = arith.constant 0 : i32
      %dma_start3A_160 = tpu.memref_slice %arg8[%run_scoped3A_38, %dma_start3A_158, %dma_start3A_159] : memref<5x128x64xf32, #tpu.memory_space<vmem>> -> memref<1x128x64xf32, #tpu.memory_space<vmem>>
      %dma_start3A_161 = tpu.memref_squeeze %dma_start3A_160 : memref<1x128x64xf32, #tpu.memory_space<vmem>> -> memref<128x64xf32, #tpu.memory_space<vmem>>
      %dma_start3A_162 = arith.constant 0 : i32
      %dma_start3A_163 = tpu.memref_slice %arg9[%add3A_37, %dma_start3A_162] : memref<10240x64xf32, #tpu.memory_space<vmem_shared>> -> memref<128x64xf32, #tpu.memory_space<vmem_shared>>
      %dma_start3A_164 = arith.constant 0 : i32
      %dma_start3A_165 = tpu.memref_slice %arg9[%add3A_37, %dma_start3A_164] : memref<10240x64xf32, #tpu.memory_space<vmem_shared>> -> memref<128x64xf32, #tpu.memory_space<vmem_shared>>
      %dma_start3A_166 = arith.constant 0 : i32
      %dma_start3A_167 = arith.constant 0 : i32
      %dma_start3A_168 = tpu.memref_slice %arg8[%run_scoped3A_38, %dma_start3A_166, %dma_start3A_167] : memref<5x128x64xf32, #tpu.memory_space<vmem>> -> memref<1x128x64xf32, #tpu.memory_space<vmem>>
      %dma_start3A_169 = tpu.memref_squeeze %dma_start3A_168 : memref<1x128x64xf32, #tpu.memory_space<vmem>> -> memref<128x64xf32, #tpu.memory_space<vmem>>
      tpu.enqueue_dma source(%dma_start3A_169 : memref<128x64xf32, #tpu.memory_space<vmem>>) target(%dma_start3A_165 : memref<128x64xf32, #tpu.memory_space<vmem_shared>>) target_semaphore(%run_scoped3A_157 : memref<!tpu.dma_semaphore, #tpu.memory_space<semaphore_mem>>)
      %dma_wait3A_170 = arith.constant 0 : i32
      %dma_wait3A_171 = arith.constant 0 : i32
      %dma_wait3A_172 = tpu.memref_slice %arg8[%run_scoped3A_38, %dma_wait3A_170, %dma_wait3A_171] : memref<5x128x64xf32, #tpu.memory_space<vmem>> -> memref<1x128x64xf32, #tpu.memory_space<vmem>>
      %dma_wait3A_173 = tpu.memref_squeeze %dma_wait3A_172 : memref<1x128x64xf32, #tpu.memory_space<vmem>> -> memref<128x64xf32, #tpu.memory_space<vmem>>
      %dma_wait3A_174 = arith.constant 0 : i32
      %dma_wait3A_175 = tpu.memref_slice %arg9[%add3A_37, %dma_wait3A_174] : memref<10240x64xf32, #tpu.memory_space<vmem_shared>> -> memref<128x64xf32, #tpu.memory_space<vmem_shared>>
      %dma_wait3A_176 = arith.constant 0 : i32
      %dma_wait3A_177 = tpu.memref_slice %arg9[%add3A_37, %dma_wait3A_176] : memref<10240x64xf32, #tpu.memory_space<vmem_shared>> -> memref<128x64xf32, #tpu.memory_space<vmem_shared>>
      %dma_wait3A_178 = arith.constant 0 : i32
      %dma_wait3A_179 = arith.constant 0 : i32
      %dma_wait3A_180 = tpu.memref_slice %arg8[%run_scoped3A_38, %dma_wait3A_178, %dma_wait3A_179] : memref<5x128x64xf32, #tpu.memory_space<vmem>> -> memref<1x128x64xf32, #tpu.memory_space<vmem>>
      %dma_wait3A_181 = tpu.memref_squeeze %dma_wait3A_180 : memref<1x128x64xf32, #tpu.memory_space<vmem>> -> memref<128x64xf32, #tpu.memory_space<vmem>>
      tpu.wait_dma2 semaphore(%run_scoped3A_157 : memref<!tpu.dma_semaphore, #tpu.memory_space<semaphore_mem>>) src(%dma_wait3A_181 : memref<128x64xf32, #tpu.memory_space<vmem>>) dst(%dma_wait3A_177 : memref<128x64xf32, #tpu.memory_space<vmem_shared>>)
      tpu.yield
    }) : () -> ()
    %mul3A_39 = arith.constant 640 : i32
    %mul3A_40 = arith.muli %arg1, %mul3A_39 : i32
    %add3A_41 = arith.constant 384 : i32
    %add3A_42 = arith.addi %mul3A_40, %add3A_41 : i32
    %run_scoped3A_43 = arith.constant 0 : i32
    "tpu.region"() ({
      %run_scoped3A_157 = tpu.sem_alloc : memref<!tpu.dma_semaphore, #tpu.memory_space<semaphore_mem>>
      %dma_start3A_158 = arith.constant 0 : i32
      %dma_start3A_159 = arith.constant 0 : i32
      %dma_start3A_160 = tpu.memref_slice %arg8[%run_scoped3A_43, %dma_start3A_158, %dma_start3A_159] : memref<5x128x64xf32, #tpu.memory_space<vmem>> -> memref<1x128x64xf32, #tpu.memory_space<vmem>>
      %dma_start3A_161 = tpu.memref_squeeze %dma_start3A_160 : memref<1x128x64xf32, #tpu.memory_space<vmem>> -> memref<128x64xf32, #tpu.memory_space<vmem>>
      %dma_start3A_162 = arith.constant 0 : i32
      %dma_start3A_163 = tpu.memref_slice %arg9[%add3A_42, %dma_start3A_162] : memref<10240x64xf32, #tpu.memory_space<vmem_shared>> -> memref<128x64xf32, #tpu.memory_space<vmem_shared>>
      %dma_start3A_164 = arith.constant 0 : i32
      %dma_start3A_165 = tpu.memref_slice %arg9[%add3A_42, %dma_start3A_164] : memref<10240x64xf32, #tpu.memory_space<vmem_shared>> -> memref<128x64xf32, #tpu.memory_space<vmem_shared>>
      %dma_start3A_166 = arith.constant 0 : i32
      %dma_start3A_167 = arith.constant 0 : i32
      %dma_start3A_168 = tpu.memref_slice %arg8[%run_scoped3A_43, %dma_start3A_166, %dma_start3A_167] : memref<5x128x64xf32, #tpu.memory_space<vmem>> -> memref<1x128x64xf32, #tpu.memory_space<vmem>>
      %dma_start3A_169 = tpu.memref_squeeze %dma_start3A_168 : memref<1x128x64xf32, #tpu.memory_space<vmem>> -> memref<128x64xf32, #tpu.memory_space<vmem>>
      tpu.enqueue_dma source(%dma_start3A_169 : memref<128x64xf32, #tpu.memory_space<vmem>>) target(%dma_start3A_165 : memref<128x64xf32, #tpu.memory_space<vmem_shared>>) target_semaphore(%run_scoped3A_157 : memref<!tpu.dma_semaphore, #tpu.memory_space<semaphore_mem>>)
      %dma_wait3A_170 = arith.constant 0 : i32
      %dma_wait3A_171 = arith.constant 0 : i32
      %dma_wait3A_172 = tpu.memref_slice %arg8[%run_scoped3A_43, %dma_wait3A_170, %dma_wait3A_171] : memref<5x128x64xf32, #tpu.memory_space<vmem>> -> memref<1x128x64xf32, #tpu.memory_space<vmem>>
      %dma_wait3A_173 = tpu.memref_squeeze %dma_wait3A_172 : memref<1x128x64xf32, #tpu.memory_space<vmem>> -> memref<128x64xf32, #tpu.memory_space<vmem>>
      %dma_wait3A_174 = arith.constant 0 : i32
      %dma_wait3A_175 = tpu.memref_slice %arg9[%add3A_42, %dma_wait3A_174] : memref<10240x64xf32, #tpu.memory_space<vmem_shared>> -> memref<128x64xf32, #tpu.memory_space<vmem_shared>>
      %dma_wait3A_176 = arith.constant 0 : i32
      %dma_wait3A_177 = tpu.memref_slice %arg9[%add3A_42, %dma_wait3A_176] : memref<10240x64xf32, #tpu.memory_space<vmem_shared>> -> memref<128x64xf32, #tpu.memory_space<vmem_shared>>
      %dma_wait3A_178 = arith.constant 0 : i32
      %dma_wait3A_179 = arith.constant 0 : i32
      %dma_wait3A_180 = tpu.memref_slice %arg8[%run_scoped3A_43, %dma_wait3A_178, %dma_wait3A_179] : memref<5x128x64xf32, #tpu.memory_space<vmem>> -> memref<1x128x64xf32, #tpu.memory_space<vmem>>
      %dma_wait3A_181 = tpu.memref_squeeze %dma_wait3A_180 : memref<1x128x64xf32, #tpu.memory_space<vmem>> -> memref<128x64xf32, #tpu.memory_space<vmem>>
      tpu.wait_dma2 semaphore(%run_scoped3A_157 : memref<!tpu.dma_semaphore, #tpu.memory_space<semaphore_mem>>) src(%dma_wait3A_181 : memref<128x64xf32, #tpu.memory_space<vmem>>) dst(%dma_wait3A_177 : memref<128x64xf32, #tpu.memory_space<vmem_shared>>)
      tpu.yield
    }) : () -> ()
    %mul3A_44 = arith.constant 640 : i32
    %mul3A_45 = arith.muli %arg1, %mul3A_44 : i32
    %add3A_46 = arith.constant 512 : i32
    %add3A_47 = arith.addi %mul3A_45, %add3A_46 : i32
    %run_scoped3A_48 = arith.constant 0 : i32
    "tpu.region"() ({
      %run_scoped3A_157 = tpu.sem_alloc : memref<!tpu.dma_semaphore, #tpu.memory_space<semaphore_mem>>
      %dma_start3A_158 = arith.constant 0 : i32
      %dma_start3A_159 = arith.constant 0 : i32
      %dma_start3A_160 = tpu.memref_slice %arg8[%run_scoped3A_48, %dma_start3A_158, %dma_start3A_159] : memref<5x128x64xf32, #tpu.memory_space<vmem>> -> memref<1x128x64xf32, #tpu.memory_space<vmem>>
      %dma_start3A_161 = tpu.memref_squeeze %dma_start3A_160 : memref<1x128x64xf32, #tpu.memory_space<vmem>> -> memref<128x64xf32, #tpu.memory_space<vmem>>
      %dma_start3A_162 = arith.constant 0 : i32
      %dma_start3A_163 = tpu.memref_slice %arg9[%add3A_47, %dma_start3A_162] : memref<10240x64xf32, #tpu.memory_space<vmem_shared>> -> memref<128x64xf32, #tpu.memory_space<vmem_shared>>
      %dma_start3A_164 = arith.constant 0 : i32
      %dma_start3A_165 = tpu.memref_slice %arg9[%add3A_47, %dma_start3A_164] : memref<10240x64xf32, #tpu.memory_space<vmem_shared>> -> memref<128x64xf32, #tpu.memory_space<vmem_shared>>
      %dma_start3A_166 = arith.constant 0 : i32
      %dma_start3A_167 = arith.constant 0 : i32
      %dma_start3A_168 = tpu.memref_slice %arg8[%run_scoped3A_48, %dma_start3A_166, %dma_start3A_167] : memref<5x128x64xf32, #tpu.memory_space<vmem>> -> memref<1x128x64xf32, #tpu.memory_space<vmem>>
      %dma_start3A_169 = tpu.memref_squeeze %dma_start3A_168 : memref<1x128x64xf32, #tpu.memory_space<vmem>> -> memref<128x64xf32, #tpu.memory_space<vmem>>
      tpu.enqueue_dma source(%dma_start3A_169 : memref<128x64xf32, #tpu.memory_space<vmem>>) target(%dma_start3A_165 : memref<128x64xf32, #tpu.memory_space<vmem_shared>>) target_semaphore(%run_scoped3A_157 : memref<!tpu.dma_semaphore, #tpu.memory_space<semaphore_mem>>)
      %dma_wait3A_170 = arith.constant 0 : i32
      %dma_wait3A_171 = arith.constant 0 : i32
      %dma_wait3A_172 = tpu.memref_slice %arg8[%run_scoped3A_48, %dma_wait3A_170, %dma_wait3A_171] : memref<5x128x64xf32, #tpu.memory_space<vmem>> -> memref<1x128x64xf32, #tpu.memory_space<vmem>>
      %dma_wait3A_173 = tpu.memref_squeeze %dma_wait3A_172 : memref<1x128x64xf32, #tpu.memory_space<vmem>> -> memref<128x64xf32, #tpu.memory_space<vmem>>
      %dma_wait3A_174 = arith.constant 0 : i32
      %dma_wait3A_175 = tpu.memref_slice %arg9[%add3A_47, %dma_wait3A_174] : memref<10240x64xf32, #tpu.memory_space<vmem_shared>> -> memref<128x64xf32, #tpu.memory_space<vmem_shared>>
      %dma_wait3A_176 = arith.constant 0 : i32
      %dma_wait3A_177 = tpu.memref_slice %arg9[%add3A_47, %dma_wait3A_176] : memref<10240x64xf32, #tpu.memory_space<vmem_shared>> -> memref<128x64xf32, #tpu.memory_space<vmem_shared>>
      %dma_wait3A_178 = arith.constant 0 : i32
      %dma_wait3A_179 = arith.constant 0 : i32
      %dma_wait3A_180 = tpu.memref_slice %arg8[%run_scoped3A_48, %dma_wait3A_178, %dma_wait3A_179] : memref<5x128x64xf32, #tpu.memory_space<vmem>> -> memref<1x128x64xf32, #tpu.memory_space<vmem>>
      %dma_wait3A_181 = tpu.memref_squeeze %dma_wait3A_180 : memref<1x128x64xf32, #tpu.memory_space<vmem>> -> memref<128x64xf32, #tpu.memory_space<vmem>>
      tpu.wait_dma2 semaphore(%run_scoped3A_157 : memref<!tpu.dma_semaphore, #tpu.memory_space<semaphore_mem>>) src(%dma_wait3A_181 : memref<128x64xf32, #tpu.memory_space<vmem>>) dst(%dma_wait3A_177 : memref<128x64xf32, #tpu.memory_space<vmem_shared>>)
      tpu.yield
    }) : () -> ()
    %dma_wait3A = arith.constant 0 : i32
    %dma_wait3A_49 = arith.constant 0 : i32
    %dma_wait3A_50 = arith.constant 0 : i32
    %dma_wait3A_51 = tpu.memref_slice %arg3[%arg0, %arg1, %dma_wait3A_49, %dma_wait3A_50] : memref<2x16x160x128xi32, #tpu.memory_space<hbm>> -> memref<1x1x160x128xi32, #tpu.memory_space<hbm>>
    %dma_wait3A_52 = tpu.memref_squeeze %dma_wait3A_51 : memref<1x1x160x128xi32, #tpu.memory_space<hbm>> -> memref<160x128xi32, #tpu.memory_space<hbm>>
    %dma_wait3A_53 = tpu.memref_slice %arg10[%dma_wait3A] : memref<2x!tpu.dma_semaphore, #tpu.memory_space<semaphore_mem>> -> memref<1x!tpu.dma_semaphore, #tpu.memory_space<semaphore_mem>>
    %dma_wait3A_54 = tpu.memref_squeeze %dma_wait3A_53 : memref<1x!tpu.dma_semaphore, #tpu.memory_space<semaphore_mem>> -> memref<!tpu.dma_semaphore, #tpu.memory_space<semaphore_mem>>
    %dma_wait3A_55 = arith.constant 0 : i32
    %dma_wait3A_56 = arith.constant 0 : i32
    %dma_wait3A_57 = tpu.memref_slice %arg3[%arg0, %arg1, %dma_wait3A_55, %dma_wait3A_56] : memref<2x16x160x128xi32, #tpu.memory_space<hbm>> -> memref<1x1x160x128xi32, #tpu.memory_space<hbm>>
    %dma_wait3A_58 = tpu.memref_squeeze %dma_wait3A_57 : memref<1x1x160x128xi32, #tpu.memory_space<hbm>> -> memref<160x128xi32, #tpu.memory_space<hbm>>
    tpu.wait_dma2 semaphore(%dma_wait3A_54 : memref<!tpu.dma_semaphore, #tpu.memory_space<semaphore_mem>>) src(%dma_wait3A_58 : memref<160x128xi32, #tpu.memory_space<hbm>>) dst(%arg6 : memref<160x128xi32, #tpu.memory_space<vmem>>)
    %dma_wait3A_59 = arith.constant 1 : i32
    %dma_wait3A_60 = arith.constant 0 : i32
    %dma_wait3A_61 = arith.constant 0 : i32
    %dma_wait3A_62 = tpu.memref_slice %arg4[%arg1, %dma_wait3A_60, %dma_wait3A_61] : memref<16x160x128xi32, #tpu.memory_space<hbm>> -> memref<1x160x128xi32, #tpu.memory_space<hbm>>
    %dma_wait3A_63 = tpu.memref_squeeze %dma_wait3A_62 : memref<1x160x128xi32, #tpu.memory_space<hbm>> -> memref<160x128xi32, #tpu.memory_space<hbm>>
    %dma_wait3A_64 = tpu.memref_slice %arg10[%dma_wait3A_59] : memref<2x!tpu.dma_semaphore, #tpu.memory_space<semaphore_mem>> -> memref<1x!tpu.dma_semaphore, #tpu.memory_space<semaphore_mem>>
    %dma_wait3A_65 = tpu.memref_squeeze %dma_wait3A_64 : memref<1x!tpu.dma_semaphore, #tpu.memory_space<semaphore_mem>> -> memref<!tpu.dma_semaphore, #tpu.memory_space<semaphore_mem>>
    %dma_wait3A_66 = arith.constant 0 : i32
    %dma_wait3A_67 = arith.constant 0 : i32
    %dma_wait3A_68 = tpu.memref_slice %arg4[%arg1, %dma_wait3A_66, %dma_wait3A_67] : memref<16x160x128xi32, #tpu.memory_space<hbm>> -> memref<1x160x128xi32, #tpu.memory_space<hbm>>
    %dma_wait3A_69 = tpu.memref_squeeze %dma_wait3A_68 : memref<1x160x128xi32, #tpu.memory_space<hbm>> -> memref<160x128xi32, #tpu.memory_space<hbm>>
    tpu.wait_dma2 semaphore(%dma_wait3A_65 : memref<!tpu.dma_semaphore, #tpu.memory_space<semaphore_mem>>) src(%dma_wait3A_69 : memref<160x128xi32, #tpu.memory_space<hbm>>) dst(%arg7 : memref<160x128xi32, #tpu.memory_space<vmem>>)
    %barrier3A = arith.constant 0 : index
    tpu.barrier barrier_id(%barrier3A)
    %dma_start3A_70 = arith.constant 0 : i32
    %dma_start3A_71 = arith.constant 0 : i32
    %dma_start3A_72 = arith.constant 0 : i32
    %dma_start3A_73 = arith.constant 0 : i32
    %dma_start3A_74 = arith.constant 0 : i32
    %dma_start3A_75 = tpu.memref_slice %arg8[%dma_start3A_71, %dma_start3A_73, %dma_start3A_74] : memref<5x128x64xf32, #tpu.memory_space<vmem>> -> memref<1x128x64xf32, #tpu.memory_space<vmem>>
    %dma_start3A_76 = tpu.memref_squeeze %dma_start3A_75 : memref<1x128x64xf32, #tpu.memory_space<vmem>> -> memref<128x64xf32, #tpu.memory_space<vmem>>
    %dma_start3A_77 = arith.constant 0 : i32
    %dma_start3A_78 = tpu.memref_slice %arg6[%dma_start3A_70, %dma_start3A_77] : memref<160x128xi32, #tpu.memory_space<vmem>> -> memref<1x128xi32, #tpu.memory_space<vmem>>
    %dma_start3A_79 = tpu.memref_squeeze %dma_start3A_78 : memref<1x128xi32, #tpu.memory_space<vmem>> -> memref<128xi32, #tpu.memory_space<vmem>>
    %dma_start3A_80 = arith.constant 0 : i32
    %dma_start3A_81 = arith.constant 0 : i32
    %dma_start3A_82 = tpu.memref_slice %arg2[%dma_start3A_80, %dma_start3A_81] : memref<20000x64xf32, #tpu.memory_space<hbm>> -> memref<20000x64xf32, #tpu.memory_space<hbm>>
    %dma_start3A_83 = tpu.memref_slice %arg11[%dma_start3A_72] : memref<5x!tpu.dma_semaphore, #tpu.memory_space<semaphore_mem>> -> memref<1x!tpu.dma_semaphore, #tpu.memory_space<semaphore_mem>>
    %dma_start3A_84 = tpu.memref_squeeze %dma_start3A_83 : memref<1x!tpu.dma_semaphore, #tpu.memory_space<semaphore_mem>> -> memref<!tpu.dma_semaphore, #tpu.memory_space<semaphore_mem>>
    tpu.enqueue_indirect_dma source(%dma_start3A_82 : memref<20000x64xf32, #tpu.memory_space<hbm>>) target(%dma_start3A_76 : memref<128x64xf32, #tpu.memory_space<vmem>>) offsets(%dma_start3A_79 : memref<128xi32, #tpu.memory_space<vmem>>) semaphore(%dma_start3A_84 : memref<!tpu.dma_semaphore, #tpu.memory_space<semaphore_mem>>)
    %dma_start3A_85 = arith.constant 1 : i32
    %dma_start3A_86 = arith.constant 1 : i32
    %dma_start3A_87 = arith.constant 1 : i32
    %dma_start3A_88 = arith.constant 0 : i32
    %dma_start3A_89 = arith.constant 0 : i32
    %dma_start3A_90 = tpu.memref_slice %arg8[%dma_start3A_86, %dma_start3A_88, %dma_start3A_89] : memref<5x128x64xf32, #tpu.memory_space<vmem>> -> memref<1x128x64xf32, #tpu.memory_space<vmem>>
    %dma_start3A_91 = tpu.memref_squeeze %dma_start3A_90 : memref<1x128x64xf32, #tpu.memory_space<vmem>> -> memref<128x64xf32, #tpu.memory_space<vmem>>
    %dma_start3A_92 = arith.constant 0 : i32
    %dma_start3A_93 = tpu.memref_slice %arg6[%dma_start3A_85, %dma_start3A_92] : memref<160x128xi32, #tpu.memory_space<vmem>> -> memref<1x128xi32, #tpu.memory_space<vmem>>
    %dma_start3A_94 = tpu.memref_squeeze %dma_start3A_93 : memref<1x128xi32, #tpu.memory_space<vmem>> -> memref<128xi32, #tpu.memory_space<vmem>>
    %dma_start3A_95 = arith.constant 0 : i32
    %dma_start3A_96 = arith.constant 0 : i32
    %dma_start3A_97 = tpu.memref_slice %arg2[%dma_start3A_95, %dma_start3A_96] : memref<20000x64xf32, #tpu.memory_space<hbm>> -> memref<20000x64xf32, #tpu.memory_space<hbm>>
    %dma_start3A_98 = tpu.memref_slice %arg11[%dma_start3A_87] : memref<5x!tpu.dma_semaphore, #tpu.memory_space<semaphore_mem>> -> memref<1x!tpu.dma_semaphore, #tpu.memory_space<semaphore_mem>>
    %dma_start3A_99 = tpu.memref_squeeze %dma_start3A_98 : memref<1x!tpu.dma_semaphore, #tpu.memory_space<semaphore_mem>> -> memref<!tpu.dma_semaphore, #tpu.memory_space<semaphore_mem>>
    tpu.enqueue_indirect_dma source(%dma_start3A_97 : memref<20000x64xf32, #tpu.memory_space<hbm>>) target(%dma_start3A_91 : memref<128x64xf32, #tpu.memory_space<vmem>>) offsets(%dma_start3A_94 : memref<128xi32, #tpu.memory_space<vmem>>) semaphore(%dma_start3A_99 : memref<!tpu.dma_semaphore, #tpu.memory_space<semaphore_mem>>)
    %dma_start3A_100 = arith.constant 2 : i32
    %dma_start3A_101 = arith.constant 2 : i32
    %dma_start3A_102 = arith.constant 2 : i32
    %dma_start3A_103 = arith.constant 0 : i32
    %dma_start3A_104 = arith.constant 0 : i32
    %dma_start3A_105 = tpu.memref_slice %arg8[%dma_start3A_101, %dma_start3A_103, %dma_start3A_104] : memref<5x128x64xf32, #tpu.memory_space<vmem>> -> memref<1x128x64xf32, #tpu.memory_space<vmem>>
    %dma_start3A_106 = tpu.memref_squeeze %dma_start3A_105 : memref<1x128x64xf32, #tpu.memory_space<vmem>> -> memref<128x64xf32, #tpu.memory_space<vmem>>
    %dma_start3A_107 = arith.constant 0 : i32
    %dma_start3A_108 = tpu.memref_slice %arg6[%dma_start3A_100, %dma_start3A_107] : memref<160x128xi32, #tpu.memory_space<vmem>> -> memref<1x128xi32, #tpu.memory_space<vmem>>
    %dma_start3A_109 = tpu.memref_squeeze %dma_start3A_108 : memref<1x128xi32, #tpu.memory_space<vmem>> -> memref<128xi32, #tpu.memory_space<vmem>>
    %dma_start3A_110 = arith.constant 0 : i32
    %dma_start3A_111 = arith.constant 0 : i32
    %dma_start3A_112 = tpu.memref_slice %arg2[%dma_start3A_110, %dma_start3A_111] : memref<20000x64xf32, #tpu.memory_space<hbm>> -> memref<20000x64xf32, #tpu.memory_space<hbm>>
    %dma_start3A_113 = tpu.memref_slice %arg11[%dma_start3A_102] : memref<5x!tpu.dma_semaphore, #tpu.memory_space<semaphore_mem>> -> memref<1x!tpu.dma_semaphore, #tpu.memory_space<semaphore_mem>>
    %dma_start3A_114 = tpu.memref_squeeze %dma_start3A_113 : memref<1x!tpu.dma_semaphore, #tpu.memory_space<semaphore_mem>> -> memref<!tpu.dma_semaphore, #tpu.memory_space<semaphore_mem>>
    tpu.enqueue_indirect_dma source(%dma_start3A_112 : memref<20000x64xf32, #tpu.memory_space<hbm>>) target(%dma_start3A_106 : memref<128x64xf32, #tpu.memory_space<vmem>>) offsets(%dma_start3A_109 : memref<128xi32, #tpu.memory_space<vmem>>) semaphore(%dma_start3A_114 : memref<!tpu.dma_semaphore, #tpu.memory_space<semaphore_mem>>)
    %dma_start3A_115 = arith.constant 3 : i32
    %dma_start3A_116 = arith.constant 3 : i32
    %dma_start3A_117 = arith.constant 3 : i32
    %dma_start3A_118 = arith.constant 0 : i32
    %dma_start3A_119 = arith.constant 0 : i32
    %dma_start3A_120 = tpu.memref_slice %arg8[%dma_start3A_116, %dma_start3A_118, %dma_start3A_119] : memref<5x128x64xf32, #tpu.memory_space<vmem>> -> memref<1x128x64xf32, #tpu.memory_space<vmem>>
    %dma_start3A_121 = tpu.memref_squeeze %dma_start3A_120 : memref<1x128x64xf32, #tpu.memory_space<vmem>> -> memref<128x64xf32, #tpu.memory_space<vmem>>
    %dma_start3A_122 = arith.constant 0 : i32
    %dma_start3A_123 = tpu.memref_slice %arg6[%dma_start3A_115, %dma_start3A_122] : memref<160x128xi32, #tpu.memory_space<vmem>> -> memref<1x128xi32, #tpu.memory_space<vmem>>
    %dma_start3A_124 = tpu.memref_squeeze %dma_start3A_123 : memref<1x128xi32, #tpu.memory_space<vmem>> -> memref<128xi32, #tpu.memory_space<vmem>>
    %dma_start3A_125 = arith.constant 0 : i32
    %dma_start3A_126 = arith.constant 0 : i32
    %dma_start3A_127 = tpu.memref_slice %arg2[%dma_start3A_125, %dma_start3A_126] : memref<20000x64xf32, #tpu.memory_space<hbm>> -> memref<20000x64xf32, #tpu.memory_space<hbm>>
    %dma_start3A_128 = tpu.memref_slice %arg11[%dma_start3A_117] : memref<5x!tpu.dma_semaphore, #tpu.memory_space<semaphore_mem>> -> memref<1x!tpu.dma_semaphore, #tpu.memory_space<semaphore_mem>>
    %dma_start3A_129 = tpu.memref_squeeze %dma_start3A_128 : memref<1x!tpu.dma_semaphore, #tpu.memory_space<semaphore_mem>> -> memref<!tpu.dma_semaphore, #tpu.memory_space<semaphore_mem>>
    tpu.enqueue_indirect_dma source(%dma_start3A_127 : memref<20000x64xf32, #tpu.memory_space<hbm>>) target(%dma_start3A_121 : memref<128x64xf32, #tpu.memory_space<vmem>>) offsets(%dma_start3A_124 : memref<128xi32, #tpu.memory_space<vmem>>) semaphore(%dma_start3A_129 : memref<!tpu.dma_semaphore, #tpu.memory_space<semaphore_mem>>)
    %dma_start3A_130 = arith.constant 4 : i32
    %dma_start3A_131 = arith.constant 4 : i32
    %dma_start3A_132 = arith.constant 4 : i32
    %dma_start3A_133 = arith.constant 0 : i32
    %dma_start3A_134 = arith.constant 0 : i32
    %dma_start3A_135 = tpu.memref_slice %arg8[%dma_start3A_131, %dma_start3A_133, %dma_start3A_134] : memref<5x128x64xf32, #tpu.memory_space<vmem>> -> memref<1x128x64xf32, #tpu.memory_space<vmem>>
    %dma_start3A_136 = tpu.memref_squeeze %dma_start3A_135 : memref<1x128x64xf32, #tpu.memory_space<vmem>> -> memref<128x64xf32, #tpu.memory_space<vmem>>
    %dma_start3A_137 = arith.constant 0 : i32
    %dma_start3A_138 = tpu.memref_slice %arg6[%dma_start3A_130, %dma_start3A_137] : memref<160x128xi32, #tpu.memory_space<vmem>> -> memref<1x128xi32, #tpu.memory_space<vmem>>
    %dma_start3A_139 = tpu.memref_squeeze %dma_start3A_138 : memref<1x128xi32, #tpu.memory_space<vmem>> -> memref<128xi32, #tpu.memory_space<vmem>>
    %dma_start3A_140 = arith.constant 0 : i32
    %dma_start3A_141 = arith.constant 0 : i32
    %dma_start3A_142 = tpu.memref_slice %arg2[%dma_start3A_140, %dma_start3A_141] : memref<20000x64xf32, #tpu.memory_space<hbm>> -> memref<20000x64xf32, #tpu.memory_space<hbm>>
    %dma_start3A_143 = tpu.memref_slice %arg11[%dma_start3A_132] : memref<5x!tpu.dma_semaphore, #tpu.memory_space<semaphore_mem>> -> memref<1x!tpu.dma_semaphore, #tpu.memory_space<semaphore_mem>>
    %dma_start3A_144 = tpu.memref_squeeze %dma_start3A_143 : memref<1x!tpu.dma_semaphore, #tpu.memory_space<semaphore_mem>> -> memref<!tpu.dma_semaphore, #tpu.memory_space<semaphore_mem>>
    tpu.enqueue_indirect_dma source(%dma_start3A_142 : memref<20000x64xf32, #tpu.memory_space<hbm>>) target(%dma_start3A_136 : memref<128x64xf32, #tpu.memory_space<vmem>>) offsets(%dma_start3A_139 : memref<128xi32, #tpu.memory_space<vmem>>) semaphore(%dma_start3A_144 : memref<!tpu.dma_semaphore, #tpu.memory_space<semaphore_mem>>)
    %scan3A_145 = arith.constant 0 : i32
    %scan3A_146 = arith.constant 0 : i32
    %scan3A_147 = arith.constant 32 : i32
    %scan3A_148 = arith.addi %scan3A_146, %scan3A_147 : i32
    %scan3A_149 = arith.constant 1 : i32
    %scan3A_150 = scf.for %scan3A_157 = %scan3A_146 to %scan3A_148 step %scan3A_149 iter_args(%scan3A_158 = %scan3A_145) -> (i32)  : i32 {
      %mul3A_159 = arith.constant 5 : i32
      %mul3A_160 = arith.muli %scan3A_157, %mul3A_159 : i32
      %add3A_161 = arith.constant 0 : i32
      %add3A_162 = arith.addi %mul3A_160, %add3A_161 : i32
      %dma_wait3A_163 = arith.constant 0 : i32
      %dma_wait3A_164 = arith.constant 0 : i32
      %dma_wait3A_165 = arith.constant 0 : i32
      %dma_wait3A_166 = arith.constant 0 : i32
      %dma_wait3A_167 = tpu.memref_slice %arg8[%dma_wait3A_163, %dma_wait3A_165, %dma_wait3A_166] : memref<5x128x64xf32, #tpu.memory_space<vmem>> -> memref<1x128x64xf32, #tpu.memory_space<vmem>>
      %dma_wait3A_168 = tpu.memref_squeeze %dma_wait3A_167 : memref<1x128x64xf32, #tpu.memory_space<vmem>> -> memref<128x64xf32, #tpu.memory_space<vmem>>
      %dma_wait3A_169 = arith.constant 0 : i32
      %dma_wait3A_170 = tpu.memref_slice %arg6[%add3A_162, %dma_wait3A_169] : memref<160x128xi32, #tpu.memory_space<vmem>> -> memref<1x128xi32, #tpu.memory_space<vmem>>
      %dma_wait3A_171 = tpu.memref_squeeze %dma_wait3A_170 : memref<1x128xi32, #tpu.memory_space<vmem>> -> memref<128xi32, #tpu.memory_space<vmem>>
      %dma_wait3A_172 = arith.constant 0 : i32
      %dma_wait3A_173 = arith.constant 0 : i32
      %dma_wait3A_174 = tpu.memref_slice %arg2[%dma_wait3A_172, %dma_wait3A_173] : memref<20000x64xf32, #tpu.memory_space<hbm>> -> memref<20000x64xf32, #tpu.memory_space<hbm>>
      %dma_wait3A_175 = tpu.memref_slice %arg11[%dma_wait3A_164] : memref<5x!tpu.dma_semaphore, #tpu.memory_space<semaphore_mem>> -> memref<1x!tpu.dma_semaphore, #tpu.memory_space<semaphore_mem>>
      %dma_wait3A_176 = tpu.memref_squeeze %dma_wait3A_175 : memref<1x!tpu.dma_semaphore, #tpu.memory_space<semaphore_mem>> -> memref<!tpu.dma_semaphore, #tpu.memory_space<semaphore_mem>>
      tpu.wait_indirect_dma semaphore(%dma_wait3A_176 : memref<!tpu.dma_semaphore, #tpu.memory_space<semaphore_mem>>) src(%dma_wait3A_174 : memref<20000x64xf32, #tpu.memory_space<hbm>>) dst(%dma_wait3A_168 : memref<128x64xf32, #tpu.memory_space<vmem>>)
      %run_scoped3A_177 = arith.constant 0 : i32
      "tpu.region"() ({
        %run_scoped3A_287 = tpu.sem_alloc : memref<!tpu.dma_semaphore, #tpu.memory_space<semaphore_mem>>
        %dma_start3A_288 = arith.constant 0 : i32
        %dma_start3A_289 = arith.constant 0 : i32
        %dma_start3A_290 = tpu.memref_slice %arg8[%run_scoped3A_177, %dma_start3A_288, %dma_start3A_289] : memref<5x128x64xf32, #tpu.memory_space<vmem>> -> memref<1x128x64xf32, #tpu.memory_space<vmem>>
        %dma_start3A_291 = tpu.memref_squeeze %dma_start3A_290 : memref<1x128x64xf32, #tpu.memory_space<vmem>> -> memref<128x64xf32, #tpu.memory_space<vmem>>
        %dma_start3A_292 = arith.constant 0 : i32
        %dma_start3A_293 = tpu.memref_slice %arg7[%add3A_162, %dma_start3A_292] : memref<160x128xi32, #tpu.memory_space<vmem>> -> memref<1x128xi32, #tpu.memory_space<vmem>>
        %dma_start3A_294 = tpu.memref_squeeze %dma_start3A_293 : memref<1x128xi32, #tpu.memory_space<vmem>> -> memref<128xi32, #tpu.memory_space<vmem>>
        %dma_start3A_295 = arith.constant 0 : i32
        %dma_start3A_296 = arith.constant 0 : i32
        %dma_start3A_297 = tpu.memref_slice %arg9[%dma_start3A_295, %dma_start3A_296] : memref<10240x64xf32, #tpu.memory_space<vmem_shared>> -> memref<10240x64xf32, #tpu.memory_space<vmem_shared>>
        tpu.enqueue_indirect_dma source(%dma_start3A_291 : memref<128x64xf32, #tpu.memory_space<vmem>>) target(%dma_start3A_297 : memref<10240x64xf32, #tpu.memory_space<vmem_shared>>) offsets(%dma_start3A_294 : memref<128xi32, #tpu.memory_space<vmem>>) semaphore(%run_scoped3A_287 : memref<!tpu.dma_semaphore, #tpu.memory_space<semaphore_mem>>) {add = true}
        %dma_wait3A_298 = arith.constant 0 : i32
        %dma_wait3A_299 = arith.constant 0 : i32
        %dma_wait3A_300 = tpu.memref_slice %arg8[%run_scoped3A_177, %dma_wait3A_298, %dma_wait3A_299] : memref<5x128x64xf32, #tpu.memory_space<vmem>> -> memref<1x128x64xf32, #tpu.memory_space<vmem>>
        %dma_wait3A_301 = tpu.memref_squeeze %dma_wait3A_300 : memref<1x128x64xf32, #tpu.memory_space<vmem>> -> memref<128x64xf32, #tpu.memory_space<vmem>>
        %dma_wait3A_302 = arith.constant 0 : i32
        %dma_wait3A_303 = tpu.memref_slice %arg7[%add3A_162, %dma_wait3A_302] : memref<160x128xi32, #tpu.memory_space<vmem>> -> memref<1x128xi32, #tpu.memory_space<vmem>>
        %dma_wait3A_304 = tpu.memref_squeeze %dma_wait3A_303 : memref<1x128xi32, #tpu.memory_space<vmem>> -> memref<128xi32, #tpu.memory_space<vmem>>
        %dma_wait3A_305 = arith.constant 0 : i32
        %dma_wait3A_306 = arith.constant 0 : i32
        %dma_wait3A_307 = tpu.memref_slice %arg9[%dma_wait3A_305, %dma_wait3A_306] : memref<10240x64xf32, #tpu.memory_space<vmem_shared>> -> memref<10240x64xf32, #tpu.memory_space<vmem_shared>>
        tpu.wait_indirect_dma semaphore(%run_scoped3A_287 : memref<!tpu.dma_semaphore, #tpu.memory_space<semaphore_mem>>) src(%dma_wait3A_301 : memref<128x64xf32, #tpu.memory_space<vmem>>) dst(%dma_wait3A_307 : memref<10240x64xf32, #tpu.memory_space<vmem_shared>>)
        tpu.yield
      }) : () -> ()
      %add3A_178 = arith.constant 5 : i32
      %add3A_179 = arith.addi %add3A_162, %add3A_178 : i32
      %lt3A = arith.constant 160 : i32
      %lt3A_180 = arith.cmpi slt, %add3A_179, %lt3A : i32
      %convert_element_type3A = arith.extui %lt3A_180 : i1 to i32
      %cond3A = arith.constant 0 : i32
      %cond3A_181 = arith.cmpi ne, %convert_element_type3A, %cond3A : i32
      scf.if %cond3A_181 {
        %add3A_287 = arith.constant 5 : i32
        %add3A_288 = arith.addi %add3A_162, %add3A_287 : i32
        %dma_start3A_289 = arith.constant 0 : i32
        %dma_start3A_290 = arith.constant 0 : i32
        %dma_start3A_291 = arith.constant 0 : i32
        %dma_start3A_292 = arith.constant 0 : i32
        %dma_start3A_293 = tpu.memref_slice %arg8[%dma_start3A_289, %dma_start3A_291, %dma_start3A_292] : memref<5x128x64xf32, #tpu.memory_space<vmem>> -> memref<1x128x64xf32, #tpu.memory_space<vmem>>
        %dma_start3A_294 = tpu.memref_squeeze %dma_start3A_293 : memref<1x128x64xf32, #tpu.memory_space<vmem>> -> memref<128x64xf32, #tpu.memory_space<vmem>>
        %dma_start3A_295 = arith.constant 0 : i32
        %dma_start3A_296 = tpu.memref_slice %arg6[%add3A_288, %dma_start3A_295] : memref<160x128xi32, #tpu.memory_space<vmem>> -> memref<1x128xi32, #tpu.memory_space<vmem>>
        %dma_start3A_297 = tpu.memref_squeeze %dma_start3A_296 : memref<1x128xi32, #tpu.memory_space<vmem>> -> memref<128xi32, #tpu.memory_space<vmem>>
        %dma_start3A_298 = arith.constant 0 : i32
        %dma_start3A_299 = arith.constant 0 : i32
        %dma_start3A_300 = tpu.memref_slice %arg2[%dma_start3A_298, %dma_start3A_299] : memref<20000x64xf32, #tpu.memory_space<hbm>> -> memref<20000x64xf32, #tpu.memory_space<hbm>>
        %dma_start3A_301 = tpu.memref_slice %arg11[%dma_start3A_290] : memref<5x!tpu.dma_semaphore, #tpu.memory_space<semaphore_mem>> -> memref<1x!tpu.dma_semaphore, #tpu.memory_space<semaphore_mem>>
        %dma_start3A_302 = tpu.memref_squeeze %dma_start3A_301 : memref<1x!tpu.dma_semaphore, #tpu.memory_space<semaphore_mem>> -> memref<!tpu.dma_semaphore, #tpu.memory_space<semaphore_mem>>
        tpu.enqueue_indirect_dma source(%dma_start3A_300 : memref<20000x64xf32, #tpu.memory_space<hbm>>) target(%dma_start3A_294 : memref<128x64xf32, #tpu.memory_space<vmem>>) offsets(%dma_start3A_297 : memref<128xi32, #tpu.memory_space<vmem>>) semaphore(%dma_start3A_302 : memref<!tpu.dma_semaphore, #tpu.memory_space<semaphore_mem>>)
      } else {
      }
      %mul3A_182 = arith.constant 5 : i32
      %mul3A_183 = arith.muli %scan3A_157, %mul3A_182 : i32
      %add3A_184 = arith.constant 1 : i32
      %add3A_185 = arith.addi %mul3A_183, %add3A_184 : i32
      %dma_wait3A_186 = arith.constant 1 : i32
      %dma_wait3A_187 = arith.constant 1 : i32
      %dma_wait3A_188 = arith.constant 0 : i32
      %dma_wait3A_189 = arith.constant 0 : i32
      %dma_wait3A_190 = tpu.memref_slice %arg8[%dma_wait3A_186, %dma_wait3A_188, %dma_wait3A_189] : memref<5x128x64xf32, #tpu.memory_space<vmem>> -> memref<1x128x64xf32, #tpu.memory_space<vmem>>
      %dma_wait3A_191 = tpu.memref_squeeze %dma_wait3A_190 : memref<1x128x64xf32, #tpu.memory_space<vmem>> -> memref<128x64xf32, #tpu.memory_space<vmem>>
      %dma_wait3A_192 = arith.constant 0 : i32
      %dma_wait3A_193 = tpu.memref_slice %arg6[%add3A_185, %dma_wait3A_192] : memref<160x128xi32, #tpu.memory_space<vmem>> -> memref<1x128xi32, #tpu.memory_space<vmem>>
      %dma_wait3A_194 = tpu.memref_squeeze %dma_wait3A_193 : memref<1x128xi32, #tpu.memory_space<vmem>> -> memref<128xi32, #tpu.memory_space<vmem>>
      %dma_wait3A_195 = arith.constant 0 : i32
      %dma_wait3A_196 = arith.constant 0 : i32
      %dma_wait3A_197 = tpu.memref_slice %arg2[%dma_wait3A_195, %dma_wait3A_196] : memref<20000x64xf32, #tpu.memory_space<hbm>> -> memref<20000x64xf32, #tpu.memory_space<hbm>>
      %dma_wait3A_198 = tpu.memref_slice %arg11[%dma_wait3A_187] : memref<5x!tpu.dma_semaphore, #tpu.memory_space<semaphore_mem>> -> memref<1x!tpu.dma_semaphore, #tpu.memory_space<semaphore_mem>>
      %dma_wait3A_199 = tpu.memref_squeeze %dma_wait3A_198 : memref<1x!tpu.dma_semaphore, #tpu.memory_space<semaphore_mem>> -> memref<!tpu.dma_semaphore, #tpu.memory_space<semaphore_mem>>
      tpu.wait_indirect_dma semaphore(%dma_wait3A_199 : memref<!tpu.dma_semaphore, #tpu.memory_space<semaphore_mem>>) src(%dma_wait3A_197 : memref<20000x64xf32, #tpu.memory_space<hbm>>) dst(%dma_wait3A_191 : memref<128x64xf32, #tpu.memory_space<vmem>>)
      %run_scoped3A_200 = arith.constant 1 : i32
      "tpu.region"() ({
        %run_scoped3A_287 = tpu.sem_alloc : memref<!tpu.dma_semaphore, #tpu.memory_space<semaphore_mem>>
        %dma_start3A_288 = arith.constant 0 : i32
        %dma_start3A_289 = arith.constant 0 : i32
        %dma_start3A_290 = tpu.memref_slice %arg8[%run_scoped3A_200, %dma_start3A_288, %dma_start3A_289] : memref<5x128x64xf32, #tpu.memory_space<vmem>> -> memref<1x128x64xf32, #tpu.memory_space<vmem>>
        %dma_start3A_291 = tpu.memref_squeeze %dma_start3A_290 : memref<1x128x64xf32, #tpu.memory_space<vmem>> -> memref<128x64xf32, #tpu.memory_space<vmem>>
        %dma_start3A_292 = arith.constant 0 : i32
        %dma_start3A_293 = tpu.memref_slice %arg7[%add3A_185, %dma_start3A_292] : memref<160x128xi32, #tpu.memory_space<vmem>> -> memref<1x128xi32, #tpu.memory_space<vmem>>
        %dma_start3A_294 = tpu.memref_squeeze %dma_start3A_293 : memref<1x128xi32, #tpu.memory_space<vmem>> -> memref<128xi32, #tpu.memory_space<vmem>>
        %dma_start3A_295 = arith.constant 0 : i32
        %dma_start3A_296 = arith.constant 0 : i32
        %dma_start3A_297 = tpu.memref_slice %arg9[%dma_start3A_295, %dma_start3A_296] : memref<10240x64xf32, #tpu.memory_space<vmem_shared>> -> memref<10240x64xf32, #tpu.memory_space<vmem_shared>>
        tpu.enqueue_indirect_dma source(%dma_start3A_291 : memref<128x64xf32, #tpu.memory_space<vmem>>) target(%dma_start3A_297 : memref<10240x64xf32, #tpu.memory_space<vmem_shared>>) offsets(%dma_start3A_294 : memref<128xi32, #tpu.memory_space<vmem>>) semaphore(%run_scoped3A_287 : memref<!tpu.dma_semaphore, #tpu.memory_space<semaphore_mem>>) {add = true}
        %dma_wait3A_298 = arith.constant 0 : i32
        %dma_wait3A_299 = arith.constant 0 : i32
        %dma_wait3A_300 = tpu.memref_slice %arg8[%run_scoped3A_200, %dma_wait3A_298, %dma_wait3A_299] : memref<5x128x64xf32, #tpu.memory_space<vmem>> -> memref<1x128x64xf32, #tpu.memory_space<vmem>>
        %dma_wait3A_301 = tpu.memref_squeeze %dma_wait3A_300 : memref<1x128x64xf32, #tpu.memory_space<vmem>> -> memref<128x64xf32, #tpu.memory_space<vmem>>
        %dma_wait3A_302 = arith.constant 0 : i32
        %dma_wait3A_303 = tpu.memref_slice %arg7[%add3A_185, %dma_wait3A_302] : memref<160x128xi32, #tpu.memory_space<vmem>> -> memref<1x128xi32, #tpu.memory_space<vmem>>
        %dma_wait3A_304 = tpu.memref_squeeze %dma_wait3A_303 : memref<1x128xi32, #tpu.memory_space<vmem>> -> memref<128xi32, #tpu.memory_space<vmem>>
        %dma_wait3A_305 = arith.constant 0 : i32
        %dma_wait3A_306 = arith.constant 0 : i32
        %dma_wait3A_307 = tpu.memref_slice %arg9[%dma_wait3A_305, %dma_wait3A_306] : memref<10240x64xf32, #tpu.memory_space<vmem_shared>> -> memref<10240x64xf32, #tpu.memory_space<vmem_shared>>
        tpu.wait_indirect_dma semaphore(%run_scoped3A_287 : memref<!tpu.dma_semaphore, #tpu.memory_space<semaphore_mem>>) src(%dma_wait3A_301 : memref<128x64xf32, #tpu.memory_space<vmem>>) dst(%dma_wait3A_307 : memref<10240x64xf32, #tpu.memory_space<vmem_shared>>)
        tpu.yield
      }) : () -> ()
      %add3A_201 = arith.constant 5 : i32
      %add3A_202 = arith.addi %add3A_185, %add3A_201 : i32
      %lt3A_203 = arith.constant 160 : i32
      %lt3A_204 = arith.cmpi slt, %add3A_202, %lt3A_203 : i32
      %convert_element_type3A_205 = arith.extui %lt3A_204 : i1 to i32
      %cond3A_206 = arith.constant 0 : i32
      %cond3A_207 = arith.cmpi ne, %convert_element_type3A_205, %cond3A_206 : i32
      scf.if %cond3A_207 {
        %add3A_287 = arith.constant 5 : i32
        %add3A_288 = arith.addi %add3A_185, %add3A_287 : i32
        %dma_start3A_289 = arith.constant 1 : i32
        %dma_start3A_290 = arith.constant 1 : i32
        %dma_start3A_291 = arith.constant 0 : i32
        %dma_start3A_292 = arith.constant 0 : i32
        %dma_start3A_293 = tpu.memref_slice %arg8[%dma_start3A_289, %dma_start3A_291, %dma_start3A_292] : memref<5x128x64xf32, #tpu.memory_space<vmem>> -> memref<1x128x64xf32, #tpu.memory_space<vmem>>
        %dma_start3A_294 = tpu.memref_squeeze %dma_start3A_293 : memref<1x128x64xf32, #tpu.memory_space<vmem>> -> memref<128x64xf32, #tpu.memory_space<vmem>>
        %dma_start3A_295 = arith.constant 0 : i32
        %dma_start3A_296 = tpu.memref_slice %arg6[%add3A_288, %dma_start3A_295] : memref<160x128xi32, #tpu.memory_space<vmem>> -> memref<1x128xi32, #tpu.memory_space<vmem>>
        %dma_start3A_297 = tpu.memref_squeeze %dma_start3A_296 : memref<1x128xi32, #tpu.memory_space<vmem>> -> memref<128xi32, #tpu.memory_space<vmem>>
        %dma_start3A_298 = arith.constant 0 : i32
        %dma_start3A_299 = arith.constant 0 : i32
        %dma_start3A_300 = tpu.memref_slice %arg2[%dma_start3A_298, %dma_start3A_299] : memref<20000x64xf32, #tpu.memory_space<hbm>> -> memref<20000x64xf32, #tpu.memory_space<hbm>>
        %dma_start3A_301 = tpu.memref_slice %arg11[%dma_start3A_290] : memref<5x!tpu.dma_semaphore, #tpu.memory_space<semaphore_mem>> -> memref<1x!tpu.dma_semaphore, #tpu.memory_space<semaphore_mem>>
        %dma_start3A_302 = tpu.memref_squeeze %dma_start3A_301 : memref<1x!tpu.dma_semaphore, #tpu.memory_space<semaphore_mem>> -> memref<!tpu.dma_semaphore, #tpu.memory_space<semaphore_mem>>
        tpu.enqueue_indirect_dma source(%dma_start3A_300 : memref<20000x64xf32, #tpu.memory_space<hbm>>) target(%dma_start3A_294 : memref<128x64xf32, #tpu.memory_space<vmem>>) offsets(%dma_start3A_297 : memref<128xi32, #tpu.memory_space<vmem>>) semaphore(%dma_start3A_302 : memref<!tpu.dma_semaphore, #tpu.memory_space<semaphore_mem>>)
      } else {
      }
      %mul3A_208 = arith.constant 5 : i32
      %mul3A_209 = arith.muli %scan3A_157, %mul3A_208 : i32
      %add3A_210 = arith.constant 2 : i32
      %add3A_211 = arith.addi %mul3A_209, %add3A_210 : i32
      %dma_wait3A_212 = arith.constant 2 : i32
      %dma_wait3A_213 = arith.constant 2 : i32
      %dma_wait3A_214 = arith.constant 0 : i32
      %dma_wait3A_215 = arith.constant 0 : i32
      %dma_wait3A_216 = tpu.memref_slice %arg8[%dma_wait3A_212, %dma_wait3A_214, %dma_wait3A_215] : memref<5x128x64xf32, #tpu.memory_space<vmem>> -> memref<1x128x64xf32, #tpu.memory_space<vmem>>
      %dma_wait3A_217 = tpu.memref_squeeze %dma_wait3A_216 : memref<1x128x64xf32, #tpu.memory_space<vmem>> -> memref<128x64xf32, #tpu.memory_space<vmem>>
      %dma_wait3A_218 = arith.constant 0 : i32
      %dma_wait3A_219 = tpu.memref_slice %arg6[%add3A_211, %dma_wait3A_218] : memref<160x128xi32, #tpu.memory_space<vmem>> -> memref<1x128xi32, #tpu.memory_space<vmem>>
      %dma_wait3A_220 = tpu.memref_squeeze %dma_wait3A_219 : memref<1x128xi32, #tpu.memory_space<vmem>> -> memref<128xi32, #tpu.memory_space<vmem>>
      %dma_wait3A_221 = arith.constant 0 : i32
      %dma_wait3A_222 = arith.constant 0 : i32
      %dma_wait3A_223 = tpu.memref_slice %arg2[%dma_wait3A_221, %dma_wait3A_222] : memref<20000x64xf32, #tpu.memory_space<hbm>> -> memref<20000x64xf32, #tpu.memory_space<hbm>>
      %dma_wait3A_224 = tpu.memref_slice %arg11[%dma_wait3A_213] : memref<5x!tpu.dma_semaphore, #tpu.memory_space<semaphore_mem>> -> memref<1x!tpu.dma_semaphore, #tpu.memory_space<semaphore_mem>>
      %dma_wait3A_225 = tpu.memref_squeeze %dma_wait3A_224 : memref<1x!tpu.dma_semaphore, #tpu.memory_space<semaphore_mem>> -> memref<!tpu.dma_semaphore, #tpu.memory_space<semaphore_mem>>
      tpu.wait_indirect_dma semaphore(%dma_wait3A_225 : memref<!tpu.dma_semaphore, #tpu.memory_space<semaphore_mem>>) src(%dma_wait3A_223 : memref<20000x64xf32, #tpu.memory_space<hbm>>) dst(%dma_wait3A_217 : memref<128x64xf32, #tpu.memory_space<vmem>>)
      %run_scoped3A_226 = arith.constant 2 : i32
      "tpu.region"() ({
        %run_scoped3A_287 = tpu.sem_alloc : memref<!tpu.dma_semaphore, #tpu.memory_space<semaphore_mem>>
        %dma_start3A_288 = arith.constant 0 : i32
        %dma_start3A_289 = arith.constant 0 : i32
        %dma_start3A_290 = tpu.memref_slice %arg8[%run_scoped3A_226, %dma_start3A_288, %dma_start3A_289] : memref<5x128x64xf32, #tpu.memory_space<vmem>> -> memref<1x128x64xf32, #tpu.memory_space<vmem>>
        %dma_start3A_291 = tpu.memref_squeeze %dma_start3A_290 : memref<1x128x64xf32, #tpu.memory_space<vmem>> -> memref<128x64xf32, #tpu.memory_space<vmem>>
        %dma_start3A_292 = arith.constant 0 : i32
        %dma_start3A_293 = tpu.memref_slice %arg7[%add3A_211, %dma_start3A_292] : memref<160x128xi32, #tpu.memory_space<vmem>> -> memref<1x128xi32, #tpu.memory_space<vmem>>
        %dma_start3A_294 = tpu.memref_squeeze %dma_start3A_293 : memref<1x128xi32, #tpu.memory_space<vmem>> -> memref<128xi32, #tpu.memory_space<vmem>>
        %dma_start3A_295 = arith.constant 0 : i32
        %dma_start3A_296 = arith.constant 0 : i32
        %dma_start3A_297 = tpu.memref_slice %arg9[%dma_start3A_295, %dma_start3A_296] : memref<10240x64xf32, #tpu.memory_space<vmem_shared>> -> memref<10240x64xf32, #tpu.memory_space<vmem_shared>>
        tpu.enqueue_indirect_dma source(%dma_start3A_291 : memref<128x64xf32, #tpu.memory_space<vmem>>) target(%dma_start3A_297 : memref<10240x64xf32, #tpu.memory_space<vmem_shared>>) offsets(%dma_start3A_294 : memref<128xi32, #tpu.memory_space<vmem>>) semaphore(%run_scoped3A_287 : memref<!tpu.dma_semaphore, #tpu.memory_space<semaphore_mem>>) {add = true}
        %dma_wait3A_298 = arith.constant 0 : i32
        %dma_wait3A_299 = arith.constant 0 : i32
        %dma_wait3A_300 = tpu.memref_slice %arg8[%run_scoped3A_226, %dma_wait3A_298, %dma_wait3A_299] : memref<5x128x64xf32, #tpu.memory_space<vmem>> -> memref<1x128x64xf32, #tpu.memory_space<vmem>>
        %dma_wait3A_301 = tpu.memref_squeeze %dma_wait3A_300 : memref<1x128x64xf32, #tpu.memory_space<vmem>> -> memref<128x64xf32, #tpu.memory_space<vmem>>
        %dma_wait3A_302 = arith.constant 0 : i32
        %dma_wait3A_303 = tpu.memref_slice %arg7[%add3A_211, %dma_wait3A_302] : memref<160x128xi32, #tpu.memory_space<vmem>> -> memref<1x128xi32, #tpu.memory_space<vmem>>
        %dma_wait3A_304 = tpu.memref_squeeze %dma_wait3A_303 : memref<1x128xi32, #tpu.memory_space<vmem>> -> memref<128xi32, #tpu.memory_space<vmem>>
        %dma_wait3A_305 = arith.constant 0 : i32
        %dma_wait3A_306 = arith.constant 0 : i32
        %dma_wait3A_307 = tpu.memref_slice %arg9[%dma_wait3A_305, %dma_wait3A_306] : memref<10240x64xf32, #tpu.memory_space<vmem_shared>> -> memref<10240x64xf32, #tpu.memory_space<vmem_shared>>
        tpu.wait_indirect_dma semaphore(%run_scoped3A_287 : memref<!tpu.dma_semaphore, #tpu.memory_space<semaphore_mem>>) src(%dma_wait3A_301 : memref<128x64xf32, #tpu.memory_space<vmem>>) dst(%dma_wait3A_307 : memref<10240x64xf32, #tpu.memory_space<vmem_shared>>)
        tpu.yield
      }) : () -> ()
      %add3A_227 = arith.constant 5 : i32
      %add3A_228 = arith.addi %add3A_211, %add3A_227 : i32
      %lt3A_229 = arith.constant 160 : i32
      %lt3A_230 = arith.cmpi slt, %add3A_228, %lt3A_229 : i32
      %convert_element_type3A_231 = arith.extui %lt3A_230 : i1 to i32
      %cond3A_232 = arith.constant 0 : i32
      %cond3A_233 = arith.cmpi ne, %convert_element_type3A_231, %cond3A_232 : i32
      scf.if %cond3A_233 {
        %add3A_287 = arith.constant 5 : i32
        %add3A_288 = arith.addi %add3A_211, %add3A_287 : i32
        %dma_start3A_289 = arith.constant 2 : i32
        %dma_start3A_290 = arith.constant 2 : i32
        %dma_start3A_291 = arith.constant 0 : i32
        %dma_start3A_292 = arith.constant 0 : i32
        %dma_start3A_293 = tpu.memref_slice %arg8[%dma_start3A_289, %dma_start3A_291, %dma_start3A_292] : memref<5x128x64xf32, #tpu.memory_space<vmem>> -> memref<1x128x64xf32, #tpu.memory_space<vmem>>
        %dma_start3A_294 = tpu.memref_squeeze %dma_start3A_293 : memref<1x128x64xf32, #tpu.memory_space<vmem>> -> memref<128x64xf32, #tpu.memory_space<vmem>>
        %dma_start3A_295 = arith.constant 0 : i32
        %dma_start3A_296 = tpu.memref_slice %arg6[%add3A_288, %dma_start3A_295] : memref<160x128xi32, #tpu.memory_space<vmem>> -> memref<1x128xi32, #tpu.memory_space<vmem>>
        %dma_start3A_297 = tpu.memref_squeeze %dma_start3A_296 : memref<1x128xi32, #tpu.memory_space<vmem>> -> memref<128xi32, #tpu.memory_space<vmem>>
        %dma_start3A_298 = arith.constant 0 : i32
        %dma_start3A_299 = arith.constant 0 : i32
        %dma_start3A_300 = tpu.memref_slice %arg2[%dma_start3A_298, %dma_start3A_299] : memref<20000x64xf32, #tpu.memory_space<hbm>> -> memref<20000x64xf32, #tpu.memory_space<hbm>>
        %dma_start3A_301 = tpu.memref_slice %arg11[%dma_start3A_290] : memref<5x!tpu.dma_semaphore, #tpu.memory_space<semaphore_mem>> -> memref<1x!tpu.dma_semaphore, #tpu.memory_space<semaphore_mem>>
        %dma_start3A_302 = tpu.memref_squeeze %dma_start3A_301 : memref<1x!tpu.dma_semaphore, #tpu.memory_space<semaphore_mem>> -> memref<!tpu.dma_semaphore, #tpu.memory_space<semaphore_mem>>
        tpu.enqueue_indirect_dma source(%dma_start3A_300 : memref<20000x64xf32, #tpu.memory_space<hbm>>) target(%dma_start3A_294 : memref<128x64xf32, #tpu.memory_space<vmem>>) offsets(%dma_start3A_297 : memref<128xi32, #tpu.memory_space<vmem>>) semaphore(%dma_start3A_302 : memref<!tpu.dma_semaphore, #tpu.memory_space<semaphore_mem>>)
      } else {
      }
      %mul3A_234 = arith.constant 5 : i32
      %mul3A_235 = arith.muli %scan3A_157, %mul3A_234 : i32
      %add3A_236 = arith.constant 3 : i32
      %add3A_237 = arith.addi %mul3A_235, %add3A_236 : i32
      %dma_wait3A_238 = arith.constant 3 : i32
      %dma_wait3A_239 = arith.constant 3 : i32
      %dma_wait3A_240 = arith.constant 0 : i32
      %dma_wait3A_241 = arith.constant 0 : i32
      %dma_wait3A_242 = tpu.memref_slice %arg8[%dma_wait3A_238, %dma_wait3A_240, %dma_wait3A_241] : memref<5x128x64xf32, #tpu.memory_space<vmem>> -> memref<1x128x64xf32, #tpu.memory_space<vmem>>
      %dma_wait3A_243 = tpu.memref_squeeze %dma_wait3A_242 : memref<1x128x64xf32, #tpu.memory_space<vmem>> -> memref<128x64xf32, #tpu.memory_space<vmem>>
      %dma_wait3A_244 = arith.constant 0 : i32
      %dma_wait3A_245 = tpu.memref_slice %arg6[%add3A_237, %dma_wait3A_244] : memref<160x128xi32, #tpu.memory_space<vmem>> -> memref<1x128xi32, #tpu.memory_space<vmem>>
      %dma_wait3A_246 = tpu.memref_squeeze %dma_wait3A_245 : memref<1x128xi32, #tpu.memory_space<vmem>> -> memref<128xi32, #tpu.memory_space<vmem>>
      %dma_wait3A_247 = arith.constant 0 : i32
      %dma_wait3A_248 = arith.constant 0 : i32
      %dma_wait3A_249 = tpu.memref_slice %arg2[%dma_wait3A_247, %dma_wait3A_248] : memref<20000x64xf32, #tpu.memory_space<hbm>> -> memref<20000x64xf32, #tpu.memory_space<hbm>>
      %dma_wait3A_250 = tpu.memref_slice %arg11[%dma_wait3A_239] : memref<5x!tpu.dma_semaphore, #tpu.memory_space<semaphore_mem>> -> memref<1x!tpu.dma_semaphore, #tpu.memory_space<semaphore_mem>>
      %dma_wait3A_251 = tpu.memref_squeeze %dma_wait3A_250 : memref<1x!tpu.dma_semaphore, #tpu.memory_space<semaphore_mem>> -> memref<!tpu.dma_semaphore, #tpu.memory_space<semaphore_mem>>
      tpu.wait_indirect_dma semaphore(%dma_wait3A_251 : memref<!tpu.dma_semaphore, #tpu.memory_space<semaphore_mem>>) src(%dma_wait3A_249 : memref<20000x64xf32, #tpu.memory_space<hbm>>) dst(%dma_wait3A_243 : memref<128x64xf32, #tpu.memory_space<vmem>>)
      %run_scoped3A_252 = arith.constant 3 : i32
      "tpu.region"() ({
        %run_scoped3A_287 = tpu.sem_alloc : memref<!tpu.dma_semaphore, #tpu.memory_space<semaphore_mem>>
        %dma_start3A_288 = arith.constant 0 : i32
        %dma_start3A_289 = arith.constant 0 : i32
        %dma_start3A_290 = tpu.memref_slice %arg8[%run_scoped3A_252, %dma_start3A_288, %dma_start3A_289] : memref<5x128x64xf32, #tpu.memory_space<vmem>> -> memref<1x128x64xf32, #tpu.memory_space<vmem>>
        %dma_start3A_291 = tpu.memref_squeeze %dma_start3A_290 : memref<1x128x64xf32, #tpu.memory_space<vmem>> -> memref<128x64xf32, #tpu.memory_space<vmem>>
        %dma_start3A_292 = arith.constant 0 : i32
        %dma_start3A_293 = tpu.memref_slice %arg7[%add3A_237, %dma_start3A_292] : memref<160x128xi32, #tpu.memory_space<vmem>> -> memref<1x128xi32, #tpu.memory_space<vmem>>
        %dma_start3A_294 = tpu.memref_squeeze %dma_start3A_293 : memref<1x128xi32, #tpu.memory_space<vmem>> -> memref<128xi32, #tpu.memory_space<vmem>>
        %dma_start3A_295 = arith.constant 0 : i32
        %dma_start3A_296 = arith.constant 0 : i32
        %dma_start3A_297 = tpu.memref_slice %arg9[%dma_start3A_295, %dma_start3A_296] : memref<10240x64xf32, #tpu.memory_space<vmem_shared>> -> memref<10240x64xf32, #tpu.memory_space<vmem_shared>>
        tpu.enqueue_indirect_dma source(%dma_start3A_291 : memref<128x64xf32, #tpu.memory_space<vmem>>) target(%dma_start3A_297 : memref<10240x64xf32, #tpu.memory_space<vmem_shared>>) offsets(%dma_start3A_294 : memref<128xi32, #tpu.memory_space<vmem>>) semaphore(%run_scoped3A_287 : memref<!tpu.dma_semaphore, #tpu.memory_space<semaphore_mem>>) {add = true}
        %dma_wait3A_298 = arith.constant 0 : i32
        %dma_wait3A_299 = arith.constant 0 : i32
        %dma_wait3A_300 = tpu.memref_slice %arg8[%run_scoped3A_252, %dma_wait3A_298, %dma_wait3A_299] : memref<5x128x64xf32, #tpu.memory_space<vmem>> -> memref<1x128x64xf32, #tpu.memory_space<vmem>>
        %dma_wait3A_301 = tpu.memref_squeeze %dma_wait3A_300 : memref<1x128x64xf32, #tpu.memory_space<vmem>> -> memref<128x64xf32, #tpu.memory_space<vmem>>
        %dma_wait3A_302 = arith.constant 0 : i32
        %dma_wait3A_303 = tpu.memref_slice %arg7[%add3A_237, %dma_wait3A_302] : memref<160x128xi32, #tpu.memory_space<vmem>> -> memref<1x128xi32, #tpu.memory_space<vmem>>
        %dma_wait3A_304 = tpu.memref_squeeze %dma_wait3A_303 : memref<1x128xi32, #tpu.memory_space<vmem>> -> memref<128xi32, #tpu.memory_space<vmem>>
        %dma_wait3A_305 = arith.constant 0 : i32
        %dma_wait3A_306 = arith.constant 0 : i32
        %dma_wait3A_307 = tpu.memref_slice %arg9[%dma_wait3A_305, %dma_wait3A_306] : memref<10240x64xf32, #tpu.memory_space<vmem_shared>> -> memref<10240x64xf32, #tpu.memory_space<vmem_shared>>
        tpu.wait_indirect_dma semaphore(%run_scoped3A_287 : memref<!tpu.dma_semaphore, #tpu.memory_space<semaphore_mem>>) src(%dma_wait3A_301 : memref<128x64xf32, #tpu.memory_space<vmem>>) dst(%dma_wait3A_307 : memref<10240x64xf32, #tpu.memory_space<vmem_shared>>)
        tpu.yield
      }) : () -> ()
      %add3A_253 = arith.constant 5 : i32
      %add3A_254 = arith.addi %add3A_237, %add3A_253 : i32
      %lt3A_255 = arith.constant 160 : i32
      %lt3A_256 = arith.cmpi slt, %add3A_254, %lt3A_255 : i32
      %convert_element_type3A_257 = arith.extui %lt3A_256 : i1 to i32
      %cond3A_258 = arith.constant 0 : i32
      %cond3A_259 = arith.cmpi ne, %convert_element_type3A_257, %cond3A_258 : i32
      scf.if %cond3A_259 {
        %add3A_287 = arith.constant 5 : i32
        %add3A_288 = arith.addi %add3A_237, %add3A_287 : i32
        %dma_start3A_289 = arith.constant 3 : i32
        %dma_start3A_290 = arith.constant 3 : i32
        %dma_start3A_291 = arith.constant 0 : i32
        %dma_start3A_292 = arith.constant 0 : i32
        %dma_start3A_293 = tpu.memref_slice %arg8[%dma_start3A_289, %dma_start3A_291, %dma_start3A_292] : memref<5x128x64xf32, #tpu.memory_space<vmem>> -> memref<1x128x64xf32, #tpu.memory_space<vmem>>
        %dma_start3A_294 = tpu.memref_squeeze %dma_start3A_293 : memref<1x128x64xf32, #tpu.memory_space<vmem>> -> memref<128x64xf32, #tpu.memory_space<vmem>>
        %dma_start3A_295 = arith.constant 0 : i32
        %dma_start3A_296 = tpu.memref_slice %arg6[%add3A_288, %dma_start3A_295] : memref<160x128xi32, #tpu.memory_space<vmem>> -> memref<1x128xi32, #tpu.memory_space<vmem>>
        %dma_start3A_297 = tpu.memref_squeeze %dma_start3A_296 : memref<1x128xi32, #tpu.memory_space<vmem>> -> memref<128xi32, #tpu.memory_space<vmem>>
        %dma_start3A_298 = arith.constant 0 : i32
        %dma_start3A_299 = arith.constant 0 : i32
        %dma_start3A_300 = tpu.memref_slice %arg2[%dma_start3A_298, %dma_start3A_299] : memref<20000x64xf32, #tpu.memory_space<hbm>> -> memref<20000x64xf32, #tpu.memory_space<hbm>>
        %dma_start3A_301 = tpu.memref_slice %arg11[%dma_start3A_290] : memref<5x!tpu.dma_semaphore, #tpu.memory_space<semaphore_mem>> -> memref<1x!tpu.dma_semaphore, #tpu.memory_space<semaphore_mem>>
        %dma_start3A_302 = tpu.memref_squeeze %dma_start3A_301 : memref<1x!tpu.dma_semaphore, #tpu.memory_space<semaphore_mem>> -> memref<!tpu.dma_semaphore, #tpu.memory_space<semaphore_mem>>
        tpu.enqueue_indirect_dma source(%dma_start3A_300 : memref<20000x64xf32, #tpu.memory_space<hbm>>) target(%dma_start3A_294 : memref<128x64xf32, #tpu.memory_space<vmem>>) offsets(%dma_start3A_297 : memref<128xi32, #tpu.memory_space<vmem>>) semaphore(%dma_start3A_302 : memref<!tpu.dma_semaphore, #tpu.memory_space<semaphore_mem>>)
      } else {
      }
      %mul3A_260 = arith.constant 5 : i32
      %mul3A_261 = arith.muli %scan3A_157, %mul3A_260 : i32
      %add3A_262 = arith.constant 4 : i32
      %add3A_263 = arith.addi %mul3A_261, %add3A_262 : i32
      %dma_wait3A_264 = arith.constant 4 : i32
      %dma_wait3A_265 = arith.constant 4 : i32
      %dma_wait3A_266 = arith.constant 0 : i32
      %dma_wait3A_267 = arith.constant 0 : i32
      %dma_wait3A_268 = tpu.memref_slice %arg8[%dma_wait3A_264, %dma_wait3A_266, %dma_wait3A_267] : memref<5x128x64xf32, #tpu.memory_space<vmem>> -> memref<1x128x64xf32, #tpu.memory_space<vmem>>
      %dma_wait3A_269 = tpu.memref_squeeze %dma_wait3A_268 : memref<1x128x64xf32, #tpu.memory_space<vmem>> -> memref<128x64xf32, #tpu.memory_space<vmem>>
      %dma_wait3A_270 = arith.constant 0 : i32
      %dma_wait3A_271 = tpu.memref_slice %arg6[%add3A_263, %dma_wait3A_270] : memref<160x128xi32, #tpu.memory_space<vmem>> -> memref<1x128xi32, #tpu.memory_space<vmem>>
      %dma_wait3A_272 = tpu.memref_squeeze %dma_wait3A_271 : memref<1x128xi32, #tpu.memory_space<vmem>> -> memref<128xi32, #tpu.memory_space<vmem>>
      %dma_wait3A_273 = arith.constant 0 : i32
      %dma_wait3A_274 = arith.constant 0 : i32
      %dma_wait3A_275 = tpu.memref_slice %arg2[%dma_wait3A_273, %dma_wait3A_274] : memref<20000x64xf32, #tpu.memory_space<hbm>> -> memref<20000x64xf32, #tpu.memory_space<hbm>>
      %dma_wait3A_276 = tpu.memref_slice %arg11[%dma_wait3A_265] : memref<5x!tpu.dma_semaphore, #tpu.memory_space<semaphore_mem>> -> memref<1x!tpu.dma_semaphore, #tpu.memory_space<semaphore_mem>>
      %dma_wait3A_277 = tpu.memref_squeeze %dma_wait3A_276 : memref<1x!tpu.dma_semaphore, #tpu.memory_space<semaphore_mem>> -> memref<!tpu.dma_semaphore, #tpu.memory_space<semaphore_mem>>
      tpu.wait_indirect_dma semaphore(%dma_wait3A_277 : memref<!tpu.dma_semaphore, #tpu.memory_space<semaphore_mem>>) src(%dma_wait3A_275 : memref<20000x64xf32, #tpu.memory_space<hbm>>) dst(%dma_wait3A_269 : memref<128x64xf32, #tpu.memory_space<vmem>>)
      %run_scoped3A_278 = arith.constant 4 : i32
      "tpu.region"() ({
        %run_scoped3A_287 = tpu.sem_alloc : memref<!tpu.dma_semaphore, #tpu.memory_space<semaphore_mem>>
        %dma_start3A_288 = arith.constant 0 : i32
        %dma_start3A_289 = arith.constant 0 : i32
        %dma_start3A_290 = tpu.memref_slice %arg8[%run_scoped3A_278, %dma_start3A_288, %dma_start3A_289] : memref<5x128x64xf32, #tpu.memory_space<vmem>> -> memref<1x128x64xf32, #tpu.memory_space<vmem>>
        %dma_start3A_291 = tpu.memref_squeeze %dma_start3A_290 : memref<1x128x64xf32, #tpu.memory_space<vmem>> -> memref<128x64xf32, #tpu.memory_space<vmem>>
        %dma_start3A_292 = arith.constant 0 : i32
        %dma_start3A_293 = tpu.memref_slice %arg7[%add3A_263, %dma_start3A_292] : memref<160x128xi32, #tpu.memory_space<vmem>> -> memref<1x128xi32, #tpu.memory_space<vmem>>
        %dma_start3A_294 = tpu.memref_squeeze %dma_start3A_293 : memref<1x128xi32, #tpu.memory_space<vmem>> -> memref<128xi32, #tpu.memory_space<vmem>>
        %dma_start3A_295 = arith.constant 0 : i32
        %dma_start3A_296 = arith.constant 0 : i32
        %dma_start3A_297 = tpu.memref_slice %arg9[%dma_start3A_295, %dma_start3A_296] : memref<10240x64xf32, #tpu.memory_space<vmem_shared>> -> memref<10240x64xf32, #tpu.memory_space<vmem_shared>>
        tpu.enqueue_indirect_dma source(%dma_start3A_291 : memref<128x64xf32, #tpu.memory_space<vmem>>) target(%dma_start3A_297 : memref<10240x64xf32, #tpu.memory_space<vmem_shared>>) offsets(%dma_start3A_294 : memref<128xi32, #tpu.memory_space<vmem>>) semaphore(%run_scoped3A_287 : memref<!tpu.dma_semaphore, #tpu.memory_space<semaphore_mem>>) {add = true}
        %dma_wait3A_298 = arith.constant 0 : i32
        %dma_wait3A_299 = arith.constant 0 : i32
        %dma_wait3A_300 = tpu.memref_slice %arg8[%run_scoped3A_278, %dma_wait3A_298, %dma_wait3A_299] : memref<5x128x64xf32, #tpu.memory_space<vmem>> -> memref<1x128x64xf32, #tpu.memory_space<vmem>>
        %dma_wait3A_301 = tpu.memref_squeeze %dma_wait3A_300 : memref<1x128x64xf32, #tpu.memory_space<vmem>> -> memref<128x64xf32, #tpu.memory_space<vmem>>
        %dma_wait3A_302 = arith.constant 0 : i32
        %dma_wait3A_303 = tpu.memref_slice %arg7[%add3A_263, %dma_wait3A_302] : memref<160x128xi32, #tpu.memory_space<vmem>> -> memref<1x128xi32, #tpu.memory_space<vmem>>
        %dma_wait3A_304 = tpu.memref_squeeze %dma_wait3A_303 : memref<1x128xi32, #tpu.memory_space<vmem>> -> memref<128xi32, #tpu.memory_space<vmem>>
        %dma_wait3A_305 = arith.constant 0 : i32
        %dma_wait3A_306 = arith.constant 0 : i32
        %dma_wait3A_307 = tpu.memref_slice %arg9[%dma_wait3A_305, %dma_wait3A_306] : memref<10240x64xf32, #tpu.memory_space<vmem_shared>> -> memref<10240x64xf32, #tpu.memory_space<vmem_shared>>
        tpu.wait_indirect_dma semaphore(%run_scoped3A_287 : memref<!tpu.dma_semaphore, #tpu.memory_space<semaphore_mem>>) src(%dma_wait3A_301 : memref<128x64xf32, #tpu.memory_space<vmem>>) dst(%dma_wait3A_307 : memref<10240x64xf32, #tpu.memory_space<vmem_shared>>)
        tpu.yield
      }) : () -> ()
      %add3A_279 = arith.constant 5 : i32
      %add3A_280 = arith.addi %add3A_263, %add3A_279 : i32
      %lt3A_281 = arith.constant 160 : i32
      %lt3A_282 = arith.cmpi slt, %add3A_280, %lt3A_281 : i32
      %convert_element_type3A_283 = arith.extui %lt3A_282 : i1 to i32
      %cond3A_284 = arith.constant 0 : i32
      %cond3A_285 = arith.cmpi ne, %convert_element_type3A_283, %cond3A_284 : i32
      scf.if %cond3A_285 {
        %add3A_287 = arith.constant 5 : i32
        %add3A_288 = arith.addi %add3A_263, %add3A_287 : i32
        %dma_start3A_289 = arith.constant 4 : i32
        %dma_start3A_290 = arith.constant 4 : i32
        %dma_start3A_291 = arith.constant 0 : i32
        %dma_start3A_292 = arith.constant 0 : i32
        %dma_start3A_293 = tpu.memref_slice %arg8[%dma_start3A_289, %dma_start3A_291, %dma_start3A_292] : memref<5x128x64xf32, #tpu.memory_space<vmem>> -> memref<1x128x64xf32, #tpu.memory_space<vmem>>
        %dma_start3A_294 = tpu.memref_squeeze %dma_start3A_293 : memref<1x128x64xf32, #tpu.memory_space<vmem>> -> memref<128x64xf32, #tpu.memory_space<vmem>>
        %dma_start3A_295 = arith.constant 0 : i32
        %dma_start3A_296 = tpu.memref_slice %arg6[%add3A_288, %dma_start3A_295] : memref<160x128xi32, #tpu.memory_space<vmem>> -> memref<1x128xi32, #tpu.memory_space<vmem>>
        %dma_start3A_297 = tpu.memref_squeeze %dma_start3A_296 : memref<1x128xi32, #tpu.memory_space<vmem>> -> memref<128xi32, #tpu.memory_space<vmem>>
        %dma_start3A_298 = arith.constant 0 : i32
        %dma_start3A_299 = arith.constant 0 : i32
        %dma_start3A_300 = tpu.memref_slice %arg2[%dma_start3A_298, %dma_start3A_299] : memref<20000x64xf32, #tpu.memory_space<hbm>> -> memref<20000x64xf32, #tpu.memory_space<hbm>>
        %dma_start3A_301 = tpu.memref_slice %arg11[%dma_start3A_290] : memref<5x!tpu.dma_semaphore, #tpu.memory_space<semaphore_mem>> -> memref<1x!tpu.dma_semaphore, #tpu.memory_space<semaphore_mem>>
        %dma_start3A_302 = tpu.memref_squeeze %dma_start3A_301 : memref<1x!tpu.dma_semaphore, #tpu.memory_space<semaphore_mem>> -> memref<!tpu.dma_semaphore, #tpu.memory_space<semaphore_mem>>
        tpu.enqueue_indirect_dma source(%dma_start3A_300 : memref<20000x64xf32, #tpu.memory_space<hbm>>) target(%dma_start3A_294 : memref<128x64xf32, #tpu.memory_space<vmem>>) offsets(%dma_start3A_297 : memref<128xi32, #tpu.memory_space<vmem>>) semaphore(%dma_start3A_302 : memref<!tpu.dma_semaphore, #tpu.memory_space<semaphore_mem>>)
      } else {
      }
      %scan3A_286 = arith.constant 0 : i32
      scf.yield %scan3A_286 : i32
    }
    %scan3A_151 = arith.constant 32 : i32
    %barrier3A_152 = arith.constant 0 : index
    tpu.barrier barrier_id(%barrier3A_152)
    %mul3A_153 = arith.constant 640 : i32
    %mul3A_154 = arith.muli %arg1, %mul3A_153 : i32
    %mul3A_155 = arith.constant 640 : i32
    %mul3A_156 = arith.muli %arg1, %mul3A_155 : i32
    "tpu.region"() ({
      %run_scoped3A_157 = tpu.sem_alloc : memref<!tpu.dma_semaphore, #tpu.memory_space<semaphore_mem>>
      %dma_start3A_158 = arith.constant 0 : i32
      %dma_start3A_159 = tpu.memref_slice %arg5[%arg0, %mul3A_156, %dma_start3A_158] : memref<2x10240x64xf32, #tpu.memory_space<hbm>> -> memref<1x640x64xf32, #tpu.memory_space<hbm>>
      %dma_start3A_160 = tpu.memref_squeeze %dma_start3A_159 : memref<1x640x64xf32, #tpu.memory_space<hbm>> -> memref<640x64xf32, #tpu.memory_space<hbm>>
      %dma_start3A_161 = arith.constant 0 : i32
      %dma_start3A_162 = tpu.memref_slice %arg9[%mul3A_154, %dma_start3A_161] : memref<10240x64xf32, #tpu.memory_space<vmem_shared>> -> memref<640x64xf32, #tpu.memory_space<vmem_shared>>
      tpu.enqueue_dma source(%dma_start3A_162 : memref<640x64xf32, #tpu.memory_space<vmem_shared>>) target(%dma_start3A_160 : memref<640x64xf32, #tpu.memory_space<hbm>>) target_semaphore(%run_scoped3A_157 : memref<!tpu.dma_semaphore, #tpu.memory_space<semaphore_mem>>)
      %dma_wait3A_163 = arith.constant 0 : i32
      %dma_wait3A_164 = tpu.memref_slice %arg5[%arg0, %mul3A_156, %dma_wait3A_163] : memref<2x10240x64xf32, #tpu.memory_space<hbm>> -> memref<1x640x64xf32, #tpu.memory_space<hbm>>
      %dma_wait3A_165 = tpu.memref_squeeze %dma_wait3A_164 : memref<1x640x64xf32, #tpu.memory_space<hbm>> -> memref<640x64xf32, #tpu.memory_space<hbm>>
      %dma_wait3A_166 = arith.constant 0 : i32
      %dma_wait3A_167 = tpu.memref_slice %arg9[%mul3A_154, %dma_wait3A_166] : memref<10240x64xf32, #tpu.memory_space<vmem_shared>> -> memref<640x64xf32, #tpu.memory_space<vmem_shared>>
      tpu.wait_dma2 semaphore(%run_scoped3A_157 : memref<!tpu.dma_semaphore, #tpu.memory_space<semaphore_mem>>) src(%dma_wait3A_167 : memref<640x64xf32, #tpu.memory_space<vmem_shared>>) dst(%dma_wait3A_165 : memref<640x64xf32, #tpu.memory_space<hbm>>)
      tpu.yield
    }) : () -> ()
    return
  }
}

#map = affine_map<(d0, d1) -> (0, 0, 0)>
module attributes {stable_mosaic.version = 14 : i64} {
  func.func @_deg_body(%arg0: i32, %arg1: i32, %arg2: memref<32x80x128xi32, #tpu.memory_space<hbm>>, %arg3: memref<2x10240x16xf32, #tpu.memory_space<hbm>>, %arg4: memref<80x128xi32, #tpu.memory_space<vmem>>, %arg5: memref<128x16xf32, #tpu.memory_space<vmem>>, %arg6: memref<128x16xf32, #tpu.memory_space<vmem>>, %arg7: memref<10240x16xf32, #tpu.memory_space<vmem_shared>>) attributes {dimension_semantics = [#tpu.dimension_semantics<core_parallel>, #tpu.dimension_semantics<subcore_parallel>], iteration_bounds = array<i64: 2, 16>, scalar_prefetch = 0 : i64, scratch_operands = 4 : i64, tpu.core_type = #tpu.core_type<sc_vector_subcore>, window_params = [{transform_indices = #map}, {transform_indices = #map}]} {
    %mul3A = arith.constant 16 : i32
    %mul3A_0 = arith.muli %arg0, %mul3A : i32
    %add3A = arith.addi %mul3A_0, %arg1 : i32
    %scan3A = arith.constant 0 : i32
    %scan3A_1 = arith.constant 0 : i32
    %scan3A_2 = arith.constant 128 : i32
    %scan3A_3 = arith.addi %scan3A_1, %scan3A_2 : i32
    %scan3A_4 = arith.constant 1 : i32
    %scan3A_5 = scf.for %scan3A_39 = %scan3A_1 to %scan3A_3 step %scan3A_4 iter_args(%scan3A_40 = %scan3A) -> (i32)  : i32 {
      %broadcast_in_dim3A = arith.constant 1.000000e+00 : f32
      %broadcast_in_dim3A_41 = vector.broadcast %broadcast_in_dim3A : f32 to vector<16xf32>
      %swap3A = arith.index_cast %scan3A_39 : i32 to index
      %swap3A_42 = arith.constant 0 : index
      %swap3A_43 = tpu.vector_load %arg5[%swap3A, %swap3A_42] {strides = array<i32>} : memref<128x16xf32, #tpu.memory_space<vmem>>, vector<1x16xf32>,
      %swap3A_44 = vector.shape_cast %swap3A_43 : vector<1x16xf32> to vector<16xf32>
      %swap3A_45 = vector.shape_cast %broadcast_in_dim3A_41 : vector<16xf32> to vector<1x16xf32>
      tpu.vector_store %arg5[%swap3A, %swap3A_42], %swap3A_45 {strides = array<i32>} : memref<128x16xf32, #tpu.memory_space<vmem>>, vector<1x16xf32>,
      %broadcast_in_dim3A_46 = arith.constant 0.000000e+00 : f32
      %broadcast_in_dim3A_47 = vector.broadcast %broadcast_in_dim3A_46 : f32 to vector<16xf32>
      %swap3A_48 = arith.index_cast %scan3A_39 : i32 to index
      %swap3A_49 = arith.constant 0 : index
      %swap3A_50 = tpu.vector_load %arg6[%swap3A_48, %swap3A_49] {strides = array<i32>} : memref<128x16xf32, #tpu.memory_space<vmem>>, vector<1x16xf32>,
      %swap3A_51 = vector.shape_cast %swap3A_50 : vector<1x16xf32> to vector<16xf32>
      %swap3A_52 = vector.shape_cast %broadcast_in_dim3A_47 : vector<16xf32> to vector<1x16xf32>
      tpu.vector_store %arg6[%swap3A_48, %swap3A_49], %swap3A_52 {strides = array<i32>} : memref<128x16xf32, #tpu.memory_space<vmem>>, vector<1x16xf32>,
      %scan3A_53 = arith.constant 0 : i32
      scf.yield %scan3A_53 : i32
    }
    %scan3A_6 = arith.constant 128 : i32
    %mul3A_7 = arith.constant 640 : i32
    %mul3A_8 = arith.muli %arg1, %mul3A_7 : i32
    %add3A_9 = arith.constant 0 : i32
    %add3A_10 = arith.addi %mul3A_8, %add3A_9 : i32
    "tpu.region"() ({
      %run_scoped3A = tpu.sem_alloc : memref<!tpu.dma_semaphore, #tpu.memory_space<semaphore_mem>>
      %dma_start3A = arith.constant 0 : i32
      %dma_start3A_39 = tpu.memref_slice %arg7[%add3A_10, %dma_start3A] : memref<10240x16xf32, #tpu.memory_space<vmem_shared>> -> memref<128x16xf32, #tpu.memory_space<vmem_shared>>
      %dma_start3A_40 = arith.constant 0 : i32
      %dma_start3A_41 = tpu.memref_slice %arg7[%add3A_10, %dma_start3A_40] : memref<10240x16xf32, #tpu.memory_space<vmem_shared>> -> memref<128x16xf32, #tpu.memory_space<vmem_shared>>
      tpu.enqueue_dma source(%arg6 : memref<128x16xf32, #tpu.memory_space<vmem>>) target(%dma_start3A_41 : memref<128x16xf32, #tpu.memory_space<vmem_shared>>) target_semaphore(%run_scoped3A : memref<!tpu.dma_semaphore, #tpu.memory_space<semaphore_mem>>)
      %dma_wait3A = arith.constant 0 : i32
      %dma_wait3A_42 = tpu.memref_slice %arg7[%add3A_10, %dma_wait3A] : memref<10240x16xf32, #tpu.memory_space<vmem_shared>> -> memref<128x16xf32, #tpu.memory_space<vmem_shared>>
      %dma_wait3A_43 = arith.constant 0 : i32
      %dma_wait3A_44 = tpu.memref_slice %arg7[%add3A_10, %dma_wait3A_43] : memref<10240x16xf32, #tpu.memory_space<vmem_shared>> -> memref<128x16xf32, #tpu.memory_space<vmem_shared>>
      tpu.wait_dma2 semaphore(%run_scoped3A : memref<!tpu.dma_semaphore, #tpu.memory_space<semaphore_mem>>) src(%arg6 : memref<128x16xf32, #tpu.memory_space<vmem>>) dst(%dma_wait3A_44 : memref<128x16xf32, #tpu.memory_space<vmem_shared>>)
      tpu.yield
    }) : () -> ()
    %mul3A_11 = arith.constant 640 : i32
    %mul3A_12 = arith.muli %arg1, %mul3A_11 : i32
    %add3A_13 = arith.constant 128 : i32
    %add3A_14 = arith.addi %mul3A_12, %add3A_13 : i32
    "tpu.region"() ({
      %run_scoped3A = tpu.sem_alloc : memref<!tpu.dma_semaphore, #tpu.memory_space<semaphore_mem>>
      %dma_start3A = arith.constant 0 : i32
      %dma_start3A_39 = tpu.memref_slice %arg7[%add3A_14, %dma_start3A] : memref<10240x16xf32, #tpu.memory_space<vmem_shared>> -> memref<128x16xf32, #tpu.memory_space<vmem_shared>>
      %dma_start3A_40 = arith.constant 0 : i32
      %dma_start3A_41 = tpu.memref_slice %arg7[%add3A_14, %dma_start3A_40] : memref<10240x16xf32, #tpu.memory_space<vmem_shared>> -> memref<128x16xf32, #tpu.memory_space<vmem_shared>>
      tpu.enqueue_dma source(%arg6 : memref<128x16xf32, #tpu.memory_space<vmem>>) target(%dma_start3A_41 : memref<128x16xf32, #tpu.memory_space<vmem_shared>>) target_semaphore(%run_scoped3A : memref<!tpu.dma_semaphore, #tpu.memory_space<semaphore_mem>>)
      %dma_wait3A = arith.constant 0 : i32
      %dma_wait3A_42 = tpu.memref_slice %arg7[%add3A_14, %dma_wait3A] : memref<10240x16xf32, #tpu.memory_space<vmem_shared>> -> memref<128x16xf32, #tpu.memory_space<vmem_shared>>
      %dma_wait3A_43 = arith.constant 0 : i32
      %dma_wait3A_44 = tpu.memref_slice %arg7[%add3A_14, %dma_wait3A_43] : memref<10240x16xf32, #tpu.memory_space<vmem_shared>> -> memref<128x16xf32, #tpu.memory_space<vmem_shared>>
      tpu.wait_dma2 semaphore(%run_scoped3A : memref<!tpu.dma_semaphore, #tpu.memory_space<semaphore_mem>>) src(%arg6 : memref<128x16xf32, #tpu.memory_space<vmem>>) dst(%dma_wait3A_44 : memref<128x16xf32, #tpu.memory_space<vmem_shared>>)
      tpu.yield
    }) : () -> ()
    %mul3A_15 = arith.constant 640 : i32
    %mul3A_16 = arith.muli %arg1, %mul3A_15 : i32
    %add3A_17 = arith.constant 256 : i32
    %add3A_18 = arith.addi %mul3A_16, %add3A_17 : i32
    "tpu.region"() ({
      %run_scoped3A = tpu.sem_alloc : memref<!tpu.dma_semaphore, #tpu.memory_space<semaphore_mem>>
      %dma_start3A = arith.constant 0 : i32
      %dma_start3A_39 = tpu.memref_slice %arg7[%add3A_18, %dma_start3A] : memref<10240x16xf32, #tpu.memory_space<vmem_shared>> -> memref<128x16xf32, #tpu.memory_space<vmem_shared>>
      %dma_start3A_40 = arith.constant 0 : i32
      %dma_start3A_41 = tpu.memref_slice %arg7[%add3A_18, %dma_start3A_40] : memref<10240x16xf32, #tpu.memory_space<vmem_shared>> -> memref<128x16xf32, #tpu.memory_space<vmem_shared>>
      tpu.enqueue_dma source(%arg6 : memref<128x16xf32, #tpu.memory_space<vmem>>) target(%dma_start3A_41 : memref<128x16xf32, #tpu.memory_space<vmem_shared>>) target_semaphore(%run_scoped3A : memref<!tpu.dma_semaphore, #tpu.memory_space<semaphore_mem>>)
      %dma_wait3A = arith.constant 0 : i32
      %dma_wait3A_42 = tpu.memref_slice %arg7[%add3A_18, %dma_wait3A] : memref<10240x16xf32, #tpu.memory_space<vmem_shared>> -> memref<128x16xf32, #tpu.memory_space<vmem_shared>>
      %dma_wait3A_43 = arith.constant 0 : i32
      %dma_wait3A_44 = tpu.memref_slice %arg7[%add3A_18, %dma_wait3A_43] : memref<10240x16xf32, #tpu.memory_space<vmem_shared>> -> memref<128x16xf32, #tpu.memory_space<vmem_shared>>
      tpu.wait_dma2 semaphore(%run_scoped3A : memref<!tpu.dma_semaphore, #tpu.memory_space<semaphore_mem>>) src(%arg6 : memref<128x16xf32, #tpu.memory_space<vmem>>) dst(%dma_wait3A_44 : memref<128x16xf32, #tpu.memory_space<vmem_shared>>)
      tpu.yield
    }) : () -> ()
    %mul3A_19 = arith.constant 640 : i32
    %mul3A_20 = arith.muli %arg1, %mul3A_19 : i32
    %add3A_21 = arith.constant 384 : i32
    %add3A_22 = arith.addi %mul3A_20, %add3A_21 : i32
    "tpu.region"() ({
      %run_scoped3A = tpu.sem_alloc : memref<!tpu.dma_semaphore, #tpu.memory_space<semaphore_mem>>
      %dma_start3A = arith.constant 0 : i32
      %dma_start3A_39 = tpu.memref_slice %arg7[%add3A_22, %dma_start3A] : memref<10240x16xf32, #tpu.memory_space<vmem_shared>> -> memref<128x16xf32, #tpu.memory_space<vmem_shared>>
      %dma_start3A_40 = arith.constant 0 : i32
      %dma_start3A_41 = tpu.memref_slice %arg7[%add3A_22, %dma_start3A_40] : memref<10240x16xf32, #tpu.memory_space<vmem_shared>> -> memref<128x16xf32, #tpu.memory_space<vmem_shared>>
      tpu.enqueue_dma source(%arg6 : memref<128x16xf32, #tpu.memory_space<vmem>>) target(%dma_start3A_41 : memref<128x16xf32, #tpu.memory_space<vmem_shared>>) target_semaphore(%run_scoped3A : memref<!tpu.dma_semaphore, #tpu.memory_space<semaphore_mem>>)
      %dma_wait3A = arith.constant 0 : i32
      %dma_wait3A_42 = tpu.memref_slice %arg7[%add3A_22, %dma_wait3A] : memref<10240x16xf32, #tpu.memory_space<vmem_shared>> -> memref<128x16xf32, #tpu.memory_space<vmem_shared>>
      %dma_wait3A_43 = arith.constant 0 : i32
      %dma_wait3A_44 = tpu.memref_slice %arg7[%add3A_22, %dma_wait3A_43] : memref<10240x16xf32, #tpu.memory_space<vmem_shared>> -> memref<128x16xf32, #tpu.memory_space<vmem_shared>>
      tpu.wait_dma2 semaphore(%run_scoped3A : memref<!tpu.dma_semaphore, #tpu.memory_space<semaphore_mem>>) src(%arg6 : memref<128x16xf32, #tpu.memory_space<vmem>>) dst(%dma_wait3A_44 : memref<128x16xf32, #tpu.memory_space<vmem_shared>>)
      tpu.yield
    }) : () -> ()
    %mul3A_23 = arith.constant 640 : i32
    %mul3A_24 = arith.muli %arg1, %mul3A_23 : i32
    %add3A_25 = arith.constant 512 : i32
    %add3A_26 = arith.addi %mul3A_24, %add3A_25 : i32
    "tpu.region"() ({
      %run_scoped3A = tpu.sem_alloc : memref<!tpu.dma_semaphore, #tpu.memory_space<semaphore_mem>>
      %dma_start3A = arith.constant 0 : i32
      %dma_start3A_39 = tpu.memref_slice %arg7[%add3A_26, %dma_start3A] : memref<10240x16xf32, #tpu.memory_space<vmem_shared>> -> memref<128x16xf32, #tpu.memory_space<vmem_shared>>
      %dma_start3A_40 = arith.constant 0 : i32
      %dma_start3A_41 = tpu.memref_slice %arg7[%add3A_26, %dma_start3A_40] : memref<10240x16xf32, #tpu.memory_space<vmem_shared>> -> memref<128x16xf32, #tpu.memory_space<vmem_shared>>
      tpu.enqueue_dma source(%arg6 : memref<128x16xf32, #tpu.memory_space<vmem>>) target(%dma_start3A_41 : memref<128x16xf32, #tpu.memory_space<vmem_shared>>) target_semaphore(%run_scoped3A : memref<!tpu.dma_semaphore, #tpu.memory_space<semaphore_mem>>)
      %dma_wait3A = arith.constant 0 : i32
      %dma_wait3A_42 = tpu.memref_slice %arg7[%add3A_26, %dma_wait3A] : memref<10240x16xf32, #tpu.memory_space<vmem_shared>> -> memref<128x16xf32, #tpu.memory_space<vmem_shared>>
      %dma_wait3A_43 = arith.constant 0 : i32
      %dma_wait3A_44 = tpu.memref_slice %arg7[%add3A_26, %dma_wait3A_43] : memref<10240x16xf32, #tpu.memory_space<vmem_shared>> -> memref<128x16xf32, #tpu.memory_space<vmem_shared>>
      tpu.wait_dma2 semaphore(%run_scoped3A : memref<!tpu.dma_semaphore, #tpu.memory_space<semaphore_mem>>) src(%arg6 : memref<128x16xf32, #tpu.memory_space<vmem>>) dst(%dma_wait3A_44 : memref<128x16xf32, #tpu.memory_space<vmem_shared>>)
      tpu.yield
    }) : () -> ()
    %barrier3A = arith.constant 0 : index
    tpu.barrier barrier_id(%barrier3A)
    "tpu.region"() ({
      %run_scoped3A = tpu.sem_alloc : memref<!tpu.dma_semaphore, #tpu.memory_space<semaphore_mem>>
      %dma_start3A = arith.constant 0 : i32
      %dma_start3A_39 = arith.constant 0 : i32
      %dma_start3A_40 = tpu.memref_slice %arg2[%add3A, %dma_start3A, %dma_start3A_39] : memref<32x80x128xi32, #tpu.memory_space<hbm>> -> memref<1x80x128xi32, #tpu.memory_space<hbm>>
      %dma_start3A_41 = tpu.memref_squeeze %dma_start3A_40 : memref<1x80x128xi32, #tpu.memory_space<hbm>> -> memref<80x128xi32, #tpu.memory_space<hbm>>
      %dma_start3A_42 = arith.constant 0 : i32
      %dma_start3A_43 = arith.constant 0 : i32
      %dma_start3A_44 = tpu.memref_slice %arg2[%add3A, %dma_start3A_42, %dma_start3A_43] : memref<32x80x128xi32, #tpu.memory_space<hbm>> -> memref<1x80x128xi32, #tpu.memory_space<hbm>>
      %dma_start3A_45 = tpu.memref_squeeze %dma_start3A_44 : memref<1x80x128xi32, #tpu.memory_space<hbm>> -> memref<80x128xi32, #tpu.memory_space<hbm>>
      tpu.enqueue_dma source(%dma_start3A_45 : memref<80x128xi32, #tpu.memory_space<hbm>>) target(%arg4 : memref<80x128xi32, #tpu.memory_space<vmem>>) target_semaphore(%run_scoped3A : memref<!tpu.dma_semaphore, #tpu.memory_space<semaphore_mem>>)
      %dma_wait3A = arith.constant 0 : i32
      %dma_wait3A_46 = arith.constant 0 : i32
      %dma_wait3A_47 = tpu.memref_slice %arg2[%add3A, %dma_wait3A, %dma_wait3A_46] : memref<32x80x128xi32, #tpu.memory_space<hbm>> -> memref<1x80x128xi32, #tpu.memory_space<hbm>>
      %dma_wait3A_48 = tpu.memref_squeeze %dma_wait3A_47 : memref<1x80x128xi32, #tpu.memory_space<hbm>> -> memref<80x128xi32, #tpu.memory_space<hbm>>
      %dma_wait3A_49 = arith.constant 0 : i32
      %dma_wait3A_50 = arith.constant 0 : i32
      %dma_wait3A_51 = tpu.memref_slice %arg2[%add3A, %dma_wait3A_49, %dma_wait3A_50] : memref<32x80x128xi32, #tpu.memory_space<hbm>> -> memref<1x80x128xi32, #tpu.memory_space<hbm>>
      %dma_wait3A_52 = tpu.memref_squeeze %dma_wait3A_51 : memref<1x80x128xi32, #tpu.memory_space<hbm>> -> memref<80x128xi32, #tpu.memory_space<hbm>>
      tpu.wait_dma2 semaphore(%run_scoped3A : memref<!tpu.dma_semaphore, #tpu.memory_space<semaphore_mem>>) src(%dma_wait3A_52 : memref<80x128xi32, #tpu.memory_space<hbm>>) dst(%arg4 : memref<80x128xi32, #tpu.memory_space<vmem>>)
      tpu.yield
    }) : () -> ()
    %scan3A_27 = arith.constant 0 : i32
    %scan3A_28 = arith.constant 0 : i32
    %scan3A_29 = arith.constant 80 : i32
    %scan3A_30 = arith.addi %scan3A_28, %scan3A_29 : i32
    %scan3A_31 = arith.constant 1 : i32
    %scan3A_32 = scf.for %scan3A_39 = %scan3A_28 to %scan3A_30 step %scan3A_31 iter_args(%scan3A_40 = %scan3A_27) -> (i32)  : i32 {
      "tpu.region"() ({
        %run_scoped3A = tpu.sem_alloc : memref<!tpu.dma_semaphore, #tpu.memory_space<semaphore_mem>>
        %dma_start3A = arith.constant 0 : i32
        %dma_start3A_42 = tpu.memref_slice %arg4[%scan3A_39, %dma_start3A] : memref<80x128xi32, #tpu.memory_space<vmem>> -> memref<1x128xi32, #tpu.memory_space<vmem>>
        %dma_start3A_43 = tpu.memref_squeeze %dma_start3A_42 : memref<1x128xi32, #tpu.memory_space<vmem>> -> memref<128xi32, #tpu.memory_space<vmem>>
        %dma_start3A_44 = arith.constant 0 : i32
        %dma_start3A_45 = arith.constant 0 : i32
        %dma_start3A_46 = tpu.memref_slice %arg7[%dma_start3A_44, %dma_start3A_45] : memref<10240x16xf32, #tpu.memory_space<vmem_shared>> -> memref<10240x16xf32, #tpu.memory_space<vmem_shared>>
        tpu.enqueue_indirect_dma source(%arg5 : memref<128x16xf32, #tpu.memory_space<vmem>>) target(%dma_start3A_46 : memref<10240x16xf32, #tpu.memory_space<vmem_shared>>) offsets(%dma_start3A_43 : memref<128xi32, #tpu.memory_space<vmem>>) semaphore(%run_scoped3A : memref<!tpu.dma_semaphore, #tpu.memory_space<semaphore_mem>>) {add = true}
        %dma_wait3A = arith.constant 0 : i32
        %dma_wait3A_47 = tpu.memref_slice %arg4[%scan3A_39, %dma_wait3A] : memref<80x128xi32, #tpu.memory_space<vmem>> -> memref<1x128xi32, #tpu.memory_space<vmem>>
        %dma_wait3A_48 = tpu.memref_squeeze %dma_wait3A_47 : memref<1x128xi32, #tpu.memory_space<vmem>> -> memref<128xi32, #tpu.memory_space<vmem>>
        %dma_wait3A_49 = arith.constant 0 : i32
        %dma_wait3A_50 = arith.constant 0 : i32
        %dma_wait3A_51 = tpu.memref_slice %arg7[%dma_wait3A_49, %dma_wait3A_50] : memref<10240x16xf32, #tpu.memory_space<vmem_shared>> -> memref<10240x16xf32, #tpu.memory_space<vmem_shared>>
        tpu.wait_indirect_dma semaphore(%run_scoped3A : memref<!tpu.dma_semaphore, #tpu.memory_space<semaphore_mem>>) src(%arg5 : memref<128x16xf32, #tpu.memory_space<vmem>>) dst(%dma_wait3A_51 : memref<10240x16xf32, #tpu.memory_space<vmem_shared>>)
        tpu.yield
      }) : () -> ()
      %scan3A_41 = arith.constant 0 : i32
      scf.yield %scan3A_41 : i32
    }
    %scan3A_33 = arith.constant 80 : i32
    %barrier3A_34 = arith.constant 0 : index
    tpu.barrier barrier_id(%barrier3A_34)
    %mul3A_35 = arith.constant 640 : i32
    %mul3A_36 = arith.muli %arg1, %mul3A_35 : i32
    %mul3A_37 = arith.constant 640 : i32
    %mul3A_38 = arith.muli %arg1, %mul3A_37 : i32
    "tpu.region"() ({
      %run_scoped3A = tpu.sem_alloc : memref<!tpu.dma_semaphore, #tpu.memory_space<semaphore_mem>>
      %dma_start3A = arith.constant 0 : i32
      %dma_start3A_39 = tpu.memref_slice %arg3[%arg0, %mul3A_38, %dma_start3A] : memref<2x10240x16xf32, #tpu.memory_space<hbm>> -> memref<1x640x16xf32, #tpu.memory_space<hbm>>
      %dma_start3A_40 = tpu.memref_squeeze %dma_start3A_39 : memref<1x640x16xf32, #tpu.memory_space<hbm>> -> memref<640x16xf32, #tpu.memory_space<hbm>>
      %dma_start3A_41 = arith.constant 0 : i32
      %dma_start3A_42 = tpu.memref_slice %arg7[%mul3A_36, %dma_start3A_41] : memref<10240x16xf32, #tpu.memory_space<vmem_shared>> -> memref<640x16xf32, #tpu.memory_space<vmem_shared>>
      tpu.enqueue_dma source(%dma_start3A_42 : memref<640x16xf32, #tpu.memory_space<vmem_shared>>) target(%dma_start3A_40 : memref<640x16xf32, #tpu.memory_space<hbm>>) target_semaphore(%run_scoped3A : memref<!tpu.dma_semaphore, #tpu.memory_space<semaphore_mem>>)
      %dma_wait3A = arith.constant 0 : i32
      %dma_wait3A_43 = tpu.memref_slice %arg3[%arg0, %mul3A_38, %dma_wait3A] : memref<2x10240x16xf32, #tpu.memory_space<hbm>> -> memref<1x640x16xf32, #tpu.memory_space<hbm>>
      %dma_wait3A_44 = tpu.memref_squeeze %dma_wait3A_43 : memref<1x640x16xf32, #tpu.memory_space<hbm>> -> memref<640x16xf32, #tpu.memory_space<hbm>>
      %dma_wait3A_45 = arith.constant 0 : i32
      %dma_wait3A_46 = tpu.memref_slice %arg7[%mul3A_36, %dma_wait3A_45] : memref<10240x16xf32, #tpu.memory_space<vmem_shared>> -> memref<640x16xf32, #tpu.memory_space<vmem_shared>>
      tpu.wait_dma2 semaphore(%run_scoped3A : memref<!tpu.dma_semaphore, #tpu.memory_space<semaphore_mem>>) src(%dma_wait3A_46 : memref<640x16xf32, #tpu.memory_space<vmem_shared>>) dst(%dma_wait3A_44 : memref<640x16xf32, #tpu.memory_space<hbm>>)
      tpu.yield
    }) : () -> ()
    return
  }
}

#map = affine_map<(d0, d1) -> (0, 0)>
#map1 = affine_map<(d0, d1) -> (0, 0, 0, 0)>
#map2 = affine_map<(d0, d1) -> (0, 0, 0)>
module attributes {stable_mosaic.version = 14 : i64} {
  func.func @_agg_body(%arg0: i32, %arg1: i32, %arg2: memref<20000x64xf32, #tpu.memory_space<hbm>>, %arg3: memref<2x16x160x128xi32, #tpu.memory_space<hbm>>, %arg4: memref<16x160x128xi32, #tpu.memory_space<hbm>>, %arg5: memref<2x10240x64xf32, #tpu.memory_space<hbm>>, %arg6: memref<160x128xi32, #tpu.memory_space<vmem>>, %arg7: memref<160x128xi32, #tpu.memory_space<vmem>>, %arg8: memref<5x128x64xf32, #tpu.memory_space<vmem>>, %arg9: memref<10240x64xf32, #tpu.memory_space<vmem_shared>>, %arg10: memref<2x!tpu.dma_semaphore, #tpu.memory_space<semaphore_mem>>, %arg11: memref<5x!tpu.dma_semaphore, #tpu.memory_space<semaphore_mem>>) attributes {dimension_semantics = [#tpu.dimension_semantics<core_parallel>, #tpu.dimension_semantics<subcore_parallel>], iteration_bounds = array<i64: 2, 16>, scalar_prefetch = 0 : i64, scratch_operands = 6 : i64, tpu.core_type = #tpu.core_type<sc_vector_subcore>, window_params = [{transform_indices = #map}, {transform_indices = #map1}, {transform_indices = #map2}, {transform_indices = #map2}]} {
    %dma_start3A = arith.constant 0 : i32
    %dma_start3A_0 = arith.constant 0 : i32
    %dma_start3A_1 = arith.constant 0 : i32
    %dma_start3A_2 = tpu.memref_slice %arg3[%arg0, %arg1, %dma_start3A_0, %dma_start3A_1] : memref<2x16x160x128xi32, #tpu.memory_space<hbm>> -> memref<1x1x160x128xi32, #tpu.memory_space<hbm>>
    %dma_start3A_3 = tpu.memref_squeeze %dma_start3A_2 : memref<1x1x160x128xi32, #tpu.memory_space<hbm>> -> memref<160x128xi32, #tpu.memory_space<hbm>>
    %dma_start3A_4 = tpu.memref_slice %arg10[%dma_start3A] : memref<2x!tpu.dma_semaphore, #tpu.memory_space<semaphore_mem>> -> memref<1x!tpu.dma_semaphore, #tpu.memory_space<semaphore_mem>>
    %dma_start3A_5 = tpu.memref_squeeze %dma_start3A_4 : memref<1x!tpu.dma_semaphore, #tpu.memory_space<semaphore_mem>> -> memref<!tpu.dma_semaphore, #tpu.memory_space<semaphore_mem>>
    %dma_start3A_6 = arith.constant 0 : i32
    %dma_start3A_7 = arith.constant 0 : i32
    %dma_start3A_8 = tpu.memref_slice %arg3[%arg0, %arg1, %dma_start3A_6, %dma_start3A_7] : memref<2x16x160x128xi32, #tpu.memory_space<hbm>> -> memref<1x1x160x128xi32, #tpu.memory_space<hbm>>
    %dma_start3A_9 = tpu.memref_squeeze %dma_start3A_8 : memref<1x1x160x128xi32, #tpu.memory_space<hbm>> -> memref<160x128xi32, #tpu.memory_space<hbm>>
    tpu.enqueue_dma source(%dma_start3A_9 : memref<160x128xi32, #tpu.memory_space<hbm>>) target(%arg6 : memref<160x128xi32, #tpu.memory_space<vmem>>) target_semaphore(%dma_start3A_5 : memref<!tpu.dma_semaphore, #tpu.memory_space<semaphore_mem>>)
    %dma_start3A_10 = arith.constant 1 : i32
    %dma_start3A_11 = arith.constant 0 : i32
    %dma_start3A_12 = arith.constant 0 : i32
    %dma_start3A_13 = tpu.memref_slice %arg4[%arg1, %dma_start3A_11, %dma_start3A_12] : memref<16x160x128xi32, #tpu.memory_space<hbm>> -> memref<1x160x128xi32, #tpu.memory_space<hbm>>
    %dma_start3A_14 = tpu.memref_squeeze %dma_start3A_13 : memref<1x160x128xi32, #tpu.memory_space<hbm>> -> memref<160x128xi32, #tpu.memory_space<hbm>>
    %dma_start3A_15 = tpu.memref_slice %arg10[%dma_start3A_10] : memref<2x!tpu.dma_semaphore, #tpu.memory_space<semaphore_mem>> -> memref<1x!tpu.dma_semaphore, #tpu.memory_space<semaphore_mem>>
    %dma_start3A_16 = tpu.memref_squeeze %dma_start3A_15 : memref<1x!tpu.dma_semaphore, #tpu.memory_space<semaphore_mem>> -> memref<!tpu.dma_semaphore, #tpu.memory_space<semaphore_mem>>
    %dma_start3A_17 = arith.constant 0 : i32
    %dma_start3A_18 = arith.constant 0 : i32
    %dma_start3A_19 = tpu.memref_slice %arg4[%arg1, %dma_start3A_17, %dma_start3A_18] : memref<16x160x128xi32, #tpu.memory_space<hbm>> -> memref<1x160x128xi32, #tpu.memory_space<hbm>>
    %dma_start3A_20 = tpu.memref_squeeze %dma_start3A_19 : memref<1x160x128xi32, #tpu.memory_space<hbm>> -> memref<160x128xi32, #tpu.memory_space<hbm>>
    tpu.enqueue_dma source(%dma_start3A_20 : memref<160x128xi32, #tpu.memory_space<hbm>>) target(%arg7 : memref<160x128xi32, #tpu.memory_space<vmem>>) target_semaphore(%dma_start3A_16 : memref<!tpu.dma_semaphore, #tpu.memory_space<semaphore_mem>>)
    %scan3A = arith.constant 0 : i32
    %scan3A_21 = arith.constant 0 : i32
    %scan3A_22 = arith.constant 128 : i32
    %scan3A_23 = arith.addi %scan3A_21, %scan3A_22 : i32
    %scan3A_24 = arith.constant 1 : i32
    %scan3A_25 = scf.for %scan3A_157 = %scan3A_21 to %scan3A_23 step %scan3A_24 iter_args(%scan3A_158 = %scan3A) -> (i32)  : i32 {
      %broadcast_in_dim3A = arith.constant 0.000000e+00 : f32
      %broadcast_in_dim3A_159 = vector.broadcast %broadcast_in_dim3A : f32 to vector<16xf32>
      %swap3A = arith.constant 0 : i32
      %swap3A_160 = arith.index_cast %swap3A : i32 to index
      %swap3A_161 = arith.index_cast %scan3A_157 : i32 to index
      %swap3A_162 = arith.constant 0 : index
      %swap3A_163 = tpu.vector_load %arg8[%swap3A_160, %swap3A_161, %swap3A_162] {strides = array<i32>} : memref<5x128x64xf32, #tpu.memory_space<vmem>>, vector<1x1x16xf32>,
      %swap3A_164 = vector.shape_cast %swap3A_163 : vector<1x1x16xf32> to vector<16xf32>
      %swap3A_165 = vector.shape_cast %broadcast_in_dim3A_159 : vector<16xf32> to vector<1x1x16xf32>
      tpu.vector_store %arg8[%swap3A_160, %swap3A_161, %swap3A_162], %swap3A_165 {strides = array<i32>} : memref<5x128x64xf32, #tpu.memory_space<vmem>>, vector<1x1x16xf32>,
      %broadcast_in_dim3A_166 = arith.constant 0.000000e+00 : f32
      %broadcast_in_dim3A_167 = vector.broadcast %broadcast_in_dim3A_166 : f32 to vector<16xf32>
      %swap3A_168 = arith.constant 0 : i32
      %swap3A_169 = arith.index_cast %swap3A_168 : i32 to index
      %swap3A_170 = arith.index_cast %scan3A_157 : i32 to index
      %swap3A_171 = arith.constant 16 : index
      %swap3A_172 = tpu.vector_load %arg8[%swap3A_169, %swap3A_170, %swap3A_171] {strides = array<i32>} : memref<5x128x64xf32, #tpu.memory_space<vmem>>, vector<1x1x16xf32>,
      %swap3A_173 = vector.shape_cast %swap3A_172 : vector<1x1x16xf32> to vector<16xf32>
      %swap3A_174 = vector.shape_cast %broadcast_in_dim3A_167 : vector<16xf32> to vector<1x1x16xf32>
      tpu.vector_store %arg8[%swap3A_169, %swap3A_170, %swap3A_171], %swap3A_174 {strides = array<i32>} : memref<5x128x64xf32, #tpu.memory_space<vmem>>, vector<1x1x16xf32>,
      %broadcast_in_dim3A_175 = arith.constant 0.000000e+00 : f32
      %broadcast_in_dim3A_176 = vector.broadcast %broadcast_in_dim3A_175 : f32 to vector<16xf32>
      %swap3A_177 = arith.constant 0 : i32
      %swap3A_178 = arith.index_cast %swap3A_177 : i32 to index
      %swap3A_179 = arith.index_cast %scan3A_157 : i32 to index
      %swap3A_180 = arith.constant 32 : index
      %swap3A_181 = tpu.vector_load %arg8[%swap3A_178, %swap3A_179, %swap3A_180] {strides = array<i32>} : memref<5x128x64xf32, #tpu.memory_space<vmem>>, vector<1x1x16xf32>,
      %swap3A_182 = vector.shape_cast %swap3A_181 : vector<1x1x16xf32> to vector<16xf32>
      %swap3A_183 = vector.shape_cast %broadcast_in_dim3A_176 : vector<16xf32> to vector<1x1x16xf32>
      tpu.vector_store %arg8[%swap3A_178, %swap3A_179, %swap3A_180], %swap3A_183 {strides = array<i32>} : memref<5x128x64xf32, #tpu.memory_space<vmem>>, vector<1x1x16xf32>,
      %broadcast_in_dim3A_184 = arith.constant 0.000000e+00 : f32
      %broadcast_in_dim3A_185 = vector.broadcast %broadcast_in_dim3A_184 : f32 to vector<16xf32>
      %swap3A_186 = arith.constant 0 : i32
      %swap3A_187 = arith.index_cast %swap3A_186 : i32 to index
      %swap3A_188 = arith.index_cast %scan3A_157 : i32 to index
      %swap3A_189 = arith.constant 48 : index
      %swap3A_190 = tpu.vector_load %arg8[%swap3A_187, %swap3A_188, %swap3A_189] {strides = array<i32>} : memref<5x128x64xf32, #tpu.memory_space<vmem>>, vector<1x1x16xf32>,
      %swap3A_191 = vector.shape_cast %swap3A_190 : vector<1x1x16xf32> to vector<16xf32>
      %swap3A_192 = vector.shape_cast %broadcast_in_dim3A_185 : vector<16xf32> to vector<1x1x16xf32>
      tpu.vector_store %arg8[%swap3A_187, %swap3A_188, %swap3A_189], %swap3A_192 {strides = array<i32>} : memref<5x128x64xf32, #tpu.memory_space<vmem>>, vector<1x1x16xf32>,
      %scan3A_193 = arith.constant 0 : i32
      scf.yield %scan3A_193 : i32
    }
    %scan3A_26 = arith.constant 128 : i32
    %mul3A = arith.constant 640 : i32
    %mul3A_27 = arith.muli %arg1, %mul3A : i32
    %add3A = arith.constant 0 : i32
    %add3A_28 = arith.addi %mul3A_27, %add3A : i32
    %run_scoped3A = arith.constant 0 : i32
    "tpu.region"() ({
      %run_scoped3A_157 = tpu.sem_alloc : memref<!tpu.dma_semaphore, #tpu.memory_space<semaphore_mem>>
      %dma_start3A_158 = arith.constant 0 : i32
      %dma_start3A_159 = arith.constant 0 : i32
      %dma_start3A_160 = tpu.memref_slice %arg8[%run_scoped3A, %dma_start3A_158, %dma_start3A_159] : memref<5x128x64xf32, #tpu.memory_space<vmem>> -> memref<1x128x64xf32, #tpu.memory_space<vmem>>
      %dma_start3A_161 = tpu.memref_squeeze %dma_start3A_160 : memref<1x128x64xf32, #tpu.memory_space<vmem>> -> memref<128x64xf32, #tpu.memory_space<vmem>>
      %dma_start3A_162 = arith.constant 0 : i32
      %dma_start3A_163 = tpu.memref_slice %arg9[%add3A_28, %dma_start3A_162] : memref<10240x64xf32, #tpu.memory_space<vmem_shared>> -> memref<128x64xf32, #tpu.memory_space<vmem_shared>>
      %dma_start3A_164 = arith.constant 0 : i32
      %dma_start3A_165 = tpu.memref_slice %arg9[%add3A_28, %dma_start3A_164] : memref<10240x64xf32, #tpu.memory_space<vmem_shared>> -> memref<128x64xf32, #tpu.memory_space<vmem_shared>>
      %dma_start3A_166 = arith.constant 0 : i32
      %dma_start3A_167 = arith.constant 0 : i32
      %dma_start3A_168 = tpu.memref_slice %arg8[%run_scoped3A, %dma_start3A_166, %dma_start3A_167] : memref<5x128x64xf32, #tpu.memory_space<vmem>> -> memref<1x128x64xf32, #tpu.memory_space<vmem>>
      %dma_start3A_169 = tpu.memref_squeeze %dma_start3A_168 : memref<1x128x64xf32, #tpu.memory_space<vmem>> -> memref<128x64xf32, #tpu.memory_space<vmem>>
      tpu.enqueue_dma source(%dma_start3A_169 : memref<128x64xf32, #tpu.memory_space<vmem>>) target(%dma_start3A_165 : memref<128x64xf32, #tpu.memory_space<vmem_shared>>) target_semaphore(%run_scoped3A_157 : memref<!tpu.dma_semaphore, #tpu.memory_space<semaphore_mem>>)
      %dma_wait3A_170 = arith.constant 0 : i32
      %dma_wait3A_171 = arith.constant 0 : i32
      %dma_wait3A_172 = tpu.memref_slice %arg8[%run_scoped3A, %dma_wait3A_170, %dma_wait3A_171] : memref<5x128x64xf32, #tpu.memory_space<vmem>> -> memref<1x128x64xf32, #tpu.memory_space<vmem>>
      %dma_wait3A_173 = tpu.memref_squeeze %dma_wait3A_172 : memref<1x128x64xf32, #tpu.memory_space<vmem>> -> memref<128x64xf32, #tpu.memory_space<vmem>>
      %dma_wait3A_174 = arith.constant 0 : i32
      %dma_wait3A_175 = tpu.memref_slice %arg9[%add3A_28, %dma_wait3A_174] : memref<10240x64xf32, #tpu.memory_space<vmem_shared>> -> memref<128x64xf32, #tpu.memory_space<vmem_shared>>
      %dma_wait3A_176 = arith.constant 0 : i32
      %dma_wait3A_177 = tpu.memref_slice %arg9[%add3A_28, %dma_wait3A_176] : memref<10240x64xf32, #tpu.memory_space<vmem_shared>> -> memref<128x64xf32, #tpu.memory_space<vmem_shared>>
      %dma_wait3A_178 = arith.constant 0 : i32
      %dma_wait3A_179 = arith.constant 0 : i32
      %dma_wait3A_180 = tpu.memref_slice %arg8[%run_scoped3A, %dma_wait3A_178, %dma_wait3A_179] : memref<5x128x64xf32, #tpu.memory_space<vmem>> -> memref<1x128x64xf32, #tpu.memory_space<vmem>>
      %dma_wait3A_181 = tpu.memref_squeeze %dma_wait3A_180 : memref<1x128x64xf32, #tpu.memory_space<vmem>> -> memref<128x64xf32, #tpu.memory_space<vmem>>
      tpu.wait_dma2 semaphore(%run_scoped3A_157 : memref<!tpu.dma_semaphore, #tpu.memory_space<semaphore_mem>>) src(%dma_wait3A_181 : memref<128x64xf32, #tpu.memory_space<vmem>>) dst(%dma_wait3A_177 : memref<128x64xf32, #tpu.memory_space<vmem_shared>>)
      tpu.yield
    }) : () -> ()
    %mul3A_29 = arith.constant 640 : i32
    %mul3A_30 = arith.muli %arg1, %mul3A_29 : i32
    %add3A_31 = arith.constant 128 : i32
    %add3A_32 = arith.addi %mul3A_30, %add3A_31 : i32
    %run_scoped3A_33 = arith.constant 0 : i32
    "tpu.region"() ({
      %run_scoped3A_157 = tpu.sem_alloc : memref<!tpu.dma_semaphore, #tpu.memory_space<semaphore_mem>>
      %dma_start3A_158 = arith.constant 0 : i32
      %dma_start3A_159 = arith.constant 0 : i32
      %dma_start3A_160 = tpu.memref_slice %arg8[%run_scoped3A_33, %dma_start3A_158, %dma_start3A_159] : memref<5x128x64xf32, #tpu.memory_space<vmem>> -> memref<1x128x64xf32, #tpu.memory_space<vmem>>
      %dma_start3A_161 = tpu.memref_squeeze %dma_start3A_160 : memref<1x128x64xf32, #tpu.memory_space<vmem>> -> memref<128x64xf32, #tpu.memory_space<vmem>>
      %dma_start3A_162 = arith.constant 0 : i32
      %dma_start3A_163 = tpu.memref_slice %arg9[%add3A_32, %dma_start3A_162] : memref<10240x64xf32, #tpu.memory_space<vmem_shared>> -> memref<128x64xf32, #tpu.memory_space<vmem_shared>>
      %dma_start3A_164 = arith.constant 0 : i32
      %dma_start3A_165 = tpu.memref_slice %arg9[%add3A_32, %dma_start3A_164] : memref<10240x64xf32, #tpu.memory_space<vmem_shared>> -> memref<128x64xf32, #tpu.memory_space<vmem_shared>>
      %dma_start3A_166 = arith.constant 0 : i32
      %dma_start3A_167 = arith.constant 0 : i32
      %dma_start3A_168 = tpu.memref_slice %arg8[%run_scoped3A_33, %dma_start3A_166, %dma_start3A_167] : memref<5x128x64xf32, #tpu.memory_space<vmem>> -> memref<1x128x64xf32, #tpu.memory_space<vmem>>
      %dma_start3A_169 = tpu.memref_squeeze %dma_start3A_168 : memref<1x128x64xf32, #tpu.memory_space<vmem>> -> memref<128x64xf32, #tpu.memory_space<vmem>>
      tpu.enqueue_dma source(%dma_start3A_169 : memref<128x64xf32, #tpu.memory_space<vmem>>) target(%dma_start3A_165 : memref<128x64xf32, #tpu.memory_space<vmem_shared>>) target_semaphore(%run_scoped3A_157 : memref<!tpu.dma_semaphore, #tpu.memory_space<semaphore_mem>>)
      %dma_wait3A_170 = arith.constant 0 : i32
      %dma_wait3A_171 = arith.constant 0 : i32
      %dma_wait3A_172 = tpu.memref_slice %arg8[%run_scoped3A_33, %dma_wait3A_170, %dma_wait3A_171] : memref<5x128x64xf32, #tpu.memory_space<vmem>> -> memref<1x128x64xf32, #tpu.memory_space<vmem>>
      %dma_wait3A_173 = tpu.memref_squeeze %dma_wait3A_172 : memref<1x128x64xf32, #tpu.memory_space<vmem>> -> memref<128x64xf32, #tpu.memory_space<vmem>>
      %dma_wait3A_174 = arith.constant 0 : i32
      %dma_wait3A_175 = tpu.memref_slice %arg9[%add3A_32, %dma_wait3A_174] : memref<10240x64xf32, #tpu.memory_space<vmem_shared>> -> memref<128x64xf32, #tpu.memory_space<vmem_shared>>
      %dma_wait3A_176 = arith.constant 0 : i32
      %dma_wait3A_177 = tpu.memref_slice %arg9[%add3A_32, %dma_wait3A_176] : memref<10240x64xf32, #tpu.memory_space<vmem_shared>> -> memref<128x64xf32, #tpu.memory_space<vmem_shared>>
      %dma_wait3A_178 = arith.constant 0 : i32
      %dma_wait3A_179 = arith.constant 0 : i32
      %dma_wait3A_180 = tpu.memref_slice %arg8[%run_scoped3A_33, %dma_wait3A_178, %dma_wait3A_179] : memref<5x128x64xf32, #tpu.memory_space<vmem>> -> memref<1x128x64xf32, #tpu.memory_space<vmem>>
      %dma_wait3A_181 = tpu.memref_squeeze %dma_wait3A_180 : memref<1x128x64xf32, #tpu.memory_space<vmem>> -> memref<128x64xf32, #tpu.memory_space<vmem>>
      tpu.wait_dma2 semaphore(%run_scoped3A_157 : memref<!tpu.dma_semaphore, #tpu.memory_space<semaphore_mem>>) src(%dma_wait3A_181 : memref<128x64xf32, #tpu.memory_space<vmem>>) dst(%dma_wait3A_177 : memref<128x64xf32, #tpu.memory_space<vmem_shared>>)
      tpu.yield
    }) : () -> ()
    %mul3A_34 = arith.constant 640 : i32
    %mul3A_35 = arith.muli %arg1, %mul3A_34 : i32
    %add3A_36 = arith.constant 256 : i32
    %add3A_37 = arith.addi %mul3A_35, %add3A_36 : i32
    %run_scoped3A_38 = arith.constant 0 : i32
    "tpu.region"() ({
      %run_scoped3A_157 = tpu.sem_alloc : memref<!tpu.dma_semaphore, #tpu.memory_space<semaphore_mem>>
      %dma_start3A_158 = arith.constant 0 : i32
      %dma_start3A_159 = arith.constant 0 : i32
      %dma_start3A_160 = tpu.memref_slice %arg8[%run_scoped3A_38, %dma_start3A_158, %dma_start3A_159] : memref<5x128x64xf32, #tpu.memory_space<vmem>> -> memref<1x128x64xf32, #tpu.memory_space<vmem>>
      %dma_start3A_161 = tpu.memref_squeeze %dma_start3A_160 : memref<1x128x64xf32, #tpu.memory_space<vmem>> -> memref<128x64xf32, #tpu.memory_space<vmem>>
      %dma_start3A_162 = arith.constant 0 : i32
      %dma_start3A_163 = tpu.memref_slice %arg9[%add3A_37, %dma_start3A_162] : memref<10240x64xf32, #tpu.memory_space<vmem_shared>> -> memref<128x64xf32, #tpu.memory_space<vmem_shared>>
      %dma_start3A_164 = arith.constant 0 : i32
      %dma_start3A_165 = tpu.memref_slice %arg9[%add3A_37, %dma_start3A_164] : memref<10240x64xf32, #tpu.memory_space<vmem_shared>> -> memref<128x64xf32, #tpu.memory_space<vmem_shared>>
      %dma_start3A_166 = arith.constant 0 : i32
      %dma_start3A_167 = arith.constant 0 : i32
      %dma_start3A_168 = tpu.memref_slice %arg8[%run_scoped3A_38, %dma_start3A_166, %dma_start3A_167] : memref<5x128x64xf32, #tpu.memory_space<vmem>> -> memref<1x128x64xf32, #tpu.memory_space<vmem>>
      %dma_start3A_169 = tpu.memref_squeeze %dma_start3A_168 : memref<1x128x64xf32, #tpu.memory_space<vmem>> -> memref<128x64xf32, #tpu.memory_space<vmem>>
      tpu.enqueue_dma source(%dma_start3A_169 : memref<128x64xf32, #tpu.memory_space<vmem>>) target(%dma_start3A_165 : memref<128x64xf32, #tpu.memory_space<vmem_shared>>) target_semaphore(%run_scoped3A_157 : memref<!tpu.dma_semaphore, #tpu.memory_space<semaphore_mem>>)
      %dma_wait3A_170 = arith.constant 0 : i32
      %dma_wait3A_171 = arith.constant 0 : i32
      %dma_wait3A_172 = tpu.memref_slice %arg8[%run_scoped3A_38, %dma_wait3A_170, %dma_wait3A_171] : memref<5x128x64xf32, #tpu.memory_space<vmem>> -> memref<1x128x64xf32, #tpu.memory_space<vmem>>
      %dma_wait3A_173 = tpu.memref_squeeze %dma_wait3A_172 : memref<1x128x64xf32, #tpu.memory_space<vmem>> -> memref<128x64xf32, #tpu.memory_space<vmem>>
      %dma_wait3A_174 = arith.constant 0 : i32
      %dma_wait3A_175 = tpu.memref_slice %arg9[%add3A_37, %dma_wait3A_174] : memref<10240x64xf32, #tpu.memory_space<vmem_shared>> -> memref<128x64xf32, #tpu.memory_space<vmem_shared>>
      %dma_wait3A_176 = arith.constant 0 : i32
      %dma_wait3A_177 = tpu.memref_slice %arg9[%add3A_37, %dma_wait3A_176] : memref<10240x64xf32, #tpu.memory_space<vmem_shared>> -> memref<128x64xf32, #tpu.memory_space<vmem_shared>>
      %dma_wait3A_178 = arith.constant 0 : i32
      %dma_wait3A_179 = arith.constant 0 : i32
      %dma_wait3A_180 = tpu.memref_slice %arg8[%run_scoped3A_38, %dma_wait3A_178, %dma_wait3A_179] : memref<5x128x64xf32, #tpu.memory_space<vmem>> -> memref<1x128x64xf32, #tpu.memory_space<vmem>>
      %dma_wait3A_181 = tpu.memref_squeeze %dma_wait3A_180 : memref<1x128x64xf32, #tpu.memory_space<vmem>> -> memref<128x64xf32, #tpu.memory_space<vmem>>
      tpu.wait_dma2 semaphore(%run_scoped3A_157 : memref<!tpu.dma_semaphore, #tpu.memory_space<semaphore_mem>>) src(%dma_wait3A_181 : memref<128x64xf32, #tpu.memory_space<vmem>>) dst(%dma_wait3A_177 : memref<128x64xf32, #tpu.memory_space<vmem_shared>>)
      tpu.yield
    }) : () -> ()
    %mul3A_39 = arith.constant 640 : i32
    %mul3A_40 = arith.muli %arg1, %mul3A_39 : i32
    %add3A_41 = arith.constant 384 : i32
    %add3A_42 = arith.addi %mul3A_40, %add3A_41 : i32
    %run_scoped3A_43 = arith.constant 0 : i32
    "tpu.region"() ({
      %run_scoped3A_157 = tpu.sem_alloc : memref<!tpu.dma_semaphore, #tpu.memory_space<semaphore_mem>>
      %dma_start3A_158 = arith.constant 0 : i32
      %dma_start3A_159 = arith.constant 0 : i32
      %dma_start3A_160 = tpu.memref_slice %arg8[%run_scoped3A_43, %dma_start3A_158, %dma_start3A_159] : memref<5x128x64xf32, #tpu.memory_space<vmem>> -> memref<1x128x64xf32, #tpu.memory_space<vmem>>
      %dma_start3A_161 = tpu.memref_squeeze %dma_start3A_160 : memref<1x128x64xf32, #tpu.memory_space<vmem>> -> memref<128x64xf32, #tpu.memory_space<vmem>>
      %dma_start3A_162 = arith.constant 0 : i32
      %dma_start3A_163 = tpu.memref_slice %arg9[%add3A_42, %dma_start3A_162] : memref<10240x64xf32, #tpu.memory_space<vmem_shared>> -> memref<128x64xf32, #tpu.memory_space<vmem_shared>>
      %dma_start3A_164 = arith.constant 0 : i32
      %dma_start3A_165 = tpu.memref_slice %arg9[%add3A_42, %dma_start3A_164] : memref<10240x64xf32, #tpu.memory_space<vmem_shared>> -> memref<128x64xf32, #tpu.memory_space<vmem_shared>>
      %dma_start3A_166 = arith.constant 0 : i32
      %dma_start3A_167 = arith.constant 0 : i32
      %dma_start3A_168 = tpu.memref_slice %arg8[%run_scoped3A_43, %dma_start3A_166, %dma_start3A_167] : memref<5x128x64xf32, #tpu.memory_space<vmem>> -> memref<1x128x64xf32, #tpu.memory_space<vmem>>
      %dma_start3A_169 = tpu.memref_squeeze %dma_start3A_168 : memref<1x128x64xf32, #tpu.memory_space<vmem>> -> memref<128x64xf32, #tpu.memory_space<vmem>>
      tpu.enqueue_dma source(%dma_start3A_169 : memref<128x64xf32, #tpu.memory_space<vmem>>) target(%dma_start3A_165 : memref<128x64xf32, #tpu.memory_space<vmem_shared>>) target_semaphore(%run_scoped3A_157 : memref<!tpu.dma_semaphore, #tpu.memory_space<semaphore_mem>>)
      %dma_wait3A_170 = arith.constant 0 : i32
      %dma_wait3A_171 = arith.constant 0 : i32
      %dma_wait3A_172 = tpu.memref_slice %arg8[%run_scoped3A_43, %dma_wait3A_170, %dma_wait3A_171] : memref<5x128x64xf32, #tpu.memory_space<vmem>> -> memref<1x128x64xf32, #tpu.memory_space<vmem>>
      %dma_wait3A_173 = tpu.memref_squeeze %dma_wait3A_172 : memref<1x128x64xf32, #tpu.memory_space<vmem>> -> memref<128x64xf32, #tpu.memory_space<vmem>>
      %dma_wait3A_174 = arith.constant 0 : i32
      %dma_wait3A_175 = tpu.memref_slice %arg9[%add3A_42, %dma_wait3A_174] : memref<10240x64xf32, #tpu.memory_space<vmem_shared>> -> memref<128x64xf32, #tpu.memory_space<vmem_shared>>
      %dma_wait3A_176 = arith.constant 0 : i32
      %dma_wait3A_177 = tpu.memref_slice %arg9[%add3A_42, %dma_wait3A_176] : memref<10240x64xf32, #tpu.memory_space<vmem_shared>> -> memref<128x64xf32, #tpu.memory_space<vmem_shared>>
      %dma_wait3A_178 = arith.constant 0 : i32
      %dma_wait3A_179 = arith.constant 0 : i32
      %dma_wait3A_180 = tpu.memref_slice %arg8[%run_scoped3A_43, %dma_wait3A_178, %dma_wait3A_179] : memref<5x128x64xf32, #tpu.memory_space<vmem>> -> memref<1x128x64xf32, #tpu.memory_space<vmem>>
      %dma_wait3A_181 = tpu.memref_squeeze %dma_wait3A_180 : memref<1x128x64xf32, #tpu.memory_space<vmem>> -> memref<128x64xf32, #tpu.memory_space<vmem>>
      tpu.wait_dma2 semaphore(%run_scoped3A_157 : memref<!tpu.dma_semaphore, #tpu.memory_space<semaphore_mem>>) src(%dma_wait3A_181 : memref<128x64xf32, #tpu.memory_space<vmem>>) dst(%dma_wait3A_177 : memref<128x64xf32, #tpu.memory_space<vmem_shared>>)
      tpu.yield
    }) : () -> ()
    %mul3A_44 = arith.constant 640 : i32
    %mul3A_45 = arith.muli %arg1, %mul3A_44 : i32
    %add3A_46 = arith.constant 512 : i32
    %add3A_47 = arith.addi %mul3A_45, %add3A_46 : i32
    %run_scoped3A_48 = arith.constant 0 : i32
    "tpu.region"() ({
      %run_scoped3A_157 = tpu.sem_alloc : memref<!tpu.dma_semaphore, #tpu.memory_space<semaphore_mem>>
      %dma_start3A_158 = arith.constant 0 : i32
      %dma_start3A_159 = arith.constant 0 : i32
      %dma_start3A_160 = tpu.memref_slice %arg8[%run_scoped3A_48, %dma_start3A_158, %dma_start3A_159] : memref<5x128x64xf32, #tpu.memory_space<vmem>> -> memref<1x128x64xf32, #tpu.memory_space<vmem>>
      %dma_start3A_161 = tpu.memref_squeeze %dma_start3A_160 : memref<1x128x64xf32, #tpu.memory_space<vmem>> -> memref<128x64xf32, #tpu.memory_space<vmem>>
      %dma_start3A_162 = arith.constant 0 : i32
      %dma_start3A_163 = tpu.memref_slice %arg9[%add3A_47, %dma_start3A_162] : memref<10240x64xf32, #tpu.memory_space<vmem_shared>> -> memref<128x64xf32, #tpu.memory_space<vmem_shared>>
      %dma_start3A_164 = arith.constant 0 : i32
      %dma_start3A_165 = tpu.memref_slice %arg9[%add3A_47, %dma_start3A_164] : memref<10240x64xf32, #tpu.memory_space<vmem_shared>> -> memref<128x64xf32, #tpu.memory_space<vmem_shared>>
      %dma_start3A_166 = arith.constant 0 : i32
      %dma_start3A_167 = arith.constant 0 : i32
      %dma_start3A_168 = tpu.memref_slice %arg8[%run_scoped3A_48, %dma_start3A_166, %dma_start3A_167] : memref<5x128x64xf32, #tpu.memory_space<vmem>> -> memref<1x128x64xf32, #tpu.memory_space<vmem>>
      %dma_start3A_169 = tpu.memref_squeeze %dma_start3A_168 : memref<1x128x64xf32, #tpu.memory_space<vmem>> -> memref<128x64xf32, #tpu.memory_space<vmem>>
      tpu.enqueue_dma source(%dma_start3A_169 : memref<128x64xf32, #tpu.memory_space<vmem>>) target(%dma_start3A_165 : memref<128x64xf32, #tpu.memory_space<vmem_shared>>) target_semaphore(%run_scoped3A_157 : memref<!tpu.dma_semaphore, #tpu.memory_space<semaphore_mem>>)
      %dma_wait3A_170 = arith.constant 0 : i32
      %dma_wait3A_171 = arith.constant 0 : i32
      %dma_wait3A_172 = tpu.memref_slice %arg8[%run_scoped3A_48, %dma_wait3A_170, %dma_wait3A_171] : memref<5x128x64xf32, #tpu.memory_space<vmem>> -> memref<1x128x64xf32, #tpu.memory_space<vmem>>
      %dma_wait3A_173 = tpu.memref_squeeze %dma_wait3A_172 : memref<1x128x64xf32, #tpu.memory_space<vmem>> -> memref<128x64xf32, #tpu.memory_space<vmem>>
      %dma_wait3A_174 = arith.constant 0 : i32
      %dma_wait3A_175 = tpu.memref_slice %arg9[%add3A_47, %dma_wait3A_174] : memref<10240x64xf32, #tpu.memory_space<vmem_shared>> -> memref<128x64xf32, #tpu.memory_space<vmem_shared>>
      %dma_wait3A_176 = arith.constant 0 : i32
      %dma_wait3A_177 = tpu.memref_slice %arg9[%add3A_47, %dma_wait3A_176] : memref<10240x64xf32, #tpu.memory_space<vmem_shared>> -> memref<128x64xf32, #tpu.memory_space<vmem_shared>>
      %dma_wait3A_178 = arith.constant 0 : i32
      %dma_wait3A_179 = arith.constant 0 : i32
      %dma_wait3A_180 = tpu.memref_slice %arg8[%run_scoped3A_48, %dma_wait3A_178, %dma_wait3A_179] : memref<5x128x64xf32, #tpu.memory_space<vmem>> -> memref<1x128x64xf32, #tpu.memory_space<vmem>>
      %dma_wait3A_181 = tpu.memref_squeeze %dma_wait3A_180 : memref<1x128x64xf32, #tpu.memory_space<vmem>> -> memref<128x64xf32, #tpu.memory_space<vmem>>
      tpu.wait_dma2 semaphore(%run_scoped3A_157 : memref<!tpu.dma_semaphore, #tpu.memory_space<semaphore_mem>>) src(%dma_wait3A_181 : memref<128x64xf32, #tpu.memory_space<vmem>>) dst(%dma_wait3A_177 : memref<128x64xf32, #tpu.memory_space<vmem_shared>>)
      tpu.yield
    }) : () -> ()
    %dma_wait3A = arith.constant 0 : i32
    %dma_wait3A_49 = arith.constant 0 : i32
    %dma_wait3A_50 = arith.constant 0 : i32
    %dma_wait3A_51 = tpu.memref_slice %arg3[%arg0, %arg1, %dma_wait3A_49, %dma_wait3A_50] : memref<2x16x160x128xi32, #tpu.memory_space<hbm>> -> memref<1x1x160x128xi32, #tpu.memory_space<hbm>>
    %dma_wait3A_52 = tpu.memref_squeeze %dma_wait3A_51 : memref<1x1x160x128xi32, #tpu.memory_space<hbm>> -> memref<160x128xi32, #tpu.memory_space<hbm>>
    %dma_wait3A_53 = tpu.memref_slice %arg10[%dma_wait3A] : memref<2x!tpu.dma_semaphore, #tpu.memory_space<semaphore_mem>> -> memref<1x!tpu.dma_semaphore, #tpu.memory_space<semaphore_mem>>
    %dma_wait3A_54 = tpu.memref_squeeze %dma_wait3A_53 : memref<1x!tpu.dma_semaphore, #tpu.memory_space<semaphore_mem>> -> memref<!tpu.dma_semaphore, #tpu.memory_space<semaphore_mem>>
    %dma_wait3A_55 = arith.constant 0 : i32
    %dma_wait3A_56 = arith.constant 0 : i32
    %dma_wait3A_57 = tpu.memref_slice %arg3[%arg0, %arg1, %dma_wait3A_55, %dma_wait3A_56] : memref<2x16x160x128xi32, #tpu.memory_space<hbm>> -> memref<1x1x160x128xi32, #tpu.memory_space<hbm>>
    %dma_wait3A_58 = tpu.memref_squeeze %dma_wait3A_57 : memref<1x1x160x128xi32, #tpu.memory_space<hbm>> -> memref<160x128xi32, #tpu.memory_space<hbm>>
    tpu.wait_dma2 semaphore(%dma_wait3A_54 : memref<!tpu.dma_semaphore, #tpu.memory_space<semaphore_mem>>) src(%dma_wait3A_58 : memref<160x128xi32, #tpu.memory_space<hbm>>) dst(%arg6 : memref<160x128xi32, #tpu.memory_space<vmem>>)
    %dma_wait3A_59 = arith.constant 1 : i32
    %dma_wait3A_60 = arith.constant 0 : i32
    %dma_wait3A_61 = arith.constant 0 : i32
    %dma_wait3A_62 = tpu.memref_slice %arg4[%arg1, %dma_wait3A_60, %dma_wait3A_61] : memref<16x160x128xi32, #tpu.memory_space<hbm>> -> memref<1x160x128xi32, #tpu.memory_space<hbm>>
    %dma_wait3A_63 = tpu.memref_squeeze %dma_wait3A_62 : memref<1x160x128xi32, #tpu.memory_space<hbm>> -> memref<160x128xi32, #tpu.memory_space<hbm>>
    %dma_wait3A_64 = tpu.memref_slice %arg10[%dma_wait3A_59] : memref<2x!tpu.dma_semaphore, #tpu.memory_space<semaphore_mem>> -> memref<1x!tpu.dma_semaphore, #tpu.memory_space<semaphore_mem>>
    %dma_wait3A_65 = tpu.memref_squeeze %dma_wait3A_64 : memref<1x!tpu.dma_semaphore, #tpu.memory_space<semaphore_mem>> -> memref<!tpu.dma_semaphore, #tpu.memory_space<semaphore_mem>>
    %dma_wait3A_66 = arith.constant 0 : i32
    %dma_wait3A_67 = arith.constant 0 : i32
    %dma_wait3A_68 = tpu.memref_slice %arg4[%arg1, %dma_wait3A_66, %dma_wait3A_67] : memref<16x160x128xi32, #tpu.memory_space<hbm>> -> memref<1x160x128xi32, #tpu.memory_space<hbm>>
    %dma_wait3A_69 = tpu.memref_squeeze %dma_wait3A_68 : memref<1x160x128xi32, #tpu.memory_space<hbm>> -> memref<160x128xi32, #tpu.memory_space<hbm>>
    tpu.wait_dma2 semaphore(%dma_wait3A_65 : memref<!tpu.dma_semaphore, #tpu.memory_space<semaphore_mem>>) src(%dma_wait3A_69 : memref<160x128xi32, #tpu.memory_space<hbm>>) dst(%arg7 : memref<160x128xi32, #tpu.memory_space<vmem>>)
    %barrier3A = arith.constant 0 : index
    tpu.barrier barrier_id(%barrier3A)
    %dma_start3A_70 = arith.constant 0 : i32
    %dma_start3A_71 = arith.constant 0 : i32
    %dma_start3A_72 = arith.constant 0 : i32
    %dma_start3A_73 = arith.constant 0 : i32
    %dma_start3A_74 = arith.constant 0 : i32
    %dma_start3A_75 = tpu.memref_slice %arg8[%dma_start3A_71, %dma_start3A_73, %dma_start3A_74] : memref<5x128x64xf32, #tpu.memory_space<vmem>> -> memref<1x128x64xf32, #tpu.memory_space<vmem>>
    %dma_start3A_76 = tpu.memref_squeeze %dma_start3A_75 : memref<1x128x64xf32, #tpu.memory_space<vmem>> -> memref<128x64xf32, #tpu.memory_space<vmem>>
    %dma_start3A_77 = arith.constant 0 : i32
    %dma_start3A_78 = tpu.memref_slice %arg6[%dma_start3A_70, %dma_start3A_77] : memref<160x128xi32, #tpu.memory_space<vmem>> -> memref<1x128xi32, #tpu.memory_space<vmem>>
    %dma_start3A_79 = tpu.memref_squeeze %dma_start3A_78 : memref<1x128xi32, #tpu.memory_space<vmem>> -> memref<128xi32, #tpu.memory_space<vmem>>
    %dma_start3A_80 = arith.constant 0 : i32
    %dma_start3A_81 = arith.constant 0 : i32
    %dma_start3A_82 = tpu.memref_slice %arg2[%dma_start3A_80, %dma_start3A_81] : memref<20000x64xf32, #tpu.memory_space<hbm>> -> memref<20000x64xf32, #tpu.memory_space<hbm>>
    %dma_start3A_83 = tpu.memref_slice %arg11[%dma_start3A_72] : memref<5x!tpu.dma_semaphore, #tpu.memory_space<semaphore_mem>> -> memref<1x!tpu.dma_semaphore, #tpu.memory_space<semaphore_mem>>
    %dma_start3A_84 = tpu.memref_squeeze %dma_start3A_83 : memref<1x!tpu.dma_semaphore, #tpu.memory_space<semaphore_mem>> -> memref<!tpu.dma_semaphore, #tpu.memory_space<semaphore_mem>>
    tpu.enqueue_indirect_dma source(%dma_start3A_82 : memref<20000x64xf32, #tpu.memory_space<hbm>>) target(%dma_start3A_76 : memref<128x64xf32, #tpu.memory_space<vmem>>) offsets(%dma_start3A_79 : memref<128xi32, #tpu.memory_space<vmem>>) semaphore(%dma_start3A_84 : memref<!tpu.dma_semaphore, #tpu.memory_space<semaphore_mem>>)
    %dma_start3A_85 = arith.constant 1 : i32
    %dma_start3A_86 = arith.constant 1 : i32
    %dma_start3A_87 = arith.constant 1 : i32
    %dma_start3A_88 = arith.constant 0 : i32
    %dma_start3A_89 = arith.constant 0 : i32
    %dma_start3A_90 = tpu.memref_slice %arg8[%dma_start3A_86, %dma_start3A_88, %dma_start3A_89] : memref<5x128x64xf32, #tpu.memory_space<vmem>> -> memref<1x128x64xf32, #tpu.memory_space<vmem>>
    %dma_start3A_91 = tpu.memref_squeeze %dma_start3A_90 : memref<1x128x64xf32, #tpu.memory_space<vmem>> -> memref<128x64xf32, #tpu.memory_space<vmem>>
    %dma_start3A_92 = arith.constant 0 : i32
    %dma_start3A_93 = tpu.memref_slice %arg6[%dma_start3A_85, %dma_start3A_92] : memref<160x128xi32, #tpu.memory_space<vmem>> -> memref<1x128xi32, #tpu.memory_space<vmem>>
    %dma_start3A_94 = tpu.memref_squeeze %dma_start3A_93 : memref<1x128xi32, #tpu.memory_space<vmem>> -> memref<128xi32, #tpu.memory_space<vmem>>
    %dma_start3A_95 = arith.constant 0 : i32
    %dma_start3A_96 = arith.constant 0 : i32
    %dma_start3A_97 = tpu.memref_slice %arg2[%dma_start3A_95, %dma_start3A_96] : memref<20000x64xf32, #tpu.memory_space<hbm>> -> memref<20000x64xf32, #tpu.memory_space<hbm>>
    %dma_start3A_98 = tpu.memref_slice %arg11[%dma_start3A_87] : memref<5x!tpu.dma_semaphore, #tpu.memory_space<semaphore_mem>> -> memref<1x!tpu.dma_semaphore, #tpu.memory_space<semaphore_mem>>
    %dma_start3A_99 = tpu.memref_squeeze %dma_start3A_98 : memref<1x!tpu.dma_semaphore, #tpu.memory_space<semaphore_mem>> -> memref<!tpu.dma_semaphore, #tpu.memory_space<semaphore_mem>>
    tpu.enqueue_indirect_dma source(%dma_start3A_97 : memref<20000x64xf32, #tpu.memory_space<hbm>>) target(%dma_start3A_91 : memref<128x64xf32, #tpu.memory_space<vmem>>) offsets(%dma_start3A_94 : memref<128xi32, #tpu.memory_space<vmem>>) semaphore(%dma_start3A_99 : memref<!tpu.dma_semaphore, #tpu.memory_space<semaphore_mem>>)
    %dma_start3A_100 = arith.constant 2 : i32
    %dma_start3A_101 = arith.constant 2 : i32
    %dma_start3A_102 = arith.constant 2 : i32
    %dma_start3A_103 = arith.constant 0 : i32
    %dma_start3A_104 = arith.constant 0 : i32
    %dma_start3A_105 = tpu.memref_slice %arg8[%dma_start3A_101, %dma_start3A_103, %dma_start3A_104] : memref<5x128x64xf32, #tpu.memory_space<vmem>> -> memref<1x128x64xf32, #tpu.memory_space<vmem>>
    %dma_start3A_106 = tpu.memref_squeeze %dma_start3A_105 : memref<1x128x64xf32, #tpu.memory_space<vmem>> -> memref<128x64xf32, #tpu.memory_space<vmem>>
    %dma_start3A_107 = arith.constant 0 : i32
    %dma_start3A_108 = tpu.memref_slice %arg6[%dma_start3A_100, %dma_start3A_107] : memref<160x128xi32, #tpu.memory_space<vmem>> -> memref<1x128xi32, #tpu.memory_space<vmem>>
    %dma_start3A_109 = tpu.memref_squeeze %dma_start3A_108 : memref<1x128xi32, #tpu.memory_space<vmem>> -> memref<128xi32, #tpu.memory_space<vmem>>
    %dma_start3A_110 = arith.constant 0 : i32
    %dma_start3A_111 = arith.constant 0 : i32
    %dma_start3A_112 = tpu.memref_slice %arg2[%dma_start3A_110, %dma_start3A_111] : memref<20000x64xf32, #tpu.memory_space<hbm>> -> memref<20000x64xf32, #tpu.memory_space<hbm>>
    %dma_start3A_113 = tpu.memref_slice %arg11[%dma_start3A_102] : memref<5x!tpu.dma_semaphore, #tpu.memory_space<semaphore_mem>> -> memref<1x!tpu.dma_semaphore, #tpu.memory_space<semaphore_mem>>
    %dma_start3A_114 = tpu.memref_squeeze %dma_start3A_113 : memref<1x!tpu.dma_semaphore, #tpu.memory_space<semaphore_mem>> -> memref<!tpu.dma_semaphore, #tpu.memory_space<semaphore_mem>>
    tpu.enqueue_indirect_dma source(%dma_start3A_112 : memref<20000x64xf32, #tpu.memory_space<hbm>>) target(%dma_start3A_106 : memref<128x64xf32, #tpu.memory_space<vmem>>) offsets(%dma_start3A_109 : memref<128xi32, #tpu.memory_space<vmem>>) semaphore(%dma_start3A_114 : memref<!tpu.dma_semaphore, #tpu.memory_space<semaphore_mem>>)
    %dma_start3A_115 = arith.constant 3 : i32
    %dma_start3A_116 = arith.constant 3 : i32
    %dma_start3A_117 = arith.constant 3 : i32
    %dma_start3A_118 = arith.constant 0 : i32
    %dma_start3A_119 = arith.constant 0 : i32
    %dma_start3A_120 = tpu.memref_slice %arg8[%dma_start3A_116, %dma_start3A_118, %dma_start3A_119] : memref<5x128x64xf32, #tpu.memory_space<vmem>> -> memref<1x128x64xf32, #tpu.memory_space<vmem>>
    %dma_start3A_121 = tpu.memref_squeeze %dma_start3A_120 : memref<1x128x64xf32, #tpu.memory_space<vmem>> -> memref<128x64xf32, #tpu.memory_space<vmem>>
    %dma_start3A_122 = arith.constant 0 : i32
    %dma_start3A_123 = tpu.memref_slice %arg6[%dma_start3A_115, %dma_start3A_122] : memref<160x128xi32, #tpu.memory_space<vmem>> -> memref<1x128xi32, #tpu.memory_space<vmem>>
    %dma_start3A_124 = tpu.memref_squeeze %dma_start3A_123 : memref<1x128xi32, #tpu.memory_space<vmem>> -> memref<128xi32, #tpu.memory_space<vmem>>
    %dma_start3A_125 = arith.constant 0 : i32
    %dma_start3A_126 = arith.constant 0 : i32
    %dma_start3A_127 = tpu.memref_slice %arg2[%dma_start3A_125, %dma_start3A_126] : memref<20000x64xf32, #tpu.memory_space<hbm>> -> memref<20000x64xf32, #tpu.memory_space<hbm>>
    %dma_start3A_128 = tpu.memref_slice %arg11[%dma_start3A_117] : memref<5x!tpu.dma_semaphore, #tpu.memory_space<semaphore_mem>> -> memref<1x!tpu.dma_semaphore, #tpu.memory_space<semaphore_mem>>
    %dma_start3A_129 = tpu.memref_squeeze %dma_start3A_128 : memref<1x!tpu.dma_semaphore, #tpu.memory_space<semaphore_mem>> -> memref<!tpu.dma_semaphore, #tpu.memory_space<semaphore_mem>>
    tpu.enqueue_indirect_dma source(%dma_start3A_127 : memref<20000x64xf32, #tpu.memory_space<hbm>>) target(%dma_start3A_121 : memref<128x64xf32, #tpu.memory_space<vmem>>) offsets(%dma_start3A_124 : memref<128xi32, #tpu.memory_space<vmem>>) semaphore(%dma_start3A_129 : memref<!tpu.dma_semaphore, #tpu.memory_space<semaphore_mem>>)
    %dma_start3A_130 = arith.constant 4 : i32
    %dma_start3A_131 = arith.constant 4 : i32
    %dma_start3A_132 = arith.constant 4 : i32
    %dma_start3A_133 = arith.constant 0 : i32
    %dma_start3A_134 = arith.constant 0 : i32
    %dma_start3A_135 = tpu.memref_slice %arg8[%dma_start3A_131, %dma_start3A_133, %dma_start3A_134] : memref<5x128x64xf32, #tpu.memory_space<vmem>> -> memref<1x128x64xf32, #tpu.memory_space<vmem>>
    %dma_start3A_136 = tpu.memref_squeeze %dma_start3A_135 : memref<1x128x64xf32, #tpu.memory_space<vmem>> -> memref<128x64xf32, #tpu.memory_space<vmem>>
    %dma_start3A_137 = arith.constant 0 : i32
    %dma_start3A_138 = tpu.memref_slice %arg6[%dma_start3A_130, %dma_start3A_137] : memref<160x128xi32, #tpu.memory_space<vmem>> -> memref<1x128xi32, #tpu.memory_space<vmem>>
    %dma_start3A_139 = tpu.memref_squeeze %dma_start3A_138 : memref<1x128xi32, #tpu.memory_space<vmem>> -> memref<128xi32, #tpu.memory_space<vmem>>
    %dma_start3A_140 = arith.constant 0 : i32
    %dma_start3A_141 = arith.constant 0 : i32
    %dma_start3A_142 = tpu.memref_slice %arg2[%dma_start3A_140, %dma_start3A_141] : memref<20000x64xf32, #tpu.memory_space<hbm>> -> memref<20000x64xf32, #tpu.memory_space<hbm>>
    %dma_start3A_143 = tpu.memref_slice %arg11[%dma_start3A_132] : memref<5x!tpu.dma_semaphore, #tpu.memory_space<semaphore_mem>> -> memref<1x!tpu.dma_semaphore, #tpu.memory_space<semaphore_mem>>
    %dma_start3A_144 = tpu.memref_squeeze %dma_start3A_143 : memref<1x!tpu.dma_semaphore, #tpu.memory_space<semaphore_mem>> -> memref<!tpu.dma_semaphore, #tpu.memory_space<semaphore_mem>>
    tpu.enqueue_indirect_dma source(%dma_start3A_142 : memref<20000x64xf32, #tpu.memory_space<hbm>>) target(%dma_start3A_136 : memref<128x64xf32, #tpu.memory_space<vmem>>) offsets(%dma_start3A_139 : memref<128xi32, #tpu.memory_space<vmem>>) semaphore(%dma_start3A_144 : memref<!tpu.dma_semaphore, #tpu.memory_space<semaphore_mem>>)
    %scan3A_145 = arith.constant 0 : i32
    %scan3A_146 = arith.constant 0 : i32
    %scan3A_147 = arith.constant 32 : i32
    %scan3A_148 = arith.addi %scan3A_146, %scan3A_147 : i32
    %scan3A_149 = arith.constant 1 : i32
    %scan3A_150 = scf.for %scan3A_157 = %scan3A_146 to %scan3A_148 step %scan3A_149 iter_args(%scan3A_158 = %scan3A_145) -> (i32)  : i32 {
      %mul3A_159 = arith.constant 5 : i32
      %mul3A_160 = arith.muli %scan3A_157, %mul3A_159 : i32
      %add3A_161 = arith.constant 0 : i32
      %add3A_162 = arith.addi %mul3A_160, %add3A_161 : i32
      %dma_wait3A_163 = arith.constant 0 : i32
      %dma_wait3A_164 = arith.constant 0 : i32
      %dma_wait3A_165 = arith.constant 0 : i32
      %dma_wait3A_166 = arith.constant 0 : i32
      %dma_wait3A_167 = tpu.memref_slice %arg8[%dma_wait3A_163, %dma_wait3A_165, %dma_wait3A_166] : memref<5x128x64xf32, #tpu.memory_space<vmem>> -> memref<1x128x64xf32, #tpu.memory_space<vmem>>
      %dma_wait3A_168 = tpu.memref_squeeze %dma_wait3A_167 : memref<1x128x64xf32, #tpu.memory_space<vmem>> -> memref<128x64xf32, #tpu.memory_space<vmem>>
      %dma_wait3A_169 = arith.constant 0 : i32
      %dma_wait3A_170 = tpu.memref_slice %arg6[%add3A_162, %dma_wait3A_169] : memref<160x128xi32, #tpu.memory_space<vmem>> -> memref<1x128xi32, #tpu.memory_space<vmem>>
      %dma_wait3A_171 = tpu.memref_squeeze %dma_wait3A_170 : memref<1x128xi32, #tpu.memory_space<vmem>> -> memref<128xi32, #tpu.memory_space<vmem>>
      %dma_wait3A_172 = arith.constant 0 : i32
      %dma_wait3A_173 = arith.constant 0 : i32
      %dma_wait3A_174 = tpu.memref_slice %arg2[%dma_wait3A_172, %dma_wait3A_173] : memref<20000x64xf32, #tpu.memory_space<hbm>> -> memref<20000x64xf32, #tpu.memory_space<hbm>>
      %dma_wait3A_175 = tpu.memref_slice %arg11[%dma_wait3A_164] : memref<5x!tpu.dma_semaphore, #tpu.memory_space<semaphore_mem>> -> memref<1x!tpu.dma_semaphore, #tpu.memory_space<semaphore_mem>>
      %dma_wait3A_176 = tpu.memref_squeeze %dma_wait3A_175 : memref<1x!tpu.dma_semaphore, #tpu.memory_space<semaphore_mem>> -> memref<!tpu.dma_semaphore, #tpu.memory_space<semaphore_mem>>
      tpu.wait_indirect_dma semaphore(%dma_wait3A_176 : memref<!tpu.dma_semaphore, #tpu.memory_space<semaphore_mem>>) src(%dma_wait3A_174 : memref<20000x64xf32, #tpu.memory_space<hbm>>) dst(%dma_wait3A_168 : memref<128x64xf32, #tpu.memory_space<vmem>>)
      %run_scoped3A_177 = arith.constant 0 : i32
      "tpu.region"() ({
        %run_scoped3A_287 = tpu.sem_alloc : memref<!tpu.dma_semaphore, #tpu.memory_space<semaphore_mem>>
        %dma_start3A_288 = arith.constant 0 : i32
        %dma_start3A_289 = arith.constant 0 : i32
        %dma_start3A_290 = tpu.memref_slice %arg8[%run_scoped3A_177, %dma_start3A_288, %dma_start3A_289] : memref<5x128x64xf32, #tpu.memory_space<vmem>> -> memref<1x128x64xf32, #tpu.memory_space<vmem>>
        %dma_start3A_291 = tpu.memref_squeeze %dma_start3A_290 : memref<1x128x64xf32, #tpu.memory_space<vmem>> -> memref<128x64xf32, #tpu.memory_space<vmem>>
        %dma_start3A_292 = arith.constant 0 : i32
        %dma_start3A_293 = tpu.memref_slice %arg7[%add3A_162, %dma_start3A_292] : memref<160x128xi32, #tpu.memory_space<vmem>> -> memref<1x128xi32, #tpu.memory_space<vmem>>
        %dma_start3A_294 = tpu.memref_squeeze %dma_start3A_293 : memref<1x128xi32, #tpu.memory_space<vmem>> -> memref<128xi32, #tpu.memory_space<vmem>>
        %dma_start3A_295 = arith.constant 0 : i32
        %dma_start3A_296 = arith.constant 0 : i32
        %dma_start3A_297 = tpu.memref_slice %arg9[%dma_start3A_295, %dma_start3A_296] : memref<10240x64xf32, #tpu.memory_space<vmem_shared>> -> memref<10240x64xf32, #tpu.memory_space<vmem_shared>>
        tpu.enqueue_indirect_dma source(%dma_start3A_291 : memref<128x64xf32, #tpu.memory_space<vmem>>) target(%dma_start3A_297 : memref<10240x64xf32, #tpu.memory_space<vmem_shared>>) offsets(%dma_start3A_294 : memref<128xi32, #tpu.memory_space<vmem>>) semaphore(%run_scoped3A_287 : memref<!tpu.dma_semaphore, #tpu.memory_space<semaphore_mem>>) {add = true}
        %dma_wait3A_298 = arith.constant 0 : i32
        %dma_wait3A_299 = arith.constant 0 : i32
        %dma_wait3A_300 = tpu.memref_slice %arg8[%run_scoped3A_177, %dma_wait3A_298, %dma_wait3A_299] : memref<5x128x64xf32, #tpu.memory_space<vmem>> -> memref<1x128x64xf32, #tpu.memory_space<vmem>>
        %dma_wait3A_301 = tpu.memref_squeeze %dma_wait3A_300 : memref<1x128x64xf32, #tpu.memory_space<vmem>> -> memref<128x64xf32, #tpu.memory_space<vmem>>
        %dma_wait3A_302 = arith.constant 0 : i32
        %dma_wait3A_303 = tpu.memref_slice %arg7[%add3A_162, %dma_wait3A_302] : memref<160x128xi32, #tpu.memory_space<vmem>> -> memref<1x128xi32, #tpu.memory_space<vmem>>
        %dma_wait3A_304 = tpu.memref_squeeze %dma_wait3A_303 : memref<1x128xi32, #tpu.memory_space<vmem>> -> memref<128xi32, #tpu.memory_space<vmem>>
        %dma_wait3A_305 = arith.constant 0 : i32
        %dma_wait3A_306 = arith.constant 0 : i32
        %dma_wait3A_307 = tpu.memref_slice %arg9[%dma_wait3A_305, %dma_wait3A_306] : memref<10240x64xf32, #tpu.memory_space<vmem_shared>> -> memref<10240x64xf32, #tpu.memory_space<vmem_shared>>
        tpu.wait_indirect_dma semaphore(%run_scoped3A_287 : memref<!tpu.dma_semaphore, #tpu.memory_space<semaphore_mem>>) src(%dma_wait3A_301 : memref<128x64xf32, #tpu.memory_space<vmem>>) dst(%dma_wait3A_307 : memref<10240x64xf32, #tpu.memory_space<vmem_shared>>)
        tpu.yield
      }) : () -> ()
      %add3A_178 = arith.constant 5 : i32
      %add3A_179 = arith.addi %add3A_162, %add3A_178 : i32
      %lt3A = arith.constant 160 : i32
      %lt3A_180 = arith.cmpi slt, %add3A_179, %lt3A : i32
      %convert_element_type3A = arith.extui %lt3A_180 : i1 to i32
      %cond3A = arith.constant 0 : i32
      %cond3A_181 = arith.cmpi ne, %convert_element_type3A, %cond3A : i32
      scf.if %cond3A_181 {
        %add3A_287 = arith.constant 5 : i32
        %add3A_288 = arith.addi %add3A_162, %add3A_287 : i32
        %dma_start3A_289 = arith.constant 0 : i32
        %dma_start3A_290 = arith.constant 0 : i32
        %dma_start3A_291 = arith.constant 0 : i32
        %dma_start3A_292 = arith.constant 0 : i32
        %dma_start3A_293 = tpu.memref_slice %arg8[%dma_start3A_289, %dma_start3A_291, %dma_start3A_292] : memref<5x128x64xf32, #tpu.memory_space<vmem>> -> memref<1x128x64xf32, #tpu.memory_space<vmem>>
        %dma_start3A_294 = tpu.memref_squeeze %dma_start3A_293 : memref<1x128x64xf32, #tpu.memory_space<vmem>> -> memref<128x64xf32, #tpu.memory_space<vmem>>
        %dma_start3A_295 = arith.constant 0 : i32
        %dma_start3A_296 = tpu.memref_slice %arg6[%add3A_288, %dma_start3A_295] : memref<160x128xi32, #tpu.memory_space<vmem>> -> memref<1x128xi32, #tpu.memory_space<vmem>>
        %dma_start3A_297 = tpu.memref_squeeze %dma_start3A_296 : memref<1x128xi32, #tpu.memory_space<vmem>> -> memref<128xi32, #tpu.memory_space<vmem>>
        %dma_start3A_298 = arith.constant 0 : i32
        %dma_start3A_299 = arith.constant 0 : i32
        %dma_start3A_300 = tpu.memref_slice %arg2[%dma_start3A_298, %dma_start3A_299] : memref<20000x64xf32, #tpu.memory_space<hbm>> -> memref<20000x64xf32, #tpu.memory_space<hbm>>
        %dma_start3A_301 = tpu.memref_slice %arg11[%dma_start3A_290] : memref<5x!tpu.dma_semaphore, #tpu.memory_space<semaphore_mem>> -> memref<1x!tpu.dma_semaphore, #tpu.memory_space<semaphore_mem>>
        %dma_start3A_302 = tpu.memref_squeeze %dma_start3A_301 : memref<1x!tpu.dma_semaphore, #tpu.memory_space<semaphore_mem>> -> memref<!tpu.dma_semaphore, #tpu.memory_space<semaphore_mem>>
        tpu.enqueue_indirect_dma source(%dma_start3A_300 : memref<20000x64xf32, #tpu.memory_space<hbm>>) target(%dma_start3A_294 : memref<128x64xf32, #tpu.memory_space<vmem>>) offsets(%dma_start3A_297 : memref<128xi32, #tpu.memory_space<vmem>>) semaphore(%dma_start3A_302 : memref<!tpu.dma_semaphore, #tpu.memory_space<semaphore_mem>>)
      } else {
      }
      %mul3A_182 = arith.constant 5 : i32
      %mul3A_183 = arith.muli %scan3A_157, %mul3A_182 : i32
      %add3A_184 = arith.constant 1 : i32
      %add3A_185 = arith.addi %mul3A_183, %add3A_184 : i32
      %dma_wait3A_186 = arith.constant 1 : i32
      %dma_wait3A_187 = arith.constant 1 : i32
      %dma_wait3A_188 = arith.constant 0 : i32
      %dma_wait3A_189 = arith.constant 0 : i32
      %dma_wait3A_190 = tpu.memref_slice %arg8[%dma_wait3A_186, %dma_wait3A_188, %dma_wait3A_189] : memref<5x128x64xf32, #tpu.memory_space<vmem>> -> memref<1x128x64xf32, #tpu.memory_space<vmem>>
      %dma_wait3A_191 = tpu.memref_squeeze %dma_wait3A_190 : memref<1x128x64xf32, #tpu.memory_space<vmem>> -> memref<128x64xf32, #tpu.memory_space<vmem>>
      %dma_wait3A_192 = arith.constant 0 : i32
      %dma_wait3A_193 = tpu.memref_slice %arg6[%add3A_185, %dma_wait3A_192] : memref<160x128xi32, #tpu.memory_space<vmem>> -> memref<1x128xi32, #tpu.memory_space<vmem>>
      %dma_wait3A_194 = tpu.memref_squeeze %dma_wait3A_193 : memref<1x128xi32, #tpu.memory_space<vmem>> -> memref<128xi32, #tpu.memory_space<vmem>>
      %dma_wait3A_195 = arith.constant 0 : i32
      %dma_wait3A_196 = arith.constant 0 : i32
      %dma_wait3A_197 = tpu.memref_slice %arg2[%dma_wait3A_195, %dma_wait3A_196] : memref<20000x64xf32, #tpu.memory_space<hbm>> -> memref<20000x64xf32, #tpu.memory_space<hbm>>
      %dma_wait3A_198 = tpu.memref_slice %arg11[%dma_wait3A_187] : memref<5x!tpu.dma_semaphore, #tpu.memory_space<semaphore_mem>> -> memref<1x!tpu.dma_semaphore, #tpu.memory_space<semaphore_mem>>
      %dma_wait3A_199 = tpu.memref_squeeze %dma_wait3A_198 : memref<1x!tpu.dma_semaphore, #tpu.memory_space<semaphore_mem>> -> memref<!tpu.dma_semaphore, #tpu.memory_space<semaphore_mem>>
      tpu.wait_indirect_dma semaphore(%dma_wait3A_199 : memref<!tpu.dma_semaphore, #tpu.memory_space<semaphore_mem>>) src(%dma_wait3A_197 : memref<20000x64xf32, #tpu.memory_space<hbm>>) dst(%dma_wait3A_191 : memref<128x64xf32, #tpu.memory_space<vmem>>)
      %run_scoped3A_200 = arith.constant 1 : i32
      "tpu.region"() ({
        %run_scoped3A_287 = tpu.sem_alloc : memref<!tpu.dma_semaphore, #tpu.memory_space<semaphore_mem>>
        %dma_start3A_288 = arith.constant 0 : i32
        %dma_start3A_289 = arith.constant 0 : i32
        %dma_start3A_290 = tpu.memref_slice %arg8[%run_scoped3A_200, %dma_start3A_288, %dma_start3A_289] : memref<5x128x64xf32, #tpu.memory_space<vmem>> -> memref<1x128x64xf32, #tpu.memory_space<vmem>>
        %dma_start3A_291 = tpu.memref_squeeze %dma_start3A_290 : memref<1x128x64xf32, #tpu.memory_space<vmem>> -> memref<128x64xf32, #tpu.memory_space<vmem>>
        %dma_start3A_292 = arith.constant 0 : i32
        %dma_start3A_293 = tpu.memref_slice %arg7[%add3A_185, %dma_start3A_292] : memref<160x128xi32, #tpu.memory_space<vmem>> -> memref<1x128xi32, #tpu.memory_space<vmem>>
        %dma_start3A_294 = tpu.memref_squeeze %dma_start3A_293 : memref<1x128xi32, #tpu.memory_space<vmem>> -> memref<128xi32, #tpu.memory_space<vmem>>
        %dma_start3A_295 = arith.constant 0 : i32
        %dma_start3A_296 = arith.constant 0 : i32
        %dma_start3A_297 = tpu.memref_slice %arg9[%dma_start3A_295, %dma_start3A_296] : memref<10240x64xf32, #tpu.memory_space<vmem_shared>> -> memref<10240x64xf32, #tpu.memory_space<vmem_shared>>
        tpu.enqueue_indirect_dma source(%dma_start3A_291 : memref<128x64xf32, #tpu.memory_space<vmem>>) target(%dma_start3A_297 : memref<10240x64xf32, #tpu.memory_space<vmem_shared>>) offsets(%dma_start3A_294 : memref<128xi32, #tpu.memory_space<vmem>>) semaphore(%run_scoped3A_287 : memref<!tpu.dma_semaphore, #tpu.memory_space<semaphore_mem>>) {add = true}
        %dma_wait3A_298 = arith.constant 0 : i32
        %dma_wait3A_299 = arith.constant 0 : i32
        %dma_wait3A_300 = tpu.memref_slice %arg8[%run_scoped3A_200, %dma_wait3A_298, %dma_wait3A_299] : memref<5x128x64xf32, #tpu.memory_space<vmem>> -> memref<1x128x64xf32, #tpu.memory_space<vmem>>
        %dma_wait3A_301 = tpu.memref_squeeze %dma_wait3A_300 : memref<1x128x64xf32, #tpu.memory_space<vmem>> -> memref<128x64xf32, #tpu.memory_space<vmem>>
        %dma_wait3A_302 = arith.constant 0 : i32
        %dma_wait3A_303 = tpu.memref_slice %arg7[%add3A_185, %dma_wait3A_302] : memref<160x128xi32, #tpu.memory_space<vmem>> -> memref<1x128xi32, #tpu.memory_space<vmem>>
        %dma_wait3A_304 = tpu.memref_squeeze %dma_wait3A_303 : memref<1x128xi32, #tpu.memory_space<vmem>> -> memref<128xi32, #tpu.memory_space<vmem>>
        %dma_wait3A_305 = arith.constant 0 : i32
        %dma_wait3A_306 = arith.constant 0 : i32
        %dma_wait3A_307 = tpu.memref_slice %arg9[%dma_wait3A_305, %dma_wait3A_306] : memref<10240x64xf32, #tpu.memory_space<vmem_shared>> -> memref<10240x64xf32, #tpu.memory_space<vmem_shared>>
        tpu.wait_indirect_dma semaphore(%run_scoped3A_287 : memref<!tpu.dma_semaphore, #tpu.memory_space<semaphore_mem>>) src(%dma_wait3A_301 : memref<128x64xf32, #tpu.memory_space<vmem>>) dst(%dma_wait3A_307 : memref<10240x64xf32, #tpu.memory_space<vmem_shared>>)
        tpu.yield
      }) : () -> ()
      %add3A_201 = arith.constant 5 : i32
      %add3A_202 = arith.addi %add3A_185, %add3A_201 : i32
      %lt3A_203 = arith.constant 160 : i32
      %lt3A_204 = arith.cmpi slt, %add3A_202, %lt3A_203 : i32
      %convert_element_type3A_205 = arith.extui %lt3A_204 : i1 to i32
      %cond3A_206 = arith.constant 0 : i32
      %cond3A_207 = arith.cmpi ne, %convert_element_type3A_205, %cond3A_206 : i32
      scf.if %cond3A_207 {
        %add3A_287 = arith.constant 5 : i32
        %add3A_288 = arith.addi %add3A_185, %add3A_287 : i32
        %dma_start3A_289 = arith.constant 1 : i32
        %dma_start3A_290 = arith.constant 1 : i32
        %dma_start3A_291 = arith.constant 0 : i32
        %dma_start3A_292 = arith.constant 0 : i32
        %dma_start3A_293 = tpu.memref_slice %arg8[%dma_start3A_289, %dma_start3A_291, %dma_start3A_292] : memref<5x128x64xf32, #tpu.memory_space<vmem>> -> memref<1x128x64xf32, #tpu.memory_space<vmem>>
        %dma_start3A_294 = tpu.memref_squeeze %dma_start3A_293 : memref<1x128x64xf32, #tpu.memory_space<vmem>> -> memref<128x64xf32, #tpu.memory_space<vmem>>
        %dma_start3A_295 = arith.constant 0 : i32
        %dma_start3A_296 = tpu.memref_slice %arg6[%add3A_288, %dma_start3A_295] : memref<160x128xi32, #tpu.memory_space<vmem>> -> memref<1x128xi32, #tpu.memory_space<vmem>>
        %dma_start3A_297 = tpu.memref_squeeze %dma_start3A_296 : memref<1x128xi32, #tpu.memory_space<vmem>> -> memref<128xi32, #tpu.memory_space<vmem>>
        %dma_start3A_298 = arith.constant 0 : i32
        %dma_start3A_299 = arith.constant 0 : i32
        %dma_start3A_300 = tpu.memref_slice %arg2[%dma_start3A_298, %dma_start3A_299] : memref<20000x64xf32, #tpu.memory_space<hbm>> -> memref<20000x64xf32, #tpu.memory_space<hbm>>
        %dma_start3A_301 = tpu.memref_slice %arg11[%dma_start3A_290] : memref<5x!tpu.dma_semaphore, #tpu.memory_space<semaphore_mem>> -> memref<1x!tpu.dma_semaphore, #tpu.memory_space<semaphore_mem>>
        %dma_start3A_302 = tpu.memref_squeeze %dma_start3A_301 : memref<1x!tpu.dma_semaphore, #tpu.memory_space<semaphore_mem>> -> memref<!tpu.dma_semaphore, #tpu.memory_space<semaphore_mem>>
        tpu.enqueue_indirect_dma source(%dma_start3A_300 : memref<20000x64xf32, #tpu.memory_space<hbm>>) target(%dma_start3A_294 : memref<128x64xf32, #tpu.memory_space<vmem>>) offsets(%dma_start3A_297 : memref<128xi32, #tpu.memory_space<vmem>>) semaphore(%dma_start3A_302 : memref<!tpu.dma_semaphore, #tpu.memory_space<semaphore_mem>>)
      } else {
      }
      %mul3A_208 = arith.constant 5 : i32
      %mul3A_209 = arith.muli %scan3A_157, %mul3A_208 : i32
      %add3A_210 = arith.constant 2 : i32
      %add3A_211 = arith.addi %mul3A_209, %add3A_210 : i32
      %dma_wait3A_212 = arith.constant 2 : i32
      %dma_wait3A_213 = arith.constant 2 : i32
      %dma_wait3A_214 = arith.constant 0 : i32
      %dma_wait3A_215 = arith.constant 0 : i32
      %dma_wait3A_216 = tpu.memref_slice %arg8[%dma_wait3A_212, %dma_wait3A_214, %dma_wait3A_215] : memref<5x128x64xf32, #tpu.memory_space<vmem>> -> memref<1x128x64xf32, #tpu.memory_space<vmem>>
      %dma_wait3A_217 = tpu.memref_squeeze %dma_wait3A_216 : memref<1x128x64xf32, #tpu.memory_space<vmem>> -> memref<128x64xf32, #tpu.memory_space<vmem>>
      %dma_wait3A_218 = arith.constant 0 : i32
      %dma_wait3A_219 = tpu.memref_slice %arg6[%add3A_211, %dma_wait3A_218] : memref<160x128xi32, #tpu.memory_space<vmem>> -> memref<1x128xi32, #tpu.memory_space<vmem>>
      %dma_wait3A_220 = tpu.memref_squeeze %dma_wait3A_219 : memref<1x128xi32, #tpu.memory_space<vmem>> -> memref<128xi32, #tpu.memory_space<vmem>>
      %dma_wait3A_221 = arith.constant 0 : i32
      %dma_wait3A_222 = arith.constant 0 : i32
      %dma_wait3A_223 = tpu.memref_slice %arg2[%dma_wait3A_221, %dma_wait3A_222] : memref<20000x64xf32, #tpu.memory_space<hbm>> -> memref<20000x64xf32, #tpu.memory_space<hbm>>
      %dma_wait3A_224 = tpu.memref_slice %arg11[%dma_wait3A_213] : memref<5x!tpu.dma_semaphore, #tpu.memory_space<semaphore_mem>> -> memref<1x!tpu.dma_semaphore, #tpu.memory_space<semaphore_mem>>
      %dma_wait3A_225 = tpu.memref_squeeze %dma_wait3A_224 : memref<1x!tpu.dma_semaphore, #tpu.memory_space<semaphore_mem>> -> memref<!tpu.dma_semaphore, #tpu.memory_space<semaphore_mem>>
      tpu.wait_indirect_dma semaphore(%dma_wait3A_225 : memref<!tpu.dma_semaphore, #tpu.memory_space<semaphore_mem>>) src(%dma_wait3A_223 : memref<20000x64xf32, #tpu.memory_space<hbm>>) dst(%dma_wait3A_217 : memref<128x64xf32, #tpu.memory_space<vmem>>)
      %run_scoped3A_226 = arith.constant 2 : i32
      "tpu.region"() ({
        %run_scoped3A_287 = tpu.sem_alloc : memref<!tpu.dma_semaphore, #tpu.memory_space<semaphore_mem>>
        %dma_start3A_288 = arith.constant 0 : i32
        %dma_start3A_289 = arith.constant 0 : i32
        %dma_start3A_290 = tpu.memref_slice %arg8[%run_scoped3A_226, %dma_start3A_288, %dma_start3A_289] : memref<5x128x64xf32, #tpu.memory_space<vmem>> -> memref<1x128x64xf32, #tpu.memory_space<vmem>>
        %dma_start3A_291 = tpu.memref_squeeze %dma_start3A_290 : memref<1x128x64xf32, #tpu.memory_space<vmem>> -> memref<128x64xf32, #tpu.memory_space<vmem>>
        %dma_start3A_292 = arith.constant 0 : i32
        %dma_start3A_293 = tpu.memref_slice %arg7[%add3A_211, %dma_start3A_292] : memref<160x128xi32, #tpu.memory_space<vmem>> -> memref<1x128xi32, #tpu.memory_space<vmem>>
        %dma_start3A_294 = tpu.memref_squeeze %dma_start3A_293 : memref<1x128xi32, #tpu.memory_space<vmem>> -> memref<128xi32, #tpu.memory_space<vmem>>
        %dma_start3A_295 = arith.constant 0 : i32
        %dma_start3A_296 = arith.constant 0 : i32
        %dma_start3A_297 = tpu.memref_slice %arg9[%dma_start3A_295, %dma_start3A_296] : memref<10240x64xf32, #tpu.memory_space<vmem_shared>> -> memref<10240x64xf32, #tpu.memory_space<vmem_shared>>
        tpu.enqueue_indirect_dma source(%dma_start3A_291 : memref<128x64xf32, #tpu.memory_space<vmem>>) target(%dma_start3A_297 : memref<10240x64xf32, #tpu.memory_space<vmem_shared>>) offsets(%dma_start3A_294 : memref<128xi32, #tpu.memory_space<vmem>>) semaphore(%run_scoped3A_287 : memref<!tpu.dma_semaphore, #tpu.memory_space<semaphore_mem>>) {add = true}
        %dma_wait3A_298 = arith.constant 0 : i32
        %dma_wait3A_299 = arith.constant 0 : i32
        %dma_wait3A_300 = tpu.memref_slice %arg8[%run_scoped3A_226, %dma_wait3A_298, %dma_wait3A_299] : memref<5x128x64xf32, #tpu.memory_space<vmem>> -> memref<1x128x64xf32, #tpu.memory_space<vmem>>
        %dma_wait3A_301 = tpu.memref_squeeze %dma_wait3A_300 : memref<1x128x64xf32, #tpu.memory_space<vmem>> -> memref<128x64xf32, #tpu.memory_space<vmem>>
        %dma_wait3A_302 = arith.constant 0 : i32
        %dma_wait3A_303 = tpu.memref_slice %arg7[%add3A_211, %dma_wait3A_302] : memref<160x128xi32, #tpu.memory_space<vmem>> -> memref<1x128xi32, #tpu.memory_space<vmem>>
        %dma_wait3A_304 = tpu.memref_squeeze %dma_wait3A_303 : memref<1x128xi32, #tpu.memory_space<vmem>> -> memref<128xi32, #tpu.memory_space<vmem>>
        %dma_wait3A_305 = arith.constant 0 : i32
        %dma_wait3A_306 = arith.constant 0 : i32
        %dma_wait3A_307 = tpu.memref_slice %arg9[%dma_wait3A_305, %dma_wait3A_306] : memref<10240x64xf32, #tpu.memory_space<vmem_shared>> -> memref<10240x64xf32, #tpu.memory_space<vmem_shared>>
        tpu.wait_indirect_dma semaphore(%run_scoped3A_287 : memref<!tpu.dma_semaphore, #tpu.memory_space<semaphore_mem>>) src(%dma_wait3A_301 : memref<128x64xf32, #tpu.memory_space<vmem>>) dst(%dma_wait3A_307 : memref<10240x64xf32, #tpu.memory_space<vmem_shared>>)
        tpu.yield
      }) : () -> ()
      %add3A_227 = arith.constant 5 : i32
      %add3A_228 = arith.addi %add3A_211, %add3A_227 : i32
      %lt3A_229 = arith.constant 160 : i32
      %lt3A_230 = arith.cmpi slt, %add3A_228, %lt3A_229 : i32
      %convert_element_type3A_231 = arith.extui %lt3A_230 : i1 to i32
      %cond3A_232 = arith.constant 0 : i32
      %cond3A_233 = arith.cmpi ne, %convert_element_type3A_231, %cond3A_232 : i32
      scf.if %cond3A_233 {
        %add3A_287 = arith.constant 5 : i32
        %add3A_288 = arith.addi %add3A_211, %add3A_287 : i32
        %dma_start3A_289 = arith.constant 2 : i32
        %dma_start3A_290 = arith.constant 2 : i32
        %dma_start3A_291 = arith.constant 0 : i32
        %dma_start3A_292 = arith.constant 0 : i32
        %dma_start3A_293 = tpu.memref_slice %arg8[%dma_start3A_289, %dma_start3A_291, %dma_start3A_292] : memref<5x128x64xf32, #tpu.memory_space<vmem>> -> memref<1x128x64xf32, #tpu.memory_space<vmem>>
        %dma_start3A_294 = tpu.memref_squeeze %dma_start3A_293 : memref<1x128x64xf32, #tpu.memory_space<vmem>> -> memref<128x64xf32, #tpu.memory_space<vmem>>
        %dma_start3A_295 = arith.constant 0 : i32
        %dma_start3A_296 = tpu.memref_slice %arg6[%add3A_288, %dma_start3A_295] : memref<160x128xi32, #tpu.memory_space<vmem>> -> memref<1x128xi32, #tpu.memory_space<vmem>>
        %dma_start3A_297 = tpu.memref_squeeze %dma_start3A_296 : memref<1x128xi32, #tpu.memory_space<vmem>> -> memref<128xi32, #tpu.memory_space<vmem>>
        %dma_start3A_298 = arith.constant 0 : i32
        %dma_start3A_299 = arith.constant 0 : i32
        %dma_start3A_300 = tpu.memref_slice %arg2[%dma_start3A_298, %dma_start3A_299] : memref<20000x64xf32, #tpu.memory_space<hbm>> -> memref<20000x64xf32, #tpu.memory_space<hbm>>
        %dma_start3A_301 = tpu.memref_slice %arg11[%dma_start3A_290] : memref<5x!tpu.dma_semaphore, #tpu.memory_space<semaphore_mem>> -> memref<1x!tpu.dma_semaphore, #tpu.memory_space<semaphore_mem>>
        %dma_start3A_302 = tpu.memref_squeeze %dma_start3A_301 : memref<1x!tpu.dma_semaphore, #tpu.memory_space<semaphore_mem>> -> memref<!tpu.dma_semaphore, #tpu.memory_space<semaphore_mem>>
        tpu.enqueue_indirect_dma source(%dma_start3A_300 : memref<20000x64xf32, #tpu.memory_space<hbm>>) target(%dma_start3A_294 : memref<128x64xf32, #tpu.memory_space<vmem>>) offsets(%dma_start3A_297 : memref<128xi32, #tpu.memory_space<vmem>>) semaphore(%dma_start3A_302 : memref<!tpu.dma_semaphore, #tpu.memory_space<semaphore_mem>>)
      } else {
      }
      %mul3A_234 = arith.constant 5 : i32
      %mul3A_235 = arith.muli %scan3A_157, %mul3A_234 : i32
      %add3A_236 = arith.constant 3 : i32
      %add3A_237 = arith.addi %mul3A_235, %add3A_236 : i32
      %dma_wait3A_238 = arith.constant 3 : i32
      %dma_wait3A_239 = arith.constant 3 : i32
      %dma_wait3A_240 = arith.constant 0 : i32
      %dma_wait3A_241 = arith.constant 0 : i32
      %dma_wait3A_242 = tpu.memref_slice %arg8[%dma_wait3A_238, %dma_wait3A_240, %dma_wait3A_241] : memref<5x128x64xf32, #tpu.memory_space<vmem>> -> memref<1x128x64xf32, #tpu.memory_space<vmem>>
      %dma_wait3A_243 = tpu.memref_squeeze %dma_wait3A_242 : memref<1x128x64xf32, #tpu.memory_space<vmem>> -> memref<128x64xf32, #tpu.memory_space<vmem>>
      %dma_wait3A_244 = arith.constant 0 : i32
      %dma_wait3A_245 = tpu.memref_slice %arg6[%add3A_237, %dma_wait3A_244] : memref<160x128xi32, #tpu.memory_space<vmem>> -> memref<1x128xi32, #tpu.memory_space<vmem>>
      %dma_wait3A_246 = tpu.memref_squeeze %dma_wait3A_245 : memref<1x128xi32, #tpu.memory_space<vmem>> -> memref<128xi32, #tpu.memory_space<vmem>>
      %dma_wait3A_247 = arith.constant 0 : i32
      %dma_wait3A_248 = arith.constant 0 : i32
      %dma_wait3A_249 = tpu.memref_slice %arg2[%dma_wait3A_247, %dma_wait3A_248] : memref<20000x64xf32, #tpu.memory_space<hbm>> -> memref<20000x64xf32, #tpu.memory_space<hbm>>
      %dma_wait3A_250 = tpu.memref_slice %arg11[%dma_wait3A_239] : memref<5x!tpu.dma_semaphore, #tpu.memory_space<semaphore_mem>> -> memref<1x!tpu.dma_semaphore, #tpu.memory_space<semaphore_mem>>
      %dma_wait3A_251 = tpu.memref_squeeze %dma_wait3A_250 : memref<1x!tpu.dma_semaphore, #tpu.memory_space<semaphore_mem>> -> memref<!tpu.dma_semaphore, #tpu.memory_space<semaphore_mem>>
      tpu.wait_indirect_dma semaphore(%dma_wait3A_251 : memref<!tpu.dma_semaphore, #tpu.memory_space<semaphore_mem>>) src(%dma_wait3A_249 : memref<20000x64xf32, #tpu.memory_space<hbm>>) dst(%dma_wait3A_243 : memref<128x64xf32, #tpu.memory_space<vmem>>)
      %run_scoped3A_252 = arith.constant 3 : i32
      "tpu.region"() ({
        %run_scoped3A_287 = tpu.sem_alloc : memref<!tpu.dma_semaphore, #tpu.memory_space<semaphore_mem>>
        %dma_start3A_288 = arith.constant 0 : i32
        %dma_start3A_289 = arith.constant 0 : i32
        %dma_start3A_290 = tpu.memref_slice %arg8[%run_scoped3A_252, %dma_start3A_288, %dma_start3A_289] : memref<5x128x64xf32, #tpu.memory_space<vmem>> -> memref<1x128x64xf32, #tpu.memory_space<vmem>>
        %dma_start3A_291 = tpu.memref_squeeze %dma_start3A_290 : memref<1x128x64xf32, #tpu.memory_space<vmem>> -> memref<128x64xf32, #tpu.memory_space<vmem>>
        %dma_start3A_292 = arith.constant 0 : i32
        %dma_start3A_293 = tpu.memref_slice %arg7[%add3A_237, %dma_start3A_292] : memref<160x128xi32, #tpu.memory_space<vmem>> -> memref<1x128xi32, #tpu.memory_space<vmem>>
        %dma_start3A_294 = tpu.memref_squeeze %dma_start3A_293 : memref<1x128xi32, #tpu.memory_space<vmem>> -> memref<128xi32, #tpu.memory_space<vmem>>
        %dma_start3A_295 = arith.constant 0 : i32
        %dma_start3A_296 = arith.constant 0 : i32
        %dma_start3A_297 = tpu.memref_slice %arg9[%dma_start3A_295, %dma_start3A_296] : memref<10240x64xf32, #tpu.memory_space<vmem_shared>> -> memref<10240x64xf32, #tpu.memory_space<vmem_shared>>
        tpu.enqueue_indirect_dma source(%dma_start3A_291 : memref<128x64xf32, #tpu.memory_space<vmem>>) target(%dma_start3A_297 : memref<10240x64xf32, #tpu.memory_space<vmem_shared>>) offsets(%dma_start3A_294 : memref<128xi32, #tpu.memory_space<vmem>>) semaphore(%run_scoped3A_287 : memref<!tpu.dma_semaphore, #tpu.memory_space<semaphore_mem>>) {add = true}
        %dma_wait3A_298 = arith.constant 0 : i32
        %dma_wait3A_299 = arith.constant 0 : i32
        %dma_wait3A_300 = tpu.memref_slice %arg8[%run_scoped3A_252, %dma_wait3A_298, %dma_wait3A_299] : memref<5x128x64xf32, #tpu.memory_space<vmem>> -> memref<1x128x64xf32, #tpu.memory_space<vmem>>
        %dma_wait3A_301 = tpu.memref_squeeze %dma_wait3A_300 : memref<1x128x64xf32, #tpu.memory_space<vmem>> -> memref<128x64xf32, #tpu.memory_space<vmem>>
        %dma_wait3A_302 = arith.constant 0 : i32
        %dma_wait3A_303 = tpu.memref_slice %arg7[%add3A_237, %dma_wait3A_302] : memref<160x128xi32, #tpu.memory_space<vmem>> -> memref<1x128xi32, #tpu.memory_space<vmem>>
        %dma_wait3A_304 = tpu.memref_squeeze %dma_wait3A_303 : memref<1x128xi32, #tpu.memory_space<vmem>> -> memref<128xi32, #tpu.memory_space<vmem>>
        %dma_wait3A_305 = arith.constant 0 : i32
        %dma_wait3A_306 = arith.constant 0 : i32
        %dma_wait3A_307 = tpu.memref_slice %arg9[%dma_wait3A_305, %dma_wait3A_306] : memref<10240x64xf32, #tpu.memory_space<vmem_shared>> -> memref<10240x64xf32, #tpu.memory_space<vmem_shared>>
        tpu.wait_indirect_dma semaphore(%run_scoped3A_287 : memref<!tpu.dma_semaphore, #tpu.memory_space<semaphore_mem>>) src(%dma_wait3A_301 : memref<128x64xf32, #tpu.memory_space<vmem>>) dst(%dma_wait3A_307 : memref<10240x64xf32, #tpu.memory_space<vmem_shared>>)
        tpu.yield
      }) : () -> ()
      %add3A_253 = arith.constant 5 : i32
      %add3A_254 = arith.addi %add3A_237, %add3A_253 : i32
      %lt3A_255 = arith.constant 160 : i32
      %lt3A_256 = arith.cmpi slt, %add3A_254, %lt3A_255 : i32
      %convert_element_type3A_257 = arith.extui %lt3A_256 : i1 to i32
      %cond3A_258 = arith.constant 0 : i32
      %cond3A_259 = arith.cmpi ne, %convert_element_type3A_257, %cond3A_258 : i32
      scf.if %cond3A_259 {
        %add3A_287 = arith.constant 5 : i32
        %add3A_288 = arith.addi %add3A_237, %add3A_287 : i32
        %dma_start3A_289 = arith.constant 3 : i32
        %dma_start3A_290 = arith.constant 3 : i32
        %dma_start3A_291 = arith.constant 0 : i32
        %dma_start3A_292 = arith.constant 0 : i32
        %dma_start3A_293 = tpu.memref_slice %arg8[%dma_start3A_289, %dma_start3A_291, %dma_start3A_292] : memref<5x128x64xf32, #tpu.memory_space<vmem>> -> memref<1x128x64xf32, #tpu.memory_space<vmem>>
        %dma_start3A_294 = tpu.memref_squeeze %dma_start3A_293 : memref<1x128x64xf32, #tpu.memory_space<vmem>> -> memref<128x64xf32, #tpu.memory_space<vmem>>
        %dma_start3A_295 = arith.constant 0 : i32
        %dma_start3A_296 = tpu.memref_slice %arg6[%add3A_288, %dma_start3A_295] : memref<160x128xi32, #tpu.memory_space<vmem>> -> memref<1x128xi32, #tpu.memory_space<vmem>>
        %dma_start3A_297 = tpu.memref_squeeze %dma_start3A_296 : memref<1x128xi32, #tpu.memory_space<vmem>> -> memref<128xi32, #tpu.memory_space<vmem>>
        %dma_start3A_298 = arith.constant 0 : i32
        %dma_start3A_299 = arith.constant 0 : i32
        %dma_start3A_300 = tpu.memref_slice %arg2[%dma_start3A_298, %dma_start3A_299] : memref<20000x64xf32, #tpu.memory_space<hbm>> -> memref<20000x64xf32, #tpu.memory_space<hbm>>
        %dma_start3A_301 = tpu.memref_slice %arg11[%dma_start3A_290] : memref<5x!tpu.dma_semaphore, #tpu.memory_space<semaphore_mem>> -> memref<1x!tpu.dma_semaphore, #tpu.memory_space<semaphore_mem>>
        %dma_start3A_302 = tpu.memref_squeeze %dma_start3A_301 : memref<1x!tpu.dma_semaphore, #tpu.memory_space<semaphore_mem>> -> memref<!tpu.dma_semaphore, #tpu.memory_space<semaphore_mem>>
        tpu.enqueue_indirect_dma source(%dma_start3A_300 : memref<20000x64xf32, #tpu.memory_space<hbm>>) target(%dma_start3A_294 : memref<128x64xf32, #tpu.memory_space<vmem>>) offsets(%dma_start3A_297 : memref<128xi32, #tpu.memory_space<vmem>>) semaphore(%dma_start3A_302 : memref<!tpu.dma_semaphore, #tpu.memory_space<semaphore_mem>>)
      } else {
      }
      %mul3A_260 = arith.constant 5 : i32
      %mul3A_261 = arith.muli %scan3A_157, %mul3A_260 : i32
      %add3A_262 = arith.constant 4 : i32
      %add3A_263 = arith.addi %mul3A_261, %add3A_262 : i32
      %dma_wait3A_264 = arith.constant 4 : i32
      %dma_wait3A_265 = arith.constant 4 : i32
      %dma_wait3A_266 = arith.constant 0 : i32
      %dma_wait3A_267 = arith.constant 0 : i32
      %dma_wait3A_268 = tpu.memref_slice %arg8[%dma_wait3A_264, %dma_wait3A_266, %dma_wait3A_267] : memref<5x128x64xf32, #tpu.memory_space<vmem>> -> memref<1x128x64xf32, #tpu.memory_space<vmem>>
      %dma_wait3A_269 = tpu.memref_squeeze %dma_wait3A_268 : memref<1x128x64xf32, #tpu.memory_space<vmem>> -> memref<128x64xf32, #tpu.memory_space<vmem>>
      %dma_wait3A_270 = arith.constant 0 : i32
      %dma_wait3A_271 = tpu.memref_slice %arg6[%add3A_263, %dma_wait3A_270] : memref<160x128xi32, #tpu.memory_space<vmem>> -> memref<1x128xi32, #tpu.memory_space<vmem>>
      %dma_wait3A_272 = tpu.memref_squeeze %dma_wait3A_271 : memref<1x128xi32, #tpu.memory_space<vmem>> -> memref<128xi32, #tpu.memory_space<vmem>>
      %dma_wait3A_273 = arith.constant 0 : i32
      %dma_wait3A_274 = arith.constant 0 : i32
      %dma_wait3A_275 = tpu.memref_slice %arg2[%dma_wait3A_273, %dma_wait3A_274] : memref<20000x64xf32, #tpu.memory_space<hbm>> -> memref<20000x64xf32, #tpu.memory_space<hbm>>
      %dma_wait3A_276 = tpu.memref_slice %arg11[%dma_wait3A_265] : memref<5x!tpu.dma_semaphore, #tpu.memory_space<semaphore_mem>> -> memref<1x!tpu.dma_semaphore, #tpu.memory_space<semaphore_mem>>
      %dma_wait3A_277 = tpu.memref_squeeze %dma_wait3A_276 : memref<1x!tpu.dma_semaphore, #tpu.memory_space<semaphore_mem>> -> memref<!tpu.dma_semaphore, #tpu.memory_space<semaphore_mem>>
      tpu.wait_indirect_dma semaphore(%dma_wait3A_277 : memref<!tpu.dma_semaphore, #tpu.memory_space<semaphore_mem>>) src(%dma_wait3A_275 : memref<20000x64xf32, #tpu.memory_space<hbm>>) dst(%dma_wait3A_269 : memref<128x64xf32, #tpu.memory_space<vmem>>)
      %run_scoped3A_278 = arith.constant 4 : i32
      "tpu.region"() ({
        %run_scoped3A_287 = tpu.sem_alloc : memref<!tpu.dma_semaphore, #tpu.memory_space<semaphore_mem>>
        %dma_start3A_288 = arith.constant 0 : i32
        %dma_start3A_289 = arith.constant 0 : i32
        %dma_start3A_290 = tpu.memref_slice %arg8[%run_scoped3A_278, %dma_start3A_288, %dma_start3A_289] : memref<5x128x64xf32, #tpu.memory_space<vmem>> -> memref<1x128x64xf32, #tpu.memory_space<vmem>>
        %dma_start3A_291 = tpu.memref_squeeze %dma_start3A_290 : memref<1x128x64xf32, #tpu.memory_space<vmem>> -> memref<128x64xf32, #tpu.memory_space<vmem>>
        %dma_start3A_292 = arith.constant 0 : i32
        %dma_start3A_293 = tpu.memref_slice %arg7[%add3A_263, %dma_start3A_292] : memref<160x128xi32, #tpu.memory_space<vmem>> -> memref<1x128xi32, #tpu.memory_space<vmem>>
        %dma_start3A_294 = tpu.memref_squeeze %dma_start3A_293 : memref<1x128xi32, #tpu.memory_space<vmem>> -> memref<128xi32, #tpu.memory_space<vmem>>
        %dma_start3A_295 = arith.constant 0 : i32
        %dma_start3A_296 = arith.constant 0 : i32
        %dma_start3A_297 = tpu.memref_slice %arg9[%dma_start3A_295, %dma_start3A_296] : memref<10240x64xf32, #tpu.memory_space<vmem_shared>> -> memref<10240x64xf32, #tpu.memory_space<vmem_shared>>
        tpu.enqueue_indirect_dma source(%dma_start3A_291 : memref<128x64xf32, #tpu.memory_space<vmem>>) target(%dma_start3A_297 : memref<10240x64xf32, #tpu.memory_space<vmem_shared>>) offsets(%dma_start3A_294 : memref<128xi32, #tpu.memory_space<vmem>>) semaphore(%run_scoped3A_287 : memref<!tpu.dma_semaphore, #tpu.memory_space<semaphore_mem>>) {add = true}
        %dma_wait3A_298 = arith.constant 0 : i32
        %dma_wait3A_299 = arith.constant 0 : i32
        %dma_wait3A_300 = tpu.memref_slice %arg8[%run_scoped3A_278, %dma_wait3A_298, %dma_wait3A_299] : memref<5x128x64xf32, #tpu.memory_space<vmem>> -> memref<1x128x64xf32, #tpu.memory_space<vmem>>
        %dma_wait3A_301 = tpu.memref_squeeze %dma_wait3A_300 : memref<1x128x64xf32, #tpu.memory_space<vmem>> -> memref<128x64xf32, #tpu.memory_space<vmem>>
        %dma_wait3A_302 = arith.constant 0 : i32
        %dma_wait3A_303 = tpu.memref_slice %arg7[%add3A_263, %dma_wait3A_302] : memref<160x128xi32, #tpu.memory_space<vmem>> -> memref<1x128xi32, #tpu.memory_space<vmem>>
        %dma_wait3A_304 = tpu.memref_squeeze %dma_wait3A_303 : memref<1x128xi32, #tpu.memory_space<vmem>> -> memref<128xi32, #tpu.memory_space<vmem>>
        %dma_wait3A_305 = arith.constant 0 : i32
        %dma_wait3A_306 = arith.constant 0 : i32
        %dma_wait3A_307 = tpu.memref_slice %arg9[%dma_wait3A_305, %dma_wait3A_306] : memref<10240x64xf32, #tpu.memory_space<vmem_shared>> -> memref<10240x64xf32, #tpu.memory_space<vmem_shared>>
        tpu.wait_indirect_dma semaphore(%run_scoped3A_287 : memref<!tpu.dma_semaphore, #tpu.memory_space<semaphore_mem>>) src(%dma_wait3A_301 : memref<128x64xf32, #tpu.memory_space<vmem>>) dst(%dma_wait3A_307 : memref<10240x64xf32, #tpu.memory_space<vmem_shared>>)
        tpu.yield
      }) : () -> ()
      %add3A_279 = arith.constant 5 : i32
      %add3A_280 = arith.addi %add3A_263, %add3A_279 : i32
      %lt3A_281 = arith.constant 160 : i32
      %lt3A_282 = arith.cmpi slt, %add3A_280, %lt3A_281 : i32
      %convert_element_type3A_283 = arith.extui %lt3A_282 : i1 to i32
      %cond3A_284 = arith.constant 0 : i32
      %cond3A_285 = arith.cmpi ne, %convert_element_type3A_283, %cond3A_284 : i32
      scf.if %cond3A_285 {
        %add3A_287 = arith.constant 5 : i32
        %add3A_288 = arith.addi %add3A_263, %add3A_287 : i32
        %dma_start3A_289 = arith.constant 4 : i32
        %dma_start3A_290 = arith.constant 4 : i32
        %dma_start3A_291 = arith.constant 0 : i32
        %dma_start3A_292 = arith.constant 0 : i32
        %dma_start3A_293 = tpu.memref_slice %arg8[%dma_start3A_289, %dma_start3A_291, %dma_start3A_292] : memref<5x128x64xf32, #tpu.memory_space<vmem>> -> memref<1x128x64xf32, #tpu.memory_space<vmem>>
        %dma_start3A_294 = tpu.memref_squeeze %dma_start3A_293 : memref<1x128x64xf32, #tpu.memory_space<vmem>> -> memref<128x64xf32, #tpu.memory_space<vmem>>
        %dma_start3A_295 = arith.constant 0 : i32
        %dma_start3A_296 = tpu.memref_slice %arg6[%add3A_288, %dma_start3A_295] : memref<160x128xi32, #tpu.memory_space<vmem>> -> memref<1x128xi32, #tpu.memory_space<vmem>>
        %dma_start3A_297 = tpu.memref_squeeze %dma_start3A_296 : memref<1x128xi32, #tpu.memory_space<vmem>> -> memref<128xi32, #tpu.memory_space<vmem>>
        %dma_start3A_298 = arith.constant 0 : i32
        %dma_start3A_299 = arith.constant 0 : i32
        %dma_start3A_300 = tpu.memref_slice %arg2[%dma_start3A_298, %dma_start3A_299] : memref<20000x64xf32, #tpu.memory_space<hbm>> -> memref<20000x64xf32, #tpu.memory_space<hbm>>
        %dma_start3A_301 = tpu.memref_slice %arg11[%dma_start3A_290] : memref<5x!tpu.dma_semaphore, #tpu.memory_space<semaphore_mem>> -> memref<1x!tpu.dma_semaphore, #tpu.memory_space<semaphore_mem>>
        %dma_start3A_302 = tpu.memref_squeeze %dma_start3A_301 : memref<1x!tpu.dma_semaphore, #tpu.memory_space<semaphore_mem>> -> memref<!tpu.dma_semaphore, #tpu.memory_space<semaphore_mem>>
        tpu.enqueue_indirect_dma source(%dma_start3A_300 : memref<20000x64xf32, #tpu.memory_space<hbm>>) target(%dma_start3A_294 : memref<128x64xf32, #tpu.memory_space<vmem>>) offsets(%dma_start3A_297 : memref<128xi32, #tpu.memory_space<vmem>>) semaphore(%dma_start3A_302 : memref<!tpu.dma_semaphore, #tpu.memory_space<semaphore_mem>>)
      } else {
      }
      %scan3A_286 = arith.constant 0 : i32
      scf.yield %scan3A_286 : i32
    }
    %scan3A_151 = arith.constant 32 : i32
    %barrier3A_152 = arith.constant 0 : index
    tpu.barrier barrier_id(%barrier3A_152)
    %mul3A_153 = arith.constant 640 : i32
    %mul3A_154 = arith.muli %arg1, %mul3A_153 : i32
    %mul3A_155 = arith.constant 640 : i32
    %mul3A_156 = arith.muli %arg1, %mul3A_155 : i32
    "tpu.region"() ({
      %run_scoped3A_157 = tpu.sem_alloc : memref<!tpu.dma_semaphore, #tpu.memory_space<semaphore_mem>>
      %dma_start3A_158 = arith.constant 0 : i32
      %dma_start3A_159 = tpu.memref_slice %arg5[%arg0, %mul3A_156, %dma_start3A_158] : memref<2x10240x64xf32, #tpu.memory_space<hbm>> -> memref<1x640x64xf32, #tpu.memory_space<hbm>>
      %dma_start3A_160 = tpu.memref_squeeze %dma_start3A_159 : memref<1x640x64xf32, #tpu.memory_space<hbm>> -> memref<640x64xf32, #tpu.memory_space<hbm>>
      %dma_start3A_161 = arith.constant 0 : i32
      %dma_start3A_162 = tpu.memref_slice %arg9[%mul3A_154, %dma_start3A_161] : memref<10240x64xf32, #tpu.memory_space<vmem_shared>> -> memref<640x64xf32, #tpu.memory_space<vmem_shared>>
      tpu.enqueue_dma source(%dma_start3A_162 : memref<640x64xf32, #tpu.memory_space<vmem_shared>>) target(%dma_start3A_160 : memref<640x64xf32, #tpu.memory_space<hbm>>) target_semaphore(%run_scoped3A_157 : memref<!tpu.dma_semaphore, #tpu.memory_space<semaphore_mem>>)
      %dma_wait3A_163 = arith.constant 0 : i32
      %dma_wait3A_164 = tpu.memref_slice %arg5[%arg0, %mul3A_156, %dma_wait3A_163] : memref<2x10240x64xf32, #tpu.memory_space<hbm>> -> memref<1x640x64xf32, #tpu.memory_space<hbm>>
      %dma_wait3A_165 = tpu.memref_squeeze %dma_wait3A_164 : memref<1x640x64xf32, #tpu.memory_space<hbm>> -> memref<640x64xf32, #tpu.memory_space<hbm>>
      %dma_wait3A_166 = arith.constant 0 : i32
      %dma_wait3A_167 = tpu.memref_slice %arg9[%mul3A_154, %dma_wait3A_166] : memref<10240x64xf32, #tpu.memory_space<vmem_shared>> -> memref<640x64xf32, #tpu.memory_space<vmem_shared>>
      tpu.wait_dma2 semaphore(%run_scoped3A_157 : memref<!tpu.dma_semaphore, #tpu.memory_space<semaphore_mem>>) src(%dma_wait3A_167 : memref<640x64xf32, #tpu.memory_space<vmem_shared>>) dst(%dma_wait3A_165 : memref<640x64xf32, #tpu.memory_space<hbm>>)
      tpu.yield
    }) : () -> ()
    return
  }
}

module attributes {stable_mosaic.version = 14 : i64} {
  func.func @_k1_body(%arg0: i32, %arg1: memref<2000x128xf32, #tpu.memory_space<vmem>>, %arg2: memref<128x128xf32, #tpu.memory_space<vmem>>, %arg3: memref<2x2000x16xf32, #tpu.memory_space<vmem>>, %arg4: memref<2x2000x64xf32, #tpu.memory_space<vmem>>) attributes {dimension_semantics = [#tpu.dimension_semantics<arbitrary>], iteration_bounds = array<i64: 5>, scalar_prefetch = 0 : i64, scratch_operands = 0 : i64, tpu.core_type = #tpu.core_type<tc>, window_params = [{transform_indices = @transform_0, window_bounds = array<i64: 2000, 128>}, {pipeline_mode = #tpu.pipeline_mode<synchronous>, transform_indices = @transform_1, window_bounds = array<i64: 128, 128>}, {transform_indices = @transform_2, window_bounds = array<i64: 2, 2000, 16>}, {transform_indices = @transform_3, window_bounds = array<i64: 2, 2000, 64>}]} {
    %get3A = arith.constant 0 : index
    %get3A_0 = arith.constant 0 : index
    %get3A_1 = arith.constant 0 : index
    %get3A_2 = vector.load %arg3[%get3A, %get3A_0, %get3A_1] : memref<2x2000x16xf32, #tpu.memory_space<vmem>>, vector<2x2000x16xf32>
    %slice3A = vector.extract_strided_slice %get3A_2 {offsets = [0, 0, 0], sizes = [1, 2000, 1], strides = [1, 1, 1]} : vector<2x2000x16xf32> to vector<1x2000x1xf32>
    %squeeze3A = vector.shape_cast %slice3A : vector<1x2000x1xf32> to vector<2000xf32>
    %add3A = arith.constant 1.000000e+00 : f32
    %add3A_3 = vector.broadcast %add3A : f32 to vector<2000xf32>
    %add3A_4 = arith.addf %add3A_3, %squeeze3A : vector<2000xf32>
    %slice3A_5 = vector.extract_strided_slice %get3A_2 {offsets = [1, 0, 0], sizes = [1, 2000, 1], strides = [1, 1, 1]} : vector<2x2000x16xf32> to vector<1x2000x1xf32>
    %squeeze3A_6 = vector.shape_cast %slice3A_5 : vector<1x2000x1xf32> to vector<2000xf32>
    %add3A_7 = arith.addf %add3A_4, %squeeze3A_6 : vector<2000xf32>
    %rsqrt3A = math.rsqrt %add3A_7 : vector<2000xf32>
    %broadcast_in_dim3A = vector.shape_cast %rsqrt3A : vector<2000xf32> to vector<2000x1xf32>
    %get3A_8 = arith.constant 0 : index
    %get3A_9 = arith.constant 0 : index
    %get3A_10 = vector.load %arg1[%get3A_8, %get3A_9] : memref<2000x128xf32, #tpu.memory_space<vmem>>, vector<2000x128xf32>
    %get3A_11 = arith.constant 0 : index
    %get3A_12 = arith.constant 0 : index
    %get3A_13 = vector.load %arg2[%get3A_11, %get3A_12] : memref<128x128xf32, #tpu.memory_space<vmem>>, vector<128x128xf32>
    %dot_general3A = arith.constant dense<0.000000e+00> : vector<2000x128xf32>
    %dot_general3A_14 = tpu.matmul %get3A_10, %get3A_13, %dot_general3A {dimension_numbers = #tpu.dot_dimension_numbers<[1], [0], [0], [1], [0, 0, 1, 1], [], []>, transpose_lhs_hint = false} : vector<2000x128xf32>, vector<128x128xf32>, vector<2000x128xf32> -> vector<2000x128xf32>
    %mul3A = vector.broadcast %broadcast_in_dim3A : vector<2000x1xf32> to vector<2000x128xf32>
    %mul3A_15 = arith.mulf %dot_general3A_14, %mul3A : vector<2000x128xf32>
    %slice3A_16 = vector.extract_strided_slice %mul3A_15 {offsets = [0, 0], sizes = [2000, 64], strides = [1, 1]} : vector<2000x128xf32> to vector<2000x64xf32>
    %swap3A = arith.constant 0 : index
    %swap3A_17 = arith.constant 0 : index
    %swap3A_18 = arith.constant 0 : index
    %swap3A_19 = vector.load %arg4[%swap3A, %swap3A_17, %swap3A_18] : memref<2x2000x64xf32, #tpu.memory_space<vmem>>, vector<1x2000x64xf32>
    %swap3A_20 = vector.shape_cast %swap3A_19 : vector<1x2000x64xf32> to vector<2000x64xf32>
    %swap3A_21 = vector.shape_cast %slice3A_16 : vector<2000x64xf32> to vector<1x2000x64xf32>
    tpu.vector_store %arg4[%swap3A, %swap3A_17, %swap3A_18], %swap3A_21 {strides = array<i32>} : memref<2x2000x64xf32, #tpu.memory_space<vmem>>, vector<1x2000x64xf32>,
    %slice3A_22 = vector.extract_strided_slice %mul3A_15 {offsets = [0, 64], sizes = [2000, 64], strides = [1, 1]} : vector<2000x128xf32> to vector<2000x64xf32>
    %swap3A_23 = arith.constant 1 : index
    %swap3A_24 = arith.constant 0 : index
    %swap3A_25 = arith.constant 0 : index
    %swap3A_26 = vector.load %arg4[%swap3A_23, %swap3A_24, %swap3A_25] : memref<2x2000x64xf32, #tpu.memory_space<vmem>>, vector<1x2000x64xf32>
    %swap3A_27 = vector.shape_cast %swap3A_26 : vector<1x2000x64xf32> to vector<2000x64xf32>
    %swap3A_28 = vector.shape_cast %slice3A_22 : vector<2000x64xf32> to vector<1x2000x64xf32>
    tpu.vector_store %arg4[%swap3A_23, %swap3A_24, %swap3A_25], %swap3A_28 {strides = array<i32>} : memref<2x2000x64xf32, #tpu.memory_space<vmem>>, vector<1x2000x64xf32>,
    return
  }
  func.func @transform_0(%arg0: i32) -> (i32, i32) {
    %c0_i32 = arith.constant 0 : i32
    %c0_i32_0 = arith.constant 0 : i32
    return %arg0, %c0_i32 : i32, i32
  }
  func.func @transform_1(%arg0: i32) -> (i32, i32) {
    %c0_i32 = arith.constant 0 : i32
    %c0_i32_0 = arith.constant 0 : i32
    %c0_i32_1 = arith.constant 0 : i32
    return %c0_i32, %c0_i32_0 : i32, i32
  }
  func.func @transform_2(%arg0: i32) -> (i32, i32, i32) {
    %c0_i32 = arith.constant 0 : i32
    %c0_i32_0 = arith.constant 0 : i32
    %c0_i32_1 = arith.constant 0 : i32
    return %c0_i32, %arg0, %c0_i32_0 : i32, i32, i32
  }
  func.func @transform_3(%arg0: i32) -> (i32, i32, i32) {
    %c0_i32 = arith.constant 0 : i32
    %c0_i32_0 = arith.constant 0 : i32
    %c0_i32_1 = arith.constant 0 : i32
    return %c0_i32, %arg0, %c0_i32_0 : i32, i32, i32
  }
}

module attributes {stable_mosaic.version = 14 : i64} {
  func.func @_k2_body(%arg0: i32, %arg1: memref<2x2000x64xf32, #tpu.memory_space<vmem>>, %arg2: memref<2x2000x64xf32, #tpu.memory_space<vmem>>, %arg3: memref<2x2000x16xf32, #tpu.memory_space<vmem>>, %arg4: memref<1x128xf32, #tpu.memory_space<vmem>>, %arg5: memref<128x128xf32, #tpu.memory_space<vmem>>, %arg6: memref<2x2000x64xf32, #tpu.memory_space<vmem>>) attributes {dimension_semantics = [#tpu.dimension_semantics<arbitrary>], iteration_bounds = array<i64: 5>, scalar_prefetch = 0 : i64, scratch_operands = 0 : i64, tpu.core_type = #tpu.core_type<tc>, window_params = [{transform_indices = @transform_0, window_bounds = array<i64: 2, 2000, 64>}, {transform_indices = @transform_1, window_bounds = array<i64: 2, 2000, 64>}, {transform_indices = @transform_2, window_bounds = array<i64: 2, 2000, 16>}, {pipeline_mode = #tpu.pipeline_mode<synchronous>, transform_indices = @transform_3, window_bounds = array<i64: 1, 128>}, {pipeline_mode = #tpu.pipeline_mode<synchronous>, transform_indices = @transform_4, window_bounds = array<i64: 128, 128>}, {transform_indices = @transform_5, window_bounds = array<i64: 2, 2000, 64>}]} {
    %get3A = arith.constant 0 : index
    %get3A_0 = arith.constant 0 : index
    %get3A_1 = arith.constant 0 : index
    %get3A_2 = vector.load %arg3[%get3A, %get3A_0, %get3A_1] : memref<2x2000x16xf32, #tpu.memory_space<vmem>>, vector<2x2000x16xf32>
    %slice3A = vector.extract_strided_slice %get3A_2 {offsets = [0, 0, 0], sizes = [1, 2000, 1], strides = [1, 1, 1]} : vector<2x2000x16xf32> to vector<1x2000x1xf32>
    %squeeze3A = vector.shape_cast %slice3A : vector<1x2000x1xf32> to vector<2000xf32>
    %add3A = arith.constant 1.000000e+00 : f32
    %add3A_3 = vector.broadcast %add3A : f32 to vector<2000xf32>
    %add3A_4 = arith.addf %add3A_3, %squeeze3A : vector<2000xf32>
    %slice3A_5 = vector.extract_strided_slice %get3A_2 {offsets = [1, 0, 0], sizes = [1, 2000, 1], strides = [1, 1, 1]} : vector<2x2000x16xf32> to vector<1x2000x1xf32>
    %squeeze3A_6 = vector.shape_cast %slice3A_5 : vector<1x2000x1xf32> to vector<2000xf32>
    %add3A_7 = arith.addf %add3A_4, %squeeze3A_6 : vector<2000xf32>
    %rsqrt3A = math.rsqrt %add3A_7 : vector<2000xf32>
    %broadcast_in_dim3A = vector.shape_cast %rsqrt3A : vector<2000xf32> to vector<2000x1xf32>
    %get3A_8 = arith.constant 0 : index
    %get3A_9 = arith.constant 0 : index
    %get3A_10 = arith.constant 0 : index
    %get3A_11 = vector.load %arg1[%get3A_8, %get3A_9, %get3A_10] : memref<2x2000x64xf32, #tpu.memory_space<vmem>>, vector<1x2000x64xf32>
    %get3A_12 = vector.shape_cast %get3A_11 : vector<1x2000x64xf32> to vector<2000x64xf32>
    %get3A_13 = arith.constant 0 : index
    %get3A_14 = arith.constant 0 : index
    %get3A_15 = arith.constant 0 : index
    %get3A_16 = vector.load %arg2[%get3A_13, %get3A_14, %get3A_15] : memref<2x2000x64xf32, #tpu.memory_space<vmem>>, vector<1x2000x64xf32>
    %get3A_17 = vector.shape_cast %get3A_16 : vector<1x2000x64xf32> to vector<2000x64xf32>
    %add3A_18 = arith.addf %get3A_12, %get3A_17 : vector<2000x64xf32>
    %get3A_19 = arith.constant 1 : index
    %get3A_20 = arith.constant 0 : index
    %get3A_21 = arith.constant 0 : index
    %get3A_22 = vector.load %arg1[%get3A_19, %get3A_20, %get3A_21] : memref<2x2000x64xf32, #tpu.memory_space<vmem>>, vector<1x2000x64xf32>
    %get3A_23 = vector.shape_cast %get3A_22 : vector<1x2000x64xf32> to vector<2000x64xf32>
    %get3A_24 = arith.constant 1 : index
    %get3A_25 = arith.constant 0 : index
    %get3A_26 = arith.constant 0 : index
    %get3A_27 = vector.load %arg2[%get3A_24, %get3A_25, %get3A_26] : memref<2x2000x64xf32, #tpu.memory_space<vmem>>, vector<1x2000x64xf32>
    %get3A_28 = vector.shape_cast %get3A_27 : vector<1x2000x64xf32> to vector<2000x64xf32>
    %add3A_29 = arith.addf %get3A_23, %get3A_28 : vector<2000x64xf32>
    %concatenate3A = tpu.concatenate %add3A_18, %add3A_29 in 1 : vector<2000x64xf32>, vector<2000x64xf32> -> vector<2000x128xf32>
    %mul3A = vector.broadcast %broadcast_in_dim3A : vector<2000x1xf32> to vector<2000x128xf32>
    %mul3A_30 = arith.mulf %concatenate3A, %mul3A : vector<2000x128xf32>
    %get3A_31 = arith.constant 0 : index
    %get3A_32 = arith.constant 0 : index
    %get3A_33 = vector.load %arg4[%get3A_31, %get3A_32] : memref<1x128xf32, #tpu.memory_space<vmem>>, vector<1x128xf32>
    %add3A_34 = vector.broadcast %get3A_33 : vector<1x128xf32> to vector<2000x128xf32>
    %add3A_35 = arith.addf %mul3A_30, %add3A_34 : vector<2000x128xf32>
    %max3A = arith.constant 0.000000e+00 : f32
    %max3A_36 = vector.broadcast %max3A : f32 to vector<2000x128xf32>
    %max3A_37 = arith.maximumf %add3A_35, %max3A_36 : vector<2000x128xf32>
    %get3A_38 = arith.constant 0 : index
    %get3A_39 = arith.constant 0 : index
    %get3A_40 = vector.load %arg5[%get3A_38, %get3A_39] : memref<128x128xf32, #tpu.memory_space<vmem>>, vector<128x128xf32>
    %dot_general3A = arith.constant dense<0.000000e+00> : vector<2000x128xf32>
    %dot_general3A_41 = tpu.matmul %max3A_37, %get3A_40, %dot_general3A {dimension_numbers = #tpu.dot_dimension_numbers<[1], [0], [0], [1], [0, 0, 1, 1], [], []>, transpose_lhs_hint = false} : vector<2000x128xf32>, vector<128x128xf32>, vector<2000x128xf32> -> vector<2000x128xf32>
    %mul3A_42 = vector.broadcast %broadcast_in_dim3A : vector<2000x1xf32> to vector<2000x128xf32>
    %mul3A_43 = arith.mulf %dot_general3A_41, %mul3A_42 : vector<2000x128xf32>
    %slice3A_44 = vector.extract_strided_slice %mul3A_43 {offsets = [0, 0], sizes = [2000, 64], strides = [1, 1]} : vector<2000x128xf32> to vector<2000x64xf32>
    %swap3A = arith.constant 0 : index
    %swap3A_45 = arith.constant 0 : index
    %swap3A_46 = arith.constant 0 : index
    %swap3A_47 = vector.load %arg6[%swap3A, %swap3A_45, %swap3A_46] : memref<2x2000x64xf32, #tpu.memory_space<vmem>>, vector<1x2000x64xf32>
    %swap3A_48 = vector.shape_cast %swap3A_47 : vector<1x2000x64xf32> to vector<2000x64xf32>
    %swap3A_49 = vector.shape_cast %slice3A_44 : vector<2000x64xf32> to vector<1x2000x64xf32>
    tpu.vector_store %arg6[%swap3A, %swap3A_45, %swap3A_46], %swap3A_49 {strides = array<i32>} : memref<2x2000x64xf32, #tpu.memory_space<vmem>>, vector<1x2000x64xf32>,
    %slice3A_50 = vector.extract_strided_slice %mul3A_43 {offsets = [0, 64], sizes = [2000, 64], strides = [1, 1]} : vector<2000x128xf32> to vector<2000x64xf32>
    %swap3A_51 = arith.constant 1 : index
    %swap3A_52 = arith.constant 0 : index
    %swap3A_53 = arith.constant 0 : index
    %swap3A_54 = vector.load %arg6[%swap3A_51, %swap3A_52, %swap3A_53] : memref<2x2000x64xf32, #tpu.memory_space<vmem>>, vector<1x2000x64xf32>
    %swap3A_55 = vector.shape_cast %swap3A_54 : vector<1x2000x64xf32> to vector<2000x64xf32>
    %swap3A_56 = vector.shape_cast %slice3A_50 : vector<2000x64xf32> to vector<1x2000x64xf32>
    tpu.vector_store %arg6[%swap3A_51, %swap3A_52, %swap3A_53], %swap3A_56 {strides = array<i32>} : memref<2x2000x64xf32, #tpu.memory_space<vmem>>, vector<1x2000x64xf32>,
    return
  }
  func.func @transform_0(%arg0: i32) -> (i32, i32, i32) {
    %c0_i32 = arith.constant 0 : i32
    %c0_i32_0 = arith.constant 0 : i32
    %c0_i32_1 = arith.constant 0 : i32
    return %c0_i32, %arg0, %c0_i32_0 : i32, i32, i32
  }
  func.func @transform_1(%arg0: i32) -> (i32, i32, i32) {
    %c0_i32 = arith.constant 0 : i32
    %c0_i32_0 = arith.constant 0 : i32
    %c0_i32_1 = arith.constant 0 : i32
    return %c0_i32, %arg0, %c0_i32_0 : i32, i32, i32
  }
  func.func @transform_2(%arg0: i32) -> (i32, i32, i32) {
    %c0_i32 = arith.constant 0 : i32
    %c0_i32_0 = arith.constant 0 : i32
    %c0_i32_1 = arith.constant 0 : i32
    return %c0_i32, %arg0, %c0_i32_0 : i32, i32, i32
  }
  func.func @transform_3(%arg0: i32) -> (i32, i32) {
    %c0_i32 = arith.constant 0 : i32
    %c0_i32_0 = arith.constant 0 : i32
    %c0_i32_1 = arith.constant 0 : i32
    return %c0_i32, %c0_i32_0 : i32, i32
  }
  func.func @transform_4(%arg0: i32) -> (i32, i32) {
    %c0_i32 = arith.constant 0 : i32
    %c0_i32_0 = arith.constant 0 : i32
    %c0_i32_1 = arith.constant 0 : i32
    return %c0_i32, %c0_i32_0 : i32, i32
  }
  func.func @transform_5(%arg0: i32) -> (i32, i32, i32) {
    %c0_i32 = arith.constant 0 : i32
    %c0_i32_0 = arith.constant 0 : i32
    %c0_i32_1 = arith.constant 0 : i32
    return %c0_i32, %arg0, %c0_i32_0 : i32, i32, i32
  }
}

module attributes {stable_mosaic.version = 14 : i64} {
  func.func @_k4_body(%arg0: i32, %arg1: memref<2x2000x64xf32, #tpu.memory_space<vmem>>, %arg2: memref<2x2000x64xf32, #tpu.memory_space<vmem>>, %arg3: memref<2x2000x16xf32, #tpu.memory_space<vmem>>, %arg4: memref<1x128xf32, #tpu.memory_space<vmem>>, %arg5: memref<2000x1xi32, #tpu.memory_space<vmem>>, %arg6: memref<128x3xf32, #tpu.memory_space<vmem>>, %arg7: memref<1x3xf32, #tpu.memory_space<vmem>>, %arg8: memref<64x3xf32, #tpu.memory_space<vmem>>, %arg9: memref<64x128xf32, #tpu.memory_space<vmem>>, %arg10: memref<64x1xf32, #tpu.memory_space<vmem>>) attributes {dimension_semantics = [#tpu.dimension_semantics<arbitrary>], iteration_bounds = array<i64: 5>, scalar_prefetch = 0 : i64, scratch_operands = 2 : i64, tpu.core_type = #tpu.core_type<tc>, window_params = [{transform_indices = @transform_0, window_bounds = array<i64: 2, 2000, 64>}, {transform_indices = @transform_1, window_bounds = array<i64: 2, 2000, 64>}, {transform_indices = @transform_2, window_bounds = array<i64: 2, 2000, 16>}, {pipeline_mode = #tpu.pipeline_mode<synchronous>, transform_indices = @transform_3, window_bounds = array<i64: 1, 128>}, {transform_indices = @transform_4, window_bounds = array<i64: 2000, 1>}, {pipeline_mode = #tpu.pipeline_mode<synchronous>, transform_indices = @transform_5, window_bounds = array<i64: 128, 3>}, {pipeline_mode = #tpu.pipeline_mode<synchronous>, transform_indices = @transform_6, window_bounds = array<i64: 1, 3>}, {pipeline_mode = #tpu.pipeline_mode<synchronous>, transform_indices = @transform_7, window_bounds = array<i64: 64, 3>}]} {
    %eq3A = arith.constant 0 : i32
    %eq3A_0 = arith.cmpi eq, %arg0, %eq3A : i32
    %convert_element_type3A = arith.extui %eq3A_0 : i1 to i32
    %cond3A = arith.constant 0 : i32
    %cond3A_1 = arith.cmpi ne, %convert_element_type3A, %cond3A : i32
    scf.if %cond3A_1 {
      %broadcast_in_dim3A_84 = arith.constant 0.000000e+00 : f32
      %broadcast_in_dim3A_85 = vector.broadcast %broadcast_in_dim3A_84 : f32 to vector<64x128xf32>
      %swap3A_86 = arith.constant 0 : index
      %swap3A_87 = arith.constant 0 : index
      %swap3A_88 = vector.load %arg9[%swap3A_86, %swap3A_87] : memref<64x128xf32, #tpu.memory_space<vmem>>, vector<64x128xf32>
      tpu.vector_store %arg9[%swap3A_86, %swap3A_87], %broadcast_in_dim3A_85 {strides = array<i32>} : memref<64x128xf32, #tpu.memory_space<vmem>>, vector<64x128xf32>,
      %broadcast_in_dim3A_89 = arith.constant 0.000000e+00 : f32
      %broadcast_in_dim3A_90 = vector.broadcast %broadcast_in_dim3A_89 : f32 to vector<64x1xf32>
      %swap3A_91 = arith.constant 0 : index
      %swap3A_92 = arith.constant 0 : index
      %swap3A_93 = vector.load %arg10[%swap3A_91, %swap3A_92] : memref<64x1xf32, #tpu.memory_space<vmem>>, vector<64x1xf32>
      tpu.vector_store %arg10[%swap3A_91, %swap3A_92], %broadcast_in_dim3A_90 {strides = array<i32>} : memref<64x1xf32, #tpu.memory_space<vmem>>, vector<64x1xf32>,
    } else {
    }
    %get3A = arith.constant 0 : index
    %get3A_2 = arith.constant 0 : index
    %get3A_3 = arith.constant 0 : index
    %get3A_4 = vector.load %arg3[%get3A, %get3A_2, %get3A_3] : memref<2x2000x16xf32, #tpu.memory_space<vmem>>, vector<2x2000x16xf32>
    %slice3A = vector.extract_strided_slice %get3A_4 {offsets = [0, 0, 0], sizes = [1, 2000, 1], strides = [1, 1, 1]} : vector<2x2000x16xf32> to vector<1x2000x1xf32>
    %squeeze3A = vector.shape_cast %slice3A : vector<1x2000x1xf32> to vector<2000xf32>
    %add3A = arith.constant 1.000000e+00 : f32
    %add3A_5 = vector.broadcast %add3A : f32 to vector<2000xf32>
    %add3A_6 = arith.addf %add3A_5, %squeeze3A : vector<2000xf32>
    %slice3A_7 = vector.extract_strided_slice %get3A_4 {offsets = [1, 0, 0], sizes = [1, 2000, 1], strides = [1, 1, 1]} : vector<2x2000x16xf32> to vector<1x2000x1xf32>
    %squeeze3A_8 = vector.shape_cast %slice3A_7 : vector<1x2000x1xf32> to vector<2000xf32>
    %add3A_9 = arith.addf %add3A_6, %squeeze3A_8 : vector<2000xf32>
    %rsqrt3A = math.rsqrt %add3A_9 : vector<2000xf32>
    %broadcast_in_dim3A = vector.shape_cast %rsqrt3A : vector<2000xf32> to vector<2000x1xf32>
    %get3A_10 = arith.constant 0 : index
    %get3A_11 = arith.constant 0 : index
    %get3A_12 = arith.constant 0 : index
    %get3A_13 = vector.load %arg1[%get3A_10, %get3A_11, %get3A_12] : memref<2x2000x64xf32, #tpu.memory_space<vmem>>, vector<1x2000x64xf32>
    %get3A_14 = vector.shape_cast %get3A_13 : vector<1x2000x64xf32> to vector<2000x64xf32>
    %get3A_15 = arith.constant 0 : index
    %get3A_16 = arith.constant 0 : index
    %get3A_17 = arith.constant 0 : index
    %get3A_18 = vector.load %arg2[%get3A_15, %get3A_16, %get3A_17] : memref<2x2000x64xf32, #tpu.memory_space<vmem>>, vector<1x2000x64xf32>
    %get3A_19 = vector.shape_cast %get3A_18 : vector<1x2000x64xf32> to vector<2000x64xf32>
    %add3A_20 = arith.addf %get3A_14, %get3A_19 : vector<2000x64xf32>
    %get3A_21 = arith.constant 1 : index
    %get3A_22 = arith.constant 0 : index
    %get3A_23 = arith.constant 0 : index
    %get3A_24 = vector.load %arg1[%get3A_21, %get3A_22, %get3A_23] : memref<2x2000x64xf32, #tpu.memory_space<vmem>>, vector<1x2000x64xf32>
    %get3A_25 = vector.shape_cast %get3A_24 : vector<1x2000x64xf32> to vector<2000x64xf32>
    %get3A_26 = arith.constant 1 : index
    %get3A_27 = arith.constant 0 : index
    %get3A_28 = arith.constant 0 : index
    %get3A_29 = vector.load %arg2[%get3A_26, %get3A_27, %get3A_28] : memref<2x2000x64xf32, #tpu.memory_space<vmem>>, vector<1x2000x64xf32>
    %get3A_30 = vector.shape_cast %get3A_29 : vector<1x2000x64xf32> to vector<2000x64xf32>
    %add3A_31 = arith.addf %get3A_25, %get3A_30 : vector<2000x64xf32>
    %concatenate3A = tpu.concatenate %add3A_20, %add3A_31 in 1 : vector<2000x64xf32>, vector<2000x64xf32> -> vector<2000x128xf32>
    %mul3A = vector.broadcast %broadcast_in_dim3A : vector<2000x1xf32> to vector<2000x128xf32>
    %mul3A_32 = arith.mulf %concatenate3A, %mul3A : vector<2000x128xf32>
    %get3A_33 = arith.constant 0 : index
    %get3A_34 = arith.constant 0 : index
    %get3A_35 = vector.load %arg4[%get3A_33, %get3A_34] : memref<1x128xf32, #tpu.memory_space<vmem>>, vector<1x128xf32>
    %add3A_36 = vector.broadcast %get3A_35 : vector<1x128xf32> to vector<2000x128xf32>
    %add3A_37 = arith.addf %mul3A_32, %add3A_36 : vector<2000x128xf32>
    %iota3A = tpu.iota {dimensions = array<i32: 1>} : vector<1x64xi32>
    %get3A_38 = arith.constant 0 : index
    %get3A_39 = arith.constant 0 : index
    %get3A_40 = vector.load %arg5[%get3A_38, %get3A_39] : memref<2000x1xi32, #tpu.memory_space<vmem>>, vector<2000x1xi32>
    %eq3A_41 = vector.broadcast %get3A_40 : vector<2000x1xi32> to vector<2000x64xi32>
    %eq3A_42 = vector.broadcast %iota3A : vector<1x64xi32> to vector<2000x64xi32>
    %eq3A_43 = arith.cmpi eq, %eq3A_41, %eq3A_42 : vector<2000x64xi32>
    %convert_element_type3A_44 = arith.extui %eq3A_43 : vector<2000x64xi1> to vector<2000x64xi32>
    %convert_element_type3A_45 = arith.sitofp %convert_element_type3A_44 : vector<2000x64xi32> to vector<2000x64xf32>
    %get3A_46 = arith.constant 0 : index
    %get3A_47 = arith.constant 0 : index
    %get3A_48 = vector.load %arg9[%get3A_46, %get3A_47] : memref<64x128xf32, #tpu.memory_space<vmem>>, vector<64x128xf32>
    %dot_general3A = arith.constant dense<0.000000e+00> : vector<64x128xf32>
    %dot_general3A_49 = tpu.matmul %convert_element_type3A_45, %add3A_37, %dot_general3A {dimension_numbers = #tpu.dot_dimension_numbers<[0], [0], [1], [1], [0, 1, 1, 1], [], []>, transpose_lhs_hint = false} : vector<2000x64xf32>, vector<2000x128xf32>, vector<64x128xf32> -> vector<64x128xf32>
    %add3A_50 = arith.addf %get3A_48, %dot_general3A_49 : vector<64x128xf32>
    %swap3A = arith.constant 0 : index
    %swap3A_51 = arith.constant 0 : index
    %swap3A_52 = vector.load %arg9[%swap3A, %swap3A_51] : memref<64x128xf32, #tpu.memory_space<vmem>>, vector<64x128xf32>
    tpu.vector_store %arg9[%swap3A, %swap3A_51], %add3A_50 {strides = array<i32>} : memref<64x128xf32, #tpu.memory_space<vmem>>, vector<64x128xf32>,
    %get3A_53 = arith.constant 0 : index
    %get3A_54 = arith.constant 0 : index
    %get3A_55 = vector.load %arg10[%get3A_53, %get3A_54] : memref<64x1xf32, #tpu.memory_space<vmem>>, vector<64x1xf32>
    %reduce_sum3A = arith.constant dense<0.000000e+00> : vector<64xf32>
    %reduce_sum3A_56 = vector.multi_reduction <add>, %convert_element_type3A_45, %reduce_sum3A [0] : vector<2000x64xf32> to vector<64xf32>
    %broadcast_in_dim3A_57 = vector.shape_cast %reduce_sum3A_56 : vector<64xf32> to vector<64x1xf32>
    %add3A_58 = arith.addf %get3A_55, %broadcast_in_dim3A_57 : vector<64x1xf32>
    %swap3A_59 = arith.constant 0 : index
    %swap3A_60 = arith.constant 0 : index
    %swap3A_61 = vector.load %arg10[%swap3A_59, %swap3A_60] : memref<64x1xf32, #tpu.memory_space<vmem>>, vector<64x1xf32>
    tpu.vector_store %arg10[%swap3A_59, %swap3A_60], %add3A_58 {strides = array<i32>} : memref<64x1xf32, #tpu.memory_space<vmem>>, vector<64x1xf32>,
    %get3A_62 = arith.constant 0 : index
    %get3A_63 = arith.constant 0 : index
    %get3A_64 = vector.load %arg9[%get3A_62, %get3A_63] : memref<64x128xf32, #tpu.memory_space<vmem>>, vector<64x128xf32>
    %get3A_65 = arith.constant 0 : index
    %get3A_66 = arith.constant 0 : index
    %get3A_67 = vector.load %arg10[%get3A_65, %get3A_66] : memref<64x1xf32, #tpu.memory_space<vmem>>, vector<64x1xf32>
    %max3A = arith.constant 1.000000e+00 : f32
    %max3A_68 = vector.broadcast %max3A : f32 to vector<64x1xf32>
    %max3A_69 = arith.maximumf %get3A_67, %max3A_68 : vector<64x1xf32>
    %div3A = vector.broadcast %max3A_69 : vector<64x1xf32> to vector<64x128xf32>
    %div3A_70 = arith.divf %get3A_64, %div3A : vector<64x128xf32>
    %get3A_71 = arith.constant 0 : index
    %get3A_72 = arith.constant 0 : index
    %get3A_73 = vector.load %arg6[%get3A_71, %get3A_72] : memref<128x3xf32, #tpu.memory_space<vmem>>, vector<128x3xf32>
    %dot_general3A_74 = arith.constant dense<0.000000e+00> : vector<64x3xf32>
    %dot_general3A_75 = tpu.matmul %div3A_70, %get3A_73, %dot_general3A_74 {dimension_numbers = #tpu.dot_dimension_numbers<[1], [0], [0], [1], [0, 0, 1, 1], [], []>, transpose_lhs_hint = false} : vector<64x128xf32>, vector<128x3xf32>, vector<64x3xf32> -> vector<64x3xf32>
    %get3A_76 = arith.constant 0 : index
    %get3A_77 = arith.constant 0 : index
    %get3A_78 = vector.load %arg7[%get3A_76, %get3A_77] : memref<1x3xf32, #tpu.memory_space<vmem>>, vector<1x3xf32>
    %add3A_79 = vector.broadcast %get3A_78 : vector<1x3xf32> to vector<64x3xf32>
    %add3A_80 = arith.addf %dot_general3A_75, %add3A_79 : vector<64x3xf32>
    %swap3A_81 = arith.constant 0 : index
    %swap3A_82 = arith.constant 0 : index
    %swap3A_83 = vector.load %arg8[%swap3A_81, %swap3A_82] : memref<64x3xf32, #tpu.memory_space<vmem>>, vector<64x3xf32>
    tpu.vector_store %arg8[%swap3A_81, %swap3A_82], %add3A_80 {strides = array<i32>} : memref<64x3xf32, #tpu.memory_space<vmem>>, vector<64x3xf32>,
    return
  }
  func.func @transform_0(%arg0: i32) -> (i32, i32, i32) {
    %c0_i32 = arith.constant 0 : i32
    %c0_i32_0 = arith.constant 0 : i32
    %c0_i32_1 = arith.constant 0 : i32
    return %c0_i32, %arg0, %c0_i32_0 : i32, i32, i32
  }
  func.func @transform_1(%arg0: i32) -> (i32, i32, i32) {
    %c0_i32 = arith.constant 0 : i32
    %c0_i32_0 = arith.constant 0 : i32
    %c0_i32_1 = arith.constant 0 : i32
    return %c0_i32, %arg0, %c0_i32_0 : i32, i32, i32
  }
  func.func @transform_2(%arg0: i32) -> (i32, i32, i32) {
    %c0_i32 = arith.constant 0 : i32
    %c0_i32_0 = arith.constant 0 : i32
    %c0_i32_1 = arith.constant 0 : i32
    return %c0_i32, %arg0, %c0_i32_0 : i32, i32, i32
  }
  func.func @transform_3(%arg0: i32) -> (i32, i32) {
    %c0_i32 = arith.constant 0 : i32
    %c0_i32_0 = arith.constant 0 : i32
    %c0_i32_1 = arith.constant 0 : i32
    return %c0_i32, %c0_i32_0 : i32, i32
  }
  func.func @transform_4(%arg0: i32) -> (i32, i32) {
    %c0_i32 = arith.constant 0 : i32
    %c0_i32_0 = arith.constant 0 : i32
    return %arg0, %c0_i32 : i32, i32
  }
  func.func @transform_5(%arg0: i32) -> (i32, i32) {
    %c0_i32 = arith.constant 0 : i32
    %c0_i32_0 = arith.constant 0 : i32
    %c0_i32_1 = arith.constant 0 : i32
    return %c0_i32, %c0_i32_0 : i32, i32
  }
  func.func @transform_6(%arg0: i32) -> (i32, i32) {
    %c0_i32 = arith.constant 0 : i32
    %c0_i32_0 = arith.constant 0 : i32
    %c0_i32_1 = arith.constant 0 : i32
    return %c0_i32, %c0_i32_0 : i32, i32
  }
  func.func @transform_7(%arg0: i32) -> (i32, i32) {
    %c0_i32 = arith.constant 0 : i32
    %c0_i32_0 = arith.constant 0 : i32
    %c0_i32_1 = arith.constant 0 : i32
    return %c0_i32, %c0_i32_0 : i32, i32
  }
}

</mosaic_0001>

<sc_bundles>
// kernel: kernel.10.cloned.1.call-start
scs
__scs_entry_jumppad:
0x0: {  	(pc) =	sbr.rel $0x88, $3  }
0x1: {  	(tag) =	ssettag $0x0;
	lr =	simm.s32 $0x1  }
0x2: {  	[smem:$0x3F96] =	sst lr;
	_ =	strace $0xD0000000  }
0x3: {  	_ = 	snop  }
0x4: {  	_ = 	snop  }
0x5: {  	_ = 	snop  }
0x6: {  	_ = 	snop  }
0x7: {  	_ = 	snop  }
__scs_overlays_trampoline_lowered:
0x8: {  	[smem:$0x3FA5] =	sst s0  }
0x9: {  	[smem:$0x3FA6] =	sst s1  }
0xa: {  	[smem:$0x3FA7] =	sst s2  }
0xb: {  	[smem:$0x3FA8] =	sst s3  }
0xc: {  	[smem:$0x3FA9] =	sst s4  }
0xd: {  	[smem:$0x3FAA] =	sst s5  }
0xe: {  	[smem:$0x3FAB] =	sst s6  }
0xf: {  	[smem:$0x3FAC] =	sst s7  }
0x10: {  	[smem:$0x3FAD] =	sst s8  }
0x11: {  	[smem:$0x3FAE] =	sst s9;
	s0 =	simm.s32 @!p0 $0x0  }
0x12: {  	s1 =	sld [smem:$0x3F94];
	s0 =	simm.s32 @p0 $0x1  }
0x13: {  	[smem:$0x3FAF] =	sst s0;
	s0 =	simm.s32 @!p1 $0x0  }
0x14: {  	s2 =	sld [smem:$0x3F93];
	s0 =	simm.s32 @p1 $0x1  }
0x15: {  	[smem:$0x3FB0] =	sst s0;
	s0 =	simm.s32 @!p2 $0x0  }
0x16: {  	s3 =	sld [smem:$0x3FDB];
	s0 =	simm.s32 @p2 $0x1  }
0x17: {  	s4 =	simm.s32 $0x1BF5;
	[smem:$0x3FB2] =	sst s0  }
0x18: {  	s0 =	sld [smem:$0x3F95];
	_ =	swait.ge [sflag:s4], $0x0  }
0x19: {  	s7 =	sld [smem:$0x3F96]  }
0x1a: {  	s8 =	sadd.s32 $0xFFFFE003, lr  }
0x1b: {  	s9 =	sadd.s32 $0xFFFFFEF7, lr;
	s5 =	simm.s32 $0xFFFFFFFF;
	p2 =	slt.u32 s8, $0xFFFFF086  }
0x1c: {  	p1 =	slt.u32 s9, $0xF7A;
	s5 =	simm.s32 @!p2 $0x0  }
0x1d: {  	s5 =	simm.s32 @p1 $0x1;
	p0 =	seq.s32 s7, s2  }
0x1e: {  	s7 =	smul.u32 @!p0 $0xF7A, s2;
	p2 =	seq.s32 @!p0 s5, $0x0  }
0x1f: {  	s9 =	smul.u32 $0xF7A, s1;
	s8 =	simm.s32 @!p0 $0x1BF5;
	p2 =	por !p2, p0  }
0x20: {  	[sflag:s8] =	ssyncset.s32 @!p0 $0xFFFFF086;
	s6 =	sadd.s32 @!p0 s3, s7;
	s7 =	simm.s32 @!p0 $0x108  }
0x21: {  	s3 =	sadd.s32 s3, s9;
	s6 =	sadd.s32 @!p0 $0x88, s6;
	s7 =	simm.s32 @p2 $0x1082  }
0x22: {  	[simem:s7], [sflag:s8] =	dma.local @!p0 [hbm:s6], $0xF7A  }
0x23: {  	s9 =	sor.u32 $0xD0000000, s2;
	s6 =	simm.s32 $0x108;
	_ =	swait.ge @!p0 [sflag:s8], $0x0  }
0x24: {  	s3 =	sadd.s32 $0x88, s3;
	s6 =	simm.s32 @!p1 $0x1082;
	[sflag:s4] =	ssyncset.s32 $0xFFFFF086  }
0x25: {  	[simem:s6], [sflag:s4] =	dma.local [hbm:s3], $0xF7A  }
0x26: {  	[smem:$0x3F96] =	sst s1;
	(tag) =	ssettag s2;
	_ =	strace s9  }
0x27: {  	s1 =	sld [smem:$0x3FA6]  }
0x28: {  	s2 =	sld [smem:$0x3FA7]  }
0x29: {  	s4 =	sld [smem:$0x3FA9]  }
0x2a: {  	p0 =	seq.s32 s5, $0x0;
	s5 =	sld [smem:$0x3FAA]  }
0x2b: {  	s6 =	sld [smem:$0x3FAB]  }
0x2c: {  	s7 =	sld [smem:$0x3FAC]  }
0x2d: {  	s3 =	simm.s32 $0x108;
	s8 =	sld [smem:$0x3FAD]  }
0x2e: {  	s3 =	simm.s32 @!p0 $0x1082;
	s9 =	sld [smem:$0x3FAE]  }
0x2f: {  	lr =	sadd.s32 s0, s3;
	s0 =	sld [smem:$0x3FA5]  }
0x30: {  	s3 =	sld [smem:$0x3FA8]  }
0x31: {  	[smem:$0x3FB1] =	sst s10  }
0x32: {  	s10 =	sld [smem:$0x3FAF];
	_ =	sdelay $0x3  }
0x33: {  	p0 =	seq.s32 s10, $0x1;
	s10 =	sld [smem:$0x3FB1];
	_ =	sdelay $0x3  }
0x34: {  	[smem:$0x3FB1] =	sst s10  }
0x35: {  	s10 =	sld [smem:$0x3FB0];
	_ =	sdelay $0x3  }
0x36: {  	p1 =	seq.s32 s10, $0x1;
	s10 =	sld [smem:$0x3FB1];
	_ =	sdelay $0x3  }
0x37: {  	[smem:$0x3FB1] =	sst s10  }
0x38: {  	s10 =	sld [smem:$0x3FB2]  }
0x39: {  	_ = 	snop;
	(pc) =	sbr.ind lr, $3  }
0x3a: {  	_ = 	snop  }
0x3b: {  	_ = 	snop  }
0x3c: {  	p2 =	seq.s32 s10, $0x1;
	s10 =	sld [smem:$0x3FB1]  }
0x3d: {  	_ =	shalt  }
0x3e: {  	_ =	shalt  }
0x3f: {  	_ =	shalt  }
0x40: {  	_ =	shalt  }
0x41: {  	_ =	shalt  }
0x42: {  	_ =	shalt  }
0x43: {  	_ =	shalt  }
0x44: {  	_ =	shalt  }
0x45: {  	_ =	shalt  }
0x46: {  	_ =	shalt  }
0x47: {  	_ =	shalt  }
0x48: {  	_ =	shalt  }
0x49: {  	_ =	shalt  }
0x4a: {  	_ =	shalt  }
0x4b: {  	_ =	shalt  }
0x4c: {  	_ =	shalt  }
0x4d: {  	_ =	shalt  }
0x4e: {  	_ =	shalt  }
0x4f: {  	_ =	shalt  }
0x50: {  	_ =	shalt  }
0x51: {  	_ =	shalt  }
0x52: {  	_ =	shalt  }
0x53: {  	_ =	shalt  }
0x54: {  	_ =	shalt  }
0x55: {  	_ =	shalt  }
0x56: {  	_ =	shalt  }
0x57: {  	_ =	shalt  }
0x58: {  	_ =	shalt  }
0x59: {  	_ =	shalt  }
0x5a: {  	_ =	shalt  }
0x5b: {  	_ =	shalt  }
0x5c: {  	_ =	shalt  }
0x5d: {  	_ =	shalt  }
0x5e: {  	_ =	shalt  }
0x5f: {  	_ =	shalt  }
0x60: {  	_ =	shalt  }
0x61: {  	_ =	shalt  }
0x62: {  	_ =	shalt  }
0x63: {  	_ =	shalt  }
0x64: {  	_ =	shalt  }
0x65: {  	_ =	shalt  }
0x66: {  	_ =	shalt  }
0x67: {  	_ =	shalt  }
0x68: {  	_ =	shalt  }
0x69: {  	_ =	shalt  }
0x6a: {  	_ =	shalt  }
0x6b: {  	_ =	shalt  }
0x6c: {  	_ =	shalt  }
0x6d: {  	_ =	shalt  }
0x6e: {  	_ =	shalt  }
0x6f: {  	_ =	shalt  }
0x70: {  	_ =	shalt  }
0x71: {  	_ =	shalt  }
0x72: {  	_ =	shalt  }
0x73: {  	_ =	shalt  }
0x74: {  	_ =	shalt  }
0x75: {  	_ =	shalt  }
0x76: {  	_ =	shalt  }
0x77: {  	_ =	shalt  }
0x78: {  	_ =	shalt  }
0x79: {  	_ =	shalt  }
0x7a: {  	_ =	shalt  }
0x7b: {  	_ =	shalt  }
0x7c: {  	_ =	shalt  }
0x7d: {  	_ =	shalt  }
0x7e: {  	_ =	shalt  }
0x7f: {  	_ =	shalt  }
0x80: {  	_ =	shalt  }
0x81: {  	_ =	shalt  }
0x82: {  	_ =	shalt  }
0x83: {  	_ =	shalt  }
0x84: {  	_ =	shalt  }
0x85: {  	_ =	shalt  }
0x86: {  	_ =	shalt  }
0x87: {  	_ =	shalt  }
.Lfunc_end0:
.L_simem_size_0:
called_computation_lowered:
.L_overlay_start_0:
0x88: {  	s2 =	sld [smem:$0x3FD9]  }
0x89: {  	s3 =	sld [smem:$0x3FFE];
	_ =	sdelay $0x1  }
0x8a: {  	s1 =	srdreg.scid  }
0x8b: {  	s0 =	sand.u32 $0x1, s1  }
0x8c: {  	s16 =	sshll.u32 s0, $0xA;
	s2 =	sadd.s32 s3, s2  }
0x8d: {  	s2 =	sadd.s32 s2, s16  }
0x8e: {  	[smem:$0x3FBD] =	sst s2  }
0x8f: {  	_ = 	snop  }
0x90: {  	(tm) =	ssettm $0x1  }
0x91: {  	s17 =	sld [smem:$0x3FFB];
	_ =	sdelay $0x3  }
0x92: {  	_ =	strace s17  }
0x93: {  	s2 =	sld [smem:$0x3FFC];
	_ =	sdelay $0x3  }
0x94: {  	_ =	strace s2  }
0x95: {  	s2 =	sld [smem:$0x3FFD];
	_ =	sdelay $0x3  }
0x96: {  	_ =	strace s2  }
0x97: {  	_ =	strace $0x8FFFFFFF  }
0x98: {  	s18 =	sld [smem:$0x3FDB];
	_ =	sdelay $0x1  }
0x99: {  	s19 =	simm.s32 $_scs_section_size  }
0x9a: {  	s4 =	simm.s32 $_size__tile_overlayer_lowered;
	s5 =	simm.s32 $_tile_overlayer_lowered  }
0x9b: {  	s22 =	simm.s32 $0x1BFF;
	s21 =	sshll.u32 s5, $0x1;
	s2 =	sadd.s32 s19, s18  }
0x9c: {  	s6 =	simm.s32 $0x0;
	s20 =	sshll.u32 s4, $0x1;
	s4 =	sadd.s32 s21, s2  }
0x9d: {  	[timem:s6], [sflag:s22] =	dma.local [hbm:s4], s20  }
0x9e: {  	_ =	swait.ge [sflag:s22], s20  }
0x9f: {  	s3 =	ssub.s32 $0x0, s20;
	[sflag:s22] =	ssyncset.done $0x0  }
0xa0: {  	[sflag:s22] =	ssyncadd.s32 s3;
	_ =	sdelay $0x1  }
0xa1: {  	s23 =	simm.s32 $0x1B8B  }
0xa2: {  	_ =	swait.ge [sflag:s23], $0x1  }
0xa3: {  	[sflag:s23] =	ssyncset.done $0x0  }
0xa4: {  	s25 =	simm.s32 $0x1B8E;
	s24 =	sld [smem:$0x3FFE];
	[sflag:s23] =	ssyncadd.s32 $0xFFFFFFFF  }
0xa5: {  	s26 =	simm.s32 $execute0_lowered;
	[smem:$0x3FD2] =	sst s25  }
0xa6: {  	s4 =	sshll.u32 s26, $0x1;
	_ =	strace $0x80000046;
	[dreg:$0x1] =	wrdreg $0xFFFFFFFF  }
0xa7: {  	s28 =	simm.s32 $_size_execute0_lowered;
	s2 =	sadd.s32 s2, s4;
	[dreg:$0x0] =	wrdreg $0x0  }
0xa8: {  	s4 =	sshll.u32 s28, $0x1;
	[dreg:$0x2] =	wrdreg s2  }
0xa9: {  	[dreg:$0x3] =	wrdreg s4  }
0xaa: {  	[dreg:$0x4] =	wrdreg $0xC0  }
0xab: {  	_ =	task [dreg:s6], $0x5FFFF  }
0xac: {  	[dreg:$0x1] =	wrdreg $0xFFFFFFFF  }
0xad: {  	[dreg:$0x0] =	wrdreg $0x60  }
0xae: {  	[dreg:$0x2] =	wrdreg s24  }
0xaf: {  	[dreg:$0x3] =	wrdreg $0x38000  }
0xb0: {  	[dreg:$0x4] =	wrdreg $0x9  }
0xb1: {  	_ =	task.clear_ibuf [dreg:s6], $0x5FFFF;
	_ =	strace $0x90000046  }
0xb2: {  	s29 =	simm.s32 $0x9;
	_ =	strace $0x80000048  }
0xb3: {  	_ =	swait.ge [sflag:s29], $0x1  }
0xb4: {  	[sflag:s29] =	ssyncadd.s32 $0xFFFFFFFF  }
0xb5: {  	_ =	strace $0x90000048  }
0xb6: {  	_ =	sfence  }
0xb7: {  	s30 =	sld [smem:$0x0];
	_ =	sdelay $0x2  }
0xb8: {  	s31 =	sshll.u32 s1, $0xD;
	s1 =	sshrl.u32 s1, $0x2  }
0xb9: {  	s3 =	sand.u32 $0x4000, s31;
	s1 =	sadd.s32 s1, s30  }
0xba: {  	s0 =	sor.u32 s3, s0;
	s1 =	sshll.u32 s1, $0x11  }
0xbb: {  	s0 =	sor.u32 s1, s0  }
0xbc: {  	s0 =	sadd.s32 $0x8F2B, s0  }
0xbd: {  	[sflag:s0] =	ssyncadd.remote.s32 $0x1  }
0xbe: {  	_ =	sfence.sel $0xFFFF  }
0xbf: {  	[dreg:$0x0] =	wrdreg $0xFFFFFFFF;
	(pc) =	sbr.abs _section_cstart, $3  }
0xc0: {  	[dreg:$0x1] =	wrdreg $0xFFFFFFFF  }
0xc1: {  	_ =	task.clear_ibuf [dreg:s6], $0x2FFFF;
	_ =	strace $0x9FFFFFFF  }
0xc2: {  	(tm) =	ssettm $0x7FFFFFFF  }
0xc3: {  	_ =	shalt  }
tec
execute0_lowered:
.L_overlay_start_1:
0x0: {  	(tag) =	ssettag $0x1  }
0x1: {  	s5 =	rddreg [dreg:$0x0]  }
0x2: {  	s0 =	srdreg.scid;
	s2 =	rddreg [dreg:$0x1]  }
0x3: {  	s3 =	simm.s32 $0x0;
	s4 =	sand.u32 $0x1, s0;
	s0 =	stileid.u32  }
0x4: {  	s13 =	simm.s32 $0x1;
	s14 =	simm.s32 $0x80;
	s7 =	smul.u32 $0x2800, s0  }
0x5: {  	s15 =	simm.s32 $0x2800;
	[smem:$0x7FF] =	sst s3;
	s8 =	smul.u32 $0x28000, s4  }
0x6: {  	s1 =	sshll.u32 s4, $0x4;
	s9 =	smul.u32 $0xA000, s0;
	s4 =	ssub.s32 $0x2, s4  }
0x7: {  	s16 =	sshll.u32 s0, $0x6;
	s1 =	sor.u32 s0, s1;
	s30 =	sshrl.u32 s4, $0x1  }
0x8: {  	s16 =	sor.u32 $0x1C01, s16;
	s6 =	smul.u32 $0x500, s1;
	s1 =	rddreg [dreg:$0x2]  }
0x9: {  	_ =	strace $0x80000047;
	s29 =	sadd.s32 s7, s8;
	s9 =	sshrl.u32 s9, $0x2  }
0xa: {  	s12 =	ssub.s32 s4, s30;
	s4 =	sadd.s32 s7, s2;
	s31 =	sadd.s32 s9, s2  }
0xb: {  	s17 =	sshrl.u32 s4, $0x3;
	s10 =	sadd.s32 s6, s5;
	s6 =	sshrl.u32 s29, $0x3  }
0xc: {  	s7 =	sadd.s32 $0x1800, s31;
	s8 =	sadd.s32 $0x2000, s31;
	s11 =	sadd.s32 s6, s5  }
0xd: {  	s5 =	sadd.s32 $0x800, s31;
	s6 =	sadd.s32 $0x1000, s31;
	s9 =	sadd.s32 $0x2600, s10  }
0xe: {  	v0 =	vimm.f32 $1.000000000e+00;
	v1 =	vimm.f32 $0.0e+00;
	s10 =	sadd.s32 $0xC600, s11;
	s11 =	smax.u32 s12, $0x1;
	s12 =	simm.s32 $0x3000  }
.LBB2_1:
0xf: {  	s18 =	simm.s32 $0x40;
	s19 =	simm.s32 $0x0  }
.LBB2_2:
0x10: {  	p0 =	sne.s32 s18, $0x1FC0;
	[tilespmem:s19+$0x2800] =	vst v0;
	s20 =	smov.u32 s18;
	s18 =	sadd.s32 $0x40, s18  }
.Ltmp0:
0x11: {  	[tilespmem:s19+$0x3000] =	vst v1;
	(pc) =	sbr.rel @p0 .LBB2_2-.Ltmp0, $2  }
0x12: {  	_ =	sdelay $0x2  }
0x13: {  	s19 =	sshra.s32 s20, $0x2  }
0x14: {  	[tilespmem:s19+$0x2800] =	vst v0  }
0x15: {  	[tilespmem:s19+$0x3000] =	vst v1  }
0x16: {  	[spmem:s4] =	stream.linear.scatter [tilespmem:s12], [sflag:$0x1], $0x800, $0x38;
	[tilespmem:$0x6000] =	vst v63  }
0x17: {  	_ =	swait.ge [sflag:s13], $0x800  }
0x18: {  	[sflag:s13] =	ssyncset.done $0x0  }
0x19: {  	[sflag:s13] =	ssyncadd.s32 $0xFFFFF800  }
0x1a: {  	[spmem:s5] =	stream.linear.scatter [tilespmem:s12], [sflag:$0x1], $0x800, $0x38;
	[tilespmem:$0x6000] =	vst v63  }
0x1b: {  	_ =	swait.ge [sflag:s13], $0x800  }
0x1c: {  	[sflag:s13] =	ssyncset.done $0x0  }
0x1d: {  	[sflag:s13] =	ssyncadd.s32 $0xFFFFF800  }
0x1e: {  	[spmem:s6] =	stream.linear.scatter [tilespmem:s12], [sflag:$0x1], $0x800, $0x38;
	[tilespmem:$0x6000] =	vst v63  }
0x1f: {  	_ =	swait.ge [sflag:s13], $0x800  }
0x20: {  	[sflag:s13] =	ssyncset.done $0x0  }
0x21: {  	[sflag:s13] =	ssyncadd.s32 $0xFFFFF800  }
0x22: {  	[spmem:s7] =	stream.linear.scatter [tilespmem:s12], [sflag:$0x1], $0x800, $0x38;
	[tilespmem:$0x6000] =	vst v63  }
0x23: {  	_ =	swait.ge [sflag:s13], $0x800  }
0x24: {  	[sflag:s13] =	ssyncset.done $0x0  }
0x25: {  	[sflag:s13] =	ssyncadd.s32 $0xFFFFF800  }
0x26: {  	[spmem:s8] =	stream.linear.scatter [tilespmem:s12], [sflag:$0x1], $0x800, $0x38;
	[tilespmem:$0x6000] =	vst v63  }
0x27: {  	_ =	swait.ge [sflag:s13], $0x800  }
0x28: {  	[sflag:s13] =	ssyncset.done $0x0  }
0x29: {  	[sflag:s13] =	ssyncadd.s32 $0xFFFFF800  }
0x2a: {  	s18 =	simm.s32 $0x0;
	[bflag:$0x0] =	sbarrier.arrive $0xFFFF  }
0x2b: {  	[tilespmem:s18], [sflag:$0x1] =	stream.linear.gather [hbm4b:s9+s18], $0x2800, $0x38;
	[tilespmem:$0x6000] =	vst v63  }
0x2c: {  	_ =	swait.ge [sflag:s13], $0x2800  }
0x2d: {  	[sflag:s13] =	ssyncset.done $0x0  }
0x2e: {  	s31 =	simm.s32 $0x0;
	[sflag:s13] =	ssyncadd.s32 $0xFFFFD800  }
0x2f: {  	[spmem:s2] =	stream.indirect.scatter.add.f32 [tilespmem:s15], [sflag:$0x1], $0x10, s31, s14, $0xb8;
	[tilespmem:$0x6000] =	vst v63  }
0x30: {  	_ =	swait.ge [sflag:s13], $0x800  }
0x31: {  	s18 =	simm.s32 $0x200;
	[sflag:s13] =	ssyncset.done $0x0  }
.LBB2_4:
0x32: {  	s19 =	sshra.s32 s18, $0x2;
	[sflag:s13] =	ssyncadd.s32 $0xFFFFF800;
	p0 =	sne.s32 s18, $0x9E00  }
0x33: {  	[spmem:s2] =	stream.indirect.scatter.add.f32 [tilespmem:s15], [sflag:$0x1], $0x10, s19, s14, $0xb8;
	[tilespmem:$0x6000] =	vst v63  }
.Ltmp1:
0x34: {  	_ = 	snop;
	(pc) =	sbr.rel @p0 .LBB2_4-.Ltmp1, $4  }
0x35: {  	_ = 	snop  }
0x36: {  	s18 =	sadd.s32 $0x200, s18  }
0x37: {  	_ =	swait.ge [sflag:s13], $0x800  }
0x38: {  	[sflag:s13] =	ssyncset.done $0x0  }
0x39: {  	s3 =	sadd.s32 $0x1, s3  }
0x3a: {  	[sflag:s13] =	ssyncadd.s32 $0xFFFFF800;
	p0 =	sne.s32 s3, s11  }
.Ltmp2:
0x3b: {  	[bflag:$0x0] =	sbarrier.arrive $0xFFFF;
	(pc) =	sbr.rel @p0 .LBB2_1-.Ltmp2, $4  }
0x3c: {  	[hbm:s10], [sflag:s16] =	dma.local [spmem:s17], $0x500  }
0x3d: {  	_ =	swait.ge [sflag:s13], $0x500  }
0x3e: {  	[sflag:s13] =	ssyncset.done $0x0  }
0x3f: {  	[sflag:s13] =	ssyncadd.s32 $0xFFFFFB00  }
0x40: {  	_ =	sfence.sel $0x180000  }
0x41: {  	[bflag:$0x0] =	sbarrier.arrive $0xFFFF  }
0x42: {  	p0 =	sne.s32 s0, $0x0;
	_ =	strace $0x90000047  }
0x43: {  	s0 =	sadd.s32 @!p0 $0x100000, s1;
	[bflag:$0x2] =	sbarrier.arrive $0xFFFF  }
0x44: {  	[sflag:s0] =	ssyncadd.tile.s32 @!p0 $0x1;
	_ =	shalt  }
.Lfunc_end2:
_tile_overlayer_lowered:
.L_overlay_start_2:
0x45: {  	(tag) =	ssettag $0x2  }
0x46: {  	s0 =	rddreg [dreg:$0x0];
	s2 =	stileid.u32  }
0x47: {  	s1 =	rddreg [dreg:$0x1];
	p0 =	sne.s32 s2, $0x0  }
0x48: {  	s3 =	rddreg [dreg:$0x2];
	[bflag:$0x3] =	sbarrier.arrive $0xFFFF;
	s2 =	simm.s32 @!p0 $0x1C01  }
0x49: {  	[timem:s3], [sflag:s2] =	dma.local @!p0 [hbm:s0], s1  }
0x4a: {  	s0 =	simm.s32 @!p0 $0x1  }
0x4b: {  	_ =	swait.ge @!p0 [sflag:s0], s1  }
0x4c: {  	s1 =	ssub.s32 @!p0 $0x0, s1;
	[sflag:s0] =	ssyncset.done @!p0 $0x0  }
0x4d: {  	[sflag:s0] =	ssyncadd.s32 @!p0 s1  }
0x4e: {  	[bflag:$0x3] =	sbarrier.arrive $0xFFFF  }
0x4f: {  	_ =	shalt  }

// kernel: kernel.13.cloned.1.call-start
scs
__scs_entry_jumppad:
0x0: {  	(pc) =	sbr.rel $0x88, $3  }
0x1: {  	(tag) =	ssettag $0x0;
	lr =	simm.s32 $0x1  }
0x2: {  	[smem:$0x3F96] =	sst lr;
	_ =	strace $0xD0000000  }
0x3: {  	_ = 	snop  }
0x4: {  	_ = 	snop  }
0x5: {  	_ = 	snop  }
0x6: {  	_ = 	snop  }
0x7: {  	_ = 	snop  }
__scs_overlays_trampoline_lowered:
0x8: {  	[smem:$0x3FA5] =	sst s0  }
0x9: {  	[smem:$0x3FA6] =	sst s1  }
0xa: {  	[smem:$0x3FA7] =	sst s2  }
0xb: {  	[smem:$0x3FA8] =	sst s3  }
0xc: {  	[smem:$0x3FA9] =	sst s4  }
0xd: {  	[smem:$0x3FAA] =	sst s5  }
0xe: {  	[smem:$0x3FAB] =	sst s6  }
0xf: {  	[smem:$0x3FAC] =	sst s7  }
0x10: {  	[smem:$0x3FAD] =	sst s8  }
0x11: {  	[smem:$0x3FAE] =	sst s9;
	s0 =	simm.s32 @!p0 $0x0  }
0x12: {  	s1 =	sld [smem:$0x3F94];
	s0 =	simm.s32 @p0 $0x1  }
0x13: {  	[smem:$0x3FAF] =	sst s0;
	s0 =	simm.s32 @!p1 $0x0  }
0x14: {  	s2 =	sld [smem:$0x3F93];
	s0 =	simm.s32 @p1 $0x1  }
0x15: {  	[smem:$0x3FB0] =	sst s0;
	s0 =	simm.s32 @!p2 $0x0  }
0x16: {  	s3 =	sld [smem:$0x3FDB];
	s0 =	simm.s32 @p2 $0x1  }
0x17: {  	s4 =	simm.s32 $0x1BF5;
	[smem:$0x3FB2] =	sst s0  }
0x18: {  	s0 =	sld [smem:$0x3F95];
	_ =	swait.ge [sflag:s4], $0x0  }
0x19: {  	s7 =	sld [smem:$0x3F96]  }
0x1a: {  	s8 =	sadd.s32 $0xFFFFE003, lr  }
0x1b: {  	s9 =	sadd.s32 $0xFFFFFEF7, lr;
	s5 =	simm.s32 $0xFFFFFFFF;
	p2 =	slt.u32 s8, $0xFFFFF086  }
0x1c: {  	p1 =	slt.u32 s9, $0xF7A;
	s5 =	simm.s32 @!p2 $0x0  }
0x1d: {  	s5 =	simm.s32 @p1 $0x1;
	p0 =	seq.s32 s7, s2  }
0x1e: {  	s7 =	smul.u32 @!p0 $0xF7A, s2;
	p2 =	seq.s32 @!p0 s5, $0x0  }
0x1f: {  	s9 =	smul.u32 $0xF7A, s1;
	s8 =	simm.s32 @!p0 $0x1BF5;
	p2 =	por !p2, p0  }
0x20: {  	[sflag:s8] =	ssyncset.s32 @!p0 $0xFFFFF086;
	s6 =	sadd.s32 @!p0 s3, s7;
	s7 =	simm.s32 @!p0 $0x108  }
0x21: {  	s3 =	sadd.s32 s3, s9;
	s6 =	sadd.s32 @!p0 $0x88, s6;
	s7 =	simm.s32 @p2 $0x1082  }
0x22: {  	[simem:s7], [sflag:s8] =	dma.local @!p0 [hbm:s6], $0xF7A  }
0x23: {  	s9 =	sor.u32 $0xD0000000, s2;
	s6 =	simm.s32 $0x108;
	_ =	swait.ge @!p0 [sflag:s8], $0x0  }
0x24: {  	s3 =	sadd.s32 $0x88, s3;
	s6 =	simm.s32 @!p1 $0x1082;
	[sflag:s4] =	ssyncset.s32 $0xFFFFF086  }
0x25: {  	[simem:s6], [sflag:s4] =	dma.local [hbm:s3], $0xF7A  }
0x26: {  	[smem:$0x3F96] =	sst s1;
	(tag) =	ssettag s2;
	_ =	strace s9  }
0x27: {  	s1 =	sld [smem:$0x3FA6]  }
0x28: {  	s2 =	sld [smem:$0x3FA7]  }
0x29: {  	s4 =	sld [smem:$0x3FA9]  }
0x2a: {  	p0 =	seq.s32 s5, $0x0;
	s5 =	sld [smem:$0x3FAA]  }
0x2b: {  	s6 =	sld [smem:$0x3FAB]  }
0x2c: {  	s7 =	sld [smem:$0x3FAC]  }
0x2d: {  	s3 =	simm.s32 $0x108;
	s8 =	sld [smem:$0x3FAD]  }
0x2e: {  	s3 =	simm.s32 @!p0 $0x1082;
	s9 =	sld [smem:$0x3FAE]  }
0x2f: {  	lr =	sadd.s32 s0, s3;
	s0 =	sld [smem:$0x3FA5]  }
0x30: {  	s3 =	sld [smem:$0x3FA8]  }
0x31: {  	[smem:$0x3FB1] =	sst s10  }
0x32: {  	s10 =	sld [smem:$0x3FAF];
	_ =	sdelay $0x3  }
0x33: {  	p0 =	seq.s32 s10, $0x1;
	s10 =	sld [smem:$0x3FB1];
	_ =	sdelay $0x3  }
0x34: {  	[smem:$0x3FB1] =	sst s10  }
0x35: {  	s10 =	sld [smem:$0x3FB0];
	_ =	sdelay $0x3  }
0x36: {  	p1 =	seq.s32 s10, $0x1;
	s10 =	sld [smem:$0x3FB1];
	_ =	sdelay $0x3  }
0x37: {  	[smem:$0x3FB1] =	sst s10  }
0x38: {  	s10 =	sld [smem:$0x3FB2]  }
0x39: {  	_ = 	snop;
	(pc) =	sbr.ind lr, $3  }
0x3a: {  	_ = 	snop  }
0x3b: {  	_ = 	snop  }
0x3c: {  	p2 =	seq.s32 s10, $0x1;
	s10 =	sld [smem:$0x3FB1]  }
0x3d: {  	_ =	shalt  }
0x3e: {  	_ =	shalt  }
0x3f: {  	_ =	shalt  }
0x40: {  	_ =	shalt  }
0x41: {  	_ =	shalt  }
0x42: {  	_ =	shalt  }
0x43: {  	_ =	shalt  }
0x44: {  	_ =	shalt  }
0x45: {  	_ =	shalt  }
0x46: {  	_ =	shalt  }
0x47: {  	_ =	shalt  }
0x48: {  	_ =	shalt  }
0x49: {  	_ =	shalt  }
0x4a: {  	_ =	shalt  }
0x4b: {  	_ =	shalt  }
0x4c: {  	_ =	shalt  }
0x4d: {  	_ =	shalt  }
0x4e: {  	_ =	shalt  }
0x4f: {  	_ =	shalt  }
0x50: {  	_ =	shalt  }
0x51: {  	_ =	shalt  }
0x52: {  	_ =	shalt  }
0x53: {  	_ =	shalt  }
0x54: {  	_ =	shalt  }
0x55: {  	_ =	shalt  }
0x56: {  	_ =	shalt  }
0x57: {  	_ =	shalt  }
0x58: {  	_ =	shalt  }
0x59: {  	_ =	shalt  }
0x5a: {  	_ =	shalt  }
0x5b: {  	_ =	shalt  }
0x5c: {  	_ =	shalt  }
0x5d: {  	_ =	shalt  }
0x5e: {  	_ =	shalt  }
0x5f: {  	_ =	shalt  }
0x60: {  	_ =	shalt  }
0x61: {  	_ =	shalt  }
0x62: {  	_ =	shalt  }
0x63: {  	_ =	shalt  }
0x64: {  	_ =	shalt  }
0x65: {  	_ =	shalt  }
0x66: {  	_ =	shalt  }
0x67: {  	_ =	shalt  }
0x68: {  	_ =	shalt  }
0x69: {  	_ =	shalt  }
0x6a: {  	_ =	shalt  }
0x6b: {  	_ =	shalt  }
0x6c: {  	_ =	shalt  }
0x6d: {  	_ =	shalt  }
0x6e: {  	_ =	shalt  }
0x6f: {  	_ =	shalt  }
0x70: {  	_ =	shalt  }
0x71: {  	_ =	shalt  }
0x72: {  	_ =	shalt  }
0x73: {  	_ =	shalt  }
0x74: {  	_ =	shalt  }
0x75: {  	_ =	shalt  }
0x76: {  	_ =	shalt  }
0x77: {  	_ =	shalt  }
0x78: {  	_ =	shalt  }
0x79: {  	_ =	shalt  }
0x7a: {  	_ =	shalt  }
0x7b: {  	_ =	shalt  }
0x7c: {  	_ =	shalt  }
0x7d: {  	_ =	shalt  }
0x7e: {  	_ =	shalt  }
0x7f: {  	_ =	shalt  }
0x80: {  	_ =	shalt  }
0x81: {  	_ =	shalt  }
0x82: {  	_ =	shalt  }
0x83: {  	_ =	shalt  }
0x84: {  	_ =	shalt  }
0x85: {  	_ =	shalt  }
0x86: {  	_ =	shalt  }
0x87: {  	_ =	shalt  }
.Lfunc_end0:
.L_simem_size_0:
called_computation.1_lowered:
.L_overlay_start_0:
0x88: {  	s2 =	sld [smem:$0x3FD9]  }
0x89: {  	s3 =	sld [smem:$0x3FFE];
	_ =	sdelay $0x1  }
0x8a: {  	s1 =	srdreg.scid  }
0x8b: {  	s0 =	sand.u32 $0x1, s1  }
0x8c: {  	s16 =	sshll.u32 s0, $0xA;
	s2 =	sadd.s32 s3, s2  }
0x8d: {  	s2 =	sadd.s32 s2, s16  }
0x8e: {  	[smem:$0x3FBD] =	sst s2  }
0x8f: {  	_ = 	snop  }
0x90: {  	(tm) =	ssettm $0x1  }
0x91: {  	s17 =	sld [smem:$0x3FFB];
	_ =	sdelay $0x3  }
0x92: {  	_ =	strace s17  }
0x93: {  	s2 =	sld [smem:$0x3FFC];
	_ =	sdelay $0x3  }
0x94: {  	_ =	strace s2  }
0x95: {  	s2 =	sld [smem:$0x3FFD];
	_ =	sdelay $0x3  }
0x96: {  	_ =	strace s2  }
0x97: {  	_ =	strace $0x8FFFFFFF  }
0x98: {  	s18 =	sld [smem:$0x3FDB];
	_ =	sdelay $0x1  }
0x99: {  	s19 =	simm.s32 $_scs_section_size  }
0x9a: {  	s4 =	simm.s32 $_size__tile_overlayer_lowered;
	s5 =	simm.s32 $_tile_overlayer_lowered  }
0x9b: {  	s22 =	simm.s32 $0x1BFF;
	s21 =	sshll.u32 s5, $0x1;
	s2 =	sadd.s32 s19, s18  }
0x9c: {  	s6 =	simm.s32 $0x0;
	s20 =	sshll.u32 s4, $0x1;
	s4 =	sadd.s32 s21, s2  }
0x9d: {  	[timem:s6], [sflag:s22] =	dma.local [hbm:s4], s20  }
0x9e: {  	_ =	swait.ge [sflag:s22], s20  }
0x9f: {  	s3 =	ssub.s32 $0x0, s20;
	[sflag:s22] =	ssyncset.done $0x0  }
0xa0: {  	[sflag:s22] =	ssyncadd.s32 s3;
	_ =	sdelay $0x1  }
0xa1: {  	s23 =	simm.s32 $0x1B8B  }
0xa2: {  	_ =	swait.ge [sflag:s23], $0x1  }
0xa3: {  	[sflag:s23] =	ssyncset.done $0x0  }
0xa4: {  	s25 =	simm.s32 $0x1B8E;
	s24 =	sld [smem:$0x3FFE];
	[sflag:s23] =	ssyncadd.s32 $0xFFFFFFFF  }
0xa5: {  	s26 =	simm.s32 $execute0_lowered;
	[smem:$0x3FD2] =	sst s25  }
0xa6: {  	s4 =	sshll.u32 s26, $0x1;
	_ =	strace $0x80000049;
	[dreg:$0x1] =	wrdreg $0xFFFFFFFF  }
0xa7: {  	s28 =	simm.s32 $_size_execute0_lowered;
	s2 =	sadd.s32 s2, s4;
	[dreg:$0x0] =	wrdreg $0x0  }
0xa8: {  	s4 =	sshll.u32 s28, $0x1;
	[dreg:$0x2] =	wrdreg s2  }
0xa9: {  	[dreg:$0x3] =	wrdreg s4  }
0xaa: {  	[dreg:$0x4] =	wrdreg $0xC0  }
0xab: {  	_ =	task [dreg:s6], $0x5FFFF  }
0xac: {  	[dreg:$0x1] =	wrdreg $0xFFFFFFFF  }
0xad: {  	[dreg:$0x0] =	wrdreg $0x60  }
0xae: {  	[dreg:$0x2] =	wrdreg s24  }
0xaf: {  	[dreg:$0x3] =	wrdreg $0x140000  }
0xb0: {  	[dreg:$0x4] =	wrdreg $0x9  }
0xb1: {  	_ =	task.clear_ibuf [dreg:s6], $0x5FFFF;
	_ =	strace $0x90000049  }
0xb2: {  	s29 =	simm.s32 $0x9;
	_ =	strace $0x8000004B  }
0xb3: {  	_ =	swait.ge [sflag:s29], $0x1  }
0xb4: {  	[sflag:s29] =	ssyncadd.s32 $0xFFFFFFFF  }
0xb5: {  	_ =	strace $0x9000004B  }
0xb6: {  	_ =	sfence  }
0xb7: {  	s30 =	sld [smem:$0x0];
	_ =	sdelay $0x2  }
0xb8: {  	s31 =	sshll.u32 s1, $0xD;
	s1 =	sshrl.u32 s1, $0x2  }
0xb9: {  	s3 =	sand.u32 $0x4000, s31;
	s1 =	sadd.s32 s1, s30  }
0xba: {  	s0 =	sor.u32 s3, s0;
	s1 =	sshll.u32 s1, $0x11  }
0xbb: {  	s0 =	sor.u32 s1, s0  }
0xbc: {  	s0 =	sadd.s32 $0x8F2B, s0  }
0xbd: {  	[sflag:s0] =	ssyncadd.remote.s32 $0x1  }
0xbe: {  	_ =	sfence.sel $0xFFFF  }
0xbf: {  	[dreg:$0x0] =	wrdreg $0xFFFFFFFF;
	(pc) =	sbr.abs _section_cstart, $3  }
0xc0: {  	[dreg:$0x1] =	wrdreg $0xFFFFFFFF  }
0xc1: {  	_ =	task.clear_ibuf [dreg:s6], $0x2FFFF;
	_ =	strace $0x9FFFFFFF  }
0xc2: {  	(tm) =	ssettm $0x7FFFFFFF  }
0xc3: {  	_ =	shalt  }
tec
execute0_lowered:
.L_overlay_start_1:
0x0: {  	(tag) =	ssettag $0x1  }
0x1: {  	s0 =	srdreg.scid;
	s1 =	rddreg [dreg:$0x0]  }
0x2: {  	s9 =	stileid.u32;
	s2 =	rddreg [dreg:$0x1]  }
0x3: {  	s3 =	simm.s32 $0x0;
	s15 =	simm.s32 $0xA000;
	s16 =	simm.s32 $0x8  }
0x4: {  	s17 =	simm.s32 $0x1;
	s18 =	simm.s32 $0x2;
	s19 =	simm.s32 $0x80  }
0x5: {  	s20 =	simm.s32 $0xC000;
	s22 =	simm.s32 $0xE000;
	s5 =	smul.u32 $0x5000, s9  }
0x6: {  	s24 =	simm.s32 $0x10000;
	s28 =	simm.s32 $0x3;
	s7 =	smul.u32 $0xA000, s9  }
0x7: {  	s29 =	simm.s32 $0x4;
	s0 =	sand.u32 $0x1, s0;
	s9 =	smul.u32 $0x28000, s9  }
0x8: {  	s30 =	simm.s32 $0x5;
	s31 =	simm.s32 $0x6;
	s4 =	smul.u32 $0x50000, s0  }
0x9: {  	[smem:$0x7FF] =	sst s3;
	s8 =	smul.u32 $0xA0000, s0;
	s0 =	ssub.s32 $0x2, s0  }
0xa: {  	_ =	strace $0x8000004A;
	s25 =	sshrl.u32 s0, $0x1;
	s26 =	sshrl.u32 s9, $0x2  }
0xb: {  	s6 =	sadd.s32 s5, s4;
	s4 =	sadd.s32 $0x7A600, s1;
	s5 =	sshrl.u32 s5, $0x3  }
0xc: {  	s8 =	sadd.s32 s7, s8;
	s0 =	ssub.s32 s0, s25;
	s7 =	sadd.s32 s7, s2  }
0xd: {  	s11 =	sadd.s32 s26, s2;
	s26 =	simm.s32 $0x12000;
	s25 =	simm.s32 $0x9F80  }
0xe: {  	s6 =	sshrl.u32 s6, $0x3;
	s8 =	sshrl.u32 s8, $0x3;
	s10 =	sadd.s32 s5, s1  }
0xf: {  	s9 =	sadd.s32 $0x4000, s11;
	s13 =	smax.u32 s0, $0x1;
	s0 =	simm.s32 $0x0  }
0x10: {  	s6 =	sadd.s32 s6, s1;
	s1 =	sadd.s32 s8, s1;
	s8 =	sadd.s32 $0x2000, s11  }
0x11: {  	s5 =	sadd.s32 $0x16600, s6;
	s6 =	sadd.s32 $0x2600, s10;
	s10 =	sadd.s32 $0x6000, s11  }
0x12: {  	v0 =	vimm.f32 $0.0e+00;
	s11 =	sadd.s32 $0x8000, s11;
	s12 =	sadd.s32 $0xA1800, s1;
	s1 =	simm.s32 $0x7  }
.LBB2_1:
0x13: {  	[tilespmem:s3], [sflag:$0x1] =	stream.linear.gather [hbm4b:s5+s3], $0x5000, $0x38;
	[tilespmem:$0x1E000] =	vst v63  }
0x14: {  	s14 =	simm.s32 $0x5000  }
0x15: {  	[tilespmem:s14], [sflag:$0x2] =	stream.linear.gather [hbm4b:s6+s3], $0x5000, $0x38;
	[tilespmem:$0x1E000] =	vst v63  }
0x16: {  	s21 =	simm.s32 $0x100;
	s14 =	simm.s32 $0x0  }
.LBB2_2:
0x17: {  	p0 =	sne.s32 s21, $0x7F00;
	[tilespmem:s14+$0xA030] =	vst v0;
	s23 =	smov.u32 s21;
	s21 =	sadd.s32 $0x100, s21  }
.Ltmp0:
0x18: {  	[tilespmem:s14+$0xA020] =	vst v0;
	(pc) =	sbr.rel @p0 .LBB2_2-.Ltmp0, $3  }
0x19: {  	[tilespmem:s14+$0xA000] =	vst v0  }
0x1a: {  	[tilespmem:s14+$0xA010] =	vst v0;
	_ =	sdelay $0x1  }
0x1b: {  	s14 =	sshra.s32 s23, $0x2  }
0x1c: {  	[tilespmem:s14+$0xA030] =	vst v0  }
0x1d: {  	[tilespmem:s14+$0xA020] =	vst v0  }
0x1e: {  	[tilespmem:s14+$0xA000] =	vst v0  }
0x1f: {  	[tilespmem:s14+$0xA010] =	vst v0  }
0x20: {  	[spmem:s7] =	stream.linear.scatter [tilespmem:s15], [sflag:$0x8], $0x2000, $0x38;
	[tilespmem:$0x1E000] =	vst v63  }
0x21: {  	_ =	swait.ge [sflag:s16], $0x2000  }
0x22: {  	[sflag:s16] =	ssyncset.done $0x0  }
0x23: {  	[sflag:s16] =	ssyncadd.s32 $0xFFFFE000  }
0x24: {  	[spmem:s8] =	stream.linear.scatter [tilespmem:s15], [sflag:$0x8], $0x2000, $0x38;
	[tilespmem:$0x1E000] =	vst v63  }
0x25: {  	_ =	swait.ge [sflag:s16], $0x2000  }
0x26: {  	[sflag:s16] =	ssyncset.done $0x0  }
0x27: {  	[sflag:s16] =	ssyncadd.s32 $0xFFFFE000  }
0x28: {  	[spmem:s9] =	stream.linear.scatter [tilespmem:s15], [sflag:$0x8], $0x2000, $0x38;
	[tilespmem:$0x1E000] =	vst v63  }
0x29: {  	_ =	swait.ge [sflag:s16], $0x2000  }
0x2a: {  	[sflag:s16] =	ssyncset.done $0x0  }
0x2b: {  	[sflag:s16] =	ssyncadd.s32 $0xFFFFE000  }
0x2c: {  	[spmem:s10] =	stream.linear.scatter [tilespmem:s15], [sflag:$0x8], $0x2000, $0x38;
	[tilespmem:$0x1E000] =	vst v63  }
0x2d: {  	_ =	swait.ge [sflag:s16], $0x2000  }
0x2e: {  	[sflag:s16] =	ssyncset.done $0x0  }
0x2f: {  	[sflag:s16] =	ssyncadd.s32 $0xFFFFE000  }
0x30: {  	[spmem:s11] =	stream.linear.scatter [tilespmem:s15], [sflag:$0x8], $0x2000, $0x38;
	[tilespmem:$0x1E000] =	vst v63  }
0x31: {  	_ =	swait.ge [sflag:s16], $0x2000  }
0x32: {  	[sflag:s16] =	ssyncset.done $0x0  }
0x33: {  	[sflag:s16] =	ssyncadd.s32 $0xFFFFE000  }
0x34: {  	_ =	swait.ge [sflag:s17], $0x5000  }
0x35: {  	[sflag:s17] =	ssyncset.done $0x0  }
0x36: {  	[sflag:s17] =	ssyncadd.s32 $0xFFFFB000  }
0x37: {  	_ =	swait.ge [sflag:s18], $0x5000  }
0x38: {  	[sflag:s18] =	ssyncset.done $0x0  }
0x39: {  	[sflag:s18] =	ssyncadd.s32 $0xFFFFB000  }
0x3a: {  	s23 =	simm.s32 $0x0;
	[bflag:$0x0] =	sbarrier.arrive $0xFFFF  }
0x3b: {  	[tilespmem:s15], [sflag:$0x3] =	stream.indirect.gather [hbm4b:s4+s19], $0x40, s23, s19, $0xb8;
	[tilespmem:$0x1E000] =	vst v63  }
0x3c: {  	_ = 	snop  }
0x3d: {  	[tilespmem:s20], [sflag:$0x4] =	stream.indirect.gather [hbm4b:s4+s19], $0x40, s19, s19, $0xb8;
	[tilespmem:$0x1E000] =	vst v63  }
0x3e: {  	s21 =	simm.s32 $0x100  }
0x3f: {  	[tilespmem:s22], [sflag:$0x5] =	stream.indirect.gather [hbm4b:s4+s19], $0x40, s21, s19, $0xb8;
	[tilespmem:$0x1E000] =	vst v63  }
0x40: {  	s23 =	simm.s32 $0x180  }
0x41: {  	[tilespmem:s24], [sflag:$0x6] =	stream.indirect.gather [hbm4b:s4+s19], $0x40, s23, s19, $0xb8;
	[tilespmem:$0x1E000] =	vst v63  }
0x42: {  	s21 =	simm.s32 $0x200  }
0x43: {  	[tilespmem:s26], [sflag:$0x7] =	stream.indirect.gather [hbm4b:s4+s19], $0x40, s21, s19, $0xb8;
	[tilespmem:$0x1E000] =	vst v63  }
0x44: {  	_ =	swait.ge [sflag:s28], $0x2000  }
0x45: {  	[sflag:s28] =	ssyncset.done $0x0  }
0x46: {  	s23 =	simm.s32 $0x5000;
	[sflag:s28] =	ssyncadd.s32 $0xFFFFE000  }
0x47: {  	[spmem:s2] =	stream.indirect.scatter.add.f32 [tilespmem:s15], [sflag:$0x8], $0x40, s23, s19, $0xb8;
	[tilespmem:$0x1E000] =	vst v63  }
0x48: {  	_ =	swait.ge [sflag:s16], $0x2000  }
0x49: {  	[sflag:s16] =	ssyncset.done $0x0  }
0x4a: {  	s21 =	simm.s32 $0x280;
	[sflag:s16] =	ssyncadd.s32 $0xFFFFE000  }
0x4b: {  	[tilespmem:s15], [sflag:$0x3] =	stream.indirect.gather [hbm4b:s4+s19], $0x40, s21, s19, $0xb8;
	[tilespmem:$0x1E000] =	vst v63  }
0x4c: {  	_ =	swait.ge [sflag:s29], $0x2000  }
0x4d: {  	[sflag:s29] =	ssyncset.done $0x0  }
0x4e: {  	s23 =	simm.s32 $0x5080;
	[sflag:s29] =	ssyncadd.s32 $0xFFFFE000  }
0x4f: {  	[spmem:s2] =	stream.indirect.scatter.add.f32 [tilespmem:s20], [sflag:$0x8], $0x40, s23, s19, $0xb8;
	[tilespmem:$0x1E000] =	vst v63  }
0x50: {  	_ =	swait.ge [sflag:s16], $0x2000  }
0x51: {  	[sflag:s16] =	ssyncset.done $0x0  }
0x52: {  	s21 =	simm.s32 $0x300;
	[sflag:s16] =	ssyncadd.s32 $0xFFFFE000  }
0x53: {  	[tilespmem:s20], [sflag:$0x4] =	stream.indirect.gather [hbm4b:s4+s19], $0x40, s21, s19, $0xb8;
	[tilespmem:$0x1E000] =	vst v63  }
0x54: {  	_ =	swait.ge [sflag:s30], $0x2000  }
0x55: {  	[sflag:s30] =	ssyncset.done $0x0  }
0x56: {  	s23 =	simm.s32 $0x5100;
	[sflag:s30] =	ssyncadd.s32 $0xFFFFE000  }
0x57: {  	[spmem:s2] =	stream.indirect.scatter.add.f32 [tilespmem:s22], [sflag:$0x8], $0x40, s23, s19, $0xb8;
	[tilespmem:$0x1E000] =	vst v63  }
0x58: {  	_ =	swait.ge [sflag:s16], $0x2000  }
0x59: {  	[sflag:s16] =	ssyncset.done $0x0  }
0x5a: {  	s21 =	simm.s32 $0x380;
	[sflag:s16] =	ssyncadd.s32 $0xFFFFE000  }
0x5b: {  	[tilespmem:s22], [sflag:$0x5] =	stream.indirect.gather [hbm4b:s4+s19], $0x40, s21, s19, $0xb8;
	[tilespmem:$0x1E000] =	vst v63  }
0x5c: {  	_ =	swait.ge [sflag:s31], $0x2000  }
0x5d: {  	[sflag:s31] =	ssyncset.done $0x0  }
0x5e: {  	s23 =	simm.s32 $0x5180;
	[sflag:s31] =	ssyncadd.s32 $0xFFFFE000  }
0x5f: {  	[spmem:s2] =	stream.indirect.scatter.add.f32 [tilespmem:s24], [sflag:$0x8], $0x40, s23, s19, $0xb8;
	[tilespmem:$0x1E000] =	vst v63  }
0x60: {  	_ =	swait.ge [sflag:s16], $0x2000  }
0x61: {  	[sflag:s16] =	ssyncset.done $0x0  }
0x62: {  	s21 =	simm.s32 $0x400;
	[sflag:s16] =	ssyncadd.s32 $0xFFFFE000  }
0x63: {  	[tilespmem:s24], [sflag:$0x6] =	stream.indirect.gather [hbm4b:s4+s19], $0x40, s21, s19, $0xb8;
	[tilespmem:$0x1E000] =	vst v63  }
0x64: {  	_ =	swait.ge [sflag:s1], $0x2000  }
0x65: {  	[sflag:s1] =	ssyncset.done $0x0  }
0x66: {  	s23 =	simm.s32 $0x5200;
	[sflag:s1] =	ssyncadd.s32 $0xFFFFE000  }
0x67: {  	[spmem:s2] =	stream.indirect.scatter.add.f32 [tilespmem:s26], [sflag:$0x8], $0x40, s23, s19, $0xb8;
	[tilespmem:$0x1E000] =	vst v63  }
0x68: {  	_ =	swait.ge [sflag:s16], $0x2000  }
0x69: {  	[sflag:s16] =	ssyncset.done $0x0  }
0x6a: {  	s14 =	simm.s32 $0xA00;
	s21 =	simm.s32 $0x480;
	[sflag:s16] =	ssyncadd.s32 $0xFFFFE000  }
.LBB2_4:
0x6b: {  	[tilespmem:s26], [sflag:$0x7] =	stream.indirect.gather [hbm4b:s4+s19], $0x40, s21, s19, $0xb8;
	[tilespmem:$0x1E000] =	vst v63  }
0x6c: {  	s21 =	smov.u32 s14  }
0x6d: {  	p0 =	sne.s32 s14, $0x12C00;
	s14 =	sadd.s32 $0xA00, s14;
	_ =	swait.ge [sflag:s28], $0x2000  }
0x6e: {  	s21 =	sshra.s32 s21, $0x2;
	[sflag:s28] =	ssyncset.done $0x0  }
0x6f: {  	s23 =	sadd.s32 $0x5000, s21;
	[sflag:s28] =	ssyncadd.s32 $0xFFFFE000  }
0x70: {  	[spmem:s2] =	stream.indirect.scatter.add.f32 [tilespmem:s15], [sflag:$0x8], $0x40, s23, s19, $0xb8;
	[tilespmem:$0x1E000] =	vst v63  }
0x71: {  	_ =	swait.ge [sflag:s16], $0x2000  }
0x72: {  	[sflag:s16] =	ssyncset.done $0x0  }
0x73: {  	s23 =	sadd.s32 $0x280, s21;
	[sflag:s16] =	ssyncadd.s32 $0xFFFFE000  }
0x74: {  	[tilespmem:s15], [sflag:$0x3] =	stream.indirect.gather [hbm4b:s4+s19], $0x40, s23, s19, $0xb8;
	[tilespmem:$0x1E000] =	vst v63  }
0x75: {  	_ =	swait.ge [sflag:s29], $0x2000  }
0x76: {  	[sflag:s29] =	ssyncset.done $0x0  }
0x77: {  	s23 =	sadd.s32 $0x5080, s21;
	[sflag:s29] =	ssyncadd.s32 $0xFFFFE000  }
0x78: {  	[spmem:s2] =	stream.indirect.scatter.add.f32 [tilespmem:s20], [sflag:$0x8], $0x40, s23, s19, $0xb8;
	[tilespmem:$0x1E000] =	vst v63  }
0x79: {  	_ =	swait.ge [sflag:s16], $0x2000  }
0x7a: {  	[sflag:s16] =	ssyncset.done $0x0  }
0x7b: {  	s23 =	sadd.s32 $0x300, s21;
	[sflag:s16] =	ssyncadd.s32 $0xFFFFE000  }
0x7c: {  	[tilespmem:s20], [sflag:$0x4] =	stream.indirect.gather [hbm4b:s4+s19], $0x40, s23, s19, $0xb8;
	[tilespmem:$0x1E000] =	vst v63  }
0x7d: {  	_ =	swait.ge [sflag:s30], $0x2000  }
0x7e: {  	[sflag:s30] =	ssyncset.done $0x0  }
0x7f: {  	s23 =	sadd.s32 $0x5100, s21;
	[sflag:s30] =	ssyncadd.s32 $0xFFFFE000  }
0x80: {  	[spmem:s2] =	stream.indirect.scatter.add.f32 [tilespmem:s22], [sflag:$0x8], $0x40, s23, s19, $0xb8;
	[tilespmem:$0x1E000] =	vst v63  }
0x81: {  	_ =	swait.ge [sflag:s16], $0x2000  }
0x82: {  	[sflag:s16] =	ssyncset.done $0x0  }
0x83: {  	s23 =	sadd.s32 $0x380, s21;
	[sflag:s16] =	ssyncadd.s32 $0xFFFFE000  }
0x84: {  	[tilespmem:s22], [sflag:$0x5] =	stream.indirect.gather [hbm4b:s4+s19], $0x40, s23, s19, $0xb8;
	[tilespmem:$0x1E000] =	vst v63  }
0x85: {  	_ =	swait.ge [sflag:s31], $0x2000  }
0x86: {  	[sflag:s31] =	ssyncset.done $0x0  }
0x87: {  	s23 =	sadd.s32 $0x5180, s21;
	[sflag:s31] =	ssyncadd.s32 $0xFFFFE000  }
0x88: {  	[spmem:s2] =	stream.indirect.scatter.add.f32 [tilespmem:s24], [sflag:$0x8], $0x40, s23, s19, $0xb8;
	[tilespmem:$0x1E000] =	vst v63  }
0x89: {  	_ =	swait.ge [sflag:s16], $0x2000  }
0x8a: {  	[sflag:s16] =	ssyncset.done $0x0  }
0x8b: {  	s23 =	sadd.s32 $0x400, s21;
	[sflag:s16] =	ssyncadd.s32 $0xFFFFE000  }
0x8c: {  	[tilespmem:s24], [sflag:$0x6] =	stream.indirect.gather [hbm4b:s4+s19], $0x40, s23, s19, $0xb8;
	[tilespmem:$0x1E000] =	vst v63  }
0x8d: {  	_ =	swait.ge [sflag:s1], $0x2000  }
0x8e: {  	[sflag:s1] =	ssyncset.done $0x0  }
.Ltmp1:
0x8f: {  	s23 =	sadd.s32 $0x5200, s21;
	[sflag:s1] =	ssyncadd.s32 $0xFFFFE000;
	(pc) =	sbr.rel @p0 .LBB2_4-.Ltmp1, $4  }
0x90: {  	[spmem:s2] =	stream.indirect.scatter.add.f32 [tilespmem:s26], [sflag:$0x8], $0x40, s23, s19, $0xb8;
	[tilespmem:$0x1E000] =	vst v63  }
0x91: {  	_ =	swait.ge [sflag:s16], $0x2000  }
0x92: {  	[sflag:s16] =	ssyncset.done $0x0  }
0x93: {  	s21 =	sadd.s32 $0x480, s21;
	[sflag:s16] =	ssyncadd.s32 $0xFFFFE000  }
0x94: {  	[tilespmem:s26], [sflag:$0x7] =	stream.indirect.gather [hbm4b:s4+s19], $0x40, s21, s19, $0xb8;
	[tilespmem:$0x1E000] =	vst v63  }
0x95: {  	_ =	swait.ge [sflag:s28], $0x2000  }
0x96: {  	[sflag:s28] =	ssyncset.done $0x0  }
0x97: {  	s14 =	simm.s32 $0x9D80;
	[sflag:s28] =	ssyncadd.s32 $0xFFFFE000  }
0x98: {  	[spmem:s2] =	stream.indirect.scatter.add.f32 [tilespmem:s15], [sflag:$0x8], $0x40, s14, s19, $0xb8;
	[tilespmem:$0x1E000] =	vst v63  }
0x99: {  	_ =	swait.ge [sflag:s16], $0x2000  }
0x9a: {  	[sflag:s16] =	ssyncset.done $0x0  }
0x9b: {  	[sflag:s16] =	ssyncadd.s32 $0xFFFFE000  }
0x9c: {  	_ =	swait.ge [sflag:s29], $0x2000  }
0x9d: {  	[sflag:s29] =	ssyncset.done $0x0  }
0x9e: {  	s23 =	simm.s32 $0x9E00;
	[sflag:s29] =	ssyncadd.s32 $0xFFFFE000  }
0x9f: {  	[spmem:s2] =	stream.indirect.scatter.add.f32 [tilespmem:s20], [sflag:$0x8], $0x40, s23, s19, $0xb8;
	[tilespmem:$0x1E000] =	vst v63  }
0xa0: {  	_ =	swait.ge [sflag:s16], $0x2000  }
0xa1: {  	[sflag:s16] =	ssyncset.done $0x0  }
0xa2: {  	[sflag:s16] =	ssyncadd.s32 $0xFFFFE000  }
0xa3: {  	_ =	swait.ge [sflag:s30], $0x2000  }
0xa4: {  	[sflag:s30] =	ssyncset.done $0x0  }
0xa5: {  	s21 =	simm.s32 $0x9E80;
	[sflag:s30] =	ssyncadd.s32 $0xFFFFE000  }
0xa6: {  	[spmem:s2] =	stream.indirect.scatter.add.f32 [tilespmem:s22], [sflag:$0x8], $0x40, s21, s19, $0xb8;
	[tilespmem:$0x1E000] =	vst v63  }
0xa7: {  	_ =	swait.ge [sflag:s16], $0x2000  }
0xa8: {  	[sflag:s16] =	ssyncset.done $0x0  }
0xa9: {  	[sflag:s16] =	ssyncadd.s32 $0xFFFFE000  }
0xaa: {  	_ =	swait.ge [sflag:s31], $0x2000  }
0xab: {  	[sflag:s31] =	ssyncset.done $0x0  }
0xac: {  	s23 =	simm.s32 $0x9F00;
	[sflag:s31] =	ssyncadd.s32 $0xFFFFE000  }
0xad: {  	[spmem:s2] =	stream.indirect.scatter.add.f32 [tilespmem:s24], [sflag:$0x8], $0x40, s23, s19, $0xb8;
	[tilespmem:$0x1E000] =	vst v63  }
0xae: {  	_ =	swait.ge [sflag:s16], $0x2000  }
0xaf: {  	[sflag:s16] =	ssyncset.done $0x0  }
0xb0: {  	[sflag:s16] =	ssyncadd.s32 $0xFFFFE000  }
0xb1: {  	_ =	swait.ge [sflag:s1], $0x2000  }
0xb2: {  	[sflag:s1] =	ssyncset.done $0x0  }
0xb3: {  	[sflag:s1] =	ssyncadd.s32 $0xFFFFE000  }
0xb4: {  	[spmem:s2] =	stream.indirect.scatter.add.f32 [tilespmem:s26], [sflag:$0x8], $0x40, s25, s19, $0xb8;
	[tilespmem:$0x1E000] =	vst v63  }
0xb5: {  	s21 =	stileid.u32;
	_ =	swait.ge [sflag:s16], $0x2000  }
0xb6: {  	s0 =	sadd.s32 $0x1, s0;
	s14 =	sshll.u32 s21, $0x6;
	[sflag:s16] =	ssyncset.done $0x0  }
0xb7: {  	p0 =	sne.s32 s0, s13;
	s14 =	sor.u32 $0x1C08, s14;
	[sflag:s16] =	ssyncadd.s32 $0xFFFFE000  }
.Ltmp2:
0xb8: {  	s23 =	sshrl.u32 s7, $0x3;
	[bflag:$0x0] =	sbarrier.arrive $0xFFFF;
	(pc) =	sbr.rel @p0 .LBB2_1-.Ltmp2, $4  }
0xb9: {  	[hbm:s12], [sflag:s14] =	dma.local [spmem:s23], $0x1400  }
0xba: {  	_ =	swait.ge [sflag:s16], $0x1400  }
0xbb: {  	[sflag:s16] =	ssyncset.done $0x0  }
0xbc: {  	[sflag:s16] =	ssyncadd.s32 $0xFFFFEC00  }
0xbd: {  	_ =	sfence.sel $0x180000  }
0xbe: {  	[bflag:$0x0] =	sbarrier.arrive $0xFFFF  }
0xbf: {  	_ =	strace $0x9000004A  }
0xc0: {  	s0 =	stileid.u32;
	[bflag:$0x2] =	sbarrier.arrive $0xFFFF  }
0xc1: {  	p0 =	sne.s32 s0, $0x0;
	s0 =	rddreg [dreg:$0x2]  }
0xc2: {  	s0 =	sadd.s32 @!p0 $0x100000, s0  }
0xc3: {  	[sflag:s0] =	ssyncadd.tile.s32 @!p0 $0x1;
	_ =	shalt  }
.Lfunc_end2:
_tile_overlayer_lowered:
.L_overlay_start_2:
0xc4: {  	(tag) =	ssettag $0x2  }
0xc5: {  	s0 =	rddreg [dreg:$0x0];
	s2 =	stileid.u32  }
0xc6: {  	s1 =	rddreg [dreg:$0x1];
	p0 =	sne.s32 s2, $0x0  }
0xc7: {  	s3 =	rddreg [dreg:$0x2];
	[bflag:$0x3] =	sbarrier.arrive $0xFFFF;
	s2 =	simm.s32 @!p0 $0x1C08  }
0xc8: {  	[timem:s3], [sflag:s2] =	dma.local @!p0 [hbm:s0], s1  }
0xc9: {  	s0 =	simm.s32 @!p0 $0x8  }
0xca: {  	_ =	swait.ge @!p0 [sflag:s0], s1  }
0xcb: {  	s1 =	ssub.s32 @!p0 $0x0, s1;
	[sflag:s0] =	ssyncset.done @!p0 $0x0  }
0xcc: {  	[sflag:s0] =	ssyncadd.s32 @!p0 s1  }
0xcd: {  	[bflag:$0x3] =	sbarrier.arrive $0xFFFF  }
0xce: {  	_ =	shalt  }

// kernel: kernel.16.cloned.1.call-start
scs
__scs_entry_jumppad:
0x0: {  	(pc) =	sbr.rel $0x88, $3  }
0x1: {  	(tag) =	ssettag $0x0;
	lr =	simm.s32 $0x1  }
0x2: {  	[smem:$0x3F96] =	sst lr;
	_ =	strace $0xD0000000  }
0x3: {  	_ = 	snop  }
0x4: {  	_ = 	snop  }
0x5: {  	_ = 	snop  }
0x6: {  	_ = 	snop  }
0x7: {  	_ = 	snop  }
__scs_overlays_trampoline_lowered:
0x8: {  	[smem:$0x3FA5] =	sst s0  }
0x9: {  	[smem:$0x3FA6] =	sst s1  }
0xa: {  	[smem:$0x3FA7] =	sst s2  }
0xb: {  	[smem:$0x3FA8] =	sst s3  }
0xc: {  	[smem:$0x3FA9] =	sst s4  }
0xd: {  	[smem:$0x3FAA] =	sst s5  }
0xe: {  	[smem:$0x3FAB] =	sst s6  }
0xf: {  	[smem:$0x3FAC] =	sst s7  }
0x10: {  	[smem:$0x3FAD] =	sst s8  }
0x11: {  	[smem:$0x3FAE] =	sst s9;
	s0 =	simm.s32 @!p0 $0x0  }
0x12: {  	s1 =	sld [smem:$0x3F94];
	s0 =	simm.s32 @p0 $0x1  }
0x13: {  	[smem:$0x3FAF] =	sst s0;
	s0 =	simm.s32 @!p1 $0x0  }
0x14: {  	s2 =	sld [smem:$0x3F93];
	s0 =	simm.s32 @p1 $0x1  }
0x15: {  	[smem:$0x3FB0] =	sst s0;
	s0 =	simm.s32 @!p2 $0x0  }
0x16: {  	s3 =	sld [smem:$0x3FDB];
	s0 =	simm.s32 @p2 $0x1  }
0x17: {  	s4 =	simm.s32 $0x1BF5;
	[smem:$0x3FB2] =	sst s0  }
0x18: {  	s0 =	sld [smem:$0x3F95];
	_ =	swait.ge [sflag:s4], $0x0  }
0x19: {  	s7 =	sld [smem:$0x3F96]  }
0x1a: {  	s8 =	sadd.s32 $0xFFFFE003, lr  }
0x1b: {  	s9 =	sadd.s32 $0xFFFFFEF7, lr;
	s5 =	simm.s32 $0xFFFFFFFF;
	p2 =	slt.u32 s8, $0xFFFFF086  }
0x1c: {  	p1 =	slt.u32 s9, $0xF7A;
	s5 =	simm.s32 @!p2 $0x0  }
0x1d: {  	s5 =	simm.s32 @p1 $0x1;
	p0 =	seq.s32 s7, s2  }
0x1e: {  	s7 =	smul.u32 @!p0 $0xF7A, s2;
	p2 =	seq.s32 @!p0 s5, $0x0  }
0x1f: {  	s9 =	smul.u32 $0xF7A, s1;
	s8 =	simm.s32 @!p0 $0x1BF5;
	p2 =	por !p2, p0  }
0x20: {  	[sflag:s8] =	ssyncset.s32 @!p0 $0xFFFFF086;
	s6 =	sadd.s32 @!p0 s3, s7;
	s7 =	simm.s32 @!p0 $0x108  }
0x21: {  	s3 =	sadd.s32 s3, s9;
	s6 =	sadd.s32 @!p0 $0x88, s6;
	s7 =	simm.s32 @p2 $0x1082  }
0x22: {  	[simem:s7], [sflag:s8] =	dma.local @!p0 [hbm:s6], $0xF7A  }
0x23: {  	s9 =	sor.u32 $0xD0000000, s2;
	s6 =	simm.s32 $0x108;
	_ =	swait.ge @!p0 [sflag:s8], $0x0  }
0x24: {  	s3 =	sadd.s32 $0x88, s3;
	s6 =	simm.s32 @!p1 $0x1082;
	[sflag:s4] =	ssyncset.s32 $0xFFFFF086  }
0x25: {  	[simem:s6], [sflag:s4] =	dma.local [hbm:s3], $0xF7A  }
0x26: {  	[smem:$0x3F96] =	sst s1;
	(tag) =	ssettag s2;
	_ =	strace s9  }
0x27: {  	s1 =	sld [smem:$0x3FA6]  }
0x28: {  	s2 =	sld [smem:$0x3FA7]  }
0x29: {  	s4 =	sld [smem:$0x3FA9]  }
0x2a: {  	p0 =	seq.s32 s5, $0x0;
	s5 =	sld [smem:$0x3FAA]  }
0x2b: {  	s6 =	sld [smem:$0x3FAB]  }
0x2c: {  	s7 =	sld [smem:$0x3FAC]  }
0x2d: {  	s3 =	simm.s32 $0x108;
	s8 =	sld [smem:$0x3FAD]  }
0x2e: {  	s3 =	simm.s32 @!p0 $0x1082;
	s9 =	sld [smem:$0x3FAE]  }
0x2f: {  	lr =	sadd.s32 s0, s3;
	s0 =	sld [smem:$0x3FA5]  }
0x30: {  	s3 =	sld [smem:$0x3FA8]  }
0x31: {  	[smem:$0x3FB1] =	sst s10  }
0x32: {  	s10 =	sld [smem:$0x3FAF];
	_ =	sdelay $0x3  }
0x33: {  	p0 =	seq.s32 s10, $0x1;
	s10 =	sld [smem:$0x3FB1];
	_ =	sdelay $0x3  }
0x34: {  	[smem:$0x3FB1] =	sst s10  }
0x35: {  	s10 =	sld [smem:$0x3FB0];
	_ =	sdelay $0x3  }
0x36: {  	p1 =	seq.s32 s10, $0x1;
	s10 =	sld [smem:$0x3FB1];
	_ =	sdelay $0x3  }
0x37: {  	[smem:$0x3FB1] =	sst s10  }
0x38: {  	s10 =	sld [smem:$0x3FB2]  }
0x39: {  	_ = 	snop;
	(pc) =	sbr.ind lr, $3  }
0x3a: {  	_ = 	snop  }
0x3b: {  	_ = 	snop  }
0x3c: {  	p2 =	seq.s32 s10, $0x1;
	s10 =	sld [smem:$0x3FB1]  }
0x3d: {  	_ =	shalt  }
0x3e: {  	_ =	shalt  }
0x3f: {  	_ =	shalt  }
0x40: {  	_ =	shalt  }
0x41: {  	_ =	shalt  }
0x42: {  	_ =	shalt  }
0x43: {  	_ =	shalt  }
0x44: {  	_ =	shalt  }
0x45: {  	_ =	shalt  }
0x46: {  	_ =	shalt  }
0x47: {  	_ =	shalt  }
0x48: {  	_ =	shalt  }
0x49: {  	_ =	shalt  }
0x4a: {  	_ =	shalt  }
0x4b: {  	_ =	shalt  }
0x4c: {  	_ =	shalt  }
0x4d: {  	_ =	shalt  }
0x4e: {  	_ =	shalt  }
0x4f: {  	_ =	shalt  }
0x50: {  	_ =	shalt  }
0x51: {  	_ =	shalt  }
0x52: {  	_ =	shalt  }
0x53: {  	_ =	shalt  }
0x54: {  	_ =	shalt  }
0x55: {  	_ =	shalt  }
0x56: {  	_ =	shalt  }
0x57: {  	_ =	shalt  }
0x58: {  	_ =	shalt  }
0x59: {  	_ =	shalt  }
0x5a: {  	_ =	shalt  }
0x5b: {  	_ =	shalt  }
0x5c: {  	_ =	shalt  }
0x5d: {  	_ =	shalt  }
0x5e: {  	_ =	shalt  }
0x5f: {  	_ =	shalt  }
0x60: {  	_ =	shalt  }
0x61: {  	_ =	shalt  }
0x62: {  	_ =	shalt  }
0x63: {  	_ =	shalt  }
0x64: {  	_ =	shalt  }
0x65: {  	_ =	shalt  }
0x66: {  	_ =	shalt  }
0x67: {  	_ =	shalt  }
0x68: {  	_ =	shalt  }
0x69: {  	_ =	shalt  }
0x6a: {  	_ =	shalt  }
0x6b: {  	_ =	shalt  }
0x6c: {  	_ =	shalt  }
0x6d: {  	_ =	shalt  }
0x6e: {  	_ =	shalt  }
0x6f: {  	_ =	shalt  }
0x70: {  	_ =	shalt  }
0x71: {  	_ =	shalt  }
0x72: {  	_ =	shalt  }
0x73: {  	_ =	shalt  }
0x74: {  	_ =	shalt  }
0x75: {  	_ =	shalt  }
0x76: {  	_ =	shalt  }
0x77: {  	_ =	shalt  }
0x78: {  	_ =	shalt  }
0x79: {  	_ =	shalt  }
0x7a: {  	_ =	shalt  }
0x7b: {  	_ =	shalt  }
0x7c: {  	_ =	shalt  }
0x7d: {  	_ =	shalt  }
0x7e: {  	_ =	shalt  }
0x7f: {  	_ =	shalt  }
0x80: {  	_ =	shalt  }
0x81: {  	_ =	shalt  }
0x82: {  	_ =	shalt  }
0x83: {  	_ =	shalt  }
0x84: {  	_ =	shalt  }
0x85: {  	_ =	shalt  }
0x86: {  	_ =	shalt  }
0x87: {  	_ =	shalt  }
.Lfunc_end0:
.L_simem_size_0:
called_computation.2_lowered:
.L_overlay_start_0:
0x88: {  	s2 =	sld [smem:$0x3FD9]  }
0x89: {  	s3 =	sld [smem:$0x3FFE];
	_ =	sdelay $0x1  }
0x8a: {  	s1 =	srdreg.scid  }
0x8b: {  	s0 =	sand.u32 $0x1, s1  }
0x8c: {  	s16 =	sshll.u32 s0, $0xA;
	s2 =	sadd.s32 s3, s2  }
0x8d: {  	s2 =	sadd.s32 s2, s16  }
0x8e: {  	[smem:$0x3FBD] =	sst s2  }
0x8f: {  	_ = 	snop  }
0x90: {  	(tm) =	ssettm $0x1  }
0x91: {  	s17 =	sld [smem:$0x3FFB];
	_ =	sdelay $0x3  }
0x92: {  	_ =	strace s17  }
0x93: {  	s2 =	sld [smem:$0x3FFC];
	_ =	sdelay $0x3  }
0x94: {  	_ =	strace s2  }
0x95: {  	s2 =	sld [smem:$0x3FFD];
	_ =	sdelay $0x3  }
0x96: {  	_ =	strace s2  }
0x97: {  	_ =	strace $0x8FFFFFFF  }
0x98: {  	s18 =	sld [smem:$0x3FDB];
	_ =	sdelay $0x1  }
0x99: {  	s19 =	simm.s32 $_scs_section_size  }
0x9a: {  	s4 =	simm.s32 $_size__tile_overlayer_lowered;
	s5 =	simm.s32 $_tile_overlayer_lowered  }
0x9b: {  	s22 =	simm.s32 $0x1BFF;
	s21 =	sshll.u32 s5, $0x1;
	s2 =	sadd.s32 s19, s18  }
0x9c: {  	s6 =	simm.s32 $0x0;
	s20 =	sshll.u32 s4, $0x1;
	s4 =	sadd.s32 s21, s2  }
0x9d: {  	[timem:s6], [sflag:s22] =	dma.local [hbm:s4], s20  }
0x9e: {  	_ =	swait.ge [sflag:s22], s20  }
0x9f: {  	s3 =	ssub.s32 $0x0, s20;
	[sflag:s22] =	ssyncset.done $0x0  }
0xa0: {  	[sflag:s22] =	ssyncadd.s32 s3;
	_ =	sdelay $0x1  }
0xa1: {  	s23 =	simm.s32 $0x1B8B  }
0xa2: {  	_ =	swait.ge [sflag:s23], $0x1  }
0xa3: {  	[sflag:s23] =	ssyncset.done $0x0  }
0xa4: {  	s25 =	simm.s32 $0x1B8E;
	s24 =	sld [smem:$0x3FFE];
	[sflag:s23] =	ssyncadd.s32 $0xFFFFFFFF  }
0xa5: {  	s26 =	simm.s32 $execute0_lowered;
	[smem:$0x3FD2] =	sst s25  }
0xa6: {  	s4 =	sshll.u32 s26, $0x1;
	_ =	strace $0x8000004C;
	[dreg:$0x1] =	wrdreg $0xFFFFFFFF  }
0xa7: {  	s28 =	simm.s32 $_size_execute0_lowered;
	s2 =	sadd.s32 s2, s4;
	[dreg:$0x0] =	wrdreg $0x0  }
0xa8: {  	s4 =	sshll.u32 s28, $0x1;
	[dreg:$0x2] =	wrdreg s2  }
0xa9: {  	[dreg:$0x3] =	wrdreg s4  }
0xaa: {  	[dreg:$0x4] =	wrdreg $0xC0  }
0xab: {  	_ =	task [dreg:s6], $0x5FFFF  }
0xac: {  	[dreg:$0x1] =	wrdreg $0xFFFFFFFF  }
0xad: {  	[dreg:$0x0] =	wrdreg $0x60  }
0xae: {  	[dreg:$0x2] =	wrdreg s24  }
0xaf: {  	[dreg:$0x3] =	wrdreg $0x140000  }
0xb0: {  	[dreg:$0x4] =	wrdreg $0x9  }
0xb1: {  	_ =	task.clear_ibuf [dreg:s6], $0x5FFFF;
	_ =	strace $0x9000004C  }
0xb2: {  	s29 =	simm.s32 $0x9;
	_ =	strace $0x8000004E  }
0xb3: {  	_ =	swait.ge [sflag:s29], $0x1  }
0xb4: {  	[sflag:s29] =	ssyncadd.s32 $0xFFFFFFFF  }
0xb5: {  	_ =	strace $0x9000004E  }
0xb6: {  	_ =	sfence  }
0xb7: {  	s30 =	sld [smem:$0x0];
	_ =	sdelay $0x2  }
0xb8: {  	s31 =	sshll.u32 s1, $0xD;
	s1 =	sshrl.u32 s1, $0x2  }
0xb9: {  	s3 =	sand.u32 $0x4000, s31;
	s1 =	sadd.s32 s1, s30  }
0xba: {  	s0 =	sor.u32 s3, s0;
	s1 =	sshll.u32 s1, $0x11  }
0xbb: {  	s0 =	sor.u32 s1, s0  }
0xbc: {  	s0 =	sadd.s32 $0x8F2B, s0  }
0xbd: {  	[sflag:s0] =	ssyncadd.remote.s32 $0x1  }
0xbe: {  	_ =	sfence.sel $0xFFFF  }
0xbf: {  	[dreg:$0x0] =	wrdreg $0xFFFFFFFF;
	(pc) =	sbr.abs _section_cstart, $3  }
0xc0: {  	[dreg:$0x1] =	wrdreg $0xFFFFFFFF  }
0xc1: {  	_ =	task.clear_ibuf [dreg:s6], $0x2FFFF;
	_ =	strace $0x9FFFFFFF  }
0xc2: {  	(tm) =	ssettm $0x7FFFFFFF  }
0xc3: {  	_ =	shalt  }
tec
execute0_lowered:
.L_overlay_start_1:
0x0: {  	(tag) =	ssettag $0x1  }
0x1: {  	s0 =	srdreg.scid;
	s1 =	rddreg [dreg:$0x0]  }
0x2: {  	s9 =	stileid.u32;
	s2 =	rddreg [dreg:$0x1]  }
0x3: {  	s3 =	simm.s32 $0x0;
	s15 =	simm.s32 $0xA000;
	s16 =	simm.s32 $0x8  }
0x4: {  	s17 =	simm.s32 $0x1;
	s18 =	simm.s32 $0x2;
	s19 =	simm.s32 $0x80  }
0x5: {  	s20 =	simm.s32 $0xC000;
	s22 =	simm.s32 $0xE000;
	s5 =	smul.u32 $0x5000, s9  }
0x6: {  	s24 =	simm.s32 $0x10000;
	s28 =	simm.s32 $0x3;
	s7 =	smul.u32 $0xA000, s9  }
0x7: {  	s29 =	simm.s32 $0x4;
	s0 =	sand.u32 $0x1, s0;
	s9 =	smul.u32 $0x28000, s9  }
0x8: {  	s30 =	simm.s32 $0x5;
	s31 =	simm.s32 $0x6;
	s4 =	smul.u32 $0x50000, s0  }
0x9: {  	[smem:$0x7FF] =	sst s3;
	s8 =	smul.u32 $0xA0000, s0;
	s0 =	ssub.s32 $0x2, s0  }
0xa: {  	_ =	strace $0x8000004D;
	s25 =	sshrl.u32 s0, $0x1;
	s26 =	sshrl.u32 s9, $0x2  }
0xb: {  	s6 =	sadd.s32 s5, s4;
	s4 =	sadd.s32 $0xC8800, s1;
	s5 =	sshrl.u32 s5, $0x3  }
0xc: {  	s8 =	sadd.s32 s7, s8;
	s0 =	ssub.s32 s0, s25;
	s7 =	sadd.s32 s7, s2  }
0xd: {  	s11 =	sadd.s32 s26, s2;
	s26 =	simm.s32 $0x12000;
	s25 =	simm.s32 $0x9F80  }
0xe: {  	s6 =	sshrl.u32 s6, $0x3;
	s8 =	sshrl.u32 s8, $0x3;
	s10 =	sadd.s32 s5, s1  }
0xf: {  	s9 =	sadd.s32 $0x4000, s11;
	s13 =	smax.u32 s0, $0x1;
	s0 =	simm.s32 $0x0  }
0x10: {  	s6 =	sadd.s32 s6, s1;
	s1 =	sadd.s32 s8, s1;
	s8 =	sadd.s32 $0x2000, s11  }
0x11: {  	s5 =	sadd.s32 $0x16600, s6;
	s6 =	sadd.s32 $0x2600, s10;
	s10 =	sadd.s32 $0x6000, s11  }
0x12: {  	v0 =	vimm.f32 $0.0e+00;
	s11 =	sadd.s32 $0x8000, s11;
	s12 =	sadd.s32 $0xEFA00, s1;
	s1 =	simm.s32 $0x7  }
.LBB2_1:
0x13: {  	[tilespmem:s3], [sflag:$0x1] =	stream.linear.gather [hbm4b:s5+s3], $0x5000, $0x38;
	[tilespmem:$0x1E000] =	vst v63  }
0x14: {  	s14 =	simm.s32 $0x5000  }
0x15: {  	[tilespmem:s14], [sflag:$0x2] =	stream.linear.gather [hbm4b:s6+s3], $0x5000, $0x38;
	[tilespmem:$0x1E000] =	vst v63  }
0x16: {  	s21 =	simm.s32 $0x100;
	s14 =	simm.s32 $0x0  }
.LBB2_2:
0x17: {  	p0 =	sne.s32 s21, $0x7F00;
	[tilespmem:s14+$0xA030] =	vst v0;
	s23 =	smov.u32 s21;
	s21 =	sadd.s32 $0x100, s21  }
.Ltmp0:
0x18: {  	[tilespmem:s14+$0xA020] =	vst v0;
	(pc) =	sbr.rel @p0 .LBB2_2-.Ltmp0, $3  }
0x19: {  	[tilespmem:s14+$0xA000] =	vst v0  }
0x1a: {  	[tilespmem:s14+$0xA010] =	vst v0;
	_ =	sdelay $0x1  }
0x1b: {  	s14 =	sshra.s32 s23, $0x2  }
0x1c: {  	[tilespmem:s14+$0xA030] =	vst v0  }
0x1d: {  	[tilespmem:s14+$0xA020] =	vst v0  }
0x1e: {  	[tilespmem:s14+$0xA000] =	vst v0  }
0x1f: {  	[tilespmem:s14+$0xA010] =	vst v0  }
0x20: {  	[spmem:s7] =	stream.linear.scatter [tilespmem:s15], [sflag:$0x8], $0x2000, $0x38;
	[tilespmem:$0x1E000] =	vst v63  }
0x21: {  	_ =	swait.ge [sflag:s16], $0x2000  }
0x22: {  	[sflag:s16] =	ssyncset.done $0x0  }
0x23: {  	[sflag:s16] =	ssyncadd.s32 $0xFFFFE000  }
0x24: {  	[spmem:s8] =	stream.linear.scatter [tilespmem:s15], [sflag:$0x8], $0x2000, $0x38;
	[tilespmem:$0x1E000] =	vst v63  }
0x25: {  	_ =	swait.ge [sflag:s16], $0x2000  }
0x26: {  	[sflag:s16] =	ssyncset.done $0x0  }
0x27: {  	[sflag:s16] =	ssyncadd.s32 $0xFFFFE000  }
0x28: {  	[spmem:s9] =	stream.linear.scatter [tilespmem:s15], [sflag:$0x8], $0x2000, $0x38;
	[tilespmem:$0x1E000] =	vst v63  }
0x29: {  	_ =	swait.ge [sflag:s16], $0x2000  }
0x2a: {  	[sflag:s16] =	ssyncset.done $0x0  }
0x2b: {  	[sflag:s16] =	ssyncadd.s32 $0xFFFFE000  }
0x2c: {  	[spmem:s10] =	stream.linear.scatter [tilespmem:s15], [sflag:$0x8], $0x2000, $0x38;
	[tilespmem:$0x1E000] =	vst v63  }
0x2d: {  	_ =	swait.ge [sflag:s16], $0x2000  }
0x2e: {  	[sflag:s16] =	ssyncset.done $0x0  }
0x2f: {  	[sflag:s16] =	ssyncadd.s32 $0xFFFFE000  }
0x30: {  	[spmem:s11] =	stream.linear.scatter [tilespmem:s15], [sflag:$0x8], $0x2000, $0x38;
	[tilespmem:$0x1E000] =	vst v63  }
0x31: {  	_ =	swait.ge [sflag:s16], $0x2000  }
0x32: {  	[sflag:s16] =	ssyncset.done $0x0  }
0x33: {  	[sflag:s16] =	ssyncadd.s32 $0xFFFFE000  }
0x34: {  	_ =	swait.ge [sflag:s17], $0x5000  }
0x35: {  	[sflag:s17] =	ssyncset.done $0x0  }
0x36: {  	[sflag:s17] =	ssyncadd.s32 $0xFFFFB000  }
0x37: {  	_ =	swait.ge [sflag:s18], $0x5000  }
0x38: {  	[sflag:s18] =	ssyncset.done $0x0  }
0x39: {  	[sflag:s18] =	ssyncadd.s32 $0xFFFFB000  }
0x3a: {  	s23 =	simm.s32 $0x0;
	[bflag:$0x0] =	sbarrier.arrive $0xFFFF  }
0x3b: {  	[tilespmem:s15], [sflag:$0x3] =	stream.indirect.gather [hbm4b:s4+s19], $0x40, s23, s19, $0xb8;
	[tilespmem:$0x1E000] =	vst v63  }
0x3c: {  	_ = 	snop  }
0x3d: {  	[tilespmem:s20], [sflag:$0x4] =	stream.indirect.gather [hbm4b:s4+s19], $0x40, s19, s19, $0xb8;
	[tilespmem:$0x1E000] =	vst v63  }
0x3e: {  	s21 =	simm.s32 $0x100  }
0x3f: {  	[tilespmem:s22], [sflag:$0x5] =	stream.indirect.gather [hbm4b:s4+s19], $0x40, s21, s19, $0xb8;
	[tilespmem:$0x1E000] =	vst v63  }
0x40: {  	s23 =	simm.s32 $0x180  }
0x41: {  	[tilespmem:s24], [sflag:$0x6] =	stream.indirect.gather [hbm4b:s4+s19], $0x40, s23, s19, $0xb8;
	[tilespmem:$0x1E000] =	vst v63  }
0x42: {  	s21 =	simm.s32 $0x200  }
0x43: {  	[tilespmem:s26], [sflag:$0x7] =	stream.indirect.gather [hbm4b:s4+s19], $0x40, s21, s19, $0xb8;
	[tilespmem:$0x1E000] =	vst v63  }
0x44: {  	_ =	swait.ge [sflag:s28], $0x2000  }
0x45: {  	[sflag:s28] =	ssyncset.done $0x0  }
0x46: {  	s23 =	simm.s32 $0x5000;
	[sflag:s28] =	ssyncadd.s32 $0xFFFFE000  }
0x47: {  	[spmem:s2] =	stream.indirect.scatter.add.f32 [tilespmem:s15], [sflag:$0x8], $0x40, s23, s19, $0xb8;
	[tilespmem:$0x1E000] =	vst v63  }
0x48: {  	_ =	swait.ge [sflag:s16], $0x2000  }
0x49: {  	[sflag:s16] =	ssyncset.done $0x0  }
0x4a: {  	s21 =	simm.s32 $0x280;
	[sflag:s16] =	ssyncadd.s32 $0xFFFFE000  }
0x4b: {  	[tilespmem:s15], [sflag:$0x3] =	stream.indirect.gather [hbm4b:s4+s19], $0x40, s21, s19, $0xb8;
	[tilespmem:$0x1E000] =	vst v63  }
0x4c: {  	_ =	swait.ge [sflag:s29], $0x2000  }
0x4d: {  	[sflag:s29] =	ssyncset.done $0x0  }
0x4e: {  	s23 =	simm.s32 $0x5080;
	[sflag:s29] =	ssyncadd.s32 $0xFFFFE000  }
0x4f: {  	[spmem:s2] =	stream.indirect.scatter.add.f32 [tilespmem:s20], [sflag:$0x8], $0x40, s23, s19, $0xb8;
	[tilespmem:$0x1E000] =	vst v63  }
0x50: {  	_ =	swait.ge [sflag:s16], $0x2000  }
0x51: {  	[sflag:s16] =	ssyncset.done $0x0  }
0x52: {  	s21 =	simm.s32 $0x300;
	[sflag:s16] =	ssyncadd.s32 $0xFFFFE000  }
0x53: {  	[tilespmem:s20], [sflag:$0x4] =	stream.indirect.gather [hbm4b:s4+s19], $0x40, s21, s19, $0xb8;
	[tilespmem:$0x1E000] =	vst v63  }
0x54: {  	_ =	swait.ge [sflag:s30], $0x2000  }
0x55: {  	[sflag:s30] =	ssyncset.done $0x0  }
0x56: {  	s23 =	simm.s32 $0x5100;
	[sflag:s30] =	ssyncadd.s32 $0xFFFFE000  }
0x57: {  	[spmem:s2] =	stream.indirect.scatter.add.f32 [tilespmem:s22], [sflag:$0x8], $0x40, s23, s19, $0xb8;
	[tilespmem:$0x1E000] =	vst v63  }
0x58: {  	_ =	swait.ge [sflag:s16], $0x2000  }
0x59: {  	[sflag:s16] =	ssyncset.done $0x0  }
0x5a: {  	s21 =	simm.s32 $0x380;
	[sflag:s16] =	ssyncadd.s32 $0xFFFFE000  }
0x5b: {  	[tilespmem:s22], [sflag:$0x5] =	stream.indirect.gather [hbm4b:s4+s19], $0x40, s21, s19, $0xb8;
	[tilespmem:$0x1E000] =	vst v63  }
0x5c: {  	_ =	swait.ge [sflag:s31], $0x2000  }
0x5d: {  	[sflag:s31] =	ssyncset.done $0x0  }
0x5e: {  	s23 =	simm.s32 $0x5180;
	[sflag:s31] =	ssyncadd.s32 $0xFFFFE000  }
0x5f: {  	[spmem:s2] =	stream.indirect.scatter.add.f32 [tilespmem:s24], [sflag:$0x8], $0x40, s23, s19, $0xb8;
	[tilespmem:$0x1E000] =	vst v63  }
0x60: {  	_ =	swait.ge [sflag:s16], $0x2000  }
0x61: {  	[sflag:s16] =	ssyncset.done $0x0  }
0x62: {  	s21 =	simm.s32 $0x400;
	[sflag:s16] =	ssyncadd.s32 $0xFFFFE000  }
0x63: {  	[tilespmem:s24], [sflag:$0x6] =	stream.indirect.gather [hbm4b:s4+s19], $0x40, s21, s19, $0xb8;
	[tilespmem:$0x1E000] =	vst v63  }
0x64: {  	_ =	swait.ge [sflag:s1], $0x2000  }
0x65: {  	[sflag:s1] =	ssyncset.done $0x0  }
0x66: {  	s23 =	simm.s32 $0x5200;
	[sflag:s1] =	ssyncadd.s32 $0xFFFFE000  }
0x67: {  	[spmem:s2] =	stream.indirect.scatter.add.f32 [tilespmem:s26], [sflag:$0x8], $0x40, s23, s19, $0xb8;
	[tilespmem:$0x1E000] =	vst v63  }
0x68: {  	_ =	swait.ge [sflag:s16], $0x2000  }
0x69: {  	[sflag:s16] =	ssyncset.done $0x0  }
0x6a: {  	s14 =	simm.s32 $0xA00;
	s21 =	simm.s32 $0x480;
	[sflag:s16] =	ssyncadd.s32 $0xFFFFE000  }
.LBB2_4:
0x6b: {  	[tilespmem:s26], [sflag:$0x7] =	stream.indirect.gather [hbm4b:s4+s19], $0x40, s21, s19, $0xb8;
	[tilespmem:$0x1E000] =	vst v63  }
0x6c: {  	s21 =	smov.u32 s14  }
0x6d: {  	p0 =	sne.s32 s14, $0x12C00;
	s14 =	sadd.s32 $0xA00, s14;
	_ =	swait.ge [sflag:s28], $0x2000  }
0x6e: {  	s21 =	sshra.s32 s21, $0x2;
	[sflag:s28] =	ssyncset.done $0x0  }
0x6f: {  	s23 =	sadd.s32 $0x5000, s21;
	[sflag:s28] =	ssyncadd.s32 $0xFFFFE000  }
0x70: {  	[spmem:s2] =	stream.indirect.scatter.add.f32 [tilespmem:s15], [sflag:$0x8], $0x40, s23, s19, $0xb8;
	[tilespmem:$0x1E000] =	vst v63  }
0x71: {  	_ =	swait.ge [sflag:s16], $0x2000  }
0x72: {  	[sflag:s16] =	ssyncset.done $0x0  }
0x73: {  	s23 =	sadd.s32 $0x280, s21;
	[sflag:s16] =	ssyncadd.s32 $0xFFFFE000  }
0x74: {  	[tilespmem:s15], [sflag:$0x3] =	stream.indirect.gather [hbm4b:s4+s19], $0x40, s23, s19, $0xb8;
	[tilespmem:$0x1E000] =	vst v63  }
0x75: {  	_ =	swait.ge [sflag:s29], $0x2000  }
0x76: {  	[sflag:s29] =	ssyncset.done $0x0  }
0x77: {  	s23 =	sadd.s32 $0x5080, s21;
	[sflag:s29] =	ssyncadd.s32 $0xFFFFE000  }
0x78: {  	[spmem:s2] =	stream.indirect.scatter.add.f32 [tilespmem:s20], [sflag:$0x8], $0x40, s23, s19, $0xb8;
	[tilespmem:$0x1E000] =	vst v63  }
0x79: {  	_ =	swait.ge [sflag:s16], $0x2000  }
0x7a: {  	[sflag:s16] =	ssyncset.done $0x0  }
0x7b: {  	s23 =	sadd.s32 $0x300, s21;
	[sflag:s16] =	ssyncadd.s32 $0xFFFFE000  }
0x7c: {  	[tilespmem:s20], [sflag:$0x4] =	stream.indirect.gather [hbm4b:s4+s19], $0x40, s23, s19, $0xb8;
	[tilespmem:$0x1E000] =	vst v63  }
0x7d: {  	_ =	swait.ge [sflag:s30], $0x2000  }
0x7e: {  	[sflag:s30] =	ssyncset.done $0x0  }
0x7f: {  	s23 =	sadd.s32 $0x5100, s21;
	[sflag:s30] =	ssyncadd.s32 $0xFFFFE000  }
0x80: {  	[spmem:s2] =	stream.indirect.scatter.add.f32 [tilespmem:s22], [sflag:$0x8], $0x40, s23, s19, $0xb8;
	[tilespmem:$0x1E000] =	vst v63  }
0x81: {  	_ =	swait.ge [sflag:s16], $0x2000  }
0x82: {  	[sflag:s16] =	ssyncset.done $0x0  }
0x83: {  	s23 =	sadd.s32 $0x380, s21;
	[sflag:s16] =	ssyncadd.s32 $0xFFFFE000  }
0x84: {  	[tilespmem:s22], [sflag:$0x5] =	stream.indirect.gather [hbm4b:s4+s19], $0x40, s23, s19, $0xb8;
	[tilespmem:$0x1E000] =	vst v63  }
0x85: {  	_ =	swait.ge [sflag:s31], $0x2000  }
0x86: {  	[sflag:s31] =	ssyncset.done $0x0  }
0x87: {  	s23 =	sadd.s32 $0x5180, s21;
	[sflag:s31] =	ssyncadd.s32 $0xFFFFE000  }
0x88: {  	[spmem:s2] =	stream.indirect.scatter.add.f32 [tilespmem:s24], [sflag:$0x8], $0x40, s23, s19, $0xb8;
	[tilespmem:$0x1E000] =	vst v63  }
0x89: {  	_ =	swait.ge [sflag:s16], $0x2000  }
0x8a: {  	[sflag:s16] =	ssyncset.done $0x0  }
0x8b: {  	s23 =	sadd.s32 $0x400, s21;
	[sflag:s16] =	ssyncadd.s32 $0xFFFFE000  }
0x8c: {  	[tilespmem:s24], [sflag:$0x6] =	stream.indirect.gather [hbm4b:s4+s19], $0x40, s23, s19, $0xb8;
	[tilespmem:$0x1E000] =	vst v63  }
0x8d: {  	_ =	swait.ge [sflag:s1], $0x2000  }
0x8e: {  	[sflag:s1] =	ssyncset.done $0x0  }
.Ltmp1:
0x8f: {  	s23 =	sadd.s32 $0x5200, s21;
	[sflag:s1] =	ssyncadd.s32 $0xFFFFE000;
	(pc) =	sbr.rel @p0 .LBB2_4-.Ltmp1, $4  }
0x90: {  	[spmem:s2] =	stream.indirect.scatter.add.f32 [tilespmem:s26], [sflag:$0x8], $0x40, s23, s19, $0xb8;
	[tilespmem:$0x1E000] =	vst v63  }
0x91: {  	_ =	swait.ge [sflag:s16], $0x2000  }
0x92: {  	[sflag:s16] =	ssyncset.done $0x0  }
0x93: {  	s21 =	sadd.s32 $0x480, s21;
	[sflag:s16] =	ssyncadd.s32 $0xFFFFE000  }
0x94: {  	[tilespmem:s26], [sflag:$0x7] =	stream.indirect.gather [hbm4b:s4+s19], $0x40, s21, s19, $0xb8;
	[tilespmem:$0x1E000] =	vst v63  }
0x95: {  	_ =	swait.ge [sflag:s28], $0x2000  }
0x96: {  	[sflag:s28] =	ssyncset.done $0x0  }
0x97: {  	s14 =	simm.s32 $0x9D80;
	[sflag:s28] =	ssyncadd.s32 $0xFFFFE000  }
0x98: {  	[spmem:s2] =	stream.indirect.scatter.add.f32 [tilespmem:s15], [sflag:$0x8], $0x40, s14, s19, $0xb8;
	[tilespmem:$0x1E000] =	vst v63  }
0x99: {  	_ =	swait.ge [sflag:s16], $0x2000  }
0x9a: {  	[sflag:s16] =	ssyncset.done $0x0  }
0x9b: {  	[sflag:s16] =	ssyncadd.s32 $0xFFFFE000  }
0x9c: {  	_ =	swait.ge [sflag:s29], $0x2000  }
0x9d: {  	[sflag:s29] =	ssyncset.done $0x0  }
0x9e: {  	s23 =	simm.s32 $0x9E00;
	[sflag:s29] =	ssyncadd.s32 $0xFFFFE000  }
0x9f: {  	[spmem:s2] =	stream.indirect.scatter.add.f32 [tilespmem:s20], [sflag:$0x8], $0x40, s23, s19, $0xb8;
	[tilespmem:$0x1E000] =	vst v63  }
0xa0: {  	_ =	swait.ge [sflag:s16], $0x2000  }
0xa1: {  	[sflag:s16] =	ssyncset.done $0x0  }
0xa2: {  	[sflag:s16] =	ssyncadd.s32 $0xFFFFE000  }
0xa3: {  	_ =	swait.ge [sflag:s30], $0x2000  }
0xa4: {  	[sflag:s30] =	ssyncset.done $0x0  }
0xa5: {  	s21 =	simm.s32 $0x9E80;
	[sflag:s30] =	ssyncadd.s32 $0xFFFFE000  }
0xa6: {  	[spmem:s2] =	stream.indirect.scatter.add.f32 [tilespmem:s22], [sflag:$0x8], $0x40, s21, s19, $0xb8;
	[tilespmem:$0x1E000] =	vst v63  }
0xa7: {  	_ =	swait.ge [sflag:s16], $0x2000  }
0xa8: {  	[sflag:s16] =	ssyncset.done $0x0  }
0xa9: {  	[sflag:s16] =	ssyncadd.s32 $0xFFFFE000  }
0xaa: {  	_ =	swait.ge [sflag:s31], $0x2000  }
0xab: {  	[sflag:s31] =	ssyncset.done $0x0  }
0xac: {  	s23 =	simm.s32 $0x9F00;
	[sflag:s31] =	ssyncadd.s32 $0xFFFFE000  }
0xad: {  	[spmem:s2] =	stream.indirect.scatter.add.f32 [tilespmem:s24], [sflag:$0x8], $0x40, s23, s19, $0xb8;
	[tilespmem:$0x1E000] =	vst v63  }
0xae: {  	_ =	swait.ge [sflag:s16], $0x2000  }
0xaf: {  	[sflag:s16] =	ssyncset.done $0x0  }
0xb0: {  	[sflag:s16] =	ssyncadd.s32 $0xFFFFE000  }
0xb1: {  	_ =	swait.ge [sflag:s1], $0x2000  }
0xb2: {  	[sflag:s1] =	ssyncset.done $0x0  }
0xb3: {  	[sflag:s1] =	ssyncadd.s32 $0xFFFFE000  }
0xb4: {  	[spmem:s2] =	stream.indirect.scatter.add.f32 [tilespmem:s26], [sflag:$0x8], $0x40, s25, s19, $0xb8;
	[tilespmem:$0x1E000] =	vst v63  }
0xb5: {  	s21 =	stileid.u32;
	_ =	swait.ge [sflag:s16], $0x2000  }
0xb6: {  	s0 =	sadd.s32 $0x1, s0;
	s14 =	sshll.u32 s21, $0x6;
	[sflag:s16] =	ssyncset.done $0x0  }
0xb7: {  	p0 =	sne.s32 s0, s13;
	s14 =	sor.u32 $0x1C08, s14;
	[sflag:s16] =	ssyncadd.s32 $0xFFFFE000  }
.Ltmp2:
0xb8: {  	s23 =	sshrl.u32 s7, $0x3;
	[bflag:$0x0] =	sbarrier.arrive $0xFFFF;
	(pc) =	sbr.rel @p0 .LBB2_1-.Ltmp2, $4  }
0xb9: {  	[hbm:s12], [sflag:s14] =	dma.local [spmem:s23], $0x1400  }
0xba: {  	_ =	swait.ge [sflag:s16], $0x1400  }
0xbb: {  	[sflag:s16] =	ssyncset.done $0x0  }
0xbc: {  	[sflag:s16] =	ssyncadd.s32 $0xFFFFEC00  }
0xbd: {  	_ =	sfence.sel $0x180000  }
0xbe: {  	[bflag:$0x0] =	sbarrier.arrive $0xFFFF  }
0xbf: {  	_ =	strace $0x9000004D  }
0xc0: {  	s0 =	stileid.u32;
	[bflag:$0x2] =	sbarrier.arrive $0xFFFF  }
0xc1: {  	p0 =	sne.s32 s0, $0x0;
	s0 =	rddreg [dreg:$0x2]  }
0xc2: {  	s0 =	sadd.s32 @!p0 $0x100000, s0  }
0xc3: {  	[sflag:s0] =	ssyncadd.tile.s32 @!p0 $0x1;
	_ =	shalt  }
.Lfunc_end2:
_tile_overlayer_lowered:
.L_overlay_start_2:
0xc4: {  	(tag) =	ssettag $0x2  }
0xc5: {  	s0 =	rddreg [dreg:$0x0];
	s2 =	stileid.u32  }
0xc6: {  	s1 =	rddreg [dreg:$0x1];
	p0 =	sne.s32 s2, $0x0  }
0xc7: {  	s3 =	rddreg [dreg:$0x2];
	[bflag:$0x3] =	sbarrier.arrive $0xFFFF;
	s2 =	simm.s32 @!p0 $0x1C08  }
0xc8: {  	[timem:s3], [sflag:s2] =	dma.local @!p0 [hbm:s0], s1  }
0xc9: {  	s0 =	simm.s32 @!p0 $0x8  }
0xca: {  	_ =	swait.ge @!p0 [sflag:s0], s1  }
0xcb: {  	s1 =	ssub.s32 @!p0 $0x0, s1;
	[sflag:s0] =	ssyncset.done @!p0 $0x0  }
0xcc: {  	[sflag:s0] =	ssyncadd.s32 @!p0 s1  }
0xcd: {  	[bflag:$0x3] =	sbarrier.arrive $0xFFFF  }
0xce: {  	_ =	shalt  }

// kernel: kernel.19.cloned.1.call-start
scs
__scs_entry_jumppad:
0x0: {  	(pc) =	sbr.rel $0x88, $3  }
0x1: {  	(tag) =	ssettag $0x0;
	lr =	simm.s32 $0x1  }
0x2: {  	[smem:$0x3F96] =	sst lr;
	_ =	strace $0xD0000000  }
0x3: {  	_ = 	snop  }
0x4: {  	_ = 	snop  }
0x5: {  	_ = 	snop  }
0x6: {  	_ = 	snop  }
0x7: {  	_ = 	snop  }
__scs_overlays_trampoline_lowered:
0x8: {  	[smem:$0x3FA5] =	sst s0  }
0x9: {  	[smem:$0x3FA6] =	sst s1  }
0xa: {  	[smem:$0x3FA7] =	sst s2  }
0xb: {  	[smem:$0x3FA8] =	sst s3  }
0xc: {  	[smem:$0x3FA9] =	sst s4  }
0xd: {  	[smem:$0x3FAA] =	sst s5  }
0xe: {  	[smem:$0x3FAB] =	sst s6  }
0xf: {  	[smem:$0x3FAC] =	sst s7  }
0x10: {  	[smem:$0x3FAD] =	sst s8  }
0x11: {  	[smem:$0x3FAE] =	sst s9;
	s0 =	simm.s32 @!p0 $0x0  }
0x12: {  	s1 =	sld [smem:$0x3F94];
	s0 =	simm.s32 @p0 $0x1  }
0x13: {  	[smem:$0x3FAF] =	sst s0;
	s0 =	simm.s32 @!p1 $0x0  }
0x14: {  	s2 =	sld [smem:$0x3F93];
	s0 =	simm.s32 @p1 $0x1  }
0x15: {  	[smem:$0x3FB0] =	sst s0;
	s0 =	simm.s32 @!p2 $0x0  }
0x16: {  	s3 =	sld [smem:$0x3FDB];
	s0 =	simm.s32 @p2 $0x1  }
0x17: {  	s4 =	simm.s32 $0x1BF5;
	[smem:$0x3FB2] =	sst s0  }
0x18: {  	s0 =	sld [smem:$0x3F95];
	_ =	swait.ge [sflag:s4], $0x0  }
0x19: {  	s7 =	sld [smem:$0x3F96]  }
0x1a: {  	s8 =	sadd.s32 $0xFFFFE003, lr  }
0x1b: {  	s9 =	sadd.s32 $0xFFFFFEF7, lr;
	s5 =	simm.s32 $0xFFFFFFFF;
	p2 =	slt.u32 s8, $0xFFFFF086  }
0x1c: {  	p1 =	slt.u32 s9, $0xF7A;
	s5 =	simm.s32 @!p2 $0x0  }
0x1d: {  	s5 =	simm.s32 @p1 $0x1;
	p0 =	seq.s32 s7, s2  }
0x1e: {  	s7 =	smul.u32 @!p0 $0xF7A, s2;
	p2 =	seq.s32 @!p0 s5, $0x0  }
0x1f: {  	s9 =	smul.u32 $0xF7A, s1;
	s8 =	simm.s32 @!p0 $0x1BF5;
	p2 =	por !p2, p0  }
0x20: {  	[sflag:s8] =	ssyncset.s32 @!p0 $0xFFFFF086;
	s6 =	sadd.s32 @!p0 s3, s7;
	s7 =	simm.s32 @!p0 $0x108  }
0x21: {  	s3 =	sadd.s32 s3, s9;
	s6 =	sadd.s32 @!p0 $0x88, s6;
	s7 =	simm.s32 @p2 $0x1082  }
0x22: {  	[simem:s7], [sflag:s8] =	dma.local @!p0 [hbm:s6], $0xF7A  }
0x23: {  	s9 =	sor.u32 $0xD0000000, s2;
	s6 =	simm.s32 $0x108;
	_ =	swait.ge @!p0 [sflag:s8], $0x0  }
0x24: {  	s3 =	sadd.s32 $0x88, s3;
	s6 =	simm.s32 @!p1 $0x1082;
	[sflag:s4] =	ssyncset.s32 $0xFFFFF086  }
0x25: {  	[simem:s6], [sflag:s4] =	dma.local [hbm:s3], $0xF7A  }
0x26: {  	[smem:$0x3F96] =	sst s1;
	(tag) =	ssettag s2;
	_ =	strace s9  }
0x27: {  	s1 =	sld [smem:$0x3FA6]  }
0x28: {  	s2 =	sld [smem:$0x3FA7]  }
0x29: {  	s4 =	sld [smem:$0x3FA9]  }
0x2a: {  	p0 =	seq.s32 s5, $0x0;
	s5 =	sld [smem:$0x3FAA]  }
0x2b: {  	s6 =	sld [smem:$0x3FAB]  }
0x2c: {  	s7 =	sld [smem:$0x3FAC]  }
0x2d: {  	s3 =	simm.s32 $0x108;
	s8 =	sld [smem:$0x3FAD]  }
0x2e: {  	s3 =	simm.s32 @!p0 $0x1082;
	s9 =	sld [smem:$0x3FAE]  }
0x2f: {  	lr =	sadd.s32 s0, s3;
	s0 =	sld [smem:$0x3FA5]  }
0x30: {  	s3 =	sld [smem:$0x3FA8]  }
0x31: {  	[smem:$0x3FB1] =	sst s10  }
0x32: {  	s10 =	sld [smem:$0x3FAF];
	_ =	sdelay $0x3  }
0x33: {  	p0 =	seq.s32 s10, $0x1;
	s10 =	sld [smem:$0x3FB1];
	_ =	sdelay $0x3  }
0x34: {  	[smem:$0x3FB1] =	sst s10  }
0x35: {  	s10 =	sld [smem:$0x3FB0];
	_ =	sdelay $0x3  }
0x36: {  	p1 =	seq.s32 s10, $0x1;
	s10 =	sld [smem:$0x3FB1];
	_ =	sdelay $0x3  }
0x37: {  	[smem:$0x3FB1] =	sst s10  }
0x38: {  	s10 =	sld [smem:$0x3FB2]  }
0x39: {  	_ = 	snop;
	(pc) =	sbr.ind lr, $3  }
0x3a: {  	_ = 	snop  }
0x3b: {  	_ = 	snop  }
0x3c: {  	p2 =	seq.s32 s10, $0x1;
	s10 =	sld [smem:$0x3FB1]  }
0x3d: {  	_ =	shalt  }
0x3e: {  	_ =	shalt  }
0x3f: {  	_ =	shalt  }
0x40: {  	_ =	shalt  }
0x41: {  	_ =	shalt  }
0x42: {  	_ =	shalt  }
0x43: {  	_ =	shalt  }
0x44: {  	_ =	shalt  }
0x45: {  	_ =	shalt  }
0x46: {  	_ =	shalt  }
0x47: {  	_ =	shalt  }
0x48: {  	_ =	shalt  }
0x49: {  	_ =	shalt  }
0x4a: {  	_ =	shalt  }
0x4b: {  	_ =	shalt  }
0x4c: {  	_ =	shalt  }
0x4d: {  	_ =	shalt  }
0x4e: {  	_ =	shalt  }
0x4f: {  	_ =	shalt  }
0x50: {  	_ =	shalt  }
0x51: {  	_ =	shalt  }
0x52: {  	_ =	shalt  }
0x53: {  	_ =	shalt  }
0x54: {  	_ =	shalt  }
0x55: {  	_ =	shalt  }
0x56: {  	_ =	shalt  }
0x57: {  	_ =	shalt  }
0x58: {  	_ =	shalt  }
0x59: {  	_ =	shalt  }
0x5a: {  	_ =	shalt  }
0x5b: {  	_ =	shalt  }
0x5c: {  	_ =	shalt  }
0x5d: {  	_ =	shalt  }
0x5e: {  	_ =	shalt  }
0x5f: {  	_ =	shalt  }
0x60: {  	_ =	shalt  }
0x61: {  	_ =	shalt  }
0x62: {  	_ =	shalt  }
0x63: {  	_ =	shalt  }
0x64: {  	_ =	shalt  }
0x65: {  	_ =	shalt  }
0x66: {  	_ =	shalt  }
0x67: {  	_ =	shalt  }
0x68: {  	_ =	shalt  }
0x69: {  	_ =	shalt  }
0x6a: {  	_ =	shalt  }
0x6b: {  	_ =	shalt  }
0x6c: {  	_ =	shalt  }
0x6d: {  	_ =	shalt  }
0x6e: {  	_ =	shalt  }
0x6f: {  	_ =	shalt  }
0x70: {  	_ =	shalt  }
0x71: {  	_ =	shalt  }
0x72: {  	_ =	shalt  }
0x73: {  	_ =	shalt  }
0x74: {  	_ =	shalt  }
0x75: {  	_ =	shalt  }
0x76: {  	_ =	shalt  }
0x77: {  	_ =	shalt  }
0x78: {  	_ =	shalt  }
0x79: {  	_ =	shalt  }
0x7a: {  	_ =	shalt  }
0x7b: {  	_ =	shalt  }
0x7c: {  	_ =	shalt  }
0x7d: {  	_ =	shalt  }
0x7e: {  	_ =	shalt  }
0x7f: {  	_ =	shalt  }
0x80: {  	_ =	shalt  }
0x81: {  	_ =	shalt  }
0x82: {  	_ =	shalt  }
0x83: {  	_ =	shalt  }
0x84: {  	_ =	shalt  }
0x85: {  	_ =	shalt  }
0x86: {  	_ =	shalt  }
0x87: {  	_ =	shalt  }
.Lfunc_end0:
.L_simem_size_0:
called_computation.3_lowered:
.L_overlay_start_0:
0x88: {  	s2 =	sld [smem:$0x3FD9]  }
0x89: {  	s3 =	sld [smem:$0x3FFE];
	_ =	sdelay $0x1  }
0x8a: {  	s1 =	srdreg.scid  }
0x8b: {  	s0 =	sand.u32 $0x1, s1  }
0x8c: {  	s16 =	sshll.u32 s0, $0xA;
	s2 =	sadd.s32 s3, s2  }
0x8d: {  	s2 =	sadd.s32 s2, s16  }
0x8e: {  	[smem:$0x3FBD] =	sst s2  }
0x8f: {  	_ = 	snop  }
0x90: {  	(tm) =	ssettm $0x1  }
0x91: {  	s17 =	sld [smem:$0x3FFB];
	_ =	sdelay $0x3  }
0x92: {  	_ =	strace s17  }
0x93: {  	s2 =	sld [smem:$0x3FFC];
	_ =	sdelay $0x3  }
0x94: {  	_ =	strace s2  }
0x95: {  	s2 =	sld [smem:$0x3FFD];
	_ =	sdelay $0x3  }
0x96: {  	_ =	strace s2  }
0x97: {  	_ =	strace $0x8FFFFFFF  }
0x98: {  	s18 =	sld [smem:$0x3FDB];
	_ =	sdelay $0x1  }
0x99: {  	s19 =	simm.s32 $_scs_section_size  }
0x9a: {  	s4 =	simm.s32 $_size__tile_overlayer_lowered;
	s5 =	simm.s32 $_tile_overlayer_lowered  }
0x9b: {  	s22 =	simm.s32 $0x1BFF;
	s21 =	sshll.u32 s5, $0x1;
	s2 =	sadd.s32 s19, s18  }
0x9c: {  	s6 =	simm.s32 $0x0;
	s20 =	sshll.u32 s4, $0x1;
	s4 =	sadd.s32 s21, s2  }
0x9d: {  	[timem:s6], [sflag:s22] =	dma.local [hbm:s4], s20  }
0x9e: {  	_ =	swait.ge [sflag:s22], s20  }
0x9f: {  	s3 =	ssub.s32 $0x0, s20;
	[sflag:s22] =	ssyncset.done $0x0  }
0xa0: {  	[sflag:s22] =	ssyncadd.s32 s3;
	_ =	sdelay $0x1  }
0xa1: {  	s23 =	simm.s32 $0x1B8B  }
0xa2: {  	_ =	swait.ge [sflag:s23], $0x1  }
0xa3: {  	[sflag:s23] =	ssyncset.done $0x0  }
0xa4: {  	s25 =	simm.s32 $0x1B8E;
	s24 =	sld [smem:$0x3FFE];
	[sflag:s23] =	ssyncadd.s32 $0xFFFFFFFF  }
0xa5: {  	s26 =	simm.s32 $execute0_lowered;
	[smem:$0x3FD2] =	sst s25  }
0xa6: {  	s4 =	sshll.u32 s26, $0x1;
	_ =	strace $0x8000004F;
	[dreg:$0x1] =	wrdreg $0xFFFFFFFF  }
0xa7: {  	s28 =	simm.s32 $_size_execute0_lowered;
	s2 =	sadd.s32 s2, s4;
	[dreg:$0x0] =	wrdreg $0x0  }
0xa8: {  	s4 =	sshll.u32 s28, $0x1;
	[dreg:$0x2] =	wrdreg s2  }
0xa9: {  	[dreg:$0x3] =	wrdreg s4  }
0xaa: {  	[dreg:$0x4] =	wrdreg $0xC0  }
0xab: {  	_ =	task [dreg:s6], $0x5FFFF  }
0xac: {  	[dreg:$0x1] =	wrdreg $0xFFFFFFFF  }
0xad: {  	[dreg:$0x0] =	wrdreg $0x60  }
0xae: {  	[dreg:$0x2] =	wrdreg s24  }
0xaf: {  	[dreg:$0x3] =	wrdreg $0x140000  }
0xb0: {  	[dreg:$0x4] =	wrdreg $0x9  }
0xb1: {  	_ =	task.clear_ibuf [dreg:s6], $0x5FFFF;
	_ =	strace $0x9000004F  }
0xb2: {  	s29 =	simm.s32 $0x9;
	_ =	strace $0x80000051  }
0xb3: {  	_ =	swait.ge [sflag:s29], $0x1  }
0xb4: {  	[sflag:s29] =	ssyncadd.s32 $0xFFFFFFFF  }
0xb5: {  	_ =	strace $0x90000051  }
0xb6: {  	_ =	sfence  }
0xb7: {  	s30 =	sld [smem:$0x0];
	_ =	sdelay $0x2  }
0xb8: {  	s31 =	sshll.u32 s1, $0xD;
	s1 =	sshrl.u32 s1, $0x2  }
0xb9: {  	s3 =	sand.u32 $0x4000, s31;
	s1 =	sadd.s32 s1, s30  }
0xba: {  	s0 =	sor.u32 s3, s0;
	s1 =	sshll.u32 s1, $0x11  }
0xbb: {  	s0 =	sor.u32 s1, s0  }
0xbc: {  	s0 =	sadd.s32 $0x8F2B, s0  }
0xbd: {  	[sflag:s0] =	ssyncadd.remote.s32 $0x1  }
0xbe: {  	_ =	sfence.sel $0xFFFF  }
0xbf: {  	[dreg:$0x0] =	wrdreg $0xFFFFFFFF;
	(pc) =	sbr.abs _section_cstart, $3  }
0xc0: {  	[dreg:$0x1] =	wrdreg $0xFFFFFFFF  }
0xc1: {  	_ =	task.clear_ibuf [dreg:s6], $0x2FFFF;
	_ =	strace $0x9FFFFFFF  }
0xc2: {  	(tm) =	ssettm $0x7FFFFFFF  }
0xc3: {  	_ =	shalt  }
tec
execute0_lowered:
.L_overlay_start_1:
0x0: {  	(tag) =	ssettag $0x1  }
0x1: {  	s0 =	srdreg.scid;
	s1 =	rddreg [dreg:$0x0]  }
0x2: {  	s9 =	stileid.u32;
	s2 =	rddreg [dreg:$0x1]  }
0x3: {  	s3 =	simm.s32 $0x0;
	s15 =	simm.s32 $0xA000;
	s16 =	simm.s32 $0x8  }
0x4: {  	s17 =	simm.s32 $0x1;
	s18 =	simm.s32 $0x2;
	s19 =	simm.s32 $0x80  }
0x5: {  	s20 =	simm.s32 $0xC000;
	s22 =	simm.s32 $0xE000;
	s5 =	smul.u32 $0x5000, s9  }
0x6: {  	s24 =	simm.s32 $0x10000;
	s28 =	simm.s32 $0x3;
	s7 =	smul.u32 $0xA000, s9  }
0x7: {  	s29 =	simm.s32 $0x4;
	s0 =	sand.u32 $0x1, s0;
	s9 =	smul.u32 $0x28000, s9  }
0x8: {  	s30 =	simm.s32 $0x5;
	s31 =	simm.s32 $0x6;
	s4 =	smul.u32 $0x50000, s0  }
0x9: {  	[smem:$0x7FF] =	sst s3;
	s8 =	smul.u32 $0xA0000, s0;
	s0 =	ssub.s32 $0x2, s0  }
0xa: {  	_ =	strace $0x80000050;
	s25 =	sshrl.u32 s0, $0x1;
	s26 =	sshrl.u32 s9, $0x2  }
0xb: {  	s6 =	sadd.s32 s5, s4;
	s4 =	sadd.s32 $0x7A600, s1;
	s5 =	sshrl.u32 s5, $0x3  }
0xc: {  	s8 =	sadd.s32 s7, s8;
	s0 =	ssub.s32 s0, s25;
	s7 =	sadd.s32 s7, s2  }
0xd: {  	s11 =	sadd.s32 s26, s2;
	s26 =	simm.s32 $0x12000;
	s25 =	simm.s32 $0x9F80  }
0xe: {  	s6 =	sshrl.u32 s6, $0x3;
	s8 =	sshrl.u32 s8, $0x3;
	s10 =	sadd.s32 s5, s1  }
0xf: {  	s9 =	sadd.s32 $0x4000, s11;
	s13 =	smax.u32 s0, $0x1;
	s0 =	simm.s32 $0x0  }
0x10: {  	s6 =	sadd.s32 s6, s1;
	s1 =	sadd.s32 s8, s1;
	s8 =	sadd.s32 $0x2000, s11  }
0x11: {  	s5 =	sadd.s32 $0x16600, s6;
	s6 =	sadd.s32 $0x2600, s10;
	s10 =	sadd.s32 $0x6000, s11  }
0x12: {  	v0 =	vimm.f32 $0.0e+00;
	s11 =	sadd.s32 $0x8000, s11;
	s12 =	sadd.s32 $0xA1800, s1;
	s1 =	simm.s32 $0x7  }
.LBB2_1:
0x13: {  	[tilespmem:s3], [sflag:$0x1] =	stream.linear.gather [hbm4b:s5+s3], $0x5000, $0x38;
	[tilespmem:$0x1E000] =	vst v63  }
0x14: {  	s14 =	simm.s32 $0x5000  }
0x15: {  	[tilespmem:s14], [sflag:$0x2] =	stream.linear.gather [hbm4b:s6+s3], $0x5000, $0x38;
	[tilespmem:$0x1E000] =	vst v63  }
0x16: {  	s21 =	simm.s32 $0x100;
	s14 =	simm.s32 $0x0  }
.LBB2_2:
0x17: {  	p0 =	sne.s32 s21, $0x7F00;
	[tilespmem:s14+$0xA030] =	vst v0;
	s23 =	smov.u32 s21;
	s21 =	sadd.s32 $0x100, s21  }
.Ltmp0:
0x18: {  	[tilespmem:s14+$0xA020] =	vst v0;
	(pc) =	sbr.rel @p0 .LBB2_2-.Ltmp0, $3  }
0x19: {  	[tilespmem:s14+$0xA000] =	vst v0  }
0x1a: {  	[tilespmem:s14+$0xA010] =	vst v0;
	_ =	sdelay $0x1  }
0x1b: {  	s14 =	sshra.s32 s23, $0x2  }
0x1c: {  	[tilespmem:s14+$0xA030] =	vst v0  }
0x1d: {  	[tilespmem:s14+$0xA020] =	vst v0  }
0x1e: {  	[tilespmem:s14+$0xA000] =	vst v0  }
0x1f: {  	[tilespmem:s14+$0xA010] =	vst v0  }
0x20: {  	[spmem:s7] =	stream.linear.scatter [tilespmem:s15], [sflag:$0x8], $0x2000, $0x38;
	[tilespmem:$0x1E000] =	vst v63  }
0x21: {  	_ =	swait.ge [sflag:s16], $0x2000  }
0x22: {  	[sflag:s16] =	ssyncset.done $0x0  }
0x23: {  	[sflag:s16] =	ssyncadd.s32 $0xFFFFE000  }
0x24: {  	[spmem:s8] =	stream.linear.scatter [tilespmem:s15], [sflag:$0x8], $0x2000, $0x38;
	[tilespmem:$0x1E000] =	vst v63  }
0x25: {  	_ =	swait.ge [sflag:s16], $0x2000  }
0x26: {  	[sflag:s16] =	ssyncset.done $0x0  }
0x27: {  	[sflag:s16] =	ssyncadd.s32 $0xFFFFE000  }
0x28: {  	[spmem:s9] =	stream.linear.scatter [tilespmem:s15], [sflag:$0x8], $0x2000, $0x38;
	[tilespmem:$0x1E000] =	vst v63  }
0x29: {  	_ =	swait.ge [sflag:s16], $0x2000  }
0x2a: {  	[sflag:s16] =	ssyncset.done $0x0  }
0x2b: {  	[sflag:s16] =	ssyncadd.s32 $0xFFFFE000  }
0x2c: {  	[spmem:s10] =	stream.linear.scatter [tilespmem:s15], [sflag:$0x8], $0x2000, $0x38;
	[tilespmem:$0x1E000] =	vst v63  }
0x2d: {  	_ =	swait.ge [sflag:s16], $0x2000  }
0x2e: {  	[sflag:s16] =	ssyncset.done $0x0  }
0x2f: {  	[sflag:s16] =	ssyncadd.s32 $0xFFFFE000  }
0x30: {  	[spmem:s11] =	stream.linear.scatter [tilespmem:s15], [sflag:$0x8], $0x2000, $0x38;
	[tilespmem:$0x1E000] =	vst v63  }
0x31: {  	_ =	swait.ge [sflag:s16], $0x2000  }
0x32: {  	[sflag:s16] =	ssyncset.done $0x0  }
0x33: {  	[sflag:s16] =	ssyncadd.s32 $0xFFFFE000  }
0x34: {  	_ =	swait.ge [sflag:s17], $0x5000  }
0x35: {  	[sflag:s17] =	ssyncset.done $0x0  }
0x36: {  	[sflag:s17] =	ssyncadd.s32 $0xFFFFB000  }
0x37: {  	_ =	swait.ge [sflag:s18], $0x5000  }
0x38: {  	[sflag:s18] =	ssyncset.done $0x0  }
0x39: {  	[sflag:s18] =	ssyncadd.s32 $0xFFFFB000  }
0x3a: {  	s23 =	simm.s32 $0x0;
	[bflag:$0x0] =	sbarrier.arrive $0xFFFF  }
0x3b: {  	[tilespmem:s15], [sflag:$0x3] =	stream.indirect.gather [hbm4b:s4+s19], $0x40, s23, s19, $0xb8;
	[tilespmem:$0x1E000] =	vst v63  }
0x3c: {  	_ = 	snop  }
0x3d: {  	[tilespmem:s20], [sflag:$0x4] =	stream.indirect.gather [hbm4b:s4+s19], $0x40, s19, s19, $0xb8;
	[tilespmem:$0x1E000] =	vst v63  }
0x3e: {  	s21 =	simm.s32 $0x100  }
0x3f: {  	[tilespmem:s22], [sflag:$0x5] =	stream.indirect.gather [hbm4b:s4+s19], $0x40, s21, s19, $0xb8;
	[tilespmem:$0x1E000] =	vst v63  }
0x40: {  	s23 =	simm.s32 $0x180  }
0x41: {  	[tilespmem:s24], [sflag:$0x6] =	stream.indirect.gather [hbm4b:s4+s19], $0x40, s23, s19, $0xb8;
	[tilespmem:$0x1E000] =	vst v63  }
0x42: {  	s21 =	simm.s32 $0x200  }
0x43: {  	[tilespmem:s26], [sflag:$0x7] =	stream.indirect.gather [hbm4b:s4+s19], $0x40, s21, s19, $0xb8;
	[tilespmem:$0x1E000] =	vst v63  }
0x44: {  	_ =	swait.ge [sflag:s28], $0x2000  }
0x45: {  	[sflag:s28] =	ssyncset.done $0x0  }
0x46: {  	s23 =	simm.s32 $0x5000;
	[sflag:s28] =	ssyncadd.s32 $0xFFFFE000  }
0x47: {  	[spmem:s2] =	stream.indirect.scatter.add.f32 [tilespmem:s15], [sflag:$0x8], $0x40, s23, s19, $0xb8;
	[tilespmem:$0x1E000] =	vst v63  }
0x48: {  	_ =	swait.ge [sflag:s16], $0x2000  }
0x49: {  	[sflag:s16] =	ssyncset.done $0x0  }
0x4a: {  	s21 =	simm.s32 $0x280;
	[sflag:s16] =	ssyncadd.s32 $0xFFFFE000  }
0x4b: {  	[tilespmem:s15], [sflag:$0x3] =	stream.indirect.gather [hbm4b:s4+s19], $0x40, s21, s19, $0xb8;
	[tilespmem:$0x1E000] =	vst v63  }
0x4c: {  	_ =	swait.ge [sflag:s29], $0x2000  }
0x4d: {  	[sflag:s29] =	ssyncset.done $0x0  }
0x4e: {  	s23 =	simm.s32 $0x5080;
	[sflag:s29] =	ssyncadd.s32 $0xFFFFE000  }
0x4f: {  	[spmem:s2] =	stream.indirect.scatter.add.f32 [tilespmem:s20], [sflag:$0x8], $0x40, s23, s19, $0xb8;
	[tilespmem:$0x1E000] =	vst v63  }
0x50: {  	_ =	swait.ge [sflag:s16], $0x2000  }
0x51: {  	[sflag:s16] =	ssyncset.done $0x0  }
0x52: {  	s21 =	simm.s32 $0x300;
	[sflag:s16] =	ssyncadd.s32 $0xFFFFE000  }
0x53: {  	[tilespmem:s20], [sflag:$0x4] =	stream.indirect.gather [hbm4b:s4+s19], $0x40, s21, s19, $0xb8;
	[tilespmem:$0x1E000] =	vst v63  }
0x54: {  	_ =	swait.ge [sflag:s30], $0x2000  }
0x55: {  	[sflag:s30] =	ssyncset.done $0x0  }
0x56: {  	s23 =	simm.s32 $0x5100;
	[sflag:s30] =	ssyncadd.s32 $0xFFFFE000  }
0x57: {  	[spmem:s2] =	stream.indirect.scatter.add.f32 [tilespmem:s22], [sflag:$0x8], $0x40, s23, s19, $0xb8;
	[tilespmem:$0x1E000] =	vst v63  }
0x58: {  	_ =	swait.ge [sflag:s16], $0x2000  }
0x59: {  	[sflag:s16] =	ssyncset.done $0x0  }
0x5a: {  	s21 =	simm.s32 $0x380;
	[sflag:s16] =	ssyncadd.s32 $0xFFFFE000  }
0x5b: {  	[tilespmem:s22], [sflag:$0x5] =	stream.indirect.gather [hbm4b:s4+s19], $0x40, s21, s19, $0xb8;
	[tilespmem:$0x1E000] =	vst v63  }
0x5c: {  	_ =	swait.ge [sflag:s31], $0x2000  }
0x5d: {  	[sflag:s31] =	ssyncset.done $0x0  }
0x5e: {  	s23 =	simm.s32 $0x5180;
	[sflag:s31] =	ssyncadd.s32 $0xFFFFE000  }
0x5f: {  	[spmem:s2] =	stream.indirect.scatter.add.f32 [tilespmem:s24], [sflag:$0x8], $0x40, s23, s19, $0xb8;
	[tilespmem:$0x1E000] =	vst v63  }
0x60: {  	_ =	swait.ge [sflag:s16], $0x2000  }
0x61: {  	[sflag:s16] =	ssyncset.done $0x0  }
0x62: {  	s21 =	simm.s32 $0x400;
	[sflag:s16] =	ssyncadd.s32 $0xFFFFE000  }
0x63: {  	[tilespmem:s24], [sflag:$0x6] =	stream.indirect.gather [hbm4b:s4+s19], $0x40, s21, s19, $0xb8;
	[tilespmem:$0x1E000] =	vst v63  }
0x64: {  	_ =	swait.ge [sflag:s1], $0x2000  }
0x65: {  	[sflag:s1] =	ssyncset.done $0x0  }
0x66: {  	s23 =	simm.s32 $0x5200;
	[sflag:s1] =	ssyncadd.s32 $0xFFFFE000  }
0x67: {  	[spmem:s2] =	stream.indirect.scatter.add.f32 [tilespmem:s26], [sflag:$0x8], $0x40, s23, s19, $0xb8;
	[tilespmem:$0x1E000] =	vst v63  }
0x68: {  	_ =	swait.ge [sflag:s16], $0x2000  }
0x69: {  	[sflag:s16] =	ssyncset.done $0x0  }
0x6a: {  	s14 =	simm.s32 $0xA00;
	s21 =	simm.s32 $0x480;
	[sflag:s16] =	ssyncadd.s32 $0xFFFFE000  }
.LBB2_4:
0x6b: {  	[tilespmem:s26], [sflag:$0x7] =	stream.indirect.gather [hbm4b:s4+s19], $0x40, s21, s19, $0xb8;
	[tilespmem:$0x1E000] =	vst v63  }
0x6c: {  	s21 =	smov.u32 s14  }
0x6d: {  	p0 =	sne.s32 s14, $0x12C00;
	s14 =	sadd.s32 $0xA00, s14;
	_ =	swait.ge [sflag:s28], $0x2000  }
0x6e: {  	s21 =	sshra.s32 s21, $0x2;
	[sflag:s28] =	ssyncset.done $0x0  }
0x6f: {  	s23 =	sadd.s32 $0x5000, s21;
	[sflag:s28] =	ssyncadd.s32 $0xFFFFE000  }
0x70: {  	[spmem:s2] =	stream.indirect.scatter.add.f32 [tilespmem:s15], [sflag:$0x8], $0x40, s23, s19, $0xb8;
	[tilespmem:$0x1E000] =	vst v63  }
0x71: {  	_ =	swait.ge [sflag:s16], $0x2000  }
0x72: {  	[sflag:s16] =	ssyncset.done $0x0  }
0x73: {  	s23 =	sadd.s32 $0x280, s21;
	[sflag:s16] =	ssyncadd.s32 $0xFFFFE000  }
0x74: {  	[tilespmem:s15], [sflag:$0x3] =	stream.indirect.gather [hbm4b:s4+s19], $0x40, s23, s19, $0xb8;
	[tilespmem:$0x1E000] =	vst v63  }
0x75: {  	_ =	swait.ge [sflag:s29], $0x2000  }
0x76: {  	[sflag:s29] =	ssyncset.done $0x0  }
0x77: {  	s23 =	sadd.s32 $0x5080, s21;
	[sflag:s29] =	ssyncadd.s32 $0xFFFFE000  }
0x78: {  	[spmem:s2] =	stream.indirect.scatter.add.f32 [tilespmem:s20], [sflag:$0x8], $0x40, s23, s19, $0xb8;
	[tilespmem:$0x1E000] =	vst v63  }
0x79: {  	_ =	swait.ge [sflag:s16], $0x2000  }
0x7a: {  	[sflag:s16] =	ssyncset.done $0x0  }
0x7b: {  	s23 =	sadd.s32 $0x300, s21;
	[sflag:s16] =	ssyncadd.s32 $0xFFFFE000  }
0x7c: {  	[tilespmem:s20], [sflag:$0x4] =	stream.indirect.gather [hbm4b:s4+s19], $0x40, s23, s19, $0xb8;
	[tilespmem:$0x1E000] =	vst v63  }
0x7d: {  	_ =	swait.ge [sflag:s30], $0x2000  }
0x7e: {  	[sflag:s30] =	ssyncset.done $0x0  }
0x7f: {  	s23 =	sadd.s32 $0x5100, s21;
	[sflag:s30] =	ssyncadd.s32 $0xFFFFE000  }
0x80: {  	[spmem:s2] =	stream.indirect.scatter.add.f32 [tilespmem:s22], [sflag:$0x8], $0x40, s23, s19, $0xb8;
	[tilespmem:$0x1E000] =	vst v63  }
0x81: {  	_ =	swait.ge [sflag:s16], $0x2000  }
0x82: {  	[sflag:s16] =	ssyncset.done $0x0  }
0x83: {  	s23 =	sadd.s32 $0x380, s21;
	[sflag:s16] =	ssyncadd.s32 $0xFFFFE000  }
0x84: {  	[tilespmem:s22], [sflag:$0x5] =	stream.indirect.gather [hbm4b:s4+s19], $0x40, s23, s19, $0xb8;
	[tilespmem:$0x1E000] =	vst v63  }
0x85: {  	_ =	swait.ge [sflag:s31], $0x2000  }
0x86: {  	[sflag:s31] =	ssyncset.done $0x0  }
0x87: {  	s23 =	sadd.s32 $0x5180, s21;
	[sflag:s31] =	ssyncadd.s32 $0xFFFFE000  }
0x88: {  	[spmem:s2] =	stream.indirect.scatter.add.f32 [tilespmem:s24], [sflag:$0x8], $0x40, s23, s19, $0xb8;
	[tilespmem:$0x1E000] =	vst v63  }
0x89: {  	_ =	swait.ge [sflag:s16], $0x2000  }
0x8a: {  	[sflag:s16] =	ssyncset.done $0x0  }
0x8b: {  	s23 =	sadd.s32 $0x400, s21;
	[sflag:s16] =	ssyncadd.s32 $0xFFFFE000  }
0x8c: {  	[tilespmem:s24], [sflag:$0x6] =	stream.indirect.gather [hbm4b:s4+s19], $0x40, s23, s19, $0xb8;
	[tilespmem:$0x1E000] =	vst v63  }
0x8d: {  	_ =	swait.ge [sflag:s1], $0x2000  }
0x8e: {  	[sflag:s1] =	ssyncset.done $0x0  }
.Ltmp1:
0x8f: {  	s23 =	sadd.s32 $0x5200, s21;
	[sflag:s1] =	ssyncadd.s32 $0xFFFFE000;
	(pc) =	sbr.rel @p0 .LBB2_4-.Ltmp1, $4  }
0x90: {  	[spmem:s2] =	stream.indirect.scatter.add.f32 [tilespmem:s26], [sflag:$0x8], $0x40, s23, s19, $0xb8;
	[tilespmem:$0x1E000] =	vst v63  }
0x91: {  	_ =	swait.ge [sflag:s16], $0x2000  }
0x92: {  	[sflag:s16] =	ssyncset.done $0x0  }
0x93: {  	s21 =	sadd.s32 $0x480, s21;
	[sflag:s16] =	ssyncadd.s32 $0xFFFFE000  }
0x94: {  	[tilespmem:s26], [sflag:$0x7] =	stream.indirect.gather [hbm4b:s4+s19], $0x40, s21, s19, $0xb8;
	[tilespmem:$0x1E000] =	vst v63  }
0x95: {  	_ =	swait.ge [sflag:s28], $0x2000  }
0x96: {  	[sflag:s28] =	ssyncset.done $0x0  }
0x97: {  	s14 =	simm.s32 $0x9D80;
	[sflag:s28] =	ssyncadd.s32 $0xFFFFE000  }
0x98: {  	[spmem:s2] =	stream.indirect.scatter.add.f32 [tilespmem:s15], [sflag:$0x8], $0x40, s14, s19, $0xb8;
	[tilespmem:$0x1E000] =	vst v63  }
0x99: {  	_ =	swait.ge [sflag:s16], $0x2000  }
0x9a: {  	[sflag:s16] =	ssyncset.done $0x0  }
0x9b: {  	[sflag:s16] =	ssyncadd.s32 $0xFFFFE000  }
0x9c: {  	_ =	swait.ge [sflag:s29], $0x2000  }
0x9d: {  	[sflag:s29] =	ssyncset.done $0x0  }
0x9e: {  	s23 =	simm.s32 $0x9E00;
	[sflag:s29] =	ssyncadd.s32 $0xFFFFE000  }
0x9f: {  	[spmem:s2] =	stream.indirect.scatter.add.f32 [tilespmem:s20], [sflag:$0x8], $0x40, s23, s19, $0xb8;
	[tilespmem:$0x1E000] =	vst v63  }
0xa0: {  	_ =	swait.ge [sflag:s16], $0x2000  }
0xa1: {  	[sflag:s16] =	ssyncset.done $0x0  }
0xa2: {  	[sflag:s16] =	ssyncadd.s32 $0xFFFFE000  }
0xa3: {  	_ =	swait.ge [sflag:s30], $0x2000  }
0xa4: {  	[sflag:s30] =	ssyncset.done $0x0  }
0xa5: {  	s21 =	simm.s32 $0x9E80;
	[sflag:s30] =	ssyncadd.s32 $0xFFFFE000  }
0xa6: {  	[spmem:s2] =	stream.indirect.scatter.add.f32 [tilespmem:s22], [sflag:$0x8], $0x40, s21, s19, $0xb8;
	[tilespmem:$0x1E000] =	vst v63  }
0xa7: {  	_ =	swait.ge [sflag:s16], $0x2000  }
0xa8: {  	[sflag:s16] =	ssyncset.done $0x0  }
0xa9: {  	[sflag:s16] =	ssyncadd.s32 $0xFFFFE000  }
0xaa: {  	_ =	swait.ge [sflag:s31], $0x2000  }
0xab: {  	[sflag:s31] =	ssyncset.done $0x0  }
0xac: {  	s23 =	simm.s32 $0x9F00;
	[sflag:s31] =	ssyncadd.s32 $0xFFFFE000  }
0xad: {  	[spmem:s2] =	stream.indirect.scatter.add.f32 [tilespmem:s24], [sflag:$0x8], $0x40, s23, s19, $0xb8;
	[tilespmem:$0x1E000] =	vst v63  }
0xae: {  	_ =	swait.ge [sflag:s16], $0x2000  }
0xaf: {  	[sflag:s16] =	ssyncset.done $0x0  }
0xb0: {  	[sflag:s16] =	ssyncadd.s32 $0xFFFFE000  }
0xb1: {  	_ =	swait.ge [sflag:s1], $0x2000  }
0xb2: {  	[sflag:s1] =	ssyncset.done $0x0  }
0xb3: {  	[sflag:s1] =	ssyncadd.s32 $0xFFFFE000  }
0xb4: {  	[spmem:s2] =	stream.indirect.scatter.add.f32 [tilespmem:s26], [sflag:$0x8], $0x40, s25, s19, $0xb8;
	[tilespmem:$0x1E000] =	vst v63  }
0xb5: {  	s21 =	stileid.u32;
	_ =	swait.ge [sflag:s16], $0x2000  }
0xb6: {  	s0 =	sadd.s32 $0x1, s0;
	s14 =	sshll.u32 s21, $0x6;
	[sflag:s16] =	ssyncset.done $0x0  }
0xb7: {  	p0 =	sne.s32 s0, s13;
	s14 =	sor.u32 $0x1C08, s14;
	[sflag:s16] =	ssyncadd.s32 $0xFFFFE000  }
.Ltmp2:
0xb8: {  	s23 =	sshrl.u32 s7, $0x3;
	[bflag:$0x0] =	sbarrier.arrive $0xFFFF;
	(pc) =	sbr.rel @p0 .LBB2_1-.Ltmp2, $4  }
0xb9: {  	[hbm:s12], [sflag:s14] =	dma.local [spmem:s23], $0x1400  }
0xba: {  	_ =	swait.ge [sflag:s16], $0x1400  }
0xbb: {  	[sflag:s16] =	ssyncset.done $0x0  }
0xbc: {  	[sflag:s16] =	ssyncadd.s32 $0xFFFFEC00  }
0xbd: {  	_ =	sfence.sel $0x180000  }
0xbe: {  	[bflag:$0x0] =	sbarrier.arrive $0xFFFF  }
0xbf: {  	_ =	strace $0x90000050  }
0xc0: {  	s0 =	stileid.u32;
	[bflag:$0x2] =	sbarrier.arrive $0xFFFF  }
0xc1: {  	p0 =	sne.s32 s0, $0x0;
	s0 =	rddreg [dreg:$0x2]  }
0xc2: {  	s0 =	sadd.s32 @!p0 $0x100000, s0  }
0xc3: {  	[sflag:s0] =	ssyncadd.tile.s32 @!p0 $0x1;
	_ =	shalt  }
.Lfunc_end2:
_tile_overlayer_lowered:
.L_overlay_start_2:
0xc4: {  	(tag) =	ssettag $0x2  }
0xc5: {  	s0 =	rddreg [dreg:$0x0];
	s2 =	stileid.u32  }
0xc6: {  	s1 =	rddreg [dreg:$0x1];
	p0 =	sne.s32 s2, $0x0  }
0xc7: {  	s3 =	rddreg [dreg:$0x2];
	[bflag:$0x3] =	sbarrier.arrive $0xFFFF;
	s2 =	simm.s32 @!p0 $0x1C08  }
0xc8: {  	[timem:s3], [sflag:s2] =	dma.local @!p0 [hbm:s0], s1  }
0xc9: {  	s0 =	simm.s32 @!p0 $0x8  }
0xca: {  	_ =	swait.ge @!p0 [sflag:s0], s1  }
0xcb: {  	s1 =	ssub.s32 @!p0 $0x0, s1;
	[sflag:s0] =	ssyncset.done @!p0 $0x0  }
0xcc: {  	[sflag:s0] =	ssyncadd.s32 @!p0 s1  }
0xcd: {  	[bflag:$0x3] =	sbarrier.arrive $0xFFFF  }
0xce: {  	_ =	shalt  }

</sc_bundles>
